<compile_context>
chip_gen: v7x
topology: tpu7x:2x2x1
jax: 0.10.2.dev20260603
libtpu: 0.0.44.dev20260713+nightly
codegen_flags: <defaults>
</compile_context>

<pallas_src>
import functools

import jax
import jax.numpy as jnp
from jax import lax
from jax.experimental import pallas as pl
from jax.experimental.pallas import tpu as pltpu
from jax.experimental.pallas import tpu_sc as plsc

N = 10000
E = 320000
D = 128
H = 128
C = 40

NC = 2
NS = 16
NW = NC * NS
CH = 128
EWP = 10240
NFULLP = EWP // CH
BLK = 40
NP = 10240
RPT = NP // NS
ZR = 128

BN = 2000
GRID = N // BN

_mesh = plsc.VectorSubcoreMesh(core_axis_name="c", subcore_axis_name="s")



@functools.partial(
    pl.kernel,
    mesh=_mesh,
    out_type=jax.ShapeDtypeStruct((NC, NP, H), jnp.float32),
    scratch_types=[
        pltpu.VMEM((BLK, CH), jnp.int32),
        pltpu.VMEM((BLK, CH), jnp.int32),
        pltpu.VMEM((CH, H), jnp.float32),
        pltpu.VMEM((CH, H), jnp.float32),
        pltpu.VMEM_SHARED((NP, H), jnp.float32),
        pltpu.SemaphoreType.DMA,
        pltpu.SemaphoreType.DMA,
    ],
)
def _count_sc(src3_h, dst3_h, e0_h, e1_h, zeros_h, out_h,
              src_all, dst_all, e0_v, e1_v, acc, sem_c, sem_d):
    cid = lax.axis_index("c")
    sid = lax.axis_index("s")
    wid = sid * NC + cid

    pltpu.sync_copy(zeros_h, e0_v)
    for t in range(RPT // ZR):
        pltpu.sync_copy(e0_v, acc.at[pl.ds(sid * RPT + t * ZR, ZR)])
    pltpu.sync_copy(e0_h, e0_v)
    pltpu.sync_copy(e1_h, e1_v)
    plsc.subcore_barrier()

    for b in range(NFULLP // BLK):
        pltpu.sync_copy(src3_h.at[wid, pl.ds(b * BLK, BLK)], src_all)
        pltpu.sync_copy(dst3_h.at[wid, pl.ds(b * BLK, BLK)], dst_all)

        def body(j, _):
            a1 = pltpu.make_async_copy(e0_v, acc.at[dst_all.at[j]], sem_c)
            a2 = pltpu.make_async_copy(e1_v, acc.at[src_all.at[j]], sem_d)
            a1.start(add=True)
            a2.start(add=True)
            a1.wait()
            a2.wait()
            return 0

        lax.fori_loop(0, BLK, body, 0)
    plsc.subcore_barrier()
    for t in range(RPT // ZR):
        pltpu.sync_copy(acc.at[pl.ds(sid * RPT + t * ZR, ZR)], e0_v)
        pltpu.sync_copy(e0_v, out_h.at[cid, pl.ds(sid * RPT + t * ZR, ZR)])


def _make_segsum(W):

    @functools.partial(
        pl.kernel,
        mesh=_mesh,
        out_type=jax.ShapeDtypeStruct((NC, NP, W), jnp.float32),
        scratch_types=[
            pltpu.VMEM((BLK, CH), jnp.int32),
            pltpu.VMEM((BLK, CH), jnp.int32),
            pltpu.VMEM((CH, W), jnp.float32),
            pltpu.VMEM((CH, W), jnp.float32),
            pltpu.VMEM_SHARED((NP, W), jnp.float32),
            pltpu.SemaphoreType.DMA,
            pltpu.SemaphoreType.DMA,
            pltpu.SemaphoreType.DMA,
        ],
    )
    def k(hn_h, src3_h, dst3_h, zeros_h, out_h,
          src_all, dst_all, rows0, rows1, acc, sem0, sem1, sem_w):
        cid = lax.axis_index("c")
        sid = lax.axis_index("s")
        wid = sid * NC + cid
        rows = (rows0, rows1)
        sems = (sem0, sem1)

        pltpu.sync_copy(zeros_h, rows0)
        for t in range(RPT // ZR):
            pltpu.sync_copy(rows0, acc.at[pl.ds(sid * RPT + t * ZR, ZR)])
        plsc.subcore_barrier()

        for b in range(NFULLP // BLK):
            pltpu.sync_copy(src3_h.at[wid, pl.ds(b * BLK, BLK)], src_all)
            pltpu.sync_copy(dst3_h.at[wid, pl.ds(b * BLK, BLK)], dst_all)
            for s in range(2):
                pltpu.async_copy(hn_h.at[src_all.at[s]], rows[s], sems[s])

            def body(i, _):
                for s in range(2):
                    q = 2 * i + s
                    pltpu.make_async_copy(hn_h.at[src_all.at[q]], rows[s],
                                          sems[s]).wait()
                    w1 = pltpu.make_async_copy(rows[s], acc.at[dst_all.at[q]],
                                               sem_w)
                    w1.start(add=True)
                    w1.wait()

                    @pl.when(q + 2 < BLK)
                    def _():
                        pltpu.async_copy(hn_h.at[src_all.at[q + 2]], rows[s],
                                         sems[s])

                return 0

            lax.fori_loop(0, BLK // 2, body, 0)
        plsc.subcore_barrier()
        for t in range(RPT // ZR):
            pltpu.sync_copy(acc.at[pl.ds(sid * RPT + t * ZR, ZR)], rows0)
            pltpu.sync_copy(rows0,
                            out_h.at[cid, pl.ds(sid * RPT + t * ZR, ZR)])

    return k


_segsum_h = _make_segsum(H)



def _ns_from(cnt_ref, kind):
    lane = 1 - kind
    c = cnt_ref[0] + cnt_ref[1]
    return lax.rsqrt(jnp.maximum(c[:, lane:lane + 1], 1.0))


def _pre0_body(cnt_ref, feat_ref, hn_ref):
    hn_ref[...] = feat_ref[...] * _ns_from(cnt_ref, 0)


def _postA_body(cnt_ref, agg_ref, h_ref, w_ref, l_ref, t_ref, st_ref):
    i = pl.program_id(0)
    a = (agg_ref[0] + agg_ref[1]) * _ns_from(cnt_ref, 1)
    t = (jnp.dot(a, w_ref[...], preferred_element_type=jnp.float32)
         + jnp.dot(h_ref[...], l_ref[...], preferred_element_type=jnp.float32))
    t_ref[...] = t
    s = jnp.sum(t, axis=0, keepdims=True)
    q = jnp.sum(t * t, axis=0, keepdims=True)

    @pl.when(i == 0)
    def _():
        st_ref[0] = s
        st_ref[1] = q

    @pl.when(i > 0)
    def _():
        st_ref[0] += s
        st_ref[1] += q


def _bn_relu(st_ref, t_ref, g_ref, b_ref):
    m = st_ref[0] / N
    v = st_ref[1] / N - m * m
    return jnp.maximum(
        (t_ref[...] - m) * lax.rsqrt(v + 1e-5) * g_ref[...] + b_ref[...], 0.0)


def _postB0_body(st_ref, cnt_ref, t_ref, g_ref, b_ref, h_ref, hn_ref):
    hh = _bn_relu(st_ref, t_ref, g_ref, b_ref)
    h_ref[...] = hh
    hn_ref[...] = hh * _ns_from(cnt_ref, 0)


def _final_body(cnt_ref, agg_ref, h_ref, w2_ref, l2_ref, b2_ref, out_ref):
    a = (agg_ref[0] + agg_ref[1]) * _ns_from(cnt_ref, 1)
    out_ref[...] = (jnp.dot(a, w2_ref[...], preferred_element_type=jnp.float32)
                    + b2_ref[...]
                    + jnp.dot(h_ref[...], l2_ref[...],
                              preferred_element_type=jnp.float32))


_cnt_spec = pl.BlockSpec((NC, BN, H), lambda i: (0, i, 0))
_row_spec = pl.BlockSpec((BN, D), lambda i: (i, 0))
_agg_spec = pl.BlockSpec((NC, BN, D), lambda i: (0, i, 0))
_st_spec = pl.BlockSpec((2, 1, H), lambda i: (0, 0, 0))
_w_spec = pl.BlockSpec((D, H), lambda i: (0, 0))
_g_spec = pl.BlockSpec((1, H), lambda i: (0, 0))


def _pre0(cnt, feat):
    return pl.pallas_call(
        _pre0_body,
        grid=(GRID,),
        in_specs=[_cnt_spec, _row_spec],
        out_specs=_row_spec,
        out_shape=jax.ShapeDtypeStruct((N, D), jnp.float32),
    )(cnt, feat)


def _postA(cnt, agg, h, w, l):
    return pl.pallas_call(
        _postA_body,
        grid=(GRID,),
        in_specs=[_cnt_spec, _agg_spec, _row_spec, _w_spec, _w_spec],
        out_specs=[_row_spec, _st_spec],
        out_shape=[jax.ShapeDtypeStruct((N, H), jnp.float32),
                   jax.ShapeDtypeStruct((2, 1, H), jnp.float32)],
    )(cnt, agg, h, w, l)


def _postB0(st, cnt, t, g, b):
    return pl.pallas_call(
        _postB0_body,
        grid=(GRID,),
        in_specs=[_st_spec, _cnt_spec, _row_spec, _g_spec, _g_spec],
        out_specs=[_row_spec, _row_spec],
        out_shape=[jax.ShapeDtypeStruct((N, H), jnp.float32),
                   jax.ShapeDtypeStruct((N, H), jnp.float32)],
    )(st, cnt, t, g, b)


def _final(cnt, agg, h, w2, l2, b2):
    return pl.pallas_call(
        _final_body,
        grid=(GRID,),
        in_specs=[_cnt_spec, _agg_spec, _row_spec,
                  pl.BlockSpec((D, C), lambda i: (0, 0)),
                  pl.BlockSpec((D, C), lambda i: (0, 0)),
                  pl.BlockSpec((1, C), lambda i: (0, 0))],
        out_specs=pl.BlockSpec((BN, C), lambda i: (i, 0)),
        out_shape=jax.ShapeDtypeStruct((N, C), jnp.float32),
    )(cnt, agg, h, w2, l2, b2)



def kernel(feat, edge_index, W0, W1, W2, b2, L0, L1, L2, g0, be0, g1, be1):
    src = edge_index[0]
    dst = edge_index[1]
    g0r = g0.reshape(1, H)
    be0r = be0.reshape(1, H)
    g1r = g1.reshape(1, H)
    be1r = be1.reshape(1, H)
    b2r = b2.reshape(1, C)

    zerosH = jnp.zeros((CH, H), jnp.float32)
    e0 = zerosH.at[:, 0].set(1.0)
    e1 = zerosH.at[:, 1].set(1.0)
    npad = NW * EWP - E
    pad_ar = jnp.arange(npad, dtype=jnp.int32)
    srcp = jnp.concatenate([src, pad_ar % N])
    dstp = jnp.concatenate([dst, N + pad_ar % (NP - N)])
    srcc = jnp.concatenate([src, N + pad_ar % (NP - N)])
    src3 = srcp.reshape(NW, NFULLP, CH)
    dst3 = dstp.reshape(NW, NFULLP, CH)
    src3c = srcc.reshape(NW, NFULLP, CH)
    cnt = _count_sc(src3c, dst3, e0, e1, zerosH)
    hn0 = _pre0(cnt, feat)
    agg0 = _segsum_h(hn0, src3, dst3, zerosH)
    t0, st0 = _postA(cnt, agg0, feat, W0, L0)
    h1, hn1 = _postB0(st0, cnt, t0, g0r, be0r)
    agg1 = _segsum_h(hn1, src3, dst3, zerosH)
    t1, st1 = _postA(cnt, agg1, h1, W1, L1)
    h2, hn2 = _postB0(st1, cnt, t1, g1r, be1r)
    agg2 = _segsum_h(hn2, src3, dst3, zerosH)
    return _final(cnt, agg2, h2, W2, L2, b2r)

# --- scband reference (transcript-rebuilt; emitter-appended) ---
"""Pipeline reference for scband-gcn-17721035063721 (READ-ONLY COPY).

The authoritative reference and input builder live on the scoring server;
editing this copy changes nothing except your own understanding.
"""

import jax, jax.numpy as jnp
import numpy as np

N = 10000
E = 320000
D = 128
H = 128
C = 40


def setup_inputs(seed: int = 0) -> dict:
    key = jax.random.key(seed)
    ks = jax.random.split(key, 16)
    feat = jax.random.normal(ks[0], (N, D), dtype=jnp.float32)
    edge_index = jax.random.randint(ks[1], (2, E), 0, N, dtype=jnp.int32)
    s = 0.05
    W0 = jax.random.normal(ks[2], (D, H), dtype=jnp.float32) * s
    W1 = jax.random.normal(ks[3], (H, H), dtype=jnp.float32) * s
    W2 = jax.random.normal(ks[4], (H, C), dtype=jnp.float32) * s
    b2 = jnp.zeros((C,), dtype=jnp.float32)
    L0 = jax.random.normal(ks[5], (D, H), dtype=jnp.float32) * s
    L1 = jax.random.normal(ks[6], (H, H), dtype=jnp.float32) * s
    L2 = jax.random.normal(ks[7], (H, C), dtype=jnp.float32) * s
    g0 = jnp.ones((H,), dtype=jnp.float32)
    be0 = jnp.zeros((H,), dtype=jnp.float32)
    g1 = jnp.ones((H,), dtype=jnp.float32)
    be1 = jnp.zeros((H,), dtype=jnp.float32)
    return {"feat": feat, "edge_index": edge_index, "W0": W0, "W1": W1, "W2": W2,
            "b2": b2, "L0": L0, "L1": L1, "L2": L2, "g0": g0, "be0": be0,
            "g1": g1, "be1": be1}


def _bn(h, g, b):
    m = jnp.mean(h, axis=0)
    v = jnp.var(h, axis=0)
    return (h - m) / jnp.sqrt(v + 1e-5) * g + b


def reference(feat, edge_index, W0, W1, W2, b2, L0, L1, L2, g0, be0, g1, be1):
    src = edge_index[0]
    dst = edge_index[1]
    out_deg = jnp.clip(jnp.bincount(src, length=N), 1)
    in_deg = jnp.clip(jnp.bincount(dst, length=N), 1)
    ns = out_deg.astype(jnp.float32) ** -0.5
    nd = in_deg.astype(jnp.float32) ** -0.5

    def conv(h, W, bias=None):
        hn = h * ns[:, None]
        agg = jax.ops.segment_sum(hn[src], dst, num_segments=N)
        agg = agg * nd[:, None]
        out = agg @ W
        if bias is not None:
            out = out + bias
        return out

    h = feat  # dropout0 is identity in eval mode
    h = conv(h, W0) + h @ L0
    h = jax.nn.relu(_bn(h, g0, be0))
    h = conv(h, W1) + h @ L1
    h = jax.nn.relu(_bn(h, g1, be1))
    h = conv(h, W2, b2) + h @ L2
    return h

if __name__ == "__main__":
    import jax
    _d = setup_inputs()
    print(jax.jit(kernel)(*tuple(_d.values())))

</pallas_src>

<mosaic_0001>
#map = affine_map<(d0, d1) -> (0, 0, 0)>
#map1 = affine_map<(d0, d1) -> (0, 0)>
module attributes {stable_mosaic.version = 14 : i64} {
  func.func @_count_sc(%arg0: i32, %arg1: i32, %arg2: memref<32x80x128xi32, #tpu.memory_space<hbm>>, %arg3: memref<32x80x128xi32, #tpu.memory_space<hbm>>, %arg4: memref<128x128xf32, #tpu.memory_space<hbm>>, %arg5: memref<128x128xf32, #tpu.memory_space<hbm>>, %arg6: memref<128x128xf32, #tpu.memory_space<hbm>>, %arg7: memref<2x10240x128xf32, #tpu.memory_space<hbm>>, %arg8: memref<40x128xi32, #tpu.memory_space<vmem>>, %arg9: memref<40x128xi32, #tpu.memory_space<vmem>>, %arg10: memref<128x128xf32, #tpu.memory_space<vmem>>, %arg11: memref<128x128xf32, #tpu.memory_space<vmem>>, %arg12: memref<10240x128xf32, #tpu.memory_space<vmem_shared>>, %arg13: memref<!tpu.dma_semaphore, #tpu.memory_space<semaphore_mem>>, %arg14: memref<!tpu.dma_semaphore, #tpu.memory_space<semaphore_mem>>) attributes {dimension_semantics = [#tpu.dimension_semantics<core_parallel>, #tpu.dimension_semantics<subcore_parallel>], iteration_bounds = array<i64: 2, 16>, scalar_prefetch = 0 : i64, scratch_operands = 7 : i64, tpu.core_type = #tpu.core_type<sc_vector_subcore>, window_params = [{transform_indices = #map}, {transform_indices = #map}, {transform_indices = #map1}, {transform_indices = #map1}, {transform_indices = #map1}, {transform_indices = #map}]} {
    %mul3A = arith.constant 2 : i32
    %mul3A_0 = arith.muli %arg1, %mul3A : i32
    %add3A = arith.addi %mul3A_0, %arg0 : i32
    "tpu.region"() ({
      %run_scoped3A = tpu.sem_alloc : memref<!tpu.dma_semaphore, #tpu.memory_space<semaphore_mem>>
      tpu.enqueue_dma source(%arg6 : memref<128x128xf32, #tpu.memory_space<hbm>>) target(%arg10 : memref<128x128xf32, #tpu.memory_space<vmem>>) target_semaphore(%run_scoped3A : memref<!tpu.dma_semaphore, #tpu.memory_space<semaphore_mem>>)
      tpu.wait_dma2 semaphore(%run_scoped3A : memref<!tpu.dma_semaphore, #tpu.memory_space<semaphore_mem>>) src(%arg6 : memref<128x128xf32, #tpu.memory_space<hbm>>) dst(%arg10 : memref<128x128xf32, #tpu.memory_space<vmem>>)
      tpu.yield
    }) : () -> ()
    %mul3A_1 = arith.constant 640 : i32
    %mul3A_2 = arith.muli %arg1, %mul3A_1 : i32
    %add3A_3 = arith.constant 0 : i32
    %add3A_4 = arith.addi %mul3A_2, %add3A_3 : i32
    "tpu.region"() ({
      %run_scoped3A = tpu.sem_alloc : memref<!tpu.dma_semaphore, #tpu.memory_space<semaphore_mem>>
      %dma_start3A = arith.constant 0 : i32
      %dma_start3A_75 = tpu.memref_slice %arg12[%add3A_4, %dma_start3A] : memref<10240x128xf32, #tpu.memory_space<vmem_shared>> -> memref<128x128xf32, #tpu.memory_space<vmem_shared>>
      %dma_start3A_76 = arith.constant 0 : i32
      %dma_start3A_77 = tpu.memref_slice %arg12[%add3A_4, %dma_start3A_76] : memref<10240x128xf32, #tpu.memory_space<vmem_shared>> -> memref<128x128xf32, #tpu.memory_space<vmem_shared>>
      tpu.enqueue_dma source(%arg10 : memref<128x128xf32, #tpu.memory_space<vmem>>) target(%dma_start3A_77 : memref<128x128xf32, #tpu.memory_space<vmem_shared>>) target_semaphore(%run_scoped3A : memref<!tpu.dma_semaphore, #tpu.memory_space<semaphore_mem>>)
      %dma_wait3A = arith.constant 0 : i32
      %dma_wait3A_78 = tpu.memref_slice %arg12[%add3A_4, %dma_wait3A] : memref<10240x128xf32, #tpu.memory_space<vmem_shared>> -> memref<128x128xf32, #tpu.memory_space<vmem_shared>>
      %dma_wait3A_79 = arith.constant 0 : i32
      %dma_wait3A_80 = tpu.memref_slice %arg12[%add3A_4, %dma_wait3A_79] : memref<10240x128xf32, #tpu.memory_space<vmem_shared>> -> memref<128x128xf32, #tpu.memory_space<vmem_shared>>
      tpu.wait_dma2 semaphore(%run_scoped3A : memref<!tpu.dma_semaphore, #tpu.memory_space<semaphore_mem>>) src(%arg10 : memref<128x128xf32, #tpu.memory_space<vmem>>) dst(%dma_wait3A_80 : memref<128x128xf32, #tpu.memory_space<vmem_shared>>)
      tpu.yield
    }) : () -> ()
    %mul3A_5 = arith.constant 640 : i32
    %mul3A_6 = arith.muli %arg1, %mul3A_5 : i32
    %add3A_7 = arith.constant 128 : i32
    %add3A_8 = arith.addi %mul3A_6, %add3A_7 : i32
    "tpu.region"() ({
      %run_scoped3A = tpu.sem_alloc : memref<!tpu.dma_semaphore, #tpu.memory_space<semaphore_mem>>
      %dma_start3A = arith.constant 0 : i32
      %dma_start3A_75 = tpu.memref_slice %arg12[%add3A_8, %dma_start3A] : memref<10240x128xf32, #tpu.memory_space<vmem_shared>> -> memref<128x128xf32, #tpu.memory_space<vmem_shared>>
      %dma_start3A_76 = arith.constant 0 : i32
      %dma_start3A_77 = tpu.memref_slice %arg12[%add3A_8, %dma_start3A_76] : memref<10240x128xf32, #tpu.memory_space<vmem_shared>> -> memref<128x128xf32, #tpu.memory_space<vmem_shared>>
      tpu.enqueue_dma source(%arg10 : memref<128x128xf32, #tpu.memory_space<vmem>>) target(%dma_start3A_77 : memref<128x128xf32, #tpu.memory_space<vmem_shared>>) target_semaphore(%run_scoped3A : memref<!tpu.dma_semaphore, #tpu.memory_space<semaphore_mem>>)
      %dma_wait3A = arith.constant 0 : i32
      %dma_wait3A_78 = tpu.memref_slice %arg12[%add3A_8, %dma_wait3A] : memref<10240x128xf32, #tpu.memory_space<vmem_shared>> -> memref<128x128xf32, #tpu.memory_space<vmem_shared>>
      %dma_wait3A_79 = arith.constant 0 : i32
      %dma_wait3A_80 = tpu.memref_slice %arg12[%add3A_8, %dma_wait3A_79] : memref<10240x128xf32, #tpu.memory_space<vmem_shared>> -> memref<128x128xf32, #tpu.memory_space<vmem_shared>>
      tpu.wait_dma2 semaphore(%run_scoped3A : memref<!tpu.dma_semaphore, #tpu.memory_space<semaphore_mem>>) src(%arg10 : memref<128x128xf32, #tpu.memory_space<vmem>>) dst(%dma_wait3A_80 : memref<128x128xf32, #tpu.memory_space<vmem_shared>>)
      tpu.yield
    }) : () -> ()
    %mul3A_9 = arith.constant 640 : i32
    %mul3A_10 = arith.muli %arg1, %mul3A_9 : i32
    %add3A_11 = arith.constant 256 : i32
    %add3A_12 = arith.addi %mul3A_10, %add3A_11 : i32
    "tpu.region"() ({
      %run_scoped3A = tpu.sem_alloc : memref<!tpu.dma_semaphore, #tpu.memory_space<semaphore_mem>>
      %dma_start3A = arith.constant 0 : i32
      %dma_start3A_75 = tpu.memref_slice %arg12[%add3A_12, %dma_start3A] : memref<10240x128xf32, #tpu.memory_space<vmem_shared>> -> memref<128x128xf32, #tpu.memory_space<vmem_shared>>
      %dma_start3A_76 = arith.constant 0 : i32
      %dma_start3A_77 = tpu.memref_slice %arg12[%add3A_12, %dma_start3A_76] : memref<10240x128xf32, #tpu.memory_space<vmem_shared>> -> memref<128x128xf32, #tpu.memory_space<vmem_shared>>
      tpu.enqueue_dma source(%arg10 : memref<128x128xf32, #tpu.memory_space<vmem>>) target(%dma_start3A_77 : memref<128x128xf32, #tpu.memory_space<vmem_shared>>) target_semaphore(%run_scoped3A : memref<!tpu.dma_semaphore, #tpu.memory_space<semaphore_mem>>)
      %dma_wait3A = arith.constant 0 : i32
      %dma_wait3A_78 = tpu.memref_slice %arg12[%add3A_12, %dma_wait3A] : memref<10240x128xf32, #tpu.memory_space<vmem_shared>> -> memref<128x128xf32, #tpu.memory_space<vmem_shared>>
      %dma_wait3A_79 = arith.constant 0 : i32
      %dma_wait3A_80 = tpu.memref_slice %arg12[%add3A_12, %dma_wait3A_79] : memref<10240x128xf32, #tpu.memory_space<vmem_shared>> -> memref<128x128xf32, #tpu.memory_space<vmem_shared>>
      tpu.wait_dma2 semaphore(%run_scoped3A : memref<!tpu.dma_semaphore, #tpu.memory_space<semaphore_mem>>) src(%arg10 : memref<128x128xf32, #tpu.memory_space<vmem>>) dst(%dma_wait3A_80 : memref<128x128xf32, #tpu.memory_space<vmem_shared>>)
      tpu.yield
    }) : () -> ()
    %mul3A_13 = arith.constant 640 : i32
    %mul3A_14 = arith.muli %arg1, %mul3A_13 : i32
    %add3A_15 = arith.constant 384 : i32
    %add3A_16 = arith.addi %mul3A_14, %add3A_15 : i32
    "tpu.region"() ({
      %run_scoped3A = tpu.sem_alloc : memref<!tpu.dma_semaphore, #tpu.memory_space<semaphore_mem>>
      %dma_start3A = arith.constant 0 : i32
      %dma_start3A_75 = tpu.memref_slice %arg12[%add3A_16, %dma_start3A] : memref<10240x128xf32, #tpu.memory_space<vmem_shared>> -> memref<128x128xf32, #tpu.memory_space<vmem_shared>>
      %dma_start3A_76 = arith.constant 0 : i32
      %dma_start3A_77 = tpu.memref_slice %arg12[%add3A_16, %dma_start3A_76] : memref<10240x128xf32, #tpu.memory_space<vmem_shared>> -> memref<128x128xf32, #tpu.memory_space<vmem_shared>>
      tpu.enqueue_dma source(%arg10 : memref<128x128xf32, #tpu.memory_space<vmem>>) target(%dma_start3A_77 : memref<128x128xf32, #tpu.memory_space<vmem_shared>>) target_semaphore(%run_scoped3A : memref<!tpu.dma_semaphore, #tpu.memory_space<semaphore_mem>>)
      %dma_wait3A = arith.constant 0 : i32
      %dma_wait3A_78 = tpu.memref_slice %arg12[%add3A_16, %dma_wait3A] : memref<10240x128xf32, #tpu.memory_space<vmem_shared>> -> memref<128x128xf32, #tpu.memory_space<vmem_shared>>
      %dma_wait3A_79 = arith.constant 0 : i32
      %dma_wait3A_80 = tpu.memref_slice %arg12[%add3A_16, %dma_wait3A_79] : memref<10240x128xf32, #tpu.memory_space<vmem_shared>> -> memref<128x128xf32, #tpu.memory_space<vmem_shared>>
      tpu.wait_dma2 semaphore(%run_scoped3A : memref<!tpu.dma_semaphore, #tpu.memory_space<semaphore_mem>>) src(%arg10 : memref<128x128xf32, #tpu.memory_space<vmem>>) dst(%dma_wait3A_80 : memref<128x128xf32, #tpu.memory_space<vmem_shared>>)
      tpu.yield
    }) : () -> ()
    %mul3A_17 = arith.constant 640 : i32
    %mul3A_18 = arith.muli %arg1, %mul3A_17 : i32
    %add3A_19 = arith.constant 512 : i32
    %add3A_20 = arith.addi %mul3A_18, %add3A_19 : i32
    "tpu.region"() ({
      %run_scoped3A = tpu.sem_alloc : memref<!tpu.dma_semaphore, #tpu.memory_space<semaphore_mem>>
      %dma_start3A = arith.constant 0 : i32
      %dma_start3A_75 = tpu.memref_slice %arg12[%add3A_20, %dma_start3A] : memref<10240x128xf32, #tpu.memory_space<vmem_shared>> -> memref<128x128xf32, #tpu.memory_space<vmem_shared>>
      %dma_start3A_76 = arith.constant 0 : i32
      %dma_start3A_77 = tpu.memref_slice %arg12[%add3A_20, %dma_start3A_76] : memref<10240x128xf32, #tpu.memory_space<vmem_shared>> -> memref<128x128xf32, #tpu.memory_space<vmem_shared>>
      tpu.enqueue_dma source(%arg10 : memref<128x128xf32, #tpu.memory_space<vmem>>) target(%dma_start3A_77 : memref<128x128xf32, #tpu.memory_space<vmem_shared>>) target_semaphore(%run_scoped3A : memref<!tpu.dma_semaphore, #tpu.memory_space<semaphore_mem>>)
      %dma_wait3A = arith.constant 0 : i32
      %dma_wait3A_78 = tpu.memref_slice %arg12[%add3A_20, %dma_wait3A] : memref<10240x128xf32, #tpu.memory_space<vmem_shared>> -> memref<128x128xf32, #tpu.memory_space<vmem_shared>>
      %dma_wait3A_79 = arith.constant 0 : i32
      %dma_wait3A_80 = tpu.memref_slice %arg12[%add3A_20, %dma_wait3A_79] : memref<10240x128xf32, #tpu.memory_space<vmem_shared>> -> memref<128x128xf32, #tpu.memory_space<vmem_shared>>
      tpu.wait_dma2 semaphore(%run_scoped3A : memref<!tpu.dma_semaphore, #tpu.memory_space<semaphore_mem>>) src(%arg10 : memref<128x128xf32, #tpu.memory_space<vmem>>) dst(%dma_wait3A_80 : memref<128x128xf32, #tpu.memory_space<vmem_shared>>)
      tpu.yield
    }) : () -> ()
    "tpu.region"() ({
      %run_scoped3A = tpu.sem_alloc : memref<!tpu.dma_semaphore, #tpu.memory_space<semaphore_mem>>
      tpu.enqueue_dma source(%arg4 : memref<128x128xf32, #tpu.memory_space<hbm>>) target(%arg10 : memref<128x128xf32, #tpu.memory_space<vmem>>) target_semaphore(%run_scoped3A : memref<!tpu.dma_semaphore, #tpu.memory_space<semaphore_mem>>)
      tpu.wait_dma2 semaphore(%run_scoped3A : memref<!tpu.dma_semaphore, #tpu.memory_space<semaphore_mem>>) src(%arg4 : memref<128x128xf32, #tpu.memory_space<hbm>>) dst(%arg10 : memref<128x128xf32, #tpu.memory_space<vmem>>)
      tpu.yield
    }) : () -> ()
    "tpu.region"() ({
      %run_scoped3A = tpu.sem_alloc : memref<!tpu.dma_semaphore, #tpu.memory_space<semaphore_mem>>
      tpu.enqueue_dma source(%arg5 : memref<128x128xf32, #tpu.memory_space<hbm>>) target(%arg11 : memref<128x128xf32, #tpu.memory_space<vmem>>) target_semaphore(%run_scoped3A : memref<!tpu.dma_semaphore, #tpu.memory_space<semaphore_mem>>)
      tpu.wait_dma2 semaphore(%run_scoped3A : memref<!tpu.dma_semaphore, #tpu.memory_space<semaphore_mem>>) src(%arg5 : memref<128x128xf32, #tpu.memory_space<hbm>>) dst(%arg11 : memref<128x128xf32, #tpu.memory_space<vmem>>)
      tpu.yield
    }) : () -> ()
    %barrier3A = arith.constant 0 : index
    tpu.barrier barrier_id(%barrier3A)
    "tpu.region"() ({
      %run_scoped3A = tpu.sem_alloc : memref<!tpu.dma_semaphore, #tpu.memory_space<semaphore_mem>>
      %dma_start3A = arith.constant 0 : i32
      %dma_start3A_75 = arith.constant 0 : i32
      %dma_start3A_76 = tpu.memref_slice %arg2[%add3A, %dma_start3A, %dma_start3A_75] : memref<32x80x128xi32, #tpu.memory_space<hbm>> -> memref<1x40x128xi32, #tpu.memory_space<hbm>>
      %dma_start3A_77 = tpu.memref_squeeze %dma_start3A_76 : memref<1x40x128xi32, #tpu.memory_space<hbm>> -> memref<40x128xi32, #tpu.memory_space<hbm>>
      %dma_start3A_78 = arith.constant 0 : i32
      %dma_start3A_79 = arith.constant 0 : i32
      %dma_start3A_80 = tpu.memref_slice %arg2[%add3A, %dma_start3A_78, %dma_start3A_79] : memref<32x80x128xi32, #tpu.memory_space<hbm>> -> memref<1x40x128xi32, #tpu.memory_space<hbm>>
      %dma_start3A_81 = tpu.memref_squeeze %dma_start3A_80 : memref<1x40x128xi32, #tpu.memory_space<hbm>> -> memref<40x128xi32, #tpu.memory_space<hbm>>
      tpu.enqueue_dma source(%dma_start3A_81 : memref<40x128xi32, #tpu.memory_space<hbm>>) target(%arg8 : memref<40x128xi32, #tpu.memory_space<vmem>>) target_semaphore(%run_scoped3A : memref<!tpu.dma_semaphore, #tpu.memory_space<semaphore_mem>>)
      %dma_wait3A = arith.constant 0 : i32
      %dma_wait3A_82 = arith.constant 0 : i32
      %dma_wait3A_83 = tpu.memref_slice %arg2[%add3A, %dma_wait3A, %dma_wait3A_82] : memref<32x80x128xi32, #tpu.memory_space<hbm>> -> memref<1x40x128xi32, #tpu.memory_space<hbm>>
      %dma_wait3A_84 = tpu.memref_squeeze %dma_wait3A_83 : memref<1x40x128xi32, #tpu.memory_space<hbm>> -> memref<40x128xi32, #tpu.memory_space<hbm>>
      %dma_wait3A_85 = arith.constant 0 : i32
      %dma_wait3A_86 = arith.constant 0 : i32
      %dma_wait3A_87 = tpu.memref_slice %arg2[%add3A, %dma_wait3A_85, %dma_wait3A_86] : memref<32x80x128xi32, #tpu.memory_space<hbm>> -> memref<1x40x128xi32, #tpu.memory_space<hbm>>
      %dma_wait3A_88 = tpu.memref_squeeze %dma_wait3A_87 : memref<1x40x128xi32, #tpu.memory_space<hbm>> -> memref<40x128xi32, #tpu.memory_space<hbm>>
      tpu.wait_dma2 semaphore(%run_scoped3A : memref<!tpu.dma_semaphore, #tpu.memory_space<semaphore_mem>>) src(%dma_wait3A_88 : memref<40x128xi32, #tpu.memory_space<hbm>>) dst(%arg8 : memref<40x128xi32, #tpu.memory_space<vmem>>)
      tpu.yield
    }) : () -> ()
    "tpu.region"() ({
      %run_scoped3A = tpu.sem_alloc : memref<!tpu.dma_semaphore, #tpu.memory_space<semaphore_mem>>
      %dma_start3A = arith.constant 0 : i32
      %dma_start3A_75 = arith.constant 0 : i32
      %dma_start3A_76 = tpu.memref_slice %arg3[%add3A, %dma_start3A, %dma_start3A_75] : memref<32x80x128xi32, #tpu.memory_space<hbm>> -> memref<1x40x128xi32, #tpu.memory_space<hbm>>
      %dma_start3A_77 = tpu.memref_squeeze %dma_start3A_76 : memref<1x40x128xi32, #tpu.memory_space<hbm>> -> memref<40x128xi32, #tpu.memory_space<hbm>>
      %dma_start3A_78 = arith.constant 0 : i32
      %dma_start3A_79 = arith.constant 0 : i32
      %dma_start3A_80 = tpu.memref_slice %arg3[%add3A, %dma_start3A_78, %dma_start3A_79] : memref<32x80x128xi32, #tpu.memory_space<hbm>> -> memref<1x40x128xi32, #tpu.memory_space<hbm>>
      %dma_start3A_81 = tpu.memref_squeeze %dma_start3A_80 : memref<1x40x128xi32, #tpu.memory_space<hbm>> -> memref<40x128xi32, #tpu.memory_space<hbm>>
      tpu.enqueue_dma source(%dma_start3A_81 : memref<40x128xi32, #tpu.memory_space<hbm>>) target(%arg9 : memref<40x128xi32, #tpu.memory_space<vmem>>) target_semaphore(%run_scoped3A : memref<!tpu.dma_semaphore, #tpu.memory_space<semaphore_mem>>)
      %dma_wait3A = arith.constant 0 : i32
      %dma_wait3A_82 = arith.constant 0 : i32
      %dma_wait3A_83 = tpu.memref_slice %arg3[%add3A, %dma_wait3A, %dma_wait3A_82] : memref<32x80x128xi32, #tpu.memory_space<hbm>> -> memref<1x40x128xi32, #tpu.memory_space<hbm>>
      %dma_wait3A_84 = tpu.memref_squeeze %dma_wait3A_83 : memref<1x40x128xi32, #tpu.memory_space<hbm>> -> memref<40x128xi32, #tpu.memory_space<hbm>>
      %dma_wait3A_85 = arith.constant 0 : i32
      %dma_wait3A_86 = arith.constant 0 : i32
      %dma_wait3A_87 = tpu.memref_slice %arg3[%add3A, %dma_wait3A_85, %dma_wait3A_86] : memref<32x80x128xi32, #tpu.memory_space<hbm>> -> memref<1x40x128xi32, #tpu.memory_space<hbm>>
      %dma_wait3A_88 = tpu.memref_squeeze %dma_wait3A_87 : memref<1x40x128xi32, #tpu.memory_space<hbm>> -> memref<40x128xi32, #tpu.memory_space<hbm>>
      tpu.wait_dma2 semaphore(%run_scoped3A : memref<!tpu.dma_semaphore, #tpu.memory_space<semaphore_mem>>) src(%dma_wait3A_88 : memref<40x128xi32, #tpu.memory_space<hbm>>) dst(%arg9 : memref<40x128xi32, #tpu.memory_space<vmem>>)
      tpu.yield
    }) : () -> ()
    %scan3A = arith.constant 0 : i32
    %scan3A_21 = arith.constant 0 : i32
    %scan3A_22 = arith.constant 40 : i32
    %scan3A_23 = arith.addi %scan3A_21, %scan3A_22 : i32
    %scan3A_24 = arith.constant 1 : i32
    %scan3A_25 = scf.for %scan3A_75 = %scan3A_21 to %scan3A_23 step %scan3A_24 iter_args(%scan3A_76 = %scan3A) -> (i32)  : i32 {
      %dma_start3A = arith.constant 0 : i32
      %dma_start3A_77 = tpu.memref_slice %arg9[%scan3A_75, %dma_start3A] : memref<40x128xi32, #tpu.memory_space<vmem>> -> memref<1x128xi32, #tpu.memory_space<vmem>>
      %dma_start3A_78 = tpu.memref_squeeze %dma_start3A_77 : memref<1x128xi32, #tpu.memory_space<vmem>> -> memref<128xi32, #tpu.memory_space<vmem>>
      %dma_start3A_79 = arith.constant 0 : i32
      %dma_start3A_80 = arith.constant 0 : i32
      %dma_start3A_81 = tpu.memref_slice %arg12[%dma_start3A_79, %dma_start3A_80] : memref<10240x128xf32, #tpu.memory_space<vmem_shared>> -> memref<10240x128xf32, #tpu.memory_space<vmem_shared>>
      tpu.enqueue_indirect_dma source(%arg10 : memref<128x128xf32, #tpu.memory_space<vmem>>) target(%dma_start3A_81 : memref<10240x128xf32, #tpu.memory_space<vmem_shared>>) offsets(%dma_start3A_78 : memref<128xi32, #tpu.memory_space<vmem>>) semaphore(%arg13 : memref<!tpu.dma_semaphore, #tpu.memory_space<semaphore_mem>>) {add = true}
      %dma_start3A_82 = arith.constant 0 : i32
      %dma_start3A_83 = tpu.memref_slice %arg8[%scan3A_75, %dma_start3A_82] : memref<40x128xi32, #tpu.memory_space<vmem>> -> memref<1x128xi32, #tpu.memory_space<vmem>>
      %dma_start3A_84 = tpu.memref_squeeze %dma_start3A_83 : memref<1x128xi32, #tpu.memory_space<vmem>> -> memref<128xi32, #tpu.memory_space<vmem>>
      %dma_start3A_85 = arith.constant 0 : i32
      %dma_start3A_86 = arith.constant 0 : i32
      %dma_start3A_87 = tpu.memref_slice %arg12[%dma_start3A_85, %dma_start3A_86] : memref<10240x128xf32, #tpu.memory_space<vmem_shared>> -> memref<10240x128xf32, #tpu.memory_space<vmem_shared>>
      tpu.enqueue_indirect_dma source(%arg11 : memref<128x128xf32, #tpu.memory_space<vmem>>) target(%dma_start3A_87 : memref<10240x128xf32, #tpu.memory_space<vmem_shared>>) offsets(%dma_start3A_84 : memref<128xi32, #tpu.memory_space<vmem>>) semaphore(%arg14 : memref<!tpu.dma_semaphore, #tpu.memory_space<semaphore_mem>>) {add = true}
      %dma_wait3A = arith.constant 0 : i32
      %dma_wait3A_88 = tpu.memref_slice %arg9[%scan3A_75, %dma_wait3A] : memref<40x128xi32, #tpu.memory_space<vmem>> -> memref<1x128xi32, #tpu.memory_space<vmem>>
      %dma_wait3A_89 = tpu.memref_squeeze %dma_wait3A_88 : memref<1x128xi32, #tpu.memory_space<vmem>> -> memref<128xi32, #tpu.memory_space<vmem>>
      %dma_wait3A_90 = arith.constant 0 : i32
      %dma_wait3A_91 = arith.constant 0 : i32
      %dma_wait3A_92 = tpu.memref_slice %arg12[%dma_wait3A_90, %dma_wait3A_91] : memref<10240x128xf32, #tpu.memory_space<vmem_shared>> -> memref<10240x128xf32, #tpu.memory_space<vmem_shared>>
      tpu.wait_indirect_dma semaphore(%arg13 : memref<!tpu.dma_semaphore, #tpu.memory_space<semaphore_mem>>) src(%arg10 : memref<128x128xf32, #tpu.memory_space<vmem>>) dst(%dma_wait3A_92 : memref<10240x128xf32, #tpu.memory_space<vmem_shared>>)
      %dma_wait3A_93 = arith.constant 0 : i32
      %dma_wait3A_94 = tpu.memref_slice %arg8[%scan3A_75, %dma_wait3A_93] : memref<40x128xi32, #tpu.memory_space<vmem>> -> memref<1x128xi32, #tpu.memory_space<vmem>>
      %dma_wait3A_95 = tpu.memref_squeeze %dma_wait3A_94 : memref<1x128xi32, #tpu.memory_space<vmem>> -> memref<128xi32, #tpu.memory_space<vmem>>
      %dma_wait3A_96 = arith.constant 0 : i32
      %dma_wait3A_97 = arith.constant 0 : i32
      %dma_wait3A_98 = tpu.memref_slice %arg12[%dma_wait3A_96, %dma_wait3A_97] : memref<10240x128xf32, #tpu.memory_space<vmem_shared>> -> memref<10240x128xf32, #tpu.memory_space<vmem_shared>>
      tpu.wait_indirect_dma semaphore(%arg14 : memref<!tpu.dma_semaphore, #tpu.memory_space<semaphore_mem>>) src(%arg11 : memref<128x128xf32, #tpu.memory_space<vmem>>) dst(%dma_wait3A_98 : memref<10240x128xf32, #tpu.memory_space<vmem_shared>>)
      %scan3A_99 = arith.constant 0 : i32
      scf.yield %scan3A_99 : i32
    }
    %scan3A_26 = arith.constant 40 : i32
    "tpu.region"() ({
      %run_scoped3A = tpu.sem_alloc : memref<!tpu.dma_semaphore, #tpu.memory_space<semaphore_mem>>
      %dma_start3A = arith.constant 40 : i32
      %dma_start3A_75 = arith.constant 0 : i32
      %dma_start3A_76 = tpu.memref_slice %arg2[%add3A, %dma_start3A, %dma_start3A_75] : memref<32x80x128xi32, #tpu.memory_space<hbm>> -> memref<1x40x128xi32, #tpu.memory_space<hbm>>
      %dma_start3A_77 = tpu.memref_squeeze %dma_start3A_76 : memref<1x40x128xi32, #tpu.memory_space<hbm>> -> memref<40x128xi32, #tpu.memory_space<hbm>>
      %dma_start3A_78 = arith.constant 40 : i32
      %dma_start3A_79 = arith.constant 0 : i32
      %dma_start3A_80 = tpu.memref_slice %arg2[%add3A, %dma_start3A_78, %dma_start3A_79] : memref<32x80x128xi32, #tpu.memory_space<hbm>> -> memref<1x40x128xi32, #tpu.memory_space<hbm>>
      %dma_start3A_81 = tpu.memref_squeeze %dma_start3A_80 : memref<1x40x128xi32, #tpu.memory_space<hbm>> -> memref<40x128xi32, #tpu.memory_space<hbm>>
      tpu.enqueue_dma source(%dma_start3A_81 : memref<40x128xi32, #tpu.memory_space<hbm>>) target(%arg8 : memref<40x128xi32, #tpu.memory_space<vmem>>) target_semaphore(%run_scoped3A : memref<!tpu.dma_semaphore, #tpu.memory_space<semaphore_mem>>)
      %dma_wait3A = arith.constant 40 : i32
      %dma_wait3A_82 = arith.constant 0 : i32
      %dma_wait3A_83 = tpu.memref_slice %arg2[%add3A, %dma_wait3A, %dma_wait3A_82] : memref<32x80x128xi32, #tpu.memory_space<hbm>> -> memref<1x40x128xi32, #tpu.memory_space<hbm>>
      %dma_wait3A_84 = tpu.memref_squeeze %dma_wait3A_83 : memref<1x40x128xi32, #tpu.memory_space<hbm>> -> memref<40x128xi32, #tpu.memory_space<hbm>>
      %dma_wait3A_85 = arith.constant 40 : i32
      %dma_wait3A_86 = arith.constant 0 : i32
      %dma_wait3A_87 = tpu.memref_slice %arg2[%add3A, %dma_wait3A_85, %dma_wait3A_86] : memref<32x80x128xi32, #tpu.memory_space<hbm>> -> memref<1x40x128xi32, #tpu.memory_space<hbm>>
      %dma_wait3A_88 = tpu.memref_squeeze %dma_wait3A_87 : memref<1x40x128xi32, #tpu.memory_space<hbm>> -> memref<40x128xi32, #tpu.memory_space<hbm>>
      tpu.wait_dma2 semaphore(%run_scoped3A : memref<!tpu.dma_semaphore, #tpu.memory_space<semaphore_mem>>) src(%dma_wait3A_88 : memref<40x128xi32, #tpu.memory_space<hbm>>) dst(%arg8 : memref<40x128xi32, #tpu.memory_space<vmem>>)
      tpu.yield
    }) : () -> ()
    "tpu.region"() ({
      %run_scoped3A = tpu.sem_alloc : memref<!tpu.dma_semaphore, #tpu.memory_space<semaphore_mem>>
      %dma_start3A = arith.constant 40 : i32
      %dma_start3A_75 = arith.constant 0 : i32
      %dma_start3A_76 = tpu.memref_slice %arg3[%add3A, %dma_start3A, %dma_start3A_75] : memref<32x80x128xi32, #tpu.memory_space<hbm>> -> memref<1x40x128xi32, #tpu.memory_space<hbm>>
      %dma_start3A_77 = tpu.memref_squeeze %dma_start3A_76 : memref<1x40x128xi32, #tpu.memory_space<hbm>> -> memref<40x128xi32, #tpu.memory_space<hbm>>
      %dma_start3A_78 = arith.constant 40 : i32
      %dma_start3A_79 = arith.constant 0 : i32
      %dma_start3A_80 = tpu.memref_slice %arg3[%add3A, %dma_start3A_78, %dma_start3A_79] : memref<32x80x128xi32, #tpu.memory_space<hbm>> -> memref<1x40x128xi32, #tpu.memory_space<hbm>>
      %dma_start3A_81 = tpu.memref_squeeze %dma_start3A_80 : memref<1x40x128xi32, #tpu.memory_space<hbm>> -> memref<40x128xi32, #tpu.memory_space<hbm>>
      tpu.enqueue_dma source(%dma_start3A_81 : memref<40x128xi32, #tpu.memory_space<hbm>>) target(%arg9 : memref<40x128xi32, #tpu.memory_space<vmem>>) target_semaphore(%run_scoped3A : memref<!tpu.dma_semaphore, #tpu.memory_space<semaphore_mem>>)
      %dma_wait3A = arith.constant 40 : i32
      %dma_wait3A_82 = arith.constant 0 : i32
      %dma_wait3A_83 = tpu.memref_slice %arg3[%add3A, %dma_wait3A, %dma_wait3A_82] : memref<32x80x128xi32, #tpu.memory_space<hbm>> -> memref<1x40x128xi32, #tpu.memory_space<hbm>>
      %dma_wait3A_84 = tpu.memref_squeeze %dma_wait3A_83 : memref<1x40x128xi32, #tpu.memory_space<hbm>> -> memref<40x128xi32, #tpu.memory_space<hbm>>
      %dma_wait3A_85 = arith.constant 40 : i32
      %dma_wait3A_86 = arith.constant 0 : i32
      %dma_wait3A_87 = tpu.memref_slice %arg3[%add3A, %dma_wait3A_85, %dma_wait3A_86] : memref<32x80x128xi32, #tpu.memory_space<hbm>> -> memref<1x40x128xi32, #tpu.memory_space<hbm>>
      %dma_wait3A_88 = tpu.memref_squeeze %dma_wait3A_87 : memref<1x40x128xi32, #tpu.memory_space<hbm>> -> memref<40x128xi32, #tpu.memory_space<hbm>>
      tpu.wait_dma2 semaphore(%run_scoped3A : memref<!tpu.dma_semaphore, #tpu.memory_space<semaphore_mem>>) src(%dma_wait3A_88 : memref<40x128xi32, #tpu.memory_space<hbm>>) dst(%arg9 : memref<40x128xi32, #tpu.memory_space<vmem>>)
      tpu.yield
    }) : () -> ()
    %scan3A_27 = arith.constant 0 : i32
    %scan3A_28 = arith.constant 0 : i32
    %scan3A_29 = arith.constant 40 : i32
    %scan3A_30 = arith.addi %scan3A_28, %scan3A_29 : i32
    %scan3A_31 = arith.constant 1 : i32
    %scan3A_32 = scf.for %scan3A_75 = %scan3A_28 to %scan3A_30 step %scan3A_31 iter_args(%scan3A_76 = %scan3A_27) -> (i32)  : i32 {
      %dma_start3A = arith.constant 0 : i32
      %dma_start3A_77 = tpu.memref_slice %arg9[%scan3A_75, %dma_start3A] : memref<40x128xi32, #tpu.memory_space<vmem>> -> memref<1x128xi32, #tpu.memory_space<vmem>>
      %dma_start3A_78 = tpu.memref_squeeze %dma_start3A_77 : memref<1x128xi32, #tpu.memory_space<vmem>> -> memref<128xi32, #tpu.memory_space<vmem>>
      %dma_start3A_79 = arith.constant 0 : i32
      %dma_start3A_80 = arith.constant 0 : i32
      %dma_start3A_81 = tpu.memref_slice %arg12[%dma_start3A_79, %dma_start3A_80] : memref<10240x128xf32, #tpu.memory_space<vmem_shared>> -> memref<10240x128xf32, #tpu.memory_space<vmem_shared>>
      tpu.enqueue_indirect_dma source(%arg10 : memref<128x128xf32, #tpu.memory_space<vmem>>) target(%dma_start3A_81 : memref<10240x128xf32, #tpu.memory_space<vmem_shared>>) offsets(%dma_start3A_78 : memref<128xi32, #tpu.memory_space<vmem>>) semaphore(%arg13 : memref<!tpu.dma_semaphore, #tpu.memory_space<semaphore_mem>>) {add = true}
      %dma_start3A_82 = arith.constant 0 : i32
      %dma_start3A_83 = tpu.memref_slice %arg8[%scan3A_75, %dma_start3A_82] : memref<40x128xi32, #tpu.memory_space<vmem>> -> memref<1x128xi32, #tpu.memory_space<vmem>>
      %dma_start3A_84 = tpu.memref_squeeze %dma_start3A_83 : memref<1x128xi32, #tpu.memory_space<vmem>> -> memref<128xi32, #tpu.memory_space<vmem>>
      %dma_start3A_85 = arith.constant 0 : i32
      %dma_start3A_86 = arith.constant 0 : i32
      %dma_start3A_87 = tpu.memref_slice %arg12[%dma_start3A_85, %dma_start3A_86] : memref<10240x128xf32, #tpu.memory_space<vmem_shared>> -> memref<10240x128xf32, #tpu.memory_space<vmem_shared>>
      tpu.enqueue_indirect_dma source(%arg11 : memref<128x128xf32, #tpu.memory_space<vmem>>) target(%dma_start3A_87 : memref<10240x128xf32, #tpu.memory_space<vmem_shared>>) offsets(%dma_start3A_84 : memref<128xi32, #tpu.memory_space<vmem>>) semaphore(%arg14 : memref<!tpu.dma_semaphore, #tpu.memory_space<semaphore_mem>>) {add = true}
      %dma_wait3A = arith.constant 0 : i32
      %dma_wait3A_88 = tpu.memref_slice %arg9[%scan3A_75, %dma_wait3A] : memref<40x128xi32, #tpu.memory_space<vmem>> -> memref<1x128xi32, #tpu.memory_space<vmem>>
      %dma_wait3A_89 = tpu.memref_squeeze %dma_wait3A_88 : memref<1x128xi32, #tpu.memory_space<vmem>> -> memref<128xi32, #tpu.memory_space<vmem>>
      %dma_wait3A_90 = arith.constant 0 : i32
      %dma_wait3A_91 = arith.constant 0 : i32
      %dma_wait3A_92 = tpu.memref_slice %arg12[%dma_wait3A_90, %dma_wait3A_91] : memref<10240x128xf32, #tpu.memory_space<vmem_shared>> -> memref<10240x128xf32, #tpu.memory_space<vmem_shared>>
      tpu.wait_indirect_dma semaphore(%arg13 : memref<!tpu.dma_semaphore, #tpu.memory_space<semaphore_mem>>) src(%arg10 : memref<128x128xf32, #tpu.memory_space<vmem>>) dst(%dma_wait3A_92 : memref<10240x128xf32, #tpu.memory_space<vmem_shared>>)
      %dma_wait3A_93 = arith.constant 0 : i32
      %dma_wait3A_94 = tpu.memref_slice %arg8[%scan3A_75, %dma_wait3A_93] : memref<40x128xi32, #tpu.memory_space<vmem>> -> memref<1x128xi32, #tpu.memory_space<vmem>>
      %dma_wait3A_95 = tpu.memref_squeeze %dma_wait3A_94 : memref<1x128xi32, #tpu.memory_space<vmem>> -> memref<128xi32, #tpu.memory_space<vmem>>
      %dma_wait3A_96 = arith.constant 0 : i32
      %dma_wait3A_97 = arith.constant 0 : i32
      %dma_wait3A_98 = tpu.memref_slice %arg12[%dma_wait3A_96, %dma_wait3A_97] : memref<10240x128xf32, #tpu.memory_space<vmem_shared>> -> memref<10240x128xf32, #tpu.memory_space<vmem_shared>>
      tpu.wait_indirect_dma semaphore(%arg14 : memref<!tpu.dma_semaphore, #tpu.memory_space<semaphore_mem>>) src(%arg11 : memref<128x128xf32, #tpu.memory_space<vmem>>) dst(%dma_wait3A_98 : memref<10240x128xf32, #tpu.memory_space<vmem_shared>>)
      %scan3A_99 = arith.constant 0 : i32
      scf.yield %scan3A_99 : i32
    }
    %scan3A_33 = arith.constant 40 : i32
    %barrier3A_34 = arith.constant 0 : index
    tpu.barrier barrier_id(%barrier3A_34)
    %mul3A_35 = arith.constant 640 : i32
    %mul3A_36 = arith.muli %arg1, %mul3A_35 : i32
    %add3A_37 = arith.constant 0 : i32
    %add3A_38 = arith.addi %mul3A_36, %add3A_37 : i32
    "tpu.region"() ({
      %run_scoped3A = tpu.sem_alloc : memref<!tpu.dma_semaphore, #tpu.memory_space<semaphore_mem>>
      %dma_start3A = arith.constant 0 : i32
      %dma_start3A_75 = tpu.memref_slice %arg12[%add3A_38, %dma_start3A] : memref<10240x128xf32, #tpu.memory_space<vmem_shared>> -> memref<128x128xf32, #tpu.memory_space<vmem_shared>>
      %dma_start3A_76 = arith.constant 0 : i32
      %dma_start3A_77 = tpu.memref_slice %arg12[%add3A_38, %dma_start3A_76] : memref<10240x128xf32, #tpu.memory_space<vmem_shared>> -> memref<128x128xf32, #tpu.memory_space<vmem_shared>>
      tpu.enqueue_dma source(%dma_start3A_77 : memref<128x128xf32, #tpu.memory_space<vmem_shared>>) target(%arg10 : memref<128x128xf32, #tpu.memory_space<vmem>>) target_semaphore(%run_scoped3A : memref<!tpu.dma_semaphore, #tpu.memory_space<semaphore_mem>>)
      %dma_wait3A = arith.constant 0 : i32
      %dma_wait3A_78 = tpu.memref_slice %arg12[%add3A_38, %dma_wait3A] : memref<10240x128xf32, #tpu.memory_space<vmem_shared>> -> memref<128x128xf32, #tpu.memory_space<vmem_shared>>
      %dma_wait3A_79 = arith.constant 0 : i32
      %dma_wait3A_80 = tpu.memref_slice %arg12[%add3A_38, %dma_wait3A_79] : memref<10240x128xf32, #tpu.memory_space<vmem_shared>> -> memref<128x128xf32, #tpu.memory_space<vmem_shared>>
      tpu.wait_dma2 semaphore(%run_scoped3A : memref<!tpu.dma_semaphore, #tpu.memory_space<semaphore_mem>>) src(%dma_wait3A_80 : memref<128x128xf32, #tpu.memory_space<vmem_shared>>) dst(%arg10 : memref<128x128xf32, #tpu.memory_space<vmem>>)
      tpu.yield
    }) : () -> ()
    %mul3A_39 = arith.constant 640 : i32
    %mul3A_40 = arith.muli %arg1, %mul3A_39 : i32
    %add3A_41 = arith.constant 0 : i32
    %add3A_42 = arith.addi %mul3A_40, %add3A_41 : i32
    "tpu.region"() ({
      %run_scoped3A = tpu.sem_alloc : memref<!tpu.dma_semaphore, #tpu.memory_space<semaphore_mem>>
      %dma_start3A = arith.constant 0 : i32
      %dma_start3A_75 = tpu.memref_slice %arg7[%arg0, %add3A_42, %dma_start3A] : memref<2x10240x128xf32, #tpu.memory_space<hbm>> -> memref<1x128x128xf32, #tpu.memory_space<hbm>>
      %dma_start3A_76 = tpu.memref_squeeze %dma_start3A_75 : memref<1x128x128xf32, #tpu.memory_space<hbm>> -> memref<128x128xf32, #tpu.memory_space<hbm>>
      %dma_start3A_77 = arith.constant 0 : i32
      %dma_start3A_78 = tpu.memref_slice %arg7[%arg0, %add3A_42, %dma_start3A_77] : memref<2x10240x128xf32, #tpu.memory_space<hbm>> -> memref<1x128x128xf32, #tpu.memory_space<hbm>>
      %dma_start3A_79 = tpu.memref_squeeze %dma_start3A_78 : memref<1x128x128xf32, #tpu.memory_space<hbm>> -> memref<128x128xf32, #tpu.memory_space<hbm>>
      tpu.enqueue_dma source(%arg10 : memref<128x128xf32, #tpu.memory_space<vmem>>) target(%dma_start3A_79 : memref<128x128xf32, #tpu.memory_space<hbm>>) target_semaphore(%run_scoped3A : memref<!tpu.dma_semaphore, #tpu.memory_space<semaphore_mem>>)
      %dma_wait3A = arith.constant 0 : i32
      %dma_wait3A_80 = tpu.memref_slice %arg7[%arg0, %add3A_42, %dma_wait3A] : memref<2x10240x128xf32, #tpu.memory_space<hbm>> -> memref<1x128x128xf32, #tpu.memory_space<hbm>>
      %dma_wait3A_81 = tpu.memref_squeeze %dma_wait3A_80 : memref<1x128x128xf32, #tpu.memory_space<hbm>> -> memref<128x128xf32, #tpu.memory_space<hbm>>
      %dma_wait3A_82 = arith.constant 0 : i32
      %dma_wait3A_83 = tpu.memref_slice %arg7[%arg0, %add3A_42, %dma_wait3A_82] : memref<2x10240x128xf32, #tpu.memory_space<hbm>> -> memref<1x128x128xf32, #tpu.memory_space<hbm>>
      %dma_wait3A_84 = tpu.memref_squeeze %dma_wait3A_83 : memref<1x128x128xf32, #tpu.memory_space<hbm>> -> memref<128x128xf32, #tpu.memory_space<hbm>>
      tpu.wait_dma2 semaphore(%run_scoped3A : memref<!tpu.dma_semaphore, #tpu.memory_space<semaphore_mem>>) src(%arg10 : memref<128x128xf32, #tpu.memory_space<vmem>>) dst(%dma_wait3A_84 : memref<128x128xf32, #tpu.memory_space<hbm>>)
      tpu.yield
    }) : () -> ()
    %mul3A_43 = arith.constant 640 : i32
    %mul3A_44 = arith.muli %arg1, %mul3A_43 : i32
    %add3A_45 = arith.constant 128 : i32
    %add3A_46 = arith.addi %mul3A_44, %add3A_45 : i32
    "tpu.region"() ({
      %run_scoped3A = tpu.sem_alloc : memref<!tpu.dma_semaphore, #tpu.memory_space<semaphore_mem>>
      %dma_start3A = arith.constant 0 : i32
      %dma_start3A_75 = tpu.memref_slice %arg12[%add3A_46, %dma_start3A] : memref<10240x128xf32, #tpu.memory_space<vmem_shared>> -> memref<128x128xf32, #tpu.memory_space<vmem_shared>>
      %dma_start3A_76 = arith.constant 0 : i32
      %dma_start3A_77 = tpu.memref_slice %arg12[%add3A_46, %dma_start3A_76] : memref<10240x128xf32, #tpu.memory_space<vmem_shared>> -> memref<128x128xf32, #tpu.memory_space<vmem_shared>>
      tpu.enqueue_dma source(%dma_start3A_77 : memref<128x128xf32, #tpu.memory_space<vmem_shared>>) target(%arg10 : memref<128x128xf32, #tpu.memory_space<vmem>>) target_semaphore(%run_scoped3A : memref<!tpu.dma_semaphore, #tpu.memory_space<semaphore_mem>>)
      %dma_wait3A = arith.constant 0 : i32
      %dma_wait3A_78 = tpu.memref_slice %arg12[%add3A_46, %dma_wait3A] : memref<10240x128xf32, #tpu.memory_space<vmem_shared>> -> memref<128x128xf32, #tpu.memory_space<vmem_shared>>
      %dma_wait3A_79 = arith.constant 0 : i32
      %dma_wait3A_80 = tpu.memref_slice %arg12[%add3A_46, %dma_wait3A_79] : memref<10240x128xf32, #tpu.memory_space<vmem_shared>> -> memref<128x128xf32, #tpu.memory_space<vmem_shared>>
      tpu.wait_dma2 semaphore(%run_scoped3A : memref<!tpu.dma_semaphore, #tpu.memory_space<semaphore_mem>>) src(%dma_wait3A_80 : memref<128x128xf32, #tpu.memory_space<vmem_shared>>) dst(%arg10 : memref<128x128xf32, #tpu.memory_space<vmem>>)
      tpu.yield
    }) : () -> ()
    %mul3A_47 = arith.constant 640 : i32
    %mul3A_48 = arith.muli %arg1, %mul3A_47 : i32
    %add3A_49 = arith.constant 128 : i32
    %add3A_50 = arith.addi %mul3A_48, %add3A_49 : i32
    "tpu.region"() ({
      %run_scoped3A = tpu.sem_alloc : memref<!tpu.dma_semaphore, #tpu.memory_space<semaphore_mem>>
      %dma_start3A = arith.constant 0 : i32
      %dma_start3A_75 = tpu.memref_slice %arg7[%arg0, %add3A_50, %dma_start3A] : memref<2x10240x128xf32, #tpu.memory_space<hbm>> -> memref<1x128x128xf32, #tpu.memory_space<hbm>>
      %dma_start3A_76 = tpu.memref_squeeze %dma_start3A_75 : memref<1x128x128xf32, #tpu.memory_space<hbm>> -> memref<128x128xf32, #tpu.memory_space<hbm>>
      %dma_start3A_77 = arith.constant 0 : i32
      %dma_start3A_78 = tpu.memref_slice %arg7[%arg0, %add3A_50, %dma_start3A_77] : memref<2x10240x128xf32, #tpu.memory_space<hbm>> -> memref<1x128x128xf32, #tpu.memory_space<hbm>>
      %dma_start3A_79 = tpu.memref_squeeze %dma_start3A_78 : memref<1x128x128xf32, #tpu.memory_space<hbm>> -> memref<128x128xf32, #tpu.memory_space<hbm>>
      tpu.enqueue_dma source(%arg10 : memref<128x128xf32, #tpu.memory_space<vmem>>) target(%dma_start3A_79 : memref<128x128xf32, #tpu.memory_space<hbm>>) target_semaphore(%run_scoped3A : memref<!tpu.dma_semaphore, #tpu.memory_space<semaphore_mem>>)
      %dma_wait3A = arith.constant 0 : i32
      %dma_wait3A_80 = tpu.memref_slice %arg7[%arg0, %add3A_50, %dma_wait3A] : memref<2x10240x128xf32, #tpu.memory_space<hbm>> -> memref<1x128x128xf32, #tpu.memory_space<hbm>>
      %dma_wait3A_81 = tpu.memref_squeeze %dma_wait3A_80 : memref<1x128x128xf32, #tpu.memory_space<hbm>> -> memref<128x128xf32, #tpu.memory_space<hbm>>
      %dma_wait3A_82 = arith.constant 0 : i32
      %dma_wait3A_83 = tpu.memref_slice %arg7[%arg0, %add3A_50, %dma_wait3A_82] : memref<2x10240x128xf32, #tpu.memory_space<hbm>> -> memref<1x128x128xf32, #tpu.memory_space<hbm>>
      %dma_wait3A_84 = tpu.memref_squeeze %dma_wait3A_83 : memref<1x128x128xf32, #tpu.memory_space<hbm>> -> memref<128x128xf32, #tpu.memory_space<hbm>>
      tpu.wait_dma2 semaphore(%run_scoped3A : memref<!tpu.dma_semaphore, #tpu.memory_space<semaphore_mem>>) src(%arg10 : memref<128x128xf32, #tpu.memory_space<vmem>>) dst(%dma_wait3A_84 : memref<128x128xf32, #tpu.memory_space<hbm>>)
      tpu.yield
    }) : () -> ()
    %mul3A_51 = arith.constant 640 : i32
    %mul3A_52 = arith.muli %arg1, %mul3A_51 : i32
    %add3A_53 = arith.constant 256 : i32
    %add3A_54 = arith.addi %mul3A_52, %add3A_53 : i32
    "tpu.region"() ({
      %run_scoped3A = tpu.sem_alloc : memref<!tpu.dma_semaphore, #tpu.memory_space<semaphore_mem>>
      %dma_start3A = arith.constant 0 : i32
      %dma_start3A_75 = tpu.memref_slice %arg12[%add3A_54, %dma_start3A] : memref<10240x128xf32, #tpu.memory_space<vmem_shared>> -> memref<128x128xf32, #tpu.memory_space<vmem_shared>>
      %dma_start3A_76 = arith.constant 0 : i32
      %dma_start3A_77 = tpu.memref_slice %arg12[%add3A_54, %dma_start3A_76] : memref<10240x128xf32, #tpu.memory_space<vmem_shared>> -> memref<128x128xf32, #tpu.memory_space<vmem_shared>>
      tpu.enqueue_dma source(%dma_start3A_77 : memref<128x128xf32, #tpu.memory_space<vmem_shared>>) target(%arg10 : memref<128x128xf32, #tpu.memory_space<vmem>>) target_semaphore(%run_scoped3A : memref<!tpu.dma_semaphore, #tpu.memory_space<semaphore_mem>>)
      %dma_wait3A = arith.constant 0 : i32
      %dma_wait3A_78 = tpu.memref_slice %arg12[%add3A_54, %dma_wait3A] : memref<10240x128xf32, #tpu.memory_space<vmem_shared>> -> memref<128x128xf32, #tpu.memory_space<vmem_shared>>
      %dma_wait3A_79 = arith.constant 0 : i32
      %dma_wait3A_80 = tpu.memref_slice %arg12[%add3A_54, %dma_wait3A_79] : memref<10240x128xf32, #tpu.memory_space<vmem_shared>> -> memref<128x128xf32, #tpu.memory_space<vmem_shared>>
      tpu.wait_dma2 semaphore(%run_scoped3A : memref<!tpu.dma_semaphore, #tpu.memory_space<semaphore_mem>>) src(%dma_wait3A_80 : memref<128x128xf32, #tpu.memory_space<vmem_shared>>) dst(%arg10 : memref<128x128xf32, #tpu.memory_space<vmem>>)
      tpu.yield
    }) : () -> ()
    %mul3A_55 = arith.constant 640 : i32
    %mul3A_56 = arith.muli %arg1, %mul3A_55 : i32
    %add3A_57 = arith.constant 256 : i32
    %add3A_58 = arith.addi %mul3A_56, %add3A_57 : i32
    "tpu.region"() ({
      %run_scoped3A = tpu.sem_alloc : memref<!tpu.dma_semaphore, #tpu.memory_space<semaphore_mem>>
      %dma_start3A = arith.constant 0 : i32
      %dma_start3A_75 = tpu.memref_slice %arg7[%arg0, %add3A_58, %dma_start3A] : memref<2x10240x128xf32, #tpu.memory_space<hbm>> -> memref<1x128x128xf32, #tpu.memory_space<hbm>>
      %dma_start3A_76 = tpu.memref_squeeze %dma_start3A_75 : memref<1x128x128xf32, #tpu.memory_space<hbm>> -> memref<128x128xf32, #tpu.memory_space<hbm>>
      %dma_start3A_77 = arith.constant 0 : i32
      %dma_start3A_78 = tpu.memref_slice %arg7[%arg0, %add3A_58, %dma_start3A_77] : memref<2x10240x128xf32, #tpu.memory_space<hbm>> -> memref<1x128x128xf32, #tpu.memory_space<hbm>>
      %dma_start3A_79 = tpu.memref_squeeze %dma_start3A_78 : memref<1x128x128xf32, #tpu.memory_space<hbm>> -> memref<128x128xf32, #tpu.memory_space<hbm>>
      tpu.enqueue_dma source(%arg10 : memref<128x128xf32, #tpu.memory_space<vmem>>) target(%dma_start3A_79 : memref<128x128xf32, #tpu.memory_space<hbm>>) target_semaphore(%run_scoped3A : memref<!tpu.dma_semaphore, #tpu.memory_space<semaphore_mem>>)
      %dma_wait3A = arith.constant 0 : i32
      %dma_wait3A_80 = tpu.memref_slice %arg7[%arg0, %add3A_58, %dma_wait3A] : memref<2x10240x128xf32, #tpu.memory_space<hbm>> -> memref<1x128x128xf32, #tpu.memory_space<hbm>>
      %dma_wait3A_81 = tpu.memref_squeeze %dma_wait3A_80 : memref<1x128x128xf32, #tpu.memory_space<hbm>> -> memref<128x128xf32, #tpu.memory_space<hbm>>
      %dma_wait3A_82 = arith.constant 0 : i32
      %dma_wait3A_83 = tpu.memref_slice %arg7[%arg0, %add3A_58, %dma_wait3A_82] : memref<2x10240x128xf32, #tpu.memory_space<hbm>> -> memref<1x128x128xf32, #tpu.memory_space<hbm>>
      %dma_wait3A_84 = tpu.memref_squeeze %dma_wait3A_83 : memref<1x128x128xf32, #tpu.memory_space<hbm>> -> memref<128x128xf32, #tpu.memory_space<hbm>>
      tpu.wait_dma2 semaphore(%run_scoped3A : memref<!tpu.dma_semaphore, #tpu.memory_space<semaphore_mem>>) src(%arg10 : memref<128x128xf32, #tpu.memory_space<vmem>>) dst(%dma_wait3A_84 : memref<128x128xf32, #tpu.memory_space<hbm>>)
      tpu.yield
    }) : () -> ()
    %mul3A_59 = arith.constant 640 : i32
    %mul3A_60 = arith.muli %arg1, %mul3A_59 : i32
    %add3A_61 = arith.constant 384 : i32
    %add3A_62 = arith.addi %mul3A_60, %add3A_61 : i32
    "tpu.region"() ({
      %run_scoped3A = tpu.sem_alloc : memref<!tpu.dma_semaphore, #tpu.memory_space<semaphore_mem>>
      %dma_start3A = arith.constant 0 : i32
      %dma_start3A_75 = tpu.memref_slice %arg12[%add3A_62, %dma_start3A] : memref<10240x128xf32, #tpu.memory_space<vmem_shared>> -> memref<128x128xf32, #tpu.memory_space<vmem_shared>>
      %dma_start3A_76 = arith.constant 0 : i32
      %dma_start3A_77 = tpu.memref_slice %arg12[%add3A_62, %dma_start3A_76] : memref<10240x128xf32, #tpu.memory_space<vmem_shared>> -> memref<128x128xf32, #tpu.memory_space<vmem_shared>>
      tpu.enqueue_dma source(%dma_start3A_77 : memref<128x128xf32, #tpu.memory_space<vmem_shared>>) target(%arg10 : memref<128x128xf32, #tpu.memory_space<vmem>>) target_semaphore(%run_scoped3A : memref<!tpu.dma_semaphore, #tpu.memory_space<semaphore_mem>>)
      %dma_wait3A = arith.constant 0 : i32
      %dma_wait3A_78 = tpu.memref_slice %arg12[%add3A_62, %dma_wait3A] : memref<10240x128xf32, #tpu.memory_space<vmem_shared>> -> memref<128x128xf32, #tpu.memory_space<vmem_shared>>
      %dma_wait3A_79 = arith.constant 0 : i32
      %dma_wait3A_80 = tpu.memref_slice %arg12[%add3A_62, %dma_wait3A_79] : memref<10240x128xf32, #tpu.memory_space<vmem_shared>> -> memref<128x128xf32, #tpu.memory_space<vmem_shared>>
      tpu.wait_dma2 semaphore(%run_scoped3A : memref<!tpu.dma_semaphore, #tpu.memory_space<semaphore_mem>>) src(%dma_wait3A_80 : memref<128x128xf32, #tpu.memory_space<vmem_shared>>) dst(%arg10 : memref<128x128xf32, #tpu.memory_space<vmem>>)
      tpu.yield
    }) : () -> ()
    %mul3A_63 = arith.constant 640 : i32
    %mul3A_64 = arith.muli %arg1, %mul3A_63 : i32
    %add3A_65 = arith.constant 384 : i32
    %add3A_66 = arith.addi %mul3A_64, %add3A_65 : i32
    "tpu.region"() ({
      %run_scoped3A = tpu.sem_alloc : memref<!tpu.dma_semaphore, #tpu.memory_space<semaphore_mem>>
      %dma_start3A = arith.constant 0 : i32
      %dma_start3A_75 = tpu.memref_slice %arg7[%arg0, %add3A_66, %dma_start3A] : memref<2x10240x128xf32, #tpu.memory_space<hbm>> -> memref<1x128x128xf32, #tpu.memory_space<hbm>>
      %dma_start3A_76 = tpu.memref_squeeze %dma_start3A_75 : memref<1x128x128xf32, #tpu.memory_space<hbm>> -> memref<128x128xf32, #tpu.memory_space<hbm>>
      %dma_start3A_77 = arith.constant 0 : i32
      %dma_start3A_78 = tpu.memref_slice %arg7[%arg0, %add3A_66, %dma_start3A_77] : memref<2x10240x128xf32, #tpu.memory_space<hbm>> -> memref<1x128x128xf32, #tpu.memory_space<hbm>>
      %dma_start3A_79 = tpu.memref_squeeze %dma_start3A_78 : memref<1x128x128xf32, #tpu.memory_space<hbm>> -> memref<128x128xf32, #tpu.memory_space<hbm>>
      tpu.enqueue_dma source(%arg10 : memref<128x128xf32, #tpu.memory_space<vmem>>) target(%dma_start3A_79 : memref<128x128xf32, #tpu.memory_space<hbm>>) target_semaphore(%run_scoped3A : memref<!tpu.dma_semaphore, #tpu.memory_space<semaphore_mem>>)
      %dma_wait3A = arith.constant 0 : i32
      %dma_wait3A_80 = tpu.memref_slice %arg7[%arg0, %add3A_66, %dma_wait3A] : memref<2x10240x128xf32, #tpu.memory_space<hbm>> -> memref<1x128x128xf32, #tpu.memory_space<hbm>>
      %dma_wait3A_81 = tpu.memref_squeeze %dma_wait3A_80 : memref<1x128x128xf32, #tpu.memory_space<hbm>> -> memref<128x128xf32, #tpu.memory_space<hbm>>
      %dma_wait3A_82 = arith.constant 0 : i32
      %dma_wait3A_83 = tpu.memref_slice %arg7[%arg0, %add3A_66, %dma_wait3A_82] : memref<2x10240x128xf32, #tpu.memory_space<hbm>> -> memref<1x128x128xf32, #tpu.memory_space<hbm>>
      %dma_wait3A_84 = tpu.memref_squeeze %dma_wait3A_83 : memref<1x128x128xf32, #tpu.memory_space<hbm>> -> memref<128x128xf32, #tpu.memory_space<hbm>>
      tpu.wait_dma2 semaphore(%run_scoped3A : memref<!tpu.dma_semaphore, #tpu.memory_space<semaphore_mem>>) src(%arg10 : memref<128x128xf32, #tpu.memory_space<vmem>>) dst(%dma_wait3A_84 : memref<128x128xf32, #tpu.memory_space<hbm>>)
      tpu.yield
    }) : () -> ()
    %mul3A_67 = arith.constant 640 : i32
    %mul3A_68 = arith.muli %arg1, %mul3A_67 : i32
    %add3A_69 = arith.constant 512 : i32
    %add3A_70 = arith.addi %mul3A_68, %add3A_69 : i32
    "tpu.region"() ({
      %run_scoped3A = tpu.sem_alloc : memref<!tpu.dma_semaphore, #tpu.memory_space<semaphore_mem>>
      %dma_start3A = arith.constant 0 : i32
      %dma_start3A_75 = tpu.memref_slice %arg12[%add3A_70, %dma_start3A] : memref<10240x128xf32, #tpu.memory_space<vmem_shared>> -> memref<128x128xf32, #tpu.memory_space<vmem_shared>>
      %dma_start3A_76 = arith.constant 0 : i32
      %dma_start3A_77 = tpu.memref_slice %arg12[%add3A_70, %dma_start3A_76] : memref<10240x128xf32, #tpu.memory_space<vmem_shared>> -> memref<128x128xf32, #tpu.memory_space<vmem_shared>>
      tpu.enqueue_dma source(%dma_start3A_77 : memref<128x128xf32, #tpu.memory_space<vmem_shared>>) target(%arg10 : memref<128x128xf32, #tpu.memory_space<vmem>>) target_semaphore(%run_scoped3A : memref<!tpu.dma_semaphore, #tpu.memory_space<semaphore_mem>>)
      %dma_wait3A = arith.constant 0 : i32
      %dma_wait3A_78 = tpu.memref_slice %arg12[%add3A_70, %dma_wait3A] : memref<10240x128xf32, #tpu.memory_space<vmem_shared>> -> memref<128x128xf32, #tpu.memory_space<vmem_shared>>
      %dma_wait3A_79 = arith.constant 0 : i32
      %dma_wait3A_80 = tpu.memref_slice %arg12[%add3A_70, %dma_wait3A_79] : memref<10240x128xf32, #tpu.memory_space<vmem_shared>> -> memref<128x128xf32, #tpu.memory_space<vmem_shared>>
      tpu.wait_dma2 semaphore(%run_scoped3A : memref<!tpu.dma_semaphore, #tpu.memory_space<semaphore_mem>>) src(%dma_wait3A_80 : memref<128x128xf32, #tpu.memory_space<vmem_shared>>) dst(%arg10 : memref<128x128xf32, #tpu.memory_space<vmem>>)
      tpu.yield
    }) : () -> ()
    %mul3A_71 = arith.constant 640 : i32
    %mul3A_72 = arith.muli %arg1, %mul3A_71 : i32
    %add3A_73 = arith.constant 512 : i32
    %add3A_74 = arith.addi %mul3A_72, %add3A_73 : i32
    "tpu.region"() ({
      %run_scoped3A = tpu.sem_alloc : memref<!tpu.dma_semaphore, #tpu.memory_space<semaphore_mem>>
      %dma_start3A = arith.constant 0 : i32
      %dma_start3A_75 = tpu.memref_slice %arg7[%arg0, %add3A_74, %dma_start3A] : memref<2x10240x128xf32, #tpu.memory_space<hbm>> -> memref<1x128x128xf32, #tpu.memory_space<hbm>>
      %dma_start3A_76 = tpu.memref_squeeze %dma_start3A_75 : memref<1x128x128xf32, #tpu.memory_space<hbm>> -> memref<128x128xf32, #tpu.memory_space<hbm>>
      %dma_start3A_77 = arith.constant 0 : i32
      %dma_start3A_78 = tpu.memref_slice %arg7[%arg0, %add3A_74, %dma_start3A_77] : memref<2x10240x128xf32, #tpu.memory_space<hbm>> -> memref<1x128x128xf32, #tpu.memory_space<hbm>>
      %dma_start3A_79 = tpu.memref_squeeze %dma_start3A_78 : memref<1x128x128xf32, #tpu.memory_space<hbm>> -> memref<128x128xf32, #tpu.memory_space<hbm>>
      tpu.enqueue_dma source(%arg10 : memref<128x128xf32, #tpu.memory_space<vmem>>) target(%dma_start3A_79 : memref<128x128xf32, #tpu.memory_space<hbm>>) target_semaphore(%run_scoped3A : memref<!tpu.dma_semaphore, #tpu.memory_space<semaphore_mem>>)
      %dma_wait3A = arith.constant 0 : i32
      %dma_wait3A_80 = tpu.memref_slice %arg7[%arg0, %add3A_74, %dma_wait3A] : memref<2x10240x128xf32, #tpu.memory_space<hbm>> -> memref<1x128x128xf32, #tpu.memory_space<hbm>>
      %dma_wait3A_81 = tpu.memref_squeeze %dma_wait3A_80 : memref<1x128x128xf32, #tpu.memory_space<hbm>> -> memref<128x128xf32, #tpu.memory_space<hbm>>
      %dma_wait3A_82 = arith.constant 0 : i32
      %dma_wait3A_83 = tpu.memref_slice %arg7[%arg0, %add3A_74, %dma_wait3A_82] : memref<2x10240x128xf32, #tpu.memory_space<hbm>> -> memref<1x128x128xf32, #tpu.memory_space<hbm>>
      %dma_wait3A_84 = tpu.memref_squeeze %dma_wait3A_83 : memref<1x128x128xf32, #tpu.memory_space<hbm>> -> memref<128x128xf32, #tpu.memory_space<hbm>>
      tpu.wait_dma2 semaphore(%run_scoped3A : memref<!tpu.dma_semaphore, #tpu.memory_space<semaphore_mem>>) src(%arg10 : memref<128x128xf32, #tpu.memory_space<vmem>>) dst(%dma_wait3A_84 : memref<128x128xf32, #tpu.memory_space<hbm>>)
      tpu.yield
    }) : () -> ()
    return
  }
}

#map = affine_map<(d0, d1) -> (0, 0)>
#map1 = affine_map<(d0, d1) -> (0, 0, 0)>
module attributes {stable_mosaic.version = 14 : i64} {
  func.func @k(%arg0: i32, %arg1: i32, %arg2: memref<10000x128xf32, #tpu.memory_space<hbm>>, %arg3: memref<32x80x128xi32, #tpu.memory_space<hbm>>, %arg4: memref<32x80x128xi32, #tpu.memory_space<hbm>>, %arg5: memref<128x128xf32, #tpu.memory_space<hbm>>, %arg6: memref<2x10240x128xf32, #tpu.memory_space<hbm>>, %arg7: memref<40x128xi32, #tpu.memory_space<vmem>>, %arg8: memref<40x128xi32, #tpu.memory_space<vmem>>, %arg9: memref<128x128xf32, #tpu.memory_space<vmem>>, %arg10: memref<128x128xf32, #tpu.memory_space<vmem>>, %arg11: memref<10240x128xf32, #tpu.memory_space<vmem_shared>>, %arg12: memref<!tpu.dma_semaphore, #tpu.memory_space<semaphore_mem>>, %arg13: memref<!tpu.dma_semaphore, #tpu.memory_space<semaphore_mem>>, %arg14: memref<!tpu.dma_semaphore, #tpu.memory_space<semaphore_mem>>) attributes {dimension_semantics = [#tpu.dimension_semantics<core_parallel>, #tpu.dimension_semantics<subcore_parallel>], iteration_bounds = array<i64: 2, 16>, scalar_prefetch = 0 : i64, scratch_operands = 8 : i64, tpu.core_type = #tpu.core_type<sc_vector_subcore>, window_params = [{transform_indices = #map}, {transform_indices = #map1}, {transform_indices = #map1}, {transform_indices = #map}, {transform_indices = #map1}]} {
    %mul3A = arith.constant 2 : i32
    %mul3A_0 = arith.muli %arg1, %mul3A : i32
    %add3A = arith.addi %mul3A_0, %arg0 : i32
    "tpu.region"() ({
      %run_scoped3A = tpu.sem_alloc : memref<!tpu.dma_semaphore, #tpu.memory_space<semaphore_mem>>
      tpu.enqueue_dma source(%arg5 : memref<128x128xf32, #tpu.memory_space<hbm>>) target(%arg9 : memref<128x128xf32, #tpu.memory_space<vmem>>) target_semaphore(%run_scoped3A : memref<!tpu.dma_semaphore, #tpu.memory_space<semaphore_mem>>)
      tpu.wait_dma2 semaphore(%run_scoped3A : memref<!tpu.dma_semaphore, #tpu.memory_space<semaphore_mem>>) src(%arg5 : memref<128x128xf32, #tpu.memory_space<hbm>>) dst(%arg9 : memref<128x128xf32, #tpu.memory_space<vmem>>)
      tpu.yield
    }) : () -> ()
    %mul3A_1 = arith.constant 640 : i32
    %mul3A_2 = arith.muli %arg1, %mul3A_1 : i32
    %add3A_3 = arith.constant 0 : i32
    %add3A_4 = arith.addi %mul3A_2, %add3A_3 : i32
    "tpu.region"() ({
      %run_scoped3A = tpu.sem_alloc : memref<!tpu.dma_semaphore, #tpu.memory_space<semaphore_mem>>
      %dma_start3A_102 = arith.constant 0 : i32
      %dma_start3A_103 = tpu.memref_slice %arg11[%add3A_4, %dma_start3A_102] : memref<10240x128xf32, #tpu.memory_space<vmem_shared>> -> memref<128x128xf32, #tpu.memory_space<vmem_shared>>
      %dma_start3A_104 = arith.constant 0 : i32
      %dma_start3A_105 = tpu.memref_slice %arg11[%add3A_4, %dma_start3A_104] : memref<10240x128xf32, #tpu.memory_space<vmem_shared>> -> memref<128x128xf32, #tpu.memory_space<vmem_shared>>
      tpu.enqueue_dma source(%arg9 : memref<128x128xf32, #tpu.memory_space<vmem>>) target(%dma_start3A_105 : memref<128x128xf32, #tpu.memory_space<vmem_shared>>) target_semaphore(%run_scoped3A : memref<!tpu.dma_semaphore, #tpu.memory_space<semaphore_mem>>)
      %dma_wait3A = arith.constant 0 : i32
      %dma_wait3A_106 = tpu.memref_slice %arg11[%add3A_4, %dma_wait3A] : memref<10240x128xf32, #tpu.memory_space<vmem_shared>> -> memref<128x128xf32, #tpu.memory_space<vmem_shared>>
      %dma_wait3A_107 = arith.constant 0 : i32
      %dma_wait3A_108 = tpu.memref_slice %arg11[%add3A_4, %dma_wait3A_107] : memref<10240x128xf32, #tpu.memory_space<vmem_shared>> -> memref<128x128xf32, #tpu.memory_space<vmem_shared>>
      tpu.wait_dma2 semaphore(%run_scoped3A : memref<!tpu.dma_semaphore, #tpu.memory_space<semaphore_mem>>) src(%arg9 : memref<128x128xf32, #tpu.memory_space<vmem>>) dst(%dma_wait3A_108 : memref<128x128xf32, #tpu.memory_space<vmem_shared>>)
      tpu.yield
    }) : () -> ()
    %mul3A_5 = arith.constant 640 : i32
    %mul3A_6 = arith.muli %arg1, %mul3A_5 : i32
    %add3A_7 = arith.constant 128 : i32
    %add3A_8 = arith.addi %mul3A_6, %add3A_7 : i32
    "tpu.region"() ({
      %run_scoped3A = tpu.sem_alloc : memref<!tpu.dma_semaphore, #tpu.memory_space<semaphore_mem>>
      %dma_start3A_102 = arith.constant 0 : i32
      %dma_start3A_103 = tpu.memref_slice %arg11[%add3A_8, %dma_start3A_102] : memref<10240x128xf32, #tpu.memory_space<vmem_shared>> -> memref<128x128xf32, #tpu.memory_space<vmem_shared>>
      %dma_start3A_104 = arith.constant 0 : i32
      %dma_start3A_105 = tpu.memref_slice %arg11[%add3A_8, %dma_start3A_104] : memref<10240x128xf32, #tpu.memory_space<vmem_shared>> -> memref<128x128xf32, #tpu.memory_space<vmem_shared>>
      tpu.enqueue_dma source(%arg9 : memref<128x128xf32, #tpu.memory_space<vmem>>) target(%dma_start3A_105 : memref<128x128xf32, #tpu.memory_space<vmem_shared>>) target_semaphore(%run_scoped3A : memref<!tpu.dma_semaphore, #tpu.memory_space<semaphore_mem>>)
      %dma_wait3A = arith.constant 0 : i32
      %dma_wait3A_106 = tpu.memref_slice %arg11[%add3A_8, %dma_wait3A] : memref<10240x128xf32, #tpu.memory_space<vmem_shared>> -> memref<128x128xf32, #tpu.memory_space<vmem_shared>>
      %dma_wait3A_107 = arith.constant 0 : i32
      %dma_wait3A_108 = tpu.memref_slice %arg11[%add3A_8, %dma_wait3A_107] : memref<10240x128xf32, #tpu.memory_space<vmem_shared>> -> memref<128x128xf32, #tpu.memory_space<vmem_shared>>
      tpu.wait_dma2 semaphore(%run_scoped3A : memref<!tpu.dma_semaphore, #tpu.memory_space<semaphore_mem>>) src(%arg9 : memref<128x128xf32, #tpu.memory_space<vmem>>) dst(%dma_wait3A_108 : memref<128x128xf32, #tpu.memory_space<vmem_shared>>)
      tpu.yield
    }) : () -> ()
    %mul3A_9 = arith.constant 640 : i32
    %mul3A_10 = arith.muli %arg1, %mul3A_9 : i32
    %add3A_11 = arith.constant 256 : i32
    %add3A_12 = arith.addi %mul3A_10, %add3A_11 : i32
    "tpu.region"() ({
      %run_scoped3A = tpu.sem_alloc : memref<!tpu.dma_semaphore, #tpu.memory_space<semaphore_mem>>
      %dma_start3A_102 = arith.constant 0 : i32
      %dma_start3A_103 = tpu.memref_slice %arg11[%add3A_12, %dma_start3A_102] : memref<10240x128xf32, #tpu.memory_space<vmem_shared>> -> memref<128x128xf32, #tpu.memory_space<vmem_shared>>
      %dma_start3A_104 = arith.constant 0 : i32
      %dma_start3A_105 = tpu.memref_slice %arg11[%add3A_12, %dma_start3A_104] : memref<10240x128xf32, #tpu.memory_space<vmem_shared>> -> memref<128x128xf32, #tpu.memory_space<vmem_shared>>
      tpu.enqueue_dma source(%arg9 : memref<128x128xf32, #tpu.memory_space<vmem>>) target(%dma_start3A_105 : memref<128x128xf32, #tpu.memory_space<vmem_shared>>) target_semaphore(%run_scoped3A : memref<!tpu.dma_semaphore, #tpu.memory_space<semaphore_mem>>)
      %dma_wait3A = arith.constant 0 : i32
      %dma_wait3A_106 = tpu.memref_slice %arg11[%add3A_12, %dma_wait3A] : memref<10240x128xf32, #tpu.memory_space<vmem_shared>> -> memref<128x128xf32, #tpu.memory_space<vmem_shared>>
      %dma_wait3A_107 = arith.constant 0 : i32
      %dma_wait3A_108 = tpu.memref_slice %arg11[%add3A_12, %dma_wait3A_107] : memref<10240x128xf32, #tpu.memory_space<vmem_shared>> -> memref<128x128xf32, #tpu.memory_space<vmem_shared>>
      tpu.wait_dma2 semaphore(%run_scoped3A : memref<!tpu.dma_semaphore, #tpu.memory_space<semaphore_mem>>) src(%arg9 : memref<128x128xf32, #tpu.memory_space<vmem>>) dst(%dma_wait3A_108 : memref<128x128xf32, #tpu.memory_space<vmem_shared>>)
      tpu.yield
    }) : () -> ()
    %mul3A_13 = arith.constant 640 : i32
    %mul3A_14 = arith.muli %arg1, %mul3A_13 : i32
    %add3A_15 = arith.constant 384 : i32
    %add3A_16 = arith.addi %mul3A_14, %add3A_15 : i32
    "tpu.region"() ({
      %run_scoped3A = tpu.sem_alloc : memref<!tpu.dma_semaphore, #tpu.memory_space<semaphore_mem>>
      %dma_start3A_102 = arith.constant 0 : i32
      %dma_start3A_103 = tpu.memref_slice %arg11[%add3A_16, %dma_start3A_102] : memref<10240x128xf32, #tpu.memory_space<vmem_shared>> -> memref<128x128xf32, #tpu.memory_space<vmem_shared>>
      %dma_start3A_104 = arith.constant 0 : i32
      %dma_start3A_105 = tpu.memref_slice %arg11[%add3A_16, %dma_start3A_104] : memref<10240x128xf32, #tpu.memory_space<vmem_shared>> -> memref<128x128xf32, #tpu.memory_space<vmem_shared>>
      tpu.enqueue_dma source(%arg9 : memref<128x128xf32, #tpu.memory_space<vmem>>) target(%dma_start3A_105 : memref<128x128xf32, #tpu.memory_space<vmem_shared>>) target_semaphore(%run_scoped3A : memref<!tpu.dma_semaphore, #tpu.memory_space<semaphore_mem>>)
      %dma_wait3A = arith.constant 0 : i32
      %dma_wait3A_106 = tpu.memref_slice %arg11[%add3A_16, %dma_wait3A] : memref<10240x128xf32, #tpu.memory_space<vmem_shared>> -> memref<128x128xf32, #tpu.memory_space<vmem_shared>>
      %dma_wait3A_107 = arith.constant 0 : i32
      %dma_wait3A_108 = tpu.memref_slice %arg11[%add3A_16, %dma_wait3A_107] : memref<10240x128xf32, #tpu.memory_space<vmem_shared>> -> memref<128x128xf32, #tpu.memory_space<vmem_shared>>
      tpu.wait_dma2 semaphore(%run_scoped3A : memref<!tpu.dma_semaphore, #tpu.memory_space<semaphore_mem>>) src(%arg9 : memref<128x128xf32, #tpu.memory_space<vmem>>) dst(%dma_wait3A_108 : memref<128x128xf32, #tpu.memory_space<vmem_shared>>)
      tpu.yield
    }) : () -> ()
    %mul3A_17 = arith.constant 640 : i32
    %mul3A_18 = arith.muli %arg1, %mul3A_17 : i32
    %add3A_19 = arith.constant 512 : i32
    %add3A_20 = arith.addi %mul3A_18, %add3A_19 : i32
    "tpu.region"() ({
      %run_scoped3A = tpu.sem_alloc : memref<!tpu.dma_semaphore, #tpu.memory_space<semaphore_mem>>
      %dma_start3A_102 = arith.constant 0 : i32
      %dma_start3A_103 = tpu.memref_slice %arg11[%add3A_20, %dma_start3A_102] : memref<10240x128xf32, #tpu.memory_space<vmem_shared>> -> memref<128x128xf32, #tpu.memory_space<vmem_shared>>
      %dma_start3A_104 = arith.constant 0 : i32
      %dma_start3A_105 = tpu.memref_slice %arg11[%add3A_20, %dma_start3A_104] : memref<10240x128xf32, #tpu.memory_space<vmem_shared>> -> memref<128x128xf32, #tpu.memory_space<vmem_shared>>
      tpu.enqueue_dma source(%arg9 : memref<128x128xf32, #tpu.memory_space<vmem>>) target(%dma_start3A_105 : memref<128x128xf32, #tpu.memory_space<vmem_shared>>) target_semaphore(%run_scoped3A : memref<!tpu.dma_semaphore, #tpu.memory_space<semaphore_mem>>)
      %dma_wait3A = arith.constant 0 : i32
      %dma_wait3A_106 = tpu.memref_slice %arg11[%add3A_20, %dma_wait3A] : memref<10240x128xf32, #tpu.memory_space<vmem_shared>> -> memref<128x128xf32, #tpu.memory_space<vmem_shared>>
      %dma_wait3A_107 = arith.constant 0 : i32
      %dma_wait3A_108 = tpu.memref_slice %arg11[%add3A_20, %dma_wait3A_107] : memref<10240x128xf32, #tpu.memory_space<vmem_shared>> -> memref<128x128xf32, #tpu.memory_space<vmem_shared>>
      tpu.wait_dma2 semaphore(%run_scoped3A : memref<!tpu.dma_semaphore, #tpu.memory_space<semaphore_mem>>) src(%arg9 : memref<128x128xf32, #tpu.memory_space<vmem>>) dst(%dma_wait3A_108 : memref<128x128xf32, #tpu.memory_space<vmem_shared>>)
      tpu.yield
    }) : () -> ()
    %barrier3A = arith.constant 0 : index
    tpu.barrier barrier_id(%barrier3A)
    "tpu.region"() ({
      %run_scoped3A = tpu.sem_alloc : memref<!tpu.dma_semaphore, #tpu.memory_space<semaphore_mem>>
      %dma_start3A_102 = arith.constant 0 : i32
      %dma_start3A_103 = arith.constant 0 : i32
      %dma_start3A_104 = tpu.memref_slice %arg3[%add3A, %dma_start3A_102, %dma_start3A_103] : memref<32x80x128xi32, #tpu.memory_space<hbm>> -> memref<1x40x128xi32, #tpu.memory_space<hbm>>
      %dma_start3A_105 = tpu.memref_squeeze %dma_start3A_104 : memref<1x40x128xi32, #tpu.memory_space<hbm>> -> memref<40x128xi32, #tpu.memory_space<hbm>>
      %dma_start3A_106 = arith.constant 0 : i32
      %dma_start3A_107 = arith.constant 0 : i32
      %dma_start3A_108 = tpu.memref_slice %arg3[%add3A, %dma_start3A_106, %dma_start3A_107] : memref<32x80x128xi32, #tpu.memory_space<hbm>> -> memref<1x40x128xi32, #tpu.memory_space<hbm>>
      %dma_start3A_109 = tpu.memref_squeeze %dma_start3A_108 : memref<1x40x128xi32, #tpu.memory_space<hbm>> -> memref<40x128xi32, #tpu.memory_space<hbm>>
      tpu.enqueue_dma source(%dma_start3A_109 : memref<40x128xi32, #tpu.memory_space<hbm>>) target(%arg7 : memref<40x128xi32, #tpu.memory_space<vmem>>) target_semaphore(%run_scoped3A : memref<!tpu.dma_semaphore, #tpu.memory_space<semaphore_mem>>)
      %dma_wait3A = arith.constant 0 : i32
      %dma_wait3A_110 = arith.constant 0 : i32
      %dma_wait3A_111 = tpu.memref_slice %arg3[%add3A, %dma_wait3A, %dma_wait3A_110] : memref<32x80x128xi32, #tpu.memory_space<hbm>> -> memref<1x40x128xi32, #tpu.memory_space<hbm>>
      %dma_wait3A_112 = tpu.memref_squeeze %dma_wait3A_111 : memref<1x40x128xi32, #tpu.memory_space<hbm>> -> memref<40x128xi32, #tpu.memory_space<hbm>>
      %dma_wait3A_113 = arith.constant 0 : i32
      %dma_wait3A_114 = arith.constant 0 : i32
      %dma_wait3A_115 = tpu.memref_slice %arg3[%add3A, %dma_wait3A_113, %dma_wait3A_114] : memref<32x80x128xi32, #tpu.memory_space<hbm>> -> memref<1x40x128xi32, #tpu.memory_space<hbm>>
      %dma_wait3A_116 = tpu.memref_squeeze %dma_wait3A_115 : memref<1x40x128xi32, #tpu.memory_space<hbm>> -> memref<40x128xi32, #tpu.memory_space<hbm>>
      tpu.wait_dma2 semaphore(%run_scoped3A : memref<!tpu.dma_semaphore, #tpu.memory_space<semaphore_mem>>) src(%dma_wait3A_116 : memref<40x128xi32, #tpu.memory_space<hbm>>) dst(%arg7 : memref<40x128xi32, #tpu.memory_space<vmem>>)
      tpu.yield
    }) : () -> ()
    "tpu.region"() ({
      %run_scoped3A = tpu.sem_alloc : memref<!tpu.dma_semaphore, #tpu.memory_space<semaphore_mem>>
      %dma_start3A_102 = arith.constant 0 : i32
      %dma_start3A_103 = arith.constant 0 : i32
      %dma_start3A_104 = tpu.memref_slice %arg4[%add3A, %dma_start3A_102, %dma_start3A_103] : memref<32x80x128xi32, #tpu.memory_space<hbm>> -> memref<1x40x128xi32, #tpu.memory_space<hbm>>
      %dma_start3A_105 = tpu.memref_squeeze %dma_start3A_104 : memref<1x40x128xi32, #tpu.memory_space<hbm>> -> memref<40x128xi32, #tpu.memory_space<hbm>>
      %dma_start3A_106 = arith.constant 0 : i32
      %dma_start3A_107 = arith.constant 0 : i32
      %dma_start3A_108 = tpu.memref_slice %arg4[%add3A, %dma_start3A_106, %dma_start3A_107] : memref<32x80x128xi32, #tpu.memory_space<hbm>> -> memref<1x40x128xi32, #tpu.memory_space<hbm>>
      %dma_start3A_109 = tpu.memref_squeeze %dma_start3A_108 : memref<1x40x128xi32, #tpu.memory_space<hbm>> -> memref<40x128xi32, #tpu.memory_space<hbm>>
      tpu.enqueue_dma source(%dma_start3A_109 : memref<40x128xi32, #tpu.memory_space<hbm>>) target(%arg8 : memref<40x128xi32, #tpu.memory_space<vmem>>) target_semaphore(%run_scoped3A : memref<!tpu.dma_semaphore, #tpu.memory_space<semaphore_mem>>)
      %dma_wait3A = arith.constant 0 : i32
      %dma_wait3A_110 = arith.constant 0 : i32
      %dma_wait3A_111 = tpu.memref_slice %arg4[%add3A, %dma_wait3A, %dma_wait3A_110] : memref<32x80x128xi32, #tpu.memory_space<hbm>> -> memref<1x40x128xi32, #tpu.memory_space<hbm>>
      %dma_wait3A_112 = tpu.memref_squeeze %dma_wait3A_111 : memref<1x40x128xi32, #tpu.memory_space<hbm>> -> memref<40x128xi32, #tpu.memory_space<hbm>>
      %dma_wait3A_113 = arith.constant 0 : i32
      %dma_wait3A_114 = arith.constant 0 : i32
      %dma_wait3A_115 = tpu.memref_slice %arg4[%add3A, %dma_wait3A_113, %dma_wait3A_114] : memref<32x80x128xi32, #tpu.memory_space<hbm>> -> memref<1x40x128xi32, #tpu.memory_space<hbm>>
      %dma_wait3A_116 = tpu.memref_squeeze %dma_wait3A_115 : memref<1x40x128xi32, #tpu.memory_space<hbm>> -> memref<40x128xi32, #tpu.memory_space<hbm>>
      tpu.wait_dma2 semaphore(%run_scoped3A : memref<!tpu.dma_semaphore, #tpu.memory_space<semaphore_mem>>) src(%dma_wait3A_116 : memref<40x128xi32, #tpu.memory_space<hbm>>) dst(%arg8 : memref<40x128xi32, #tpu.memory_space<vmem>>)
      tpu.yield
    }) : () -> ()
    %dma_start3A = arith.constant 0 : i32
    %dma_start3A_21 = arith.constant 0 : i32
    %dma_start3A_22 = tpu.memref_slice %arg7[%dma_start3A, %dma_start3A_21] : memref<40x128xi32, #tpu.memory_space<vmem>> -> memref<1x128xi32, #tpu.memory_space<vmem>>
    %dma_start3A_23 = tpu.memref_squeeze %dma_start3A_22 : memref<1x128xi32, #tpu.memory_space<vmem>> -> memref<128xi32, #tpu.memory_space<vmem>>
    %dma_start3A_24 = arith.constant 0 : i32
    %dma_start3A_25 = arith.constant 0 : i32
    %dma_start3A_26 = tpu.memref_slice %arg2[%dma_start3A_24, %dma_start3A_25] : memref<10000x128xf32, #tpu.memory_space<hbm>> -> memref<10000x128xf32, #tpu.memory_space<hbm>>
    tpu.enqueue_indirect_dma source(%dma_start3A_26 : memref<10000x128xf32, #tpu.memory_space<hbm>>) target(%arg9 : memref<128x128xf32, #tpu.memory_space<vmem>>) offsets(%dma_start3A_23 : memref<128xi32, #tpu.memory_space<vmem>>) semaphore(%arg12 : memref<!tpu.dma_semaphore, #tpu.memory_space<semaphore_mem>>)
    %dma_start3A_27 = arith.constant 1 : i32
    %dma_start3A_28 = arith.constant 0 : i32
    %dma_start3A_29 = tpu.memref_slice %arg7[%dma_start3A_27, %dma_start3A_28] : memref<40x128xi32, #tpu.memory_space<vmem>> -> memref<1x128xi32, #tpu.memory_space<vmem>>
    %dma_start3A_30 = tpu.memref_squeeze %dma_start3A_29 : memref<1x128xi32, #tpu.memory_space<vmem>> -> memref<128xi32, #tpu.memory_space<vmem>>
    %dma_start3A_31 = arith.constant 0 : i32
    %dma_start3A_32 = arith.constant 0 : i32
    %dma_start3A_33 = tpu.memref_slice %arg2[%dma_start3A_31, %dma_start3A_32] : memref<10000x128xf32, #tpu.memory_space<hbm>> -> memref<10000x128xf32, #tpu.memory_space<hbm>>
    tpu.enqueue_indirect_dma source(%dma_start3A_33 : memref<10000x128xf32, #tpu.memory_space<hbm>>) target(%arg10 : memref<128x128xf32, #tpu.memory_space<vmem>>) offsets(%dma_start3A_30 : memref<128xi32, #tpu.memory_space<vmem>>) semaphore(%arg13 : memref<!tpu.dma_semaphore, #tpu.memory_space<semaphore_mem>>)
    %scan3A = arith.constant 0 : i32
    %scan3A_34 = arith.constant 0 : i32
    %scan3A_35 = arith.constant 20 : i32
    %scan3A_36 = arith.addi %scan3A_34, %scan3A_35 : i32
    %scan3A_37 = arith.constant 1 : i32
    %scan3A_38 = scf.for %scan3A_102 = %scan3A_34 to %scan3A_36 step %scan3A_37 iter_args(%scan3A_103 = %scan3A) -> (i32)  : i32 {
      %mul3A_104 = arith.constant 2 : i32
      %mul3A_105 = arith.muli %mul3A_104, %scan3A_102 : i32
      %add3A_106 = arith.constant 0 : i32
      %add3A_107 = arith.addi %mul3A_105, %add3A_106 : i32
      %dma_wait3A = arith.constant 0 : i32
      %dma_wait3A_108 = tpu.memref_slice %arg7[%add3A_107, %dma_wait3A] : memref<40x128xi32, #tpu.memory_space<vmem>> -> memref<1x128xi32, #tpu.memory_space<vmem>>
      %dma_wait3A_109 = tpu.memref_squeeze %dma_wait3A_108 : memref<1x128xi32, #tpu.memory_space<vmem>> -> memref<128xi32, #tpu.memory_space<vmem>>
      %dma_wait3A_110 = arith.constant 0 : i32
      %dma_wait3A_111 = arith.constant 0 : i32
      %dma_wait3A_112 = tpu.memref_slice %arg2[%dma_wait3A_110, %dma_wait3A_111] : memref<10000x128xf32, #tpu.memory_space<hbm>> -> memref<10000x128xf32, #tpu.memory_space<hbm>>
      tpu.wait_indirect_dma semaphore(%arg12 : memref<!tpu.dma_semaphore, #tpu.memory_space<semaphore_mem>>) src(%dma_wait3A_112 : memref<10000x128xf32, #tpu.memory_space<hbm>>) dst(%arg9 : memref<128x128xf32, #tpu.memory_space<vmem>>)
      %dma_start3A_113 = arith.constant 0 : i32
      %dma_start3A_114 = tpu.memref_slice %arg8[%add3A_107, %dma_start3A_113] : memref<40x128xi32, #tpu.memory_space<vmem>> -> memref<1x128xi32, #tpu.memory_space<vmem>>
      %dma_start3A_115 = tpu.memref_squeeze %dma_start3A_114 : memref<1x128xi32, #tpu.memory_space<vmem>> -> memref<128xi32, #tpu.memory_space<vmem>>
      %dma_start3A_116 = arith.constant 0 : i32
      %dma_start3A_117 = arith.constant 0 : i32
      %dma_start3A_118 = tpu.memref_slice %arg11[%dma_start3A_116, %dma_start3A_117] : memref<10240x128xf32, #tpu.memory_space<vmem_shared>> -> memref<10240x128xf32, #tpu.memory_space<vmem_shared>>
      tpu.enqueue_indirect_dma source(%arg9 : memref<128x128xf32, #tpu.memory_space<vmem>>) target(%dma_start3A_118 : memref<10240x128xf32, #tpu.memory_space<vmem_shared>>) offsets(%dma_start3A_115 : memref<128xi32, #tpu.memory_space<vmem>>) semaphore(%arg14 : memref<!tpu.dma_semaphore, #tpu.memory_space<semaphore_mem>>) {add = true}
      %dma_wait3A_119 = arith.constant 0 : i32
      %dma_wait3A_120 = tpu.memref_slice %arg8[%add3A_107, %dma_wait3A_119] : memref<40x128xi32, #tpu.memory_space<vmem>> -> memref<1x128xi32, #tpu.memory_space<vmem>>
      %dma_wait3A_121 = tpu.memref_squeeze %dma_wait3A_120 : memref<1x128xi32, #tpu.memory_space<vmem>> -> memref<128xi32, #tpu.memory_space<vmem>>
      %dma_wait3A_122 = arith.constant 0 : i32
      %dma_wait3A_123 = arith.constant 0 : i32
      %dma_wait3A_124 = tpu.memref_slice %arg11[%dma_wait3A_122, %dma_wait3A_123] : memref<10240x128xf32, #tpu.memory_space<vmem_shared>> -> memref<10240x128xf32, #tpu.memory_space<vmem_shared>>
      tpu.wait_indirect_dma semaphore(%arg14 : memref<!tpu.dma_semaphore, #tpu.memory_space<semaphore_mem>>) src(%arg9 : memref<128x128xf32, #tpu.memory_space<vmem>>) dst(%dma_wait3A_124 : memref<10240x128xf32, #tpu.memory_space<vmem_shared>>)
      %add3A_125 = arith.constant 2 : i32
      %add3A_126 = arith.addi %add3A_107, %add3A_125 : i32
      %lt3A = arith.constant 40 : i32
      %lt3A_127 = arith.cmpi slt, %add3A_126, %lt3A : i32
      %convert_element_type3A = arith.extui %lt3A_127 : i1 to i32
      %cond3A = arith.constant 0 : i32
      %cond3A_128 = arith.cmpi ne, %convert_element_type3A, %cond3A : i32
      scf.if %cond3A_128 {
        %add3A_159 = arith.constant 2 : i32
        %add3A_160 = arith.addi %add3A_107, %add3A_159 : i32
        %dma_start3A_161 = arith.constant 0 : i32
        %dma_start3A_162 = tpu.memref_slice %arg7[%add3A_160, %dma_start3A_161] : memref<40x128xi32, #tpu.memory_space<vmem>> -> memref<1x128xi32, #tpu.memory_space<vmem>>
        %dma_start3A_163 = tpu.memref_squeeze %dma_start3A_162 : memref<1x128xi32, #tpu.memory_space<vmem>> -> memref<128xi32, #tpu.memory_space<vmem>>
        %dma_start3A_164 = arith.constant 0 : i32
        %dma_start3A_165 = arith.constant 0 : i32
        %dma_start3A_166 = tpu.memref_slice %arg2[%dma_start3A_164, %dma_start3A_165] : memref<10000x128xf32, #tpu.memory_space<hbm>> -> memref<10000x128xf32, #tpu.memory_space<hbm>>
        tpu.enqueue_indirect_dma source(%dma_start3A_166 : memref<10000x128xf32, #tpu.memory_space<hbm>>) target(%arg9 : memref<128x128xf32, #tpu.memory_space<vmem>>) offsets(%dma_start3A_163 : memref<128xi32, #tpu.memory_space<vmem>>) semaphore(%arg12 : memref<!tpu.dma_semaphore, #tpu.memory_space<semaphore_mem>>)
      } else {
      }
      %mul3A_129 = arith.constant 2 : i32
      %mul3A_130 = arith.muli %mul3A_129, %scan3A_102 : i32
      %add3A_131 = arith.constant 1 : i32
      %add3A_132 = arith.addi %mul3A_130, %add3A_131 : i32
      %dma_wait3A_133 = arith.constant 0 : i32
      %dma_wait3A_134 = tpu.memref_slice %arg7[%add3A_132, %dma_wait3A_133] : memref<40x128xi32, #tpu.memory_space<vmem>> -> memref<1x128xi32, #tpu.memory_space<vmem>>
      %dma_wait3A_135 = tpu.memref_squeeze %dma_wait3A_134 : memref<1x128xi32, #tpu.memory_space<vmem>> -> memref<128xi32, #tpu.memory_space<vmem>>
      %dma_wait3A_136 = arith.constant 0 : i32
      %dma_wait3A_137 = arith.constant 0 : i32
      %dma_wait3A_138 = tpu.memref_slice %arg2[%dma_wait3A_136, %dma_wait3A_137] : memref<10000x128xf32, #tpu.memory_space<hbm>> -> memref<10000x128xf32, #tpu.memory_space<hbm>>
      tpu.wait_indirect_dma semaphore(%arg13 : memref<!tpu.dma_semaphore, #tpu.memory_space<semaphore_mem>>) src(%dma_wait3A_138 : memref<10000x128xf32, #tpu.memory_space<hbm>>) dst(%arg10 : memref<128x128xf32, #tpu.memory_space<vmem>>)
      %dma_start3A_139 = arith.constant 0 : i32
      %dma_start3A_140 = tpu.memref_slice %arg8[%add3A_132, %dma_start3A_139] : memref<40x128xi32, #tpu.memory_space<vmem>> -> memref<1x128xi32, #tpu.memory_space<vmem>>
      %dma_start3A_141 = tpu.memref_squeeze %dma_start3A_140 : memref<1x128xi32, #tpu.memory_space<vmem>> -> memref<128xi32, #tpu.memory_space<vmem>>
      %dma_start3A_142 = arith.constant 0 : i32
      %dma_start3A_143 = arith.constant 0 : i32
      %dma_start3A_144 = tpu.memref_slice %arg11[%dma_start3A_142, %dma_start3A_143] : memref<10240x128xf32, #tpu.memory_space<vmem_shared>> -> memref<10240x128xf32, #tpu.memory_space<vmem_shared>>
      tpu.enqueue_indirect_dma source(%arg10 : memref<128x128xf32, #tpu.memory_space<vmem>>) target(%dma_start3A_144 : memref<10240x128xf32, #tpu.memory_space<vmem_shared>>) offsets(%dma_start3A_141 : memref<128xi32, #tpu.memory_space<vmem>>) semaphore(%arg14 : memref<!tpu.dma_semaphore, #tpu.memory_space<semaphore_mem>>) {add = true}
      %dma_wait3A_145 = arith.constant 0 : i32
      %dma_wait3A_146 = tpu.memref_slice %arg8[%add3A_132, %dma_wait3A_145] : memref<40x128xi32, #tpu.memory_space<vmem>> -> memref<1x128xi32, #tpu.memory_space<vmem>>
      %dma_wait3A_147 = tpu.memref_squeeze %dma_wait3A_146 : memref<1x128xi32, #tpu.memory_space<vmem>> -> memref<128xi32, #tpu.memory_space<vmem>>
      %dma_wait3A_148 = arith.constant 0 : i32
      %dma_wait3A_149 = arith.constant 0 : i32
      %dma_wait3A_150 = tpu.memref_slice %arg11[%dma_wait3A_148, %dma_wait3A_149] : memref<10240x128xf32, #tpu.memory_space<vmem_shared>> -> memref<10240x128xf32, #tpu.memory_space<vmem_shared>>
      tpu.wait_indirect_dma semaphore(%arg14 : memref<!tpu.dma_semaphore, #tpu.memory_space<semaphore_mem>>) src(%arg10 : memref<128x128xf32, #tpu.memory_space<vmem>>) dst(%dma_wait3A_150 : memref<10240x128xf32, #tpu.memory_space<vmem_shared>>)
      %add3A_151 = arith.constant 2 : i32
      %add3A_152 = arith.addi %add3A_132, %add3A_151 : i32
      %lt3A_153 = arith.constant 40 : i32
      %lt3A_154 = arith.cmpi slt, %add3A_152, %lt3A_153 : i32
      %convert_element_type3A_155 = arith.extui %lt3A_154 : i1 to i32
      %cond3A_156 = arith.constant 0 : i32
      %cond3A_157 = arith.cmpi ne, %convert_element_type3A_155, %cond3A_156 : i32
      scf.if %cond3A_157 {
        %add3A_159 = arith.constant 2 : i32
        %add3A_160 = arith.addi %add3A_132, %add3A_159 : i32
        %dma_start3A_161 = arith.constant 0 : i32
        %dma_start3A_162 = tpu.memref_slice %arg7[%add3A_160, %dma_start3A_161] : memref<40x128xi32, #tpu.memory_space<vmem>> -> memref<1x128xi32, #tpu.memory_space<vmem>>
        %dma_start3A_163 = tpu.memref_squeeze %dma_start3A_162 : memref<1x128xi32, #tpu.memory_space<vmem>> -> memref<128xi32, #tpu.memory_space<vmem>>
        %dma_start3A_164 = arith.constant 0 : i32
        %dma_start3A_165 = arith.constant 0 : i32
        %dma_start3A_166 = tpu.memref_slice %arg2[%dma_start3A_164, %dma_start3A_165] : memref<10000x128xf32, #tpu.memory_space<hbm>> -> memref<10000x128xf32, #tpu.memory_space<hbm>>
        tpu.enqueue_indirect_dma source(%dma_start3A_166 : memref<10000x128xf32, #tpu.memory_space<hbm>>) target(%arg10 : memref<128x128xf32, #tpu.memory_space<vmem>>) offsets(%dma_start3A_163 : memref<128xi32, #tpu.memory_space<vmem>>) semaphore(%arg13 : memref<!tpu.dma_semaphore, #tpu.memory_space<semaphore_mem>>)
      } else {
      }
      %scan3A_158 = arith.constant 0 : i32
      scf.yield %scan3A_158 : i32
    }
    %scan3A_39 = arith.constant 20 : i32
    "tpu.region"() ({
      %run_scoped3A = tpu.sem_alloc : memref<!tpu.dma_semaphore, #tpu.memory_space<semaphore_mem>>
      %dma_start3A_102 = arith.constant 40 : i32
      %dma_start3A_103 = arith.constant 0 : i32
      %dma_start3A_104 = tpu.memref_slice %arg3[%add3A, %dma_start3A_102, %dma_start3A_103] : memref<32x80x128xi32, #tpu.memory_space<hbm>> -> memref<1x40x128xi32, #tpu.memory_space<hbm>>
      %dma_start3A_105 = tpu.memref_squeeze %dma_start3A_104 : memref<1x40x128xi32, #tpu.memory_space<hbm>> -> memref<40x128xi32, #tpu.memory_space<hbm>>
      %dma_start3A_106 = arith.constant 40 : i32
      %dma_start3A_107 = arith.constant 0 : i32
      %dma_start3A_108 = tpu.memref_slice %arg3[%add3A, %dma_start3A_106, %dma_start3A_107] : memref<32x80x128xi32, #tpu.memory_space<hbm>> -> memref<1x40x128xi32, #tpu.memory_space<hbm>>
      %dma_start3A_109 = tpu.memref_squeeze %dma_start3A_108 : memref<1x40x128xi32, #tpu.memory_space<hbm>> -> memref<40x128xi32, #tpu.memory_space<hbm>>
      tpu.enqueue_dma source(%dma_start3A_109 : memref<40x128xi32, #tpu.memory_space<hbm>>) target(%arg7 : memref<40x128xi32, #tpu.memory_space<vmem>>) target_semaphore(%run_scoped3A : memref<!tpu.dma_semaphore, #tpu.memory_space<semaphore_mem>>)
      %dma_wait3A = arith.constant 40 : i32
      %dma_wait3A_110 = arith.constant 0 : i32
      %dma_wait3A_111 = tpu.memref_slice %arg3[%add3A, %dma_wait3A, %dma_wait3A_110] : memref<32x80x128xi32, #tpu.memory_space<hbm>> -> memref<1x40x128xi32, #tpu.memory_space<hbm>>
      %dma_wait3A_112 = tpu.memref_squeeze %dma_wait3A_111 : memref<1x40x128xi32, #tpu.memory_space<hbm>> -> memref<40x128xi32, #tpu.memory_space<hbm>>
      %dma_wait3A_113 = arith.constant 40 : i32
      %dma_wait3A_114 = arith.constant 0 : i32
      %dma_wait3A_115 = tpu.memref_slice %arg3[%add3A, %dma_wait3A_113, %dma_wait3A_114] : memref<32x80x128xi32, #tpu.memory_space<hbm>> -> memref<1x40x128xi32, #tpu.memory_space<hbm>>
      %dma_wait3A_116 = tpu.memref_squeeze %dma_wait3A_115 : memref<1x40x128xi32, #tpu.memory_space<hbm>> -> memref<40x128xi32, #tpu.memory_space<hbm>>
      tpu.wait_dma2 semaphore(%run_scoped3A : memref<!tpu.dma_semaphore, #tpu.memory_space<semaphore_mem>>) src(%dma_wait3A_116 : memref<40x128xi32, #tpu.memory_space<hbm>>) dst(%arg7 : memref<40x128xi32, #tpu.memory_space<vmem>>)
      tpu.yield
    }) : () -> ()
    "tpu.region"() ({
      %run_scoped3A = tpu.sem_alloc : memref<!tpu.dma_semaphore, #tpu.memory_space<semaphore_mem>>
      %dma_start3A_102 = arith.constant 40 : i32
      %dma_start3A_103 = arith.constant 0 : i32
      %dma_start3A_104 = tpu.memref_slice %arg4[%add3A, %dma_start3A_102, %dma_start3A_103] : memref<32x80x128xi32, #tpu.memory_space<hbm>> -> memref<1x40x128xi32, #tpu.memory_space<hbm>>
      %dma_start3A_105 = tpu.memref_squeeze %dma_start3A_104 : memref<1x40x128xi32, #tpu.memory_space<hbm>> -> memref<40x128xi32, #tpu.memory_space<hbm>>
      %dma_start3A_106 = arith.constant 40 : i32
      %dma_start3A_107 = arith.constant 0 : i32
      %dma_start3A_108 = tpu.memref_slice %arg4[%add3A, %dma_start3A_106, %dma_start3A_107] : memref<32x80x128xi32, #tpu.memory_space<hbm>> -> memref<1x40x128xi32, #tpu.memory_space<hbm>>
      %dma_start3A_109 = tpu.memref_squeeze %dma_start3A_108 : memref<1x40x128xi32, #tpu.memory_space<hbm>> -> memref<40x128xi32, #tpu.memory_space<hbm>>
      tpu.enqueue_dma source(%dma_start3A_109 : memref<40x128xi32, #tpu.memory_space<hbm>>) target(%arg8 : memref<40x128xi32, #tpu.memory_space<vmem>>) target_semaphore(%run_scoped3A : memref<!tpu.dma_semaphore, #tpu.memory_space<semaphore_mem>>)
      %dma_wait3A = arith.constant 40 : i32
      %dma_wait3A_110 = arith.constant 0 : i32
      %dma_wait3A_111 = tpu.memref_slice %arg4[%add3A, %dma_wait3A, %dma_wait3A_110] : memref<32x80x128xi32, #tpu.memory_space<hbm>> -> memref<1x40x128xi32, #tpu.memory_space<hbm>>
      %dma_wait3A_112 = tpu.memref_squeeze %dma_wait3A_111 : memref<1x40x128xi32, #tpu.memory_space<hbm>> -> memref<40x128xi32, #tpu.memory_space<hbm>>
      %dma_wait3A_113 = arith.constant 40 : i32
      %dma_wait3A_114 = arith.constant 0 : i32
      %dma_wait3A_115 = tpu.memref_slice %arg4[%add3A, %dma_wait3A_113, %dma_wait3A_114] : memref<32x80x128xi32, #tpu.memory_space<hbm>> -> memref<1x40x128xi32, #tpu.memory_space<hbm>>
      %dma_wait3A_116 = tpu.memref_squeeze %dma_wait3A_115 : memref<1x40x128xi32, #tpu.memory_space<hbm>> -> memref<40x128xi32, #tpu.memory_space<hbm>>
      tpu.wait_dma2 semaphore(%run_scoped3A : memref<!tpu.dma_semaphore, #tpu.memory_space<semaphore_mem>>) src(%dma_wait3A_116 : memref<40x128xi32, #tpu.memory_space<hbm>>) dst(%arg8 : memref<40x128xi32, #tpu.memory_space<vmem>>)
      tpu.yield
    }) : () -> ()
    %dma_start3A_40 = arith.constant 0 : i32
    %dma_start3A_41 = arith.constant 0 : i32
    %dma_start3A_42 = tpu.memref_slice %arg7[%dma_start3A_40, %dma_start3A_41] : memref<40x128xi32, #tpu.memory_space<vmem>> -> memref<1x128xi32, #tpu.memory_space<vmem>>
    %dma_start3A_43 = tpu.memref_squeeze %dma_start3A_42 : memref<1x128xi32, #tpu.memory_space<vmem>> -> memref<128xi32, #tpu.memory_space<vmem>>
    %dma_start3A_44 = arith.constant 0 : i32
    %dma_start3A_45 = arith.constant 0 : i32
    %dma_start3A_46 = tpu.memref_slice %arg2[%dma_start3A_44, %dma_start3A_45] : memref<10000x128xf32, #tpu.memory_space<hbm>> -> memref<10000x128xf32, #tpu.memory_space<hbm>>
    tpu.enqueue_indirect_dma source(%dma_start3A_46 : memref<10000x128xf32, #tpu.memory_space<hbm>>) target(%arg9 : memref<128x128xf32, #tpu.memory_space<vmem>>) offsets(%dma_start3A_43 : memref<128xi32, #tpu.memory_space<vmem>>) semaphore(%arg12 : memref<!tpu.dma_semaphore, #tpu.memory_space<semaphore_mem>>)
    %dma_start3A_47 = arith.constant 1 : i32
    %dma_start3A_48 = arith.constant 0 : i32
    %dma_start3A_49 = tpu.memref_slice %arg7[%dma_start3A_47, %dma_start3A_48] : memref<40x128xi32, #tpu.memory_space<vmem>> -> memref<1x128xi32, #tpu.memory_space<vmem>>
    %dma_start3A_50 = tpu.memref_squeeze %dma_start3A_49 : memref<1x128xi32, #tpu.memory_space<vmem>> -> memref<128xi32, #tpu.memory_space<vmem>>
    %dma_start3A_51 = arith.constant 0 : i32
    %dma_start3A_52 = arith.constant 0 : i32
    %dma_start3A_53 = tpu.memref_slice %arg2[%dma_start3A_51, %dma_start3A_52] : memref<10000x128xf32, #tpu.memory_space<hbm>> -> memref<10000x128xf32, #tpu.memory_space<hbm>>
    tpu.enqueue_indirect_dma source(%dma_start3A_53 : memref<10000x128xf32, #tpu.memory_space<hbm>>) target(%arg10 : memref<128x128xf32, #tpu.memory_space<vmem>>) offsets(%dma_start3A_50 : memref<128xi32, #tpu.memory_space<vmem>>) semaphore(%arg13 : memref<!tpu.dma_semaphore, #tpu.memory_space<semaphore_mem>>)
    %scan3A_54 = arith.constant 0 : i32
    %scan3A_55 = arith.constant 0 : i32
    %scan3A_56 = arith.constant 20 : i32
    %scan3A_57 = arith.addi %scan3A_55, %scan3A_56 : i32
    %scan3A_58 = arith.constant 1 : i32
    %scan3A_59 = scf.for %scan3A_102 = %scan3A_55 to %scan3A_57 step %scan3A_58 iter_args(%scan3A_103 = %scan3A_54) -> (i32)  : i32 {
      %mul3A_104 = arith.constant 2 : i32
      %mul3A_105 = arith.muli %mul3A_104, %scan3A_102 : i32
      %add3A_106 = arith.constant 0 : i32
      %add3A_107 = arith.addi %mul3A_105, %add3A_106 : i32
      %dma_wait3A = arith.constant 0 : i32
      %dma_wait3A_108 = tpu.memref_slice %arg7[%add3A_107, %dma_wait3A] : memref<40x128xi32, #tpu.memory_space<vmem>> -> memref<1x128xi32, #tpu.memory_space<vmem>>
      %dma_wait3A_109 = tpu.memref_squeeze %dma_wait3A_108 : memref<1x128xi32, #tpu.memory_space<vmem>> -> memref<128xi32, #tpu.memory_space<vmem>>
      %dma_wait3A_110 = arith.constant 0 : i32
      %dma_wait3A_111 = arith.constant 0 : i32
      %dma_wait3A_112 = tpu.memref_slice %arg2[%dma_wait3A_110, %dma_wait3A_111] : memref<10000x128xf32, #tpu.memory_space<hbm>> -> memref<10000x128xf32, #tpu.memory_space<hbm>>
      tpu.wait_indirect_dma semaphore(%arg12 : memref<!tpu.dma_semaphore, #tpu.memory_space<semaphore_mem>>) src(%dma_wait3A_112 : memref<10000x128xf32, #tpu.memory_space<hbm>>) dst(%arg9 : memref<128x128xf32, #tpu.memory_space<vmem>>)
      %dma_start3A_113 = arith.constant 0 : i32
      %dma_start3A_114 = tpu.memref_slice %arg8[%add3A_107, %dma_start3A_113] : memref<40x128xi32, #tpu.memory_space<vmem>> -> memref<1x128xi32, #tpu.memory_space<vmem>>
      %dma_start3A_115 = tpu.memref_squeeze %dma_start3A_114 : memref<1x128xi32, #tpu.memory_space<vmem>> -> memref<128xi32, #tpu.memory_space<vmem>>
      %dma_start3A_116 = arith.constant 0 : i32
      %dma_start3A_117 = arith.constant 0 : i32
      %dma_start3A_118 = tpu.memref_slice %arg11[%dma_start3A_116, %dma_start3A_117] : memref<10240x128xf32, #tpu.memory_space<vmem_shared>> -> memref<10240x128xf32, #tpu.memory_space<vmem_shared>>
      tpu.enqueue_indirect_dma source(%arg9 : memref<128x128xf32, #tpu.memory_space<vmem>>) target(%dma_start3A_118 : memref<10240x128xf32, #tpu.memory_space<vmem_shared>>) offsets(%dma_start3A_115 : memref<128xi32, #tpu.memory_space<vmem>>) semaphore(%arg14 : memref<!tpu.dma_semaphore, #tpu.memory_space<semaphore_mem>>) {add = true}
      %dma_wait3A_119 = arith.constant 0 : i32
      %dma_wait3A_120 = tpu.memref_slice %arg8[%add3A_107, %dma_wait3A_119] : memref<40x128xi32, #tpu.memory_space<vmem>> -> memref<1x128xi32, #tpu.memory_space<vmem>>
      %dma_wait3A_121 = tpu.memref_squeeze %dma_wait3A_120 : memref<1x128xi32, #tpu.memory_space<vmem>> -> memref<128xi32, #tpu.memory_space<vmem>>
      %dma_wait3A_122 = arith.constant 0 : i32
      %dma_wait3A_123 = arith.constant 0 : i32
      %dma_wait3A_124 = tpu.memref_slice %arg11[%dma_wait3A_122, %dma_wait3A_123] : memref<10240x128xf32, #tpu.memory_space<vmem_shared>> -> memref<10240x128xf32, #tpu.memory_space<vmem_shared>>
      tpu.wait_indirect_dma semaphore(%arg14 : memref<!tpu.dma_semaphore, #tpu.memory_space<semaphore_mem>>) src(%arg9 : memref<128x128xf32, #tpu.memory_space<vmem>>) dst(%dma_wait3A_124 : memref<10240x128xf32, #tpu.memory_space<vmem_shared>>)
      %add3A_125 = arith.constant 2 : i32
      %add3A_126 = arith.addi %add3A_107, %add3A_125 : i32
      %lt3A = arith.constant 40 : i32
      %lt3A_127 = arith.cmpi slt, %add3A_126, %lt3A : i32
      %convert_element_type3A = arith.extui %lt3A_127 : i1 to i32
      %cond3A = arith.constant 0 : i32
      %cond3A_128 = arith.cmpi ne, %convert_element_type3A, %cond3A : i32
      scf.if %cond3A_128 {
        %add3A_159 = arith.constant 2 : i32
        %add3A_160 = arith.addi %add3A_107, %add3A_159 : i32
        %dma_start3A_161 = arith.constant 0 : i32
        %dma_start3A_162 = tpu.memref_slice %arg7[%add3A_160, %dma_start3A_161] : memref<40x128xi32, #tpu.memory_space<vmem>> -> memref<1x128xi32, #tpu.memory_space<vmem>>
        %dma_start3A_163 = tpu.memref_squeeze %dma_start3A_162 : memref<1x128xi32, #tpu.memory_space<vmem>> -> memref<128xi32, #tpu.memory_space<vmem>>
        %dma_start3A_164 = arith.constant 0 : i32
        %dma_start3A_165 = arith.constant 0 : i32
        %dma_start3A_166 = tpu.memref_slice %arg2[%dma_start3A_164, %dma_start3A_165] : memref<10000x128xf32, #tpu.memory_space<hbm>> -> memref<10000x128xf32, #tpu.memory_space<hbm>>
        tpu.enqueue_indirect_dma source(%dma_start3A_166 : memref<10000x128xf32, #tpu.memory_space<hbm>>) target(%arg9 : memref<128x128xf32, #tpu.memory_space<vmem>>) offsets(%dma_start3A_163 : memref<128xi32, #tpu.memory_space<vmem>>) semaphore(%arg12 : memref<!tpu.dma_semaphore, #tpu.memory_space<semaphore_mem>>)
      } else {
      }
      %mul3A_129 = arith.constant 2 : i32
      %mul3A_130 = arith.muli %mul3A_129, %scan3A_102 : i32
      %add3A_131 = arith.constant 1 : i32
      %add3A_132 = arith.addi %mul3A_130, %add3A_131 : i32
      %dma_wait3A_133 = arith.constant 0 : i32
      %dma_wait3A_134 = tpu.memref_slice %arg7[%add3A_132, %dma_wait3A_133] : memref<40x128xi32, #tpu.memory_space<vmem>> -> memref<1x128xi32, #tpu.memory_space<vmem>>
      %dma_wait3A_135 = tpu.memref_squeeze %dma_wait3A_134 : memref<1x128xi32, #tpu.memory_space<vmem>> -> memref<128xi32, #tpu.memory_space<vmem>>
      %dma_wait3A_136 = arith.constant 0 : i32
      %dma_wait3A_137 = arith.constant 0 : i32
      %dma_wait3A_138 = tpu.memref_slice %arg2[%dma_wait3A_136, %dma_wait3A_137] : memref<10000x128xf32, #tpu.memory_space<hbm>> -> memref<10000x128xf32, #tpu.memory_space<hbm>>
      tpu.wait_indirect_dma semaphore(%arg13 : memref<!tpu.dma_semaphore, #tpu.memory_space<semaphore_mem>>) src(%dma_wait3A_138 : memref<10000x128xf32, #tpu.memory_space<hbm>>) dst(%arg10 : memref<128x128xf32, #tpu.memory_space<vmem>>)
      %dma_start3A_139 = arith.constant 0 : i32
      %dma_start3A_140 = tpu.memref_slice %arg8[%add3A_132, %dma_start3A_139] : memref<40x128xi32, #tpu.memory_space<vmem>> -> memref<1x128xi32, #tpu.memory_space<vmem>>
      %dma_start3A_141 = tpu.memref_squeeze %dma_start3A_140 : memref<1x128xi32, #tpu.memory_space<vmem>> -> memref<128xi32, #tpu.memory_space<vmem>>
      %dma_start3A_142 = arith.constant 0 : i32
      %dma_start3A_143 = arith.constant 0 : i32
      %dma_start3A_144 = tpu.memref_slice %arg11[%dma_start3A_142, %dma_start3A_143] : memref<10240x128xf32, #tpu.memory_space<vmem_shared>> -> memref<10240x128xf32, #tpu.memory_space<vmem_shared>>
      tpu.enqueue_indirect_dma source(%arg10 : memref<128x128xf32, #tpu.memory_space<vmem>>) target(%dma_start3A_144 : memref<10240x128xf32, #tpu.memory_space<vmem_shared>>) offsets(%dma_start3A_141 : memref<128xi32, #tpu.memory_space<vmem>>) semaphore(%arg14 : memref<!tpu.dma_semaphore, #tpu.memory_space<semaphore_mem>>) {add = true}
      %dma_wait3A_145 = arith.constant 0 : i32
      %dma_wait3A_146 = tpu.memref_slice %arg8[%add3A_132, %dma_wait3A_145] : memref<40x128xi32, #tpu.memory_space<vmem>> -> memref<1x128xi32, #tpu.memory_space<vmem>>
      %dma_wait3A_147 = tpu.memref_squeeze %dma_wait3A_146 : memref<1x128xi32, #tpu.memory_space<vmem>> -> memref<128xi32, #tpu.memory_space<vmem>>
      %dma_wait3A_148 = arith.constant 0 : i32
      %dma_wait3A_149 = arith.constant 0 : i32
      %dma_wait3A_150 = tpu.memref_slice %arg11[%dma_wait3A_148, %dma_wait3A_149] : memref<10240x128xf32, #tpu.memory_space<vmem_shared>> -> memref<10240x128xf32, #tpu.memory_space<vmem_shared>>
      tpu.wait_indirect_dma semaphore(%arg14 : memref<!tpu.dma_semaphore, #tpu.memory_space<semaphore_mem>>) src(%arg10 : memref<128x128xf32, #tpu.memory_space<vmem>>) dst(%dma_wait3A_150 : memref<10240x128xf32, #tpu.memory_space<vmem_shared>>)
      %add3A_151 = arith.constant 2 : i32
      %add3A_152 = arith.addi %add3A_132, %add3A_151 : i32
      %lt3A_153 = arith.constant 40 : i32
      %lt3A_154 = arith.cmpi slt, %add3A_152, %lt3A_153 : i32
      %convert_element_type3A_155 = arith.extui %lt3A_154 : i1 to i32
      %cond3A_156 = arith.constant 0 : i32
      %cond3A_157 = arith.cmpi ne, %convert_element_type3A_155, %cond3A_156 : i32
      scf.if %cond3A_157 {
        %add3A_159 = arith.constant 2 : i32
        %add3A_160 = arith.addi %add3A_132, %add3A_159 : i32
        %dma_start3A_161 = arith.constant 0 : i32
        %dma_start3A_162 = tpu.memref_slice %arg7[%add3A_160, %dma_start3A_161] : memref<40x128xi32, #tpu.memory_space<vmem>> -> memref<1x128xi32, #tpu.memory_space<vmem>>
        %dma_start3A_163 = tpu.memref_squeeze %dma_start3A_162 : memref<1x128xi32, #tpu.memory_space<vmem>> -> memref<128xi32, #tpu.memory_space<vmem>>
        %dma_start3A_164 = arith.constant 0 : i32
        %dma_start3A_165 = arith.constant 0 : i32
        %dma_start3A_166 = tpu.memref_slice %arg2[%dma_start3A_164, %dma_start3A_165] : memref<10000x128xf32, #tpu.memory_space<hbm>> -> memref<10000x128xf32, #tpu.memory_space<hbm>>
        tpu.enqueue_indirect_dma source(%dma_start3A_166 : memref<10000x128xf32, #tpu.memory_space<hbm>>) target(%arg10 : memref<128x128xf32, #tpu.memory_space<vmem>>) offsets(%dma_start3A_163 : memref<128xi32, #tpu.memory_space<vmem>>) semaphore(%arg13 : memref<!tpu.dma_semaphore, #tpu.memory_space<semaphore_mem>>)
      } else {
      }
      %scan3A_158 = arith.constant 0 : i32
      scf.yield %scan3A_158 : i32
    }
    %scan3A_60 = arith.constant 20 : i32
    %barrier3A_61 = arith.constant 0 : index
    tpu.barrier barrier_id(%barrier3A_61)
    %mul3A_62 = arith.constant 640 : i32
    %mul3A_63 = arith.muli %arg1, %mul3A_62 : i32
    %add3A_64 = arith.constant 0 : i32
    %add3A_65 = arith.addi %mul3A_63, %add3A_64 : i32
    "tpu.region"() ({
      %run_scoped3A = tpu.sem_alloc : memref<!tpu.dma_semaphore, #tpu.memory_space<semaphore_mem>>
      %dma_start3A_102 = arith.constant 0 : i32
      %dma_start3A_103 = tpu.memref_slice %arg11[%add3A_65, %dma_start3A_102] : memref<10240x128xf32, #tpu.memory_space<vmem_shared>> -> memref<128x128xf32, #tpu.memory_space<vmem_shared>>
      %dma_start3A_104 = arith.constant 0 : i32
      %dma_start3A_105 = tpu.memref_slice %arg11[%add3A_65, %dma_start3A_104] : memref<10240x128xf32, #tpu.memory_space<vmem_shared>> -> memref<128x128xf32, #tpu.memory_space<vmem_shared>>
      tpu.enqueue_dma source(%dma_start3A_105 : memref<128x128xf32, #tpu.memory_space<vmem_shared>>) target(%arg9 : memref<128x128xf32, #tpu.memory_space<vmem>>) target_semaphore(%run_scoped3A : memref<!tpu.dma_semaphore, #tpu.memory_space<semaphore_mem>>)
      %dma_wait3A = arith.constant 0 : i32
      %dma_wait3A_106 = tpu.memref_slice %arg11[%add3A_65, %dma_wait3A] : memref<10240x128xf32, #tpu.memory_space<vmem_shared>> -> memref<128x128xf32, #tpu.memory_space<vmem_shared>>
      %dma_wait3A_107 = arith.constant 0 : i32
      %dma_wait3A_108 = tpu.memref_slice %arg11[%add3A_65, %dma_wait3A_107] : memref<10240x128xf32, #tpu.memory_space<vmem_shared>> -> memref<128x128xf32, #tpu.memory_space<vmem_shared>>
      tpu.wait_dma2 semaphore(%run_scoped3A : memref<!tpu.dma_semaphore, #tpu.memory_space<semaphore_mem>>) src(%dma_wait3A_108 : memref<128x128xf32, #tpu.memory_space<vmem_shared>>) dst(%arg9 : memref<128x128xf32, #tpu.memory_space<vmem>>)
      tpu.yield
    }) : () -> ()
    %mul3A_66 = arith.constant 640 : i32
    %mul3A_67 = arith.muli %arg1, %mul3A_66 : i32
    %add3A_68 = arith.constant 0 : i32
    %add3A_69 = arith.addi %mul3A_67, %add3A_68 : i32
    "tpu.region"() ({
      %run_scoped3A = tpu.sem_alloc : memref<!tpu.dma_semaphore, #tpu.memory_space<semaphore_mem>>
      %dma_start3A_102 = arith.constant 0 : i32
      %dma_start3A_103 = tpu.memref_slice %arg6[%arg0, %add3A_69, %dma_start3A_102] : memref<2x10240x128xf32, #tpu.memory_space<hbm>> -> memref<1x128x128xf32, #tpu.memory_space<hbm>>
      %dma_start3A_104 = tpu.memref_squeeze %dma_start3A_103 : memref<1x128x128xf32, #tpu.memory_space<hbm>> -> memref<128x128xf32, #tpu.memory_space<hbm>>
      %dma_start3A_105 = arith.constant 0 : i32
      %dma_start3A_106 = tpu.memref_slice %arg6[%arg0, %add3A_69, %dma_start3A_105] : memref<2x10240x128xf32, #tpu.memory_space<hbm>> -> memref<1x128x128xf32, #tpu.memory_space<hbm>>
      %dma_start3A_107 = tpu.memref_squeeze %dma_start3A_106 : memref<1x128x128xf32, #tpu.memory_space<hbm>> -> memref<128x128xf32, #tpu.memory_space<hbm>>
      tpu.enqueue_dma source(%arg9 : memref<128x128xf32, #tpu.memory_space<vmem>>) target(%dma_start3A_107 : memref<128x128xf32, #tpu.memory_space<hbm>>) target_semaphore(%run_scoped3A : memref<!tpu.dma_semaphore, #tpu.memory_space<semaphore_mem>>)
      %dma_wait3A = arith.constant 0 : i32
      %dma_wait3A_108 = tpu.memref_slice %arg6[%arg0, %add3A_69, %dma_wait3A] : memref<2x10240x128xf32, #tpu.memory_space<hbm>> -> memref<1x128x128xf32, #tpu.memory_space<hbm>>
      %dma_wait3A_109 = tpu.memref_squeeze %dma_wait3A_108 : memref<1x128x128xf32, #tpu.memory_space<hbm>> -> memref<128x128xf32, #tpu.memory_space<hbm>>
      %dma_wait3A_110 = arith.constant 0 : i32
      %dma_wait3A_111 = tpu.memref_slice %arg6[%arg0, %add3A_69, %dma_wait3A_110] : memref<2x10240x128xf32, #tpu.memory_space<hbm>> -> memref<1x128x128xf32, #tpu.memory_space<hbm>>
      %dma_wait3A_112 = tpu.memref_squeeze %dma_wait3A_111 : memref<1x128x128xf32, #tpu.memory_space<hbm>> -> memref<128x128xf32, #tpu.memory_space<hbm>>
      tpu.wait_dma2 semaphore(%run_scoped3A : memref<!tpu.dma_semaphore, #tpu.memory_space<semaphore_mem>>) src(%arg9 : memref<128x128xf32, #tpu.memory_space<vmem>>) dst(%dma_wait3A_112 : memref<128x128xf32, #tpu.memory_space<hbm>>)
      tpu.yield
    }) : () -> ()
    %mul3A_70 = arith.constant 640 : i32
    %mul3A_71 = arith.muli %arg1, %mul3A_70 : i32
    %add3A_72 = arith.constant 128 : i32
    %add3A_73 = arith.addi %mul3A_71, %add3A_72 : i32
    "tpu.region"() ({
      %run_scoped3A = tpu.sem_alloc : memref<!tpu.dma_semaphore, #tpu.memory_space<semaphore_mem>>
      %dma_start3A_102 = arith.constant 0 : i32
      %dma_start3A_103 = tpu.memref_slice %arg11[%add3A_73, %dma_start3A_102] : memref<10240x128xf32, #tpu.memory_space<vmem_shared>> -> memref<128x128xf32, #tpu.memory_space<vmem_shared>>
      %dma_start3A_104 = arith.constant 0 : i32
      %dma_start3A_105 = tpu.memref_slice %arg11[%add3A_73, %dma_start3A_104] : memref<10240x128xf32, #tpu.memory_space<vmem_shared>> -> memref<128x128xf32, #tpu.memory_space<vmem_shared>>
      tpu.enqueue_dma source(%dma_start3A_105 : memref<128x128xf32, #tpu.memory_space<vmem_shared>>) target(%arg9 : memref<128x128xf32, #tpu.memory_space<vmem>>) target_semaphore(%run_scoped3A : memref<!tpu.dma_semaphore, #tpu.memory_space<semaphore_mem>>)
      %dma_wait3A = arith.constant 0 : i32
      %dma_wait3A_106 = tpu.memref_slice %arg11[%add3A_73, %dma_wait3A] : memref<10240x128xf32, #tpu.memory_space<vmem_shared>> -> memref<128x128xf32, #tpu.memory_space<vmem_shared>>
      %dma_wait3A_107 = arith.constant 0 : i32
      %dma_wait3A_108 = tpu.memref_slice %arg11[%add3A_73, %dma_wait3A_107] : memref<10240x128xf32, #tpu.memory_space<vmem_shared>> -> memref<128x128xf32, #tpu.memory_space<vmem_shared>>
      tpu.wait_dma2 semaphore(%run_scoped3A : memref<!tpu.dma_semaphore, #tpu.memory_space<semaphore_mem>>) src(%dma_wait3A_108 : memref<128x128xf32, #tpu.memory_space<vmem_shared>>) dst(%arg9 : memref<128x128xf32, #tpu.memory_space<vmem>>)
      tpu.yield
    }) : () -> ()
    %mul3A_74 = arith.constant 640 : i32
    %mul3A_75 = arith.muli %arg1, %mul3A_74 : i32
    %add3A_76 = arith.constant 128 : i32
    %add3A_77 = arith.addi %mul3A_75, %add3A_76 : i32
    "tpu.region"() ({
      %run_scoped3A = tpu.sem_alloc : memref<!tpu.dma_semaphore, #tpu.memory_space<semaphore_mem>>
      %dma_start3A_102 = arith.constant 0 : i32
      %dma_start3A_103 = tpu.memref_slice %arg6[%arg0, %add3A_77, %dma_start3A_102] : memref<2x10240x128xf32, #tpu.memory_space<hbm>> -> memref<1x128x128xf32, #tpu.memory_space<hbm>>
      %dma_start3A_104 = tpu.memref_squeeze %dma_start3A_103 : memref<1x128x128xf32, #tpu.memory_space<hbm>> -> memref<128x128xf32, #tpu.memory_space<hbm>>
      %dma_start3A_105 = arith.constant 0 : i32
      %dma_start3A_106 = tpu.memref_slice %arg6[%arg0, %add3A_77, %dma_start3A_105] : memref<2x10240x128xf32, #tpu.memory_space<hbm>> -> memref<1x128x128xf32, #tpu.memory_space<hbm>>
      %dma_start3A_107 = tpu.memref_squeeze %dma_start3A_106 : memref<1x128x128xf32, #tpu.memory_space<hbm>> -> memref<128x128xf32, #tpu.memory_space<hbm>>
      tpu.enqueue_dma source(%arg9 : memref<128x128xf32, #tpu.memory_space<vmem>>) target(%dma_start3A_107 : memref<128x128xf32, #tpu.memory_space<hbm>>) target_semaphore(%run_scoped3A : memref<!tpu.dma_semaphore, #tpu.memory_space<semaphore_mem>>)
      %dma_wait3A = arith.constant 0 : i32
      %dma_wait3A_108 = tpu.memref_slice %arg6[%arg0, %add3A_77, %dma_wait3A] : memref<2x10240x128xf32, #tpu.memory_space<hbm>> -> memref<1x128x128xf32, #tpu.memory_space<hbm>>
      %dma_wait3A_109 = tpu.memref_squeeze %dma_wait3A_108 : memref<1x128x128xf32, #tpu.memory_space<hbm>> -> memref<128x128xf32, #tpu.memory_space<hbm>>
      %dma_wait3A_110 = arith.constant 0 : i32
      %dma_wait3A_111 = tpu.memref_slice %arg6[%arg0, %add3A_77, %dma_wait3A_110] : memref<2x10240x128xf32, #tpu.memory_space<hbm>> -> memref<1x128x128xf32, #tpu.memory_space<hbm>>
      %dma_wait3A_112 = tpu.memref_squeeze %dma_wait3A_111 : memref<1x128x128xf32, #tpu.memory_space<hbm>> -> memref<128x128xf32, #tpu.memory_space<hbm>>
      tpu.wait_dma2 semaphore(%run_scoped3A : memref<!tpu.dma_semaphore, #tpu.memory_space<semaphore_mem>>) src(%arg9 : memref<128x128xf32, #tpu.memory_space<vmem>>) dst(%dma_wait3A_112 : memref<128x128xf32, #tpu.memory_space<hbm>>)
      tpu.yield
    }) : () -> ()
    %mul3A_78 = arith.constant 640 : i32
    %mul3A_79 = arith.muli %arg1, %mul3A_78 : i32
    %add3A_80 = arith.constant 256 : i32
    %add3A_81 = arith.addi %mul3A_79, %add3A_80 : i32
    "tpu.region"() ({
      %run_scoped3A = tpu.sem_alloc : memref<!tpu.dma_semaphore, #tpu.memory_space<semaphore_mem>>
      %dma_start3A_102 = arith.constant 0 : i32
      %dma_start3A_103 = tpu.memref_slice %arg11[%add3A_81, %dma_start3A_102] : memref<10240x128xf32, #tpu.memory_space<vmem_shared>> -> memref<128x128xf32, #tpu.memory_space<vmem_shared>>
      %dma_start3A_104 = arith.constant 0 : i32
      %dma_start3A_105 = tpu.memref_slice %arg11[%add3A_81, %dma_start3A_104] : memref<10240x128xf32, #tpu.memory_space<vmem_shared>> -> memref<128x128xf32, #tpu.memory_space<vmem_shared>>
      tpu.enqueue_dma source(%dma_start3A_105 : memref<128x128xf32, #tpu.memory_space<vmem_shared>>) target(%arg9 : memref<128x128xf32, #tpu.memory_space<vmem>>) target_semaphore(%run_scoped3A : memref<!tpu.dma_semaphore, #tpu.memory_space<semaphore_mem>>)
      %dma_wait3A = arith.constant 0 : i32
      %dma_wait3A_106 = tpu.memref_slice %arg11[%add3A_81, %dma_wait3A] : memref<10240x128xf32, #tpu.memory_space<vmem_shared>> -> memref<128x128xf32, #tpu.memory_space<vmem_shared>>
      %dma_wait3A_107 = arith.constant 0 : i32
      %dma_wait3A_108 = tpu.memref_slice %arg11[%add3A_81, %dma_wait3A_107] : memref<10240x128xf32, #tpu.memory_space<vmem_shared>> -> memref<128x128xf32, #tpu.memory_space<vmem_shared>>
      tpu.wait_dma2 semaphore(%run_scoped3A : memref<!tpu.dma_semaphore, #tpu.memory_space<semaphore_mem>>) src(%dma_wait3A_108 : memref<128x128xf32, #tpu.memory_space<vmem_shared>>) dst(%arg9 : memref<128x128xf32, #tpu.memory_space<vmem>>)
      tpu.yield
    }) : () -> ()
    %mul3A_82 = arith.constant 640 : i32
    %mul3A_83 = arith.muli %arg1, %mul3A_82 : i32
    %add3A_84 = arith.constant 256 : i32
    %add3A_85 = arith.addi %mul3A_83, %add3A_84 : i32
    "tpu.region"() ({
      %run_scoped3A = tpu.sem_alloc : memref<!tpu.dma_semaphore, #tpu.memory_space<semaphore_mem>>
      %dma_start3A_102 = arith.constant 0 : i32
      %dma_start3A_103 = tpu.memref_slice %arg6[%arg0, %add3A_85, %dma_start3A_102] : memref<2x10240x128xf32, #tpu.memory_space<hbm>> -> memref<1x128x128xf32, #tpu.memory_space<hbm>>
      %dma_start3A_104 = tpu.memref_squeeze %dma_start3A_103 : memref<1x128x128xf32, #tpu.memory_space<hbm>> -> memref<128x128xf32, #tpu.memory_space<hbm>>
      %dma_start3A_105 = arith.constant 0 : i32
      %dma_start3A_106 = tpu.memref_slice %arg6[%arg0, %add3A_85, %dma_start3A_105] : memref<2x10240x128xf32, #tpu.memory_space<hbm>> -> memref<1x128x128xf32, #tpu.memory_space<hbm>>
      %dma_start3A_107 = tpu.memref_squeeze %dma_start3A_106 : memref<1x128x128xf32, #tpu.memory_space<hbm>> -> memref<128x128xf32, #tpu.memory_space<hbm>>
      tpu.enqueue_dma source(%arg9 : memref<128x128xf32, #tpu.memory_space<vmem>>) target(%dma_start3A_107 : memref<128x128xf32, #tpu.memory_space<hbm>>) target_semaphore(%run_scoped3A : memref<!tpu.dma_semaphore, #tpu.memory_space<semaphore_mem>>)
      %dma_wait3A = arith.constant 0 : i32
      %dma_wait3A_108 = tpu.memref_slice %arg6[%arg0, %add3A_85, %dma_wait3A] : memref<2x10240x128xf32, #tpu.memory_space<hbm>> -> memref<1x128x128xf32, #tpu.memory_space<hbm>>
      %dma_wait3A_109 = tpu.memref_squeeze %dma_wait3A_108 : memref<1x128x128xf32, #tpu.memory_space<hbm>> -> memref<128x128xf32, #tpu.memory_space<hbm>>
      %dma_wait3A_110 = arith.constant 0 : i32
      %dma_wait3A_111 = tpu.memref_slice %arg6[%arg0, %add3A_85, %dma_wait3A_110] : memref<2x10240x128xf32, #tpu.memory_space<hbm>> -> memref<1x128x128xf32, #tpu.memory_space<hbm>>
      %dma_wait3A_112 = tpu.memref_squeeze %dma_wait3A_111 : memref<1x128x128xf32, #tpu.memory_space<hbm>> -> memref<128x128xf32, #tpu.memory_space<hbm>>
      tpu.wait_dma2 semaphore(%run_scoped3A : memref<!tpu.dma_semaphore, #tpu.memory_space<semaphore_mem>>) src(%arg9 : memref<128x128xf32, #tpu.memory_space<vmem>>) dst(%dma_wait3A_112 : memref<128x128xf32, #tpu.memory_space<hbm>>)
      tpu.yield
    }) : () -> ()
    %mul3A_86 = arith.constant 640 : i32
    %mul3A_87 = arith.muli %arg1, %mul3A_86 : i32
    %add3A_88 = arith.constant 384 : i32
    %add3A_89 = arith.addi %mul3A_87, %add3A_88 : i32
    "tpu.region"() ({
      %run_scoped3A = tpu.sem_alloc : memref<!tpu.dma_semaphore, #tpu.memory_space<semaphore_mem>>
      %dma_start3A_102 = arith.constant 0 : i32
      %dma_start3A_103 = tpu.memref_slice %arg11[%add3A_89, %dma_start3A_102] : memref<10240x128xf32, #tpu.memory_space<vmem_shared>> -> memref<128x128xf32, #tpu.memory_space<vmem_shared>>
      %dma_start3A_104 = arith.constant 0 : i32
      %dma_start3A_105 = tpu.memref_slice %arg11[%add3A_89, %dma_start3A_104] : memref<10240x128xf32, #tpu.memory_space<vmem_shared>> -> memref<128x128xf32, #tpu.memory_space<vmem_shared>>
      tpu.enqueue_dma source(%dma_start3A_105 : memref<128x128xf32, #tpu.memory_space<vmem_shared>>) target(%arg9 : memref<128x128xf32, #tpu.memory_space<vmem>>) target_semaphore(%run_scoped3A : memref<!tpu.dma_semaphore, #tpu.memory_space<semaphore_mem>>)
      %dma_wait3A = arith.constant 0 : i32
      %dma_wait3A_106 = tpu.memref_slice %arg11[%add3A_89, %dma_wait3A] : memref<10240x128xf32, #tpu.memory_space<vmem_shared>> -> memref<128x128xf32, #tpu.memory_space<vmem_shared>>
      %dma_wait3A_107 = arith.constant 0 : i32
      %dma_wait3A_108 = tpu.memref_slice %arg11[%add3A_89, %dma_wait3A_107] : memref<10240x128xf32, #tpu.memory_space<vmem_shared>> -> memref<128x128xf32, #tpu.memory_space<vmem_shared>>
      tpu.wait_dma2 semaphore(%run_scoped3A : memref<!tpu.dma_semaphore, #tpu.memory_space<semaphore_mem>>) src(%dma_wait3A_108 : memref<128x128xf32, #tpu.memory_space<vmem_shared>>) dst(%arg9 : memref<128x128xf32, #tpu.memory_space<vmem>>)
      tpu.yield
    }) : () -> ()
    %mul3A_90 = arith.constant 640 : i32
    %mul3A_91 = arith.muli %arg1, %mul3A_90 : i32
    %add3A_92 = arith.constant 384 : i32
    %add3A_93 = arith.addi %mul3A_91, %add3A_92 : i32
    "tpu.region"() ({
      %run_scoped3A = tpu.sem_alloc : memref<!tpu.dma_semaphore, #tpu.memory_space<semaphore_mem>>
      %dma_start3A_102 = arith.constant 0 : i32
      %dma_start3A_103 = tpu.memref_slice %arg6[%arg0, %add3A_93, %dma_start3A_102] : memref<2x10240x128xf32, #tpu.memory_space<hbm>> -> memref<1x128x128xf32, #tpu.memory_space<hbm>>
      %dma_start3A_104 = tpu.memref_squeeze %dma_start3A_103 : memref<1x128x128xf32, #tpu.memory_space<hbm>> -> memref<128x128xf32, #tpu.memory_space<hbm>>
      %dma_start3A_105 = arith.constant 0 : i32
      %dma_start3A_106 = tpu.memref_slice %arg6[%arg0, %add3A_93, %dma_start3A_105] : memref<2x10240x128xf32, #tpu.memory_space<hbm>> -> memref<1x128x128xf32, #tpu.memory_space<hbm>>
      %dma_start3A_107 = tpu.memref_squeeze %dma_start3A_106 : memref<1x128x128xf32, #tpu.memory_space<hbm>> -> memref<128x128xf32, #tpu.memory_space<hbm>>
      tpu.enqueue_dma source(%arg9 : memref<128x128xf32, #tpu.memory_space<vmem>>) target(%dma_start3A_107 : memref<128x128xf32, #tpu.memory_space<hbm>>) target_semaphore(%run_scoped3A : memref<!tpu.dma_semaphore, #tpu.memory_space<semaphore_mem>>)
      %dma_wait3A = arith.constant 0 : i32
      %dma_wait3A_108 = tpu.memref_slice %arg6[%arg0, %add3A_93, %dma_wait3A] : memref<2x10240x128xf32, #tpu.memory_space<hbm>> -> memref<1x128x128xf32, #tpu.memory_space<hbm>>
      %dma_wait3A_109 = tpu.memref_squeeze %dma_wait3A_108 : memref<1x128x128xf32, #tpu.memory_space<hbm>> -> memref<128x128xf32, #tpu.memory_space<hbm>>
      %dma_wait3A_110 = arith.constant 0 : i32
      %dma_wait3A_111 = tpu.memref_slice %arg6[%arg0, %add3A_93, %dma_wait3A_110] : memref<2x10240x128xf32, #tpu.memory_space<hbm>> -> memref<1x128x128xf32, #tpu.memory_space<hbm>>
      %dma_wait3A_112 = tpu.memref_squeeze %dma_wait3A_111 : memref<1x128x128xf32, #tpu.memory_space<hbm>> -> memref<128x128xf32, #tpu.memory_space<hbm>>
      tpu.wait_dma2 semaphore(%run_scoped3A : memref<!tpu.dma_semaphore, #tpu.memory_space<semaphore_mem>>) src(%arg9 : memref<128x128xf32, #tpu.memory_space<vmem>>) dst(%dma_wait3A_112 : memref<128x128xf32, #tpu.memory_space<hbm>>)
      tpu.yield
    }) : () -> ()
    %mul3A_94 = arith.constant 640 : i32
    %mul3A_95 = arith.muli %arg1, %mul3A_94 : i32
    %add3A_96 = arith.constant 512 : i32
    %add3A_97 = arith.addi %mul3A_95, %add3A_96 : i32
    "tpu.region"() ({
      %run_scoped3A = tpu.sem_alloc : memref<!tpu.dma_semaphore, #tpu.memory_space<semaphore_mem>>
      %dma_start3A_102 = arith.constant 0 : i32
      %dma_start3A_103 = tpu.memref_slice %arg11[%add3A_97, %dma_start3A_102] : memref<10240x128xf32, #tpu.memory_space<vmem_shared>> -> memref<128x128xf32, #tpu.memory_space<vmem_shared>>
      %dma_start3A_104 = arith.constant 0 : i32
      %dma_start3A_105 = tpu.memref_slice %arg11[%add3A_97, %dma_start3A_104] : memref<10240x128xf32, #tpu.memory_space<vmem_shared>> -> memref<128x128xf32, #tpu.memory_space<vmem_shared>>
      tpu.enqueue_dma source(%dma_start3A_105 : memref<128x128xf32, #tpu.memory_space<vmem_shared>>) target(%arg9 : memref<128x128xf32, #tpu.memory_space<vmem>>) target_semaphore(%run_scoped3A : memref<!tpu.dma_semaphore, #tpu.memory_space<semaphore_mem>>)
      %dma_wait3A = arith.constant 0 : i32
      %dma_wait3A_106 = tpu.memref_slice %arg11[%add3A_97, %dma_wait3A] : memref<10240x128xf32, #tpu.memory_space<vmem_shared>> -> memref<128x128xf32, #tpu.memory_space<vmem_shared>>
      %dma_wait3A_107 = arith.constant 0 : i32
      %dma_wait3A_108 = tpu.memref_slice %arg11[%add3A_97, %dma_wait3A_107] : memref<10240x128xf32, #tpu.memory_space<vmem_shared>> -> memref<128x128xf32, #tpu.memory_space<vmem_shared>>
      tpu.wait_dma2 semaphore(%run_scoped3A : memref<!tpu.dma_semaphore, #tpu.memory_space<semaphore_mem>>) src(%dma_wait3A_108 : memref<128x128xf32, #tpu.memory_space<vmem_shared>>) dst(%arg9 : memref<128x128xf32, #tpu.memory_space<vmem>>)
      tpu.yield
    }) : () -> ()
    %mul3A_98 = arith.constant 640 : i32
    %mul3A_99 = arith.muli %arg1, %mul3A_98 : i32
    %add3A_100 = arith.constant 512 : i32
    %add3A_101 = arith.addi %mul3A_99, %add3A_100 : i32
    "tpu.region"() ({
      %run_scoped3A = tpu.sem_alloc : memref<!tpu.dma_semaphore, #tpu.memory_space<semaphore_mem>>
      %dma_start3A_102 = arith.constant 0 : i32
      %dma_start3A_103 = tpu.memref_slice %arg6[%arg0, %add3A_101, %dma_start3A_102] : memref<2x10240x128xf32, #tpu.memory_space<hbm>> -> memref<1x128x128xf32, #tpu.memory_space<hbm>>
      %dma_start3A_104 = tpu.memref_squeeze %dma_start3A_103 : memref<1x128x128xf32, #tpu.memory_space<hbm>> -> memref<128x128xf32, #tpu.memory_space<hbm>>
      %dma_start3A_105 = arith.constant 0 : i32
      %dma_start3A_106 = tpu.memref_slice %arg6[%arg0, %add3A_101, %dma_start3A_105] : memref<2x10240x128xf32, #tpu.memory_space<hbm>> -> memref<1x128x128xf32, #tpu.memory_space<hbm>>
      %dma_start3A_107 = tpu.memref_squeeze %dma_start3A_106 : memref<1x128x128xf32, #tpu.memory_space<hbm>> -> memref<128x128xf32, #tpu.memory_space<hbm>>
      tpu.enqueue_dma source(%arg9 : memref<128x128xf32, #tpu.memory_space<vmem>>) target(%dma_start3A_107 : memref<128x128xf32, #tpu.memory_space<hbm>>) target_semaphore(%run_scoped3A : memref<!tpu.dma_semaphore, #tpu.memory_space<semaphore_mem>>)
      %dma_wait3A = arith.constant 0 : i32
      %dma_wait3A_108 = tpu.memref_slice %arg6[%arg0, %add3A_101, %dma_wait3A] : memref<2x10240x128xf32, #tpu.memory_space<hbm>> -> memref<1x128x128xf32, #tpu.memory_space<hbm>>
      %dma_wait3A_109 = tpu.memref_squeeze %dma_wait3A_108 : memref<1x128x128xf32, #tpu.memory_space<hbm>> -> memref<128x128xf32, #tpu.memory_space<hbm>>
      %dma_wait3A_110 = arith.constant 0 : i32
      %dma_wait3A_111 = tpu.memref_slice %arg6[%arg0, %add3A_101, %dma_wait3A_110] : memref<2x10240x128xf32, #tpu.memory_space<hbm>> -> memref<1x128x128xf32, #tpu.memory_space<hbm>>
      %dma_wait3A_112 = tpu.memref_squeeze %dma_wait3A_111 : memref<1x128x128xf32, #tpu.memory_space<hbm>> -> memref<128x128xf32, #tpu.memory_space<hbm>>
      tpu.wait_dma2 semaphore(%run_scoped3A : memref<!tpu.dma_semaphore, #tpu.memory_space<semaphore_mem>>) src(%arg9 : memref<128x128xf32, #tpu.memory_space<vmem>>) dst(%dma_wait3A_112 : memref<128x128xf32, #tpu.memory_space<hbm>>)
      tpu.yield
    }) : () -> ()
    return
  }
}

#map = affine_map<(d0, d1) -> (0, 0)>
#map1 = affine_map<(d0, d1) -> (0, 0, 0)>
module attributes {stable_mosaic.version = 14 : i64} {
  func.func @k(%arg0: i32, %arg1: i32, %arg2: memref<10000x128xf32, #tpu.memory_space<hbm>>, %arg3: memref<32x80x128xi32, #tpu.memory_space<hbm>>, %arg4: memref<32x80x128xi32, #tpu.memory_space<hbm>>, %arg5: memref<128x128xf32, #tpu.memory_space<hbm>>, %arg6: memref<2x10240x128xf32, #tpu.memory_space<hbm>>, %arg7: memref<40x128xi32, #tpu.memory_space<vmem>>, %arg8: memref<40x128xi32, #tpu.memory_space<vmem>>, %arg9: memref<128x128xf32, #tpu.memory_space<vmem>>, %arg10: memref<128x128xf32, #tpu.memory_space<vmem>>, %arg11: memref<10240x128xf32, #tpu.memory_space<vmem_shared>>, %arg12: memref<!tpu.dma_semaphore, #tpu.memory_space<semaphore_mem>>, %arg13: memref<!tpu.dma_semaphore, #tpu.memory_space<semaphore_mem>>, %arg14: memref<!tpu.dma_semaphore, #tpu.memory_space<semaphore_mem>>) attributes {dimension_semantics = [#tpu.dimension_semantics<core_parallel>, #tpu.dimension_semantics<subcore_parallel>], iteration_bounds = array<i64: 2, 16>, scalar_prefetch = 0 : i64, scratch_operands = 8 : i64, tpu.core_type = #tpu.core_type<sc_vector_subcore>, window_params = [{transform_indices = #map}, {transform_indices = #map1}, {transform_indices = #map1}, {transform_indices = #map}, {transform_indices = #map1}]} {
    %mul3A = arith.constant 2 : i32
    %mul3A_0 = arith.muli %arg1, %mul3A : i32
    %add3A = arith.addi %mul3A_0, %arg0 : i32
    "tpu.region"() ({
      %run_scoped3A = tpu.sem_alloc : memref<!tpu.dma_semaphore, #tpu.memory_space<semaphore_mem>>
      tpu.enqueue_dma source(%arg5 : memref<128x128xf32, #tpu.memory_space<hbm>>) target(%arg9 : memref<128x128xf32, #tpu.memory_space<vmem>>) target_semaphore(%run_scoped3A : memref<!tpu.dma_semaphore, #tpu.memory_space<semaphore_mem>>)
      tpu.wait_dma2 semaphore(%run_scoped3A : memref<!tpu.dma_semaphore, #tpu.memory_space<semaphore_mem>>) src(%arg5 : memref<128x128xf32, #tpu.memory_space<hbm>>) dst(%arg9 : memref<128x128xf32, #tpu.memory_space<vmem>>)
      tpu.yield
    }) : () -> ()
    %mul3A_1 = arith.constant 640 : i32
    %mul3A_2 = arith.muli %arg1, %mul3A_1 : i32
    %add3A_3 = arith.constant 0 : i32
    %add3A_4 = arith.addi %mul3A_2, %add3A_3 : i32
    "tpu.region"() ({
      %run_scoped3A = tpu.sem_alloc : memref<!tpu.dma_semaphore, #tpu.memory_space<semaphore_mem>>
      %dma_start3A_102 = arith.constant 0 : i32
      %dma_start3A_103 = tpu.memref_slice %arg11[%add3A_4, %dma_start3A_102] : memref<10240x128xf32, #tpu.memory_space<vmem_shared>> -> memref<128x128xf32, #tpu.memory_space<vmem_shared>>
      %dma_start3A_104 = arith.constant 0 : i32
      %dma_start3A_105 = tpu.memref_slice %arg11[%add3A_4, %dma_start3A_104] : memref<10240x128xf32, #tpu.memory_space<vmem_shared>> -> memref<128x128xf32, #tpu.memory_space<vmem_shared>>
      tpu.enqueue_dma source(%arg9 : memref<128x128xf32, #tpu.memory_space<vmem>>) target(%dma_start3A_105 : memref<128x128xf32, #tpu.memory_space<vmem_shared>>) target_semaphore(%run_scoped3A : memref<!tpu.dma_semaphore, #tpu.memory_space<semaphore_mem>>)
      %dma_wait3A = arith.constant 0 : i32
      %dma_wait3A_106 = tpu.memref_slice %arg11[%add3A_4, %dma_wait3A] : memref<10240x128xf32, #tpu.memory_space<vmem_shared>> -> memref<128x128xf32, #tpu.memory_space<vmem_shared>>
      %dma_wait3A_107 = arith.constant 0 : i32
      %dma_wait3A_108 = tpu.memref_slice %arg11[%add3A_4, %dma_wait3A_107] : memref<10240x128xf32, #tpu.memory_space<vmem_shared>> -> memref<128x128xf32, #tpu.memory_space<vmem_shared>>
      tpu.wait_dma2 semaphore(%run_scoped3A : memref<!tpu.dma_semaphore, #tpu.memory_space<semaphore_mem>>) src(%arg9 : memref<128x128xf32, #tpu.memory_space<vmem>>) dst(%dma_wait3A_108 : memref<128x128xf32, #tpu.memory_space<vmem_shared>>)
      tpu.yield
    }) : () -> ()
    %mul3A_5 = arith.constant 640 : i32
    %mul3A_6 = arith.muli %arg1, %mul3A_5 : i32
    %add3A_7 = arith.constant 128 : i32
    %add3A_8 = arith.addi %mul3A_6, %add3A_7 : i32
    "tpu.region"() ({
      %run_scoped3A = tpu.sem_alloc : memref<!tpu.dma_semaphore, #tpu.memory_space<semaphore_mem>>
      %dma_start3A_102 = arith.constant 0 : i32
      %dma_start3A_103 = tpu.memref_slice %arg11[%add3A_8, %dma_start3A_102] : memref<10240x128xf32, #tpu.memory_space<vmem_shared>> -> memref<128x128xf32, #tpu.memory_space<vmem_shared>>
      %dma_start3A_104 = arith.constant 0 : i32
      %dma_start3A_105 = tpu.memref_slice %arg11[%add3A_8, %dma_start3A_104] : memref<10240x128xf32, #tpu.memory_space<vmem_shared>> -> memref<128x128xf32, #tpu.memory_space<vmem_shared>>
      tpu.enqueue_dma source(%arg9 : memref<128x128xf32, #tpu.memory_space<vmem>>) target(%dma_start3A_105 : memref<128x128xf32, #tpu.memory_space<vmem_shared>>) target_semaphore(%run_scoped3A : memref<!tpu.dma_semaphore, #tpu.memory_space<semaphore_mem>>)
      %dma_wait3A = arith.constant 0 : i32
      %dma_wait3A_106 = tpu.memref_slice %arg11[%add3A_8, %dma_wait3A] : memref<10240x128xf32, #tpu.memory_space<vmem_shared>> -> memref<128x128xf32, #tpu.memory_space<vmem_shared>>
      %dma_wait3A_107 = arith.constant 0 : i32
      %dma_wait3A_108 = tpu.memref_slice %arg11[%add3A_8, %dma_wait3A_107] : memref<10240x128xf32, #tpu.memory_space<vmem_shared>> -> memref<128x128xf32, #tpu.memory_space<vmem_shared>>
      tpu.wait_dma2 semaphore(%run_scoped3A : memref<!tpu.dma_semaphore, #tpu.memory_space<semaphore_mem>>) src(%arg9 : memref<128x128xf32, #tpu.memory_space<vmem>>) dst(%dma_wait3A_108 : memref<128x128xf32, #tpu.memory_space<vmem_shared>>)
      tpu.yield
    }) : () -> ()
    %mul3A_9 = arith.constant 640 : i32
    %mul3A_10 = arith.muli %arg1, %mul3A_9 : i32
    %add3A_11 = arith.constant 256 : i32
    %add3A_12 = arith.addi %mul3A_10, %add3A_11 : i32
    "tpu.region"() ({
      %run_scoped3A = tpu.sem_alloc : memref<!tpu.dma_semaphore, #tpu.memory_space<semaphore_mem>>
      %dma_start3A_102 = arith.constant 0 : i32
      %dma_start3A_103 = tpu.memref_slice %arg11[%add3A_12, %dma_start3A_102] : memref<10240x128xf32, #tpu.memory_space<vmem_shared>> -> memref<128x128xf32, #tpu.memory_space<vmem_shared>>
      %dma_start3A_104 = arith.constant 0 : i32
      %dma_start3A_105 = tpu.memref_slice %arg11[%add3A_12, %dma_start3A_104] : memref<10240x128xf32, #tpu.memory_space<vmem_shared>> -> memref<128x128xf32, #tpu.memory_space<vmem_shared>>
      tpu.enqueue_dma source(%arg9 : memref<128x128xf32, #tpu.memory_space<vmem>>) target(%dma_start3A_105 : memref<128x128xf32, #tpu.memory_space<vmem_shared>>) target_semaphore(%run_scoped3A : memref<!tpu.dma_semaphore, #tpu.memory_space<semaphore_mem>>)
      %dma_wait3A = arith.constant 0 : i32
      %dma_wait3A_106 = tpu.memref_slice %arg11[%add3A_12, %dma_wait3A] : memref<10240x128xf32, #tpu.memory_space<vmem_shared>> -> memref<128x128xf32, #tpu.memory_space<vmem_shared>>
      %dma_wait3A_107 = arith.constant 0 : i32
      %dma_wait3A_108 = tpu.memref_slice %arg11[%add3A_12, %dma_wait3A_107] : memref<10240x128xf32, #tpu.memory_space<vmem_shared>> -> memref<128x128xf32, #tpu.memory_space<vmem_shared>>
      tpu.wait_dma2 semaphore(%run_scoped3A : memref<!tpu.dma_semaphore, #tpu.memory_space<semaphore_mem>>) src(%arg9 : memref<128x128xf32, #tpu.memory_space<vmem>>) dst(%dma_wait3A_108 : memref<128x128xf32, #tpu.memory_space<vmem_shared>>)
      tpu.yield
    }) : () -> ()
    %mul3A_13 = arith.constant 640 : i32
    %mul3A_14 = arith.muli %arg1, %mul3A_13 : i32
    %add3A_15 = arith.constant 384 : i32
    %add3A_16 = arith.addi %mul3A_14, %add3A_15 : i32
    "tpu.region"() ({
      %run_scoped3A = tpu.sem_alloc : memref<!tpu.dma_semaphore, #tpu.memory_space<semaphore_mem>>
      %dma_start3A_102 = arith.constant 0 : i32
      %dma_start3A_103 = tpu.memref_slice %arg11[%add3A_16, %dma_start3A_102] : memref<10240x128xf32, #tpu.memory_space<vmem_shared>> -> memref<128x128xf32, #tpu.memory_space<vmem_shared>>
      %dma_start3A_104 = arith.constant 0 : i32
      %dma_start3A_105 = tpu.memref_slice %arg11[%add3A_16, %dma_start3A_104] : memref<10240x128xf32, #tpu.memory_space<vmem_shared>> -> memref<128x128xf32, #tpu.memory_space<vmem_shared>>
      tpu.enqueue_dma source(%arg9 : memref<128x128xf32, #tpu.memory_space<vmem>>) target(%dma_start3A_105 : memref<128x128xf32, #tpu.memory_space<vmem_shared>>) target_semaphore(%run_scoped3A : memref<!tpu.dma_semaphore, #tpu.memory_space<semaphore_mem>>)
      %dma_wait3A = arith.constant 0 : i32
      %dma_wait3A_106 = tpu.memref_slice %arg11[%add3A_16, %dma_wait3A] : memref<10240x128xf32, #tpu.memory_space<vmem_shared>> -> memref<128x128xf32, #tpu.memory_space<vmem_shared>>
      %dma_wait3A_107 = arith.constant 0 : i32
      %dma_wait3A_108 = tpu.memref_slice %arg11[%add3A_16, %dma_wait3A_107] : memref<10240x128xf32, #tpu.memory_space<vmem_shared>> -> memref<128x128xf32, #tpu.memory_space<vmem_shared>>
      tpu.wait_dma2 semaphore(%run_scoped3A : memref<!tpu.dma_semaphore, #tpu.memory_space<semaphore_mem>>) src(%arg9 : memref<128x128xf32, #tpu.memory_space<vmem>>) dst(%dma_wait3A_108 : memref<128x128xf32, #tpu.memory_space<vmem_shared>>)
      tpu.yield
    }) : () -> ()
    %mul3A_17 = arith.constant 640 : i32
    %mul3A_18 = arith.muli %arg1, %mul3A_17 : i32
    %add3A_19 = arith.constant 512 : i32
    %add3A_20 = arith.addi %mul3A_18, %add3A_19 : i32
    "tpu.region"() ({
      %run_scoped3A = tpu.sem_alloc : memref<!tpu.dma_semaphore, #tpu.memory_space<semaphore_mem>>
      %dma_start3A_102 = arith.constant 0 : i32
      %dma_start3A_103 = tpu.memref_slice %arg11[%add3A_20, %dma_start3A_102] : memref<10240x128xf32, #tpu.memory_space<vmem_shared>> -> memref<128x128xf32, #tpu.memory_space<vmem_shared>>
      %dma_start3A_104 = arith.constant 0 : i32
      %dma_start3A_105 = tpu.memref_slice %arg11[%add3A_20, %dma_start3A_104] : memref<10240x128xf32, #tpu.memory_space<vmem_shared>> -> memref<128x128xf32, #tpu.memory_space<vmem_shared>>
      tpu.enqueue_dma source(%arg9 : memref<128x128xf32, #tpu.memory_space<vmem>>) target(%dma_start3A_105 : memref<128x128xf32, #tpu.memory_space<vmem_shared>>) target_semaphore(%run_scoped3A : memref<!tpu.dma_semaphore, #tpu.memory_space<semaphore_mem>>)
      %dma_wait3A = arith.constant 0 : i32
      %dma_wait3A_106 = tpu.memref_slice %arg11[%add3A_20, %dma_wait3A] : memref<10240x128xf32, #tpu.memory_space<vmem_shared>> -> memref<128x128xf32, #tpu.memory_space<vmem_shared>>
      %dma_wait3A_107 = arith.constant 0 : i32
      %dma_wait3A_108 = tpu.memref_slice %arg11[%add3A_20, %dma_wait3A_107] : memref<10240x128xf32, #tpu.memory_space<vmem_shared>> -> memref<128x128xf32, #tpu.memory_space<vmem_shared>>
      tpu.wait_dma2 semaphore(%run_scoped3A : memref<!tpu.dma_semaphore, #tpu.memory_space<semaphore_mem>>) src(%arg9 : memref<128x128xf32, #tpu.memory_space<vmem>>) dst(%dma_wait3A_108 : memref<128x128xf32, #tpu.memory_space<vmem_shared>>)
      tpu.yield
    }) : () -> ()
    %barrier3A = arith.constant 0 : index
    tpu.barrier barrier_id(%barrier3A)
    "tpu.region"() ({
      %run_scoped3A = tpu.sem_alloc : memref<!tpu.dma_semaphore, #tpu.memory_space<semaphore_mem>>
      %dma_start3A_102 = arith.constant 0 : i32
      %dma_start3A_103 = arith.constant 0 : i32
      %dma_start3A_104 = tpu.memref_slice %arg3[%add3A, %dma_start3A_102, %dma_start3A_103] : memref<32x80x128xi32, #tpu.memory_space<hbm>> -> memref<1x40x128xi32, #tpu.memory_space<hbm>>
      %dma_start3A_105 = tpu.memref_squeeze %dma_start3A_104 : memref<1x40x128xi32, #tpu.memory_space<hbm>> -> memref<40x128xi32, #tpu.memory_space<hbm>>
      %dma_start3A_106 = arith.constant 0 : i32
      %dma_start3A_107 = arith.constant 0 : i32
      %dma_start3A_108 = tpu.memref_slice %arg3[%add3A, %dma_start3A_106, %dma_start3A_107] : memref<32x80x128xi32, #tpu.memory_space<hbm>> -> memref<1x40x128xi32, #tpu.memory_space<hbm>>
      %dma_start3A_109 = tpu.memref_squeeze %dma_start3A_108 : memref<1x40x128xi32, #tpu.memory_space<hbm>> -> memref<40x128xi32, #tpu.memory_space<hbm>>
      tpu.enqueue_dma source(%dma_start3A_109 : memref<40x128xi32, #tpu.memory_space<hbm>>) target(%arg7 : memref<40x128xi32, #tpu.memory_space<vmem>>) target_semaphore(%run_scoped3A : memref<!tpu.dma_semaphore, #tpu.memory_space<semaphore_mem>>)
      %dma_wait3A = arith.constant 0 : i32
      %dma_wait3A_110 = arith.constant 0 : i32
      %dma_wait3A_111 = tpu.memref_slice %arg3[%add3A, %dma_wait3A, %dma_wait3A_110] : memref<32x80x128xi32, #tpu.memory_space<hbm>> -> memref<1x40x128xi32, #tpu.memory_space<hbm>>
      %dma_wait3A_112 = tpu.memref_squeeze %dma_wait3A_111 : memref<1x40x128xi32, #tpu.memory_space<hbm>> -> memref<40x128xi32, #tpu.memory_space<hbm>>
      %dma_wait3A_113 = arith.constant 0 : i32
      %dma_wait3A_114 = arith.constant 0 : i32
      %dma_wait3A_115 = tpu.memref_slice %arg3[%add3A, %dma_wait3A_113, %dma_wait3A_114] : memref<32x80x128xi32, #tpu.memory_space<hbm>> -> memref<1x40x128xi32, #tpu.memory_space<hbm>>
      %dma_wait3A_116 = tpu.memref_squeeze %dma_wait3A_115 : memref<1x40x128xi32, #tpu.memory_space<hbm>> -> memref<40x128xi32, #tpu.memory_space<hbm>>
      tpu.wait_dma2 semaphore(%run_scoped3A : memref<!tpu.dma_semaphore, #tpu.memory_space<semaphore_mem>>) src(%dma_wait3A_116 : memref<40x128xi32, #tpu.memory_space<hbm>>) dst(%arg7 : memref<40x128xi32, #tpu.memory_space<vmem>>)
      tpu.yield
    }) : () -> ()
    "tpu.region"() ({
      %run_scoped3A = tpu.sem_alloc : memref<!tpu.dma_semaphore, #tpu.memory_space<semaphore_mem>>
      %dma_start3A_102 = arith.constant 0 : i32
      %dma_start3A_103 = arith.constant 0 : i32
      %dma_start3A_104 = tpu.memref_slice %arg4[%add3A, %dma_start3A_102, %dma_start3A_103] : memref<32x80x128xi32, #tpu.memory_space<hbm>> -> memref<1x40x128xi32, #tpu.memory_space<hbm>>
      %dma_start3A_105 = tpu.memref_squeeze %dma_start3A_104 : memref<1x40x128xi32, #tpu.memory_space<hbm>> -> memref<40x128xi32, #tpu.memory_space<hbm>>
      %dma_start3A_106 = arith.constant 0 : i32
      %dma_start3A_107 = arith.constant 0 : i32
      %dma_start3A_108 = tpu.memref_slice %arg4[%add3A, %dma_start3A_106, %dma_start3A_107] : memref<32x80x128xi32, #tpu.memory_space<hbm>> -> memref<1x40x128xi32, #tpu.memory_space<hbm>>
      %dma_start3A_109 = tpu.memref_squeeze %dma_start3A_108 : memref<1x40x128xi32, #tpu.memory_space<hbm>> -> memref<40x128xi32, #tpu.memory_space<hbm>>
      tpu.enqueue_dma source(%dma_start3A_109 : memref<40x128xi32, #tpu.memory_space<hbm>>) target(%arg8 : memref<40x128xi32, #tpu.memory_space<vmem>>) target_semaphore(%run_scoped3A : memref<!tpu.dma_semaphore, #tpu.memory_space<semaphore_mem>>)
      %dma_wait3A = arith.constant 0 : i32
      %dma_wait3A_110 = arith.constant 0 : i32
      %dma_wait3A_111 = tpu.memref_slice %arg4[%add3A, %dma_wait3A, %dma_wait3A_110] : memref<32x80x128xi32, #tpu.memory_space<hbm>> -> memref<1x40x128xi32, #tpu.memory_space<hbm>>
      %dma_wait3A_112 = tpu.memref_squeeze %dma_wait3A_111 : memref<1x40x128xi32, #tpu.memory_space<hbm>> -> memref<40x128xi32, #tpu.memory_space<hbm>>
      %dma_wait3A_113 = arith.constant 0 : i32
      %dma_wait3A_114 = arith.constant 0 : i32
      %dma_wait3A_115 = tpu.memref_slice %arg4[%add3A, %dma_wait3A_113, %dma_wait3A_114] : memref<32x80x128xi32, #tpu.memory_space<hbm>> -> memref<1x40x128xi32, #tpu.memory_space<hbm>>
      %dma_wait3A_116 = tpu.memref_squeeze %dma_wait3A_115 : memref<1x40x128xi32, #tpu.memory_space<hbm>> -> memref<40x128xi32, #tpu.memory_space<hbm>>
      tpu.wait_dma2 semaphore(%run_scoped3A : memref<!tpu.dma_semaphore, #tpu.memory_space<semaphore_mem>>) src(%dma_wait3A_116 : memref<40x128xi32, #tpu.memory_space<hbm>>) dst(%arg8 : memref<40x128xi32, #tpu.memory_space<vmem>>)
      tpu.yield
    }) : () -> ()
    %dma_start3A = arith.constant 0 : i32
    %dma_start3A_21 = arith.constant 0 : i32
    %dma_start3A_22 = tpu.memref_slice %arg7[%dma_start3A, %dma_start3A_21] : memref<40x128xi32, #tpu.memory_space<vmem>> -> memref<1x128xi32, #tpu.memory_space<vmem>>
    %dma_start3A_23 = tpu.memref_squeeze %dma_start3A_22 : memref<1x128xi32, #tpu.memory_space<vmem>> -> memref<128xi32, #tpu.memory_space<vmem>>
    %dma_start3A_24 = arith.constant 0 : i32
    %dma_start3A_25 = arith.constant 0 : i32
    %dma_start3A_26 = tpu.memref_slice %arg2[%dma_start3A_24, %dma_start3A_25] : memref<10000x128xf32, #tpu.memory_space<hbm>> -> memref<10000x128xf32, #tpu.memory_space<hbm>>
    tpu.enqueue_indirect_dma source(%dma_start3A_26 : memref<10000x128xf32, #tpu.memory_space<hbm>>) target(%arg9 : memref<128x128xf32, #tpu.memory_space<vmem>>) offsets(%dma_start3A_23 : memref<128xi32, #tpu.memory_space<vmem>>) semaphore(%arg12 : memref<!tpu.dma_semaphore, #tpu.memory_space<semaphore_mem>>)
    %dma_start3A_27 = arith.constant 1 : i32
    %dma_start3A_28 = arith.constant 0 : i32
    %dma_start3A_29 = tpu.memref_slice %arg7[%dma_start3A_27, %dma_start3A_28] : memref<40x128xi32, #tpu.memory_space<vmem>> -> memref<1x128xi32, #tpu.memory_space<vmem>>
    %dma_start3A_30 = tpu.memref_squeeze %dma_start3A_29 : memref<1x128xi32, #tpu.memory_space<vmem>> -> memref<128xi32, #tpu.memory_space<vmem>>
    %dma_start3A_31 = arith.constant 0 : i32
    %dma_start3A_32 = arith.constant 0 : i32
    %dma_start3A_33 = tpu.memref_slice %arg2[%dma_start3A_31, %dma_start3A_32] : memref<10000x128xf32, #tpu.memory_space<hbm>> -> memref<10000x128xf32, #tpu.memory_space<hbm>>
    tpu.enqueue_indirect_dma source(%dma_start3A_33 : memref<10000x128xf32, #tpu.memory_space<hbm>>) target(%arg10 : memref<128x128xf32, #tpu.memory_space<vmem>>) offsets(%dma_start3A_30 : memref<128xi32, #tpu.memory_space<vmem>>) semaphore(%arg13 : memref<!tpu.dma_semaphore, #tpu.memory_space<semaphore_mem>>)
    %scan3A = arith.constant 0 : i32
    %scan3A_34 = arith.constant 0 : i32
    %scan3A_35 = arith.constant 20 : i32
    %scan3A_36 = arith.addi %scan3A_34, %scan3A_35 : i32
    %scan3A_37 = arith.constant 1 : i32
    %scan3A_38 = scf.for %scan3A_102 = %scan3A_34 to %scan3A_36 step %scan3A_37 iter_args(%scan3A_103 = %scan3A) -> (i32)  : i32 {
      %mul3A_104 = arith.constant 2 : i32
      %mul3A_105 = arith.muli %mul3A_104, %scan3A_102 : i32
      %add3A_106 = arith.constant 0 : i32
      %add3A_107 = arith.addi %mul3A_105, %add3A_106 : i32
      %dma_wait3A = arith.constant 0 : i32
      %dma_wait3A_108 = tpu.memref_slice %arg7[%add3A_107, %dma_wait3A] : memref<40x128xi32, #tpu.memory_space<vmem>> -> memref<1x128xi32, #tpu.memory_space<vmem>>
      %dma_wait3A_109 = tpu.memref_squeeze %dma_wait3A_108 : memref<1x128xi32, #tpu.memory_space<vmem>> -> memref<128xi32, #tpu.memory_space<vmem>>
      %dma_wait3A_110 = arith.constant 0 : i32
      %dma_wait3A_111 = arith.constant 0 : i32
      %dma_wait3A_112 = tpu.memref_slice %arg2[%dma_wait3A_110, %dma_wait3A_111] : memref<10000x128xf32, #tpu.memory_space<hbm>> -> memref<10000x128xf32, #tpu.memory_space<hbm>>
      tpu.wait_indirect_dma semaphore(%arg12 : memref<!tpu.dma_semaphore, #tpu.memory_space<semaphore_mem>>) src(%dma_wait3A_112 : memref<10000x128xf32, #tpu.memory_space<hbm>>) dst(%arg9 : memref<128x128xf32, #tpu.memory_space<vmem>>)
      %dma_start3A_113 = arith.constant 0 : i32
      %dma_start3A_114 = tpu.memref_slice %arg8[%add3A_107, %dma_start3A_113] : memref<40x128xi32, #tpu.memory_space<vmem>> -> memref<1x128xi32, #tpu.memory_space<vmem>>
      %dma_start3A_115 = tpu.memref_squeeze %dma_start3A_114 : memref<1x128xi32, #tpu.memory_space<vmem>> -> memref<128xi32, #tpu.memory_space<vmem>>
      %dma_start3A_116 = arith.constant 0 : i32
      %dma_start3A_117 = arith.constant 0 : i32
      %dma_start3A_118 = tpu.memref_slice %arg11[%dma_start3A_116, %dma_start3A_117] : memref<10240x128xf32, #tpu.memory_space<vmem_shared>> -> memref<10240x128xf32, #tpu.memory_space<vmem_shared>>
      tpu.enqueue_indirect_dma source(%arg9 : memref<128x128xf32, #tpu.memory_space<vmem>>) target(%dma_start3A_118 : memref<10240x128xf32, #tpu.memory_space<vmem_shared>>) offsets(%dma_start3A_115 : memref<128xi32, #tpu.memory_space<vmem>>) semaphore(%arg14 : memref<!tpu.dma_semaphore, #tpu.memory_space<semaphore_mem>>) {add = true}
      %dma_wait3A_119 = arith.constant 0 : i32
      %dma_wait3A_120 = tpu.memref_slice %arg8[%add3A_107, %dma_wait3A_119] : memref<40x128xi32, #tpu.memory_space<vmem>> -> memref<1x128xi32, #tpu.memory_space<vmem>>
      %dma_wait3A_121 = tpu.memref_squeeze %dma_wait3A_120 : memref<1x128xi32, #tpu.memory_space<vmem>> -> memref<128xi32, #tpu.memory_space<vmem>>
      %dma_wait3A_122 = arith.constant 0 : i32
      %dma_wait3A_123 = arith.constant 0 : i32
      %dma_wait3A_124 = tpu.memref_slice %arg11[%dma_wait3A_122, %dma_wait3A_123] : memref<10240x128xf32, #tpu.memory_space<vmem_shared>> -> memref<10240x128xf32, #tpu.memory_space<vmem_shared>>
      tpu.wait_indirect_dma semaphore(%arg14 : memref<!tpu.dma_semaphore, #tpu.memory_space<semaphore_mem>>) src(%arg9 : memref<128x128xf32, #tpu.memory_space<vmem>>) dst(%dma_wait3A_124 : memref<10240x128xf32, #tpu.memory_space<vmem_shared>>)
      %add3A_125 = arith.constant 2 : i32
      %add3A_126 = arith.addi %add3A_107, %add3A_125 : i32
      %lt3A = arith.constant 40 : i32
      %lt3A_127 = arith.cmpi slt, %add3A_126, %lt3A : i32
      %convert_element_type3A = arith.extui %lt3A_127 : i1 to i32
      %cond3A = arith.constant 0 : i32
      %cond3A_128 = arith.cmpi ne, %convert_element_type3A, %cond3A : i32
      scf.if %cond3A_128 {
        %add3A_159 = arith.constant 2 : i32
        %add3A_160 = arith.addi %add3A_107, %add3A_159 : i32
        %dma_start3A_161 = arith.constant 0 : i32
        %dma_start3A_162 = tpu.memref_slice %arg7[%add3A_160, %dma_start3A_161] : memref<40x128xi32, #tpu.memory_space<vmem>> -> memref<1x128xi32, #tpu.memory_space<vmem>>
        %dma_start3A_163 = tpu.memref_squeeze %dma_start3A_162 : memref<1x128xi32, #tpu.memory_space<vmem>> -> memref<128xi32, #tpu.memory_space<vmem>>
        %dma_start3A_164 = arith.constant 0 : i32
        %dma_start3A_165 = arith.constant 0 : i32
        %dma_start3A_166 = tpu.memref_slice %arg2[%dma_start3A_164, %dma_start3A_165] : memref<10000x128xf32, #tpu.memory_space<hbm>> -> memref<10000x128xf32, #tpu.memory_space<hbm>>
        tpu.enqueue_indirect_dma source(%dma_start3A_166 : memref<10000x128xf32, #tpu.memory_space<hbm>>) target(%arg9 : memref<128x128xf32, #tpu.memory_space<vmem>>) offsets(%dma_start3A_163 : memref<128xi32, #tpu.memory_space<vmem>>) semaphore(%arg12 : memref<!tpu.dma_semaphore, #tpu.memory_space<semaphore_mem>>)
      } else {
      }
      %mul3A_129 = arith.constant 2 : i32
      %mul3A_130 = arith.muli %mul3A_129, %scan3A_102 : i32
      %add3A_131 = arith.constant 1 : i32
      %add3A_132 = arith.addi %mul3A_130, %add3A_131 : i32
      %dma_wait3A_133 = arith.constant 0 : i32
      %dma_wait3A_134 = tpu.memref_slice %arg7[%add3A_132, %dma_wait3A_133] : memref<40x128xi32, #tpu.memory_space<vmem>> -> memref<1x128xi32, #tpu.memory_space<vmem>>
      %dma_wait3A_135 = tpu.memref_squeeze %dma_wait3A_134 : memref<1x128xi32, #tpu.memory_space<vmem>> -> memref<128xi32, #tpu.memory_space<vmem>>
      %dma_wait3A_136 = arith.constant 0 : i32
      %dma_wait3A_137 = arith.constant 0 : i32
      %dma_wait3A_138 = tpu.memref_slice %arg2[%dma_wait3A_136, %dma_wait3A_137] : memref<10000x128xf32, #tpu.memory_space<hbm>> -> memref<10000x128xf32, #tpu.memory_space<hbm>>
      tpu.wait_indirect_dma semaphore(%arg13 : memref<!tpu.dma_semaphore, #tpu.memory_space<semaphore_mem>>) src(%dma_wait3A_138 : memref<10000x128xf32, #tpu.memory_space<hbm>>) dst(%arg10 : memref<128x128xf32, #tpu.memory_space<vmem>>)
      %dma_start3A_139 = arith.constant 0 : i32
      %dma_start3A_140 = tpu.memref_slice %arg8[%add3A_132, %dma_start3A_139] : memref<40x128xi32, #tpu.memory_space<vmem>> -> memref<1x128xi32, #tpu.memory_space<vmem>>
      %dma_start3A_141 = tpu.memref_squeeze %dma_start3A_140 : memref<1x128xi32, #tpu.memory_space<vmem>> -> memref<128xi32, #tpu.memory_space<vmem>>
      %dma_start3A_142 = arith.constant 0 : i32
      %dma_start3A_143 = arith.constant 0 : i32
      %dma_start3A_144 = tpu.memref_slice %arg11[%dma_start3A_142, %dma_start3A_143] : memref<10240x128xf32, #tpu.memory_space<vmem_shared>> -> memref<10240x128xf32, #tpu.memory_space<vmem_shared>>
      tpu.enqueue_indirect_dma source(%arg10 : memref<128x128xf32, #tpu.memory_space<vmem>>) target(%dma_start3A_144 : memref<10240x128xf32, #tpu.memory_space<vmem_shared>>) offsets(%dma_start3A_141 : memref<128xi32, #tpu.memory_space<vmem>>) semaphore(%arg14 : memref<!tpu.dma_semaphore, #tpu.memory_space<semaphore_mem>>) {add = true}
      %dma_wait3A_145 = arith.constant 0 : i32
      %dma_wait3A_146 = tpu.memref_slice %arg8[%add3A_132, %dma_wait3A_145] : memref<40x128xi32, #tpu.memory_space<vmem>> -> memref<1x128xi32, #tpu.memory_space<vmem>>
      %dma_wait3A_147 = tpu.memref_squeeze %dma_wait3A_146 : memref<1x128xi32, #tpu.memory_space<vmem>> -> memref<128xi32, #tpu.memory_space<vmem>>
      %dma_wait3A_148 = arith.constant 0 : i32
      %dma_wait3A_149 = arith.constant 0 : i32
      %dma_wait3A_150 = tpu.memref_slice %arg11[%dma_wait3A_148, %dma_wait3A_149] : memref<10240x128xf32, #tpu.memory_space<vmem_shared>> -> memref<10240x128xf32, #tpu.memory_space<vmem_shared>>
      tpu.wait_indirect_dma semaphore(%arg14 : memref<!tpu.dma_semaphore, #tpu.memory_space<semaphore_mem>>) src(%arg10 : memref<128x128xf32, #tpu.memory_space<vmem>>) dst(%dma_wait3A_150 : memref<10240x128xf32, #tpu.memory_space<vmem_shared>>)
      %add3A_151 = arith.constant 2 : i32
      %add3A_152 = arith.addi %add3A_132, %add3A_151 : i32
      %lt3A_153 = arith.constant 40 : i32
      %lt3A_154 = arith.cmpi slt, %add3A_152, %lt3A_153 : i32
      %convert_element_type3A_155 = arith.extui %lt3A_154 : i1 to i32
      %cond3A_156 = arith.constant 0 : i32
      %cond3A_157 = arith.cmpi ne, %convert_element_type3A_155, %cond3A_156 : i32
      scf.if %cond3A_157 {
        %add3A_159 = arith.constant 2 : i32
        %add3A_160 = arith.addi %add3A_132, %add3A_159 : i32
        %dma_start3A_161 = arith.constant 0 : i32
        %dma_start3A_162 = tpu.memref_slice %arg7[%add3A_160, %dma_start3A_161] : memref<40x128xi32, #tpu.memory_space<vmem>> -> memref<1x128xi32, #tpu.memory_space<vmem>>
        %dma_start3A_163 = tpu.memref_squeeze %dma_start3A_162 : memref<1x128xi32, #tpu.memory_space<vmem>> -> memref<128xi32, #tpu.memory_space<vmem>>
        %dma_start3A_164 = arith.constant 0 : i32
        %dma_start3A_165 = arith.constant 0 : i32
        %dma_start3A_166 = tpu.memref_slice %arg2[%dma_start3A_164, %dma_start3A_165] : memref<10000x128xf32, #tpu.memory_space<hbm>> -> memref<10000x128xf32, #tpu.memory_space<hbm>>
        tpu.enqueue_indirect_dma source(%dma_start3A_166 : memref<10000x128xf32, #tpu.memory_space<hbm>>) target(%arg10 : memref<128x128xf32, #tpu.memory_space<vmem>>) offsets(%dma_start3A_163 : memref<128xi32, #tpu.memory_space<vmem>>) semaphore(%arg13 : memref<!tpu.dma_semaphore, #tpu.memory_space<semaphore_mem>>)
      } else {
      }
      %scan3A_158 = arith.constant 0 : i32
      scf.yield %scan3A_158 : i32
    }
    %scan3A_39 = arith.constant 20 : i32
    "tpu.region"() ({
      %run_scoped3A = tpu.sem_alloc : memref<!tpu.dma_semaphore, #tpu.memory_space<semaphore_mem>>
      %dma_start3A_102 = arith.constant 40 : i32
      %dma_start3A_103 = arith.constant 0 : i32
      %dma_start3A_104 = tpu.memref_slice %arg3[%add3A, %dma_start3A_102, %dma_start3A_103] : memref<32x80x128xi32, #tpu.memory_space<hbm>> -> memref<1x40x128xi32, #tpu.memory_space<hbm>>
      %dma_start3A_105 = tpu.memref_squeeze %dma_start3A_104 : memref<1x40x128xi32, #tpu.memory_space<hbm>> -> memref<40x128xi32, #tpu.memory_space<hbm>>
      %dma_start3A_106 = arith.constant 40 : i32
      %dma_start3A_107 = arith.constant 0 : i32
      %dma_start3A_108 = tpu.memref_slice %arg3[%add3A, %dma_start3A_106, %dma_start3A_107] : memref<32x80x128xi32, #tpu.memory_space<hbm>> -> memref<1x40x128xi32, #tpu.memory_space<hbm>>
      %dma_start3A_109 = tpu.memref_squeeze %dma_start3A_108 : memref<1x40x128xi32, #tpu.memory_space<hbm>> -> memref<40x128xi32, #tpu.memory_space<hbm>>
      tpu.enqueue_dma source(%dma_start3A_109 : memref<40x128xi32, #tpu.memory_space<hbm>>) target(%arg7 : memref<40x128xi32, #tpu.memory_space<vmem>>) target_semaphore(%run_scoped3A : memref<!tpu.dma_semaphore, #tpu.memory_space<semaphore_mem>>)
      %dma_wait3A = arith.constant 40 : i32
      %dma_wait3A_110 = arith.constant 0 : i32
      %dma_wait3A_111 = tpu.memref_slice %arg3[%add3A, %dma_wait3A, %dma_wait3A_110] : memref<32x80x128xi32, #tpu.memory_space<hbm>> -> memref<1x40x128xi32, #tpu.memory_space<hbm>>
      %dma_wait3A_112 = tpu.memref_squeeze %dma_wait3A_111 : memref<1x40x128xi32, #tpu.memory_space<hbm>> -> memref<40x128xi32, #tpu.memory_space<hbm>>
      %dma_wait3A_113 = arith.constant 40 : i32
      %dma_wait3A_114 = arith.constant 0 : i32
      %dma_wait3A_115 = tpu.memref_slice %arg3[%add3A, %dma_wait3A_113, %dma_wait3A_114] : memref<32x80x128xi32, #tpu.memory_space<hbm>> -> memref<1x40x128xi32, #tpu.memory_space<hbm>>
      %dma_wait3A_116 = tpu.memref_squeeze %dma_wait3A_115 : memref<1x40x128xi32, #tpu.memory_space<hbm>> -> memref<40x128xi32, #tpu.memory_space<hbm>>
      tpu.wait_dma2 semaphore(%run_scoped3A : memref<!tpu.dma_semaphore, #tpu.memory_space<semaphore_mem>>) src(%dma_wait3A_116 : memref<40x128xi32, #tpu.memory_space<hbm>>) dst(%arg7 : memref<40x128xi32, #tpu.memory_space<vmem>>)
      tpu.yield
    }) : () -> ()
    "tpu.region"() ({
      %run_scoped3A = tpu.sem_alloc : memref<!tpu.dma_semaphore, #tpu.memory_space<semaphore_mem>>
      %dma_start3A_102 = arith.constant 40 : i32
      %dma_start3A_103 = arith.constant 0 : i32
      %dma_start3A_104 = tpu.memref_slice %arg4[%add3A, %dma_start3A_102, %dma_start3A_103] : memref<32x80x128xi32, #tpu.memory_space<hbm>> -> memref<1x40x128xi32, #tpu.memory_space<hbm>>
      %dma_start3A_105 = tpu.memref_squeeze %dma_start3A_104 : memref<1x40x128xi32, #tpu.memory_space<hbm>> -> memref<40x128xi32, #tpu.memory_space<hbm>>
      %dma_start3A_106 = arith.constant 40 : i32
      %dma_start3A_107 = arith.constant 0 : i32
      %dma_start3A_108 = tpu.memref_slice %arg4[%add3A, %dma_start3A_106, %dma_start3A_107] : memref<32x80x128xi32, #tpu.memory_space<hbm>> -> memref<1x40x128xi32, #tpu.memory_space<hbm>>
      %dma_start3A_109 = tpu.memref_squeeze %dma_start3A_108 : memref<1x40x128xi32, #tpu.memory_space<hbm>> -> memref<40x128xi32, #tpu.memory_space<hbm>>
      tpu.enqueue_dma source(%dma_start3A_109 : memref<40x128xi32, #tpu.memory_space<hbm>>) target(%arg8 : memref<40x128xi32, #tpu.memory_space<vmem>>) target_semaphore(%run_scoped3A : memref<!tpu.dma_semaphore, #tpu.memory_space<semaphore_mem>>)
      %dma_wait3A = arith.constant 40 : i32
      %dma_wait3A_110 = arith.constant 0 : i32
      %dma_wait3A_111 = tpu.memref_slice %arg4[%add3A, %dma_wait3A, %dma_wait3A_110] : memref<32x80x128xi32, #tpu.memory_space<hbm>> -> memref<1x40x128xi32, #tpu.memory_space<hbm>>
      %dma_wait3A_112 = tpu.memref_squeeze %dma_wait3A_111 : memref<1x40x128xi32, #tpu.memory_space<hbm>> -> memref<40x128xi32, #tpu.memory_space<hbm>>
      %dma_wait3A_113 = arith.constant 40 : i32
      %dma_wait3A_114 = arith.constant 0 : i32
      %dma_wait3A_115 = tpu.memref_slice %arg4[%add3A, %dma_wait3A_113, %dma_wait3A_114] : memref<32x80x128xi32, #tpu.memory_space<hbm>> -> memref<1x40x128xi32, #tpu.memory_space<hbm>>
      %dma_wait3A_116 = tpu.memref_squeeze %dma_wait3A_115 : memref<1x40x128xi32, #tpu.memory_space<hbm>> -> memref<40x128xi32, #tpu.memory_space<hbm>>
      tpu.wait_dma2 semaphore(%run_scoped3A : memref<!tpu.dma_semaphore, #tpu.memory_space<semaphore_mem>>) src(%dma_wait3A_116 : memref<40x128xi32, #tpu.memory_space<hbm>>) dst(%arg8 : memref<40x128xi32, #tpu.memory_space<vmem>>)
      tpu.yield
    }) : () -> ()
    %dma_start3A_40 = arith.constant 0 : i32
    %dma_start3A_41 = arith.constant 0 : i32
    %dma_start3A_42 = tpu.memref_slice %arg7[%dma_start3A_40, %dma_start3A_41] : memref<40x128xi32, #tpu.memory_space<vmem>> -> memref<1x128xi32, #tpu.memory_space<vmem>>
    %dma_start3A_43 = tpu.memref_squeeze %dma_start3A_42 : memref<1x128xi32, #tpu.memory_space<vmem>> -> memref<128xi32, #tpu.memory_space<vmem>>
    %dma_start3A_44 = arith.constant 0 : i32
    %dma_start3A_45 = arith.constant 0 : i32
    %dma_start3A_46 = tpu.memref_slice %arg2[%dma_start3A_44, %dma_start3A_45] : memref<10000x128xf32, #tpu.memory_space<hbm>> -> memref<10000x128xf32, #tpu.memory_space<hbm>>
    tpu.enqueue_indirect_dma source(%dma_start3A_46 : memref<10000x128xf32, #tpu.memory_space<hbm>>) target(%arg9 : memref<128x128xf32, #tpu.memory_space<vmem>>) offsets(%dma_start3A_43 : memref<128xi32, #tpu.memory_space<vmem>>) semaphore(%arg12 : memref<!tpu.dma_semaphore, #tpu.memory_space<semaphore_mem>>)
    %dma_start3A_47 = arith.constant 1 : i32
    %dma_start3A_48 = arith.constant 0 : i32
    %dma_start3A_49 = tpu.memref_slice %arg7[%dma_start3A_47, %dma_start3A_48] : memref<40x128xi32, #tpu.memory_space<vmem>> -> memref<1x128xi32, #tpu.memory_space<vmem>>
    %dma_start3A_50 = tpu.memref_squeeze %dma_start3A_49 : memref<1x128xi32, #tpu.memory_space<vmem>> -> memref<128xi32, #tpu.memory_space<vmem>>
    %dma_start3A_51 = arith.constant 0 : i32
    %dma_start3A_52 = arith.constant 0 : i32
    %dma_start3A_53 = tpu.memref_slice %arg2[%dma_start3A_51, %dma_start3A_52] : memref<10000x128xf32, #tpu.memory_space<hbm>> -> memref<10000x128xf32, #tpu.memory_space<hbm>>
    tpu.enqueue_indirect_dma source(%dma_start3A_53 : memref<10000x128xf32, #tpu.memory_space<hbm>>) target(%arg10 : memref<128x128xf32, #tpu.memory_space<vmem>>) offsets(%dma_start3A_50 : memref<128xi32, #tpu.memory_space<vmem>>) semaphore(%arg13 : memref<!tpu.dma_semaphore, #tpu.memory_space<semaphore_mem>>)
    %scan3A_54 = arith.constant 0 : i32
    %scan3A_55 = arith.constant 0 : i32
    %scan3A_56 = arith.constant 20 : i32
    %scan3A_57 = arith.addi %scan3A_55, %scan3A_56 : i32
    %scan3A_58 = arith.constant 1 : i32
    %scan3A_59 = scf.for %scan3A_102 = %scan3A_55 to %scan3A_57 step %scan3A_58 iter_args(%scan3A_103 = %scan3A_54) -> (i32)  : i32 {
      %mul3A_104 = arith.constant 2 : i32
      %mul3A_105 = arith.muli %mul3A_104, %scan3A_102 : i32
      %add3A_106 = arith.constant 0 : i32
      %add3A_107 = arith.addi %mul3A_105, %add3A_106 : i32
      %dma_wait3A = arith.constant 0 : i32
      %dma_wait3A_108 = tpu.memref_slice %arg7[%add3A_107, %dma_wait3A] : memref<40x128xi32, #tpu.memory_space<vmem>> -> memref<1x128xi32, #tpu.memory_space<vmem>>
      %dma_wait3A_109 = tpu.memref_squeeze %dma_wait3A_108 : memref<1x128xi32, #tpu.memory_space<vmem>> -> memref<128xi32, #tpu.memory_space<vmem>>
      %dma_wait3A_110 = arith.constant 0 : i32
      %dma_wait3A_111 = arith.constant 0 : i32
      %dma_wait3A_112 = tpu.memref_slice %arg2[%dma_wait3A_110, %dma_wait3A_111] : memref<10000x128xf32, #tpu.memory_space<hbm>> -> memref<10000x128xf32, #tpu.memory_space<hbm>>
      tpu.wait_indirect_dma semaphore(%arg12 : memref<!tpu.dma_semaphore, #tpu.memory_space<semaphore_mem>>) src(%dma_wait3A_112 : memref<10000x128xf32, #tpu.memory_space<hbm>>) dst(%arg9 : memref<128x128xf32, #tpu.memory_space<vmem>>)
      %dma_start3A_113 = arith.constant 0 : i32
      %dma_start3A_114 = tpu.memref_slice %arg8[%add3A_107, %dma_start3A_113] : memref<40x128xi32, #tpu.memory_space<vmem>> -> memref<1x128xi32, #tpu.memory_space<vmem>>
      %dma_start3A_115 = tpu.memref_squeeze %dma_start3A_114 : memref<1x128xi32, #tpu.memory_space<vmem>> -> memref<128xi32, #tpu.memory_space<vmem>>
      %dma_start3A_116 = arith.constant 0 : i32
      %dma_start3A_117 = arith.constant 0 : i32
      %dma_start3A_118 = tpu.memref_slice %arg11[%dma_start3A_116, %dma_start3A_117] : memref<10240x128xf32, #tpu.memory_space<vmem_shared>> -> memref<10240x128xf32, #tpu.memory_space<vmem_shared>>
      tpu.enqueue_indirect_dma source(%arg9 : memref<128x128xf32, #tpu.memory_space<vmem>>) target(%dma_start3A_118 : memref<10240x128xf32, #tpu.memory_space<vmem_shared>>) offsets(%dma_start3A_115 : memref<128xi32, #tpu.memory_space<vmem>>) semaphore(%arg14 : memref<!tpu.dma_semaphore, #tpu.memory_space<semaphore_mem>>) {add = true}
      %dma_wait3A_119 = arith.constant 0 : i32
      %dma_wait3A_120 = tpu.memref_slice %arg8[%add3A_107, %dma_wait3A_119] : memref<40x128xi32, #tpu.memory_space<vmem>> -> memref<1x128xi32, #tpu.memory_space<vmem>>
      %dma_wait3A_121 = tpu.memref_squeeze %dma_wait3A_120 : memref<1x128xi32, #tpu.memory_space<vmem>> -> memref<128xi32, #tpu.memory_space<vmem>>
      %dma_wait3A_122 = arith.constant 0 : i32
      %dma_wait3A_123 = arith.constant 0 : i32
      %dma_wait3A_124 = tpu.memref_slice %arg11[%dma_wait3A_122, %dma_wait3A_123] : memref<10240x128xf32, #tpu.memory_space<vmem_shared>> -> memref<10240x128xf32, #tpu.memory_space<vmem_shared>>
      tpu.wait_indirect_dma semaphore(%arg14 : memref<!tpu.dma_semaphore, #tpu.memory_space<semaphore_mem>>) src(%arg9 : memref<128x128xf32, #tpu.memory_space<vmem>>) dst(%dma_wait3A_124 : memref<10240x128xf32, #tpu.memory_space<vmem_shared>>)
      %add3A_125 = arith.constant 2 : i32
      %add3A_126 = arith.addi %add3A_107, %add3A_125 : i32
      %lt3A = arith.constant 40 : i32
      %lt3A_127 = arith.cmpi slt, %add3A_126, %lt3A : i32
      %convert_element_type3A = arith.extui %lt3A_127 : i1 to i32
      %cond3A = arith.constant 0 : i32
      %cond3A_128 = arith.cmpi ne, %convert_element_type3A, %cond3A : i32
      scf.if %cond3A_128 {
        %add3A_159 = arith.constant 2 : i32
        %add3A_160 = arith.addi %add3A_107, %add3A_159 : i32
        %dma_start3A_161 = arith.constant 0 : i32
        %dma_start3A_162 = tpu.memref_slice %arg7[%add3A_160, %dma_start3A_161] : memref<40x128xi32, #tpu.memory_space<vmem>> -> memref<1x128xi32, #tpu.memory_space<vmem>>
        %dma_start3A_163 = tpu.memref_squeeze %dma_start3A_162 : memref<1x128xi32, #tpu.memory_space<vmem>> -> memref<128xi32, #tpu.memory_space<vmem>>
        %dma_start3A_164 = arith.constant 0 : i32
        %dma_start3A_165 = arith.constant 0 : i32
        %dma_start3A_166 = tpu.memref_slice %arg2[%dma_start3A_164, %dma_start3A_165] : memref<10000x128xf32, #tpu.memory_space<hbm>> -> memref<10000x128xf32, #tpu.memory_space<hbm>>
        tpu.enqueue_indirect_dma source(%dma_start3A_166 : memref<10000x128xf32, #tpu.memory_space<hbm>>) target(%arg9 : memref<128x128xf32, #tpu.memory_space<vmem>>) offsets(%dma_start3A_163 : memref<128xi32, #tpu.memory_space<vmem>>) semaphore(%arg12 : memref<!tpu.dma_semaphore, #tpu.memory_space<semaphore_mem>>)
      } else {
      }
      %mul3A_129 = arith.constant 2 : i32
      %mul3A_130 = arith.muli %mul3A_129, %scan3A_102 : i32
      %add3A_131 = arith.constant 1 : i32
      %add3A_132 = arith.addi %mul3A_130, %add3A_131 : i32
      %dma_wait3A_133 = arith.constant 0 : i32
      %dma_wait3A_134 = tpu.memref_slice %arg7[%add3A_132, %dma_wait3A_133] : memref<40x128xi32, #tpu.memory_space<vmem>> -> memref<1x128xi32, #tpu.memory_space<vmem>>
      %dma_wait3A_135 = tpu.memref_squeeze %dma_wait3A_134 : memref<1x128xi32, #tpu.memory_space<vmem>> -> memref<128xi32, #tpu.memory_space<vmem>>
      %dma_wait3A_136 = arith.constant 0 : i32
      %dma_wait3A_137 = arith.constant 0 : i32
      %dma_wait3A_138 = tpu.memref_slice %arg2[%dma_wait3A_136, %dma_wait3A_137] : memref<10000x128xf32, #tpu.memory_space<hbm>> -> memref<10000x128xf32, #tpu.memory_space<hbm>>
      tpu.wait_indirect_dma semaphore(%arg13 : memref<!tpu.dma_semaphore, #tpu.memory_space<semaphore_mem>>) src(%dma_wait3A_138 : memref<10000x128xf32, #tpu.memory_space<hbm>>) dst(%arg10 : memref<128x128xf32, #tpu.memory_space<vmem>>)
      %dma_start3A_139 = arith.constant 0 : i32
      %dma_start3A_140 = tpu.memref_slice %arg8[%add3A_132, %dma_start3A_139] : memref<40x128xi32, #tpu.memory_space<vmem>> -> memref<1x128xi32, #tpu.memory_space<vmem>>
      %dma_start3A_141 = tpu.memref_squeeze %dma_start3A_140 : memref<1x128xi32, #tpu.memory_space<vmem>> -> memref<128xi32, #tpu.memory_space<vmem>>
      %dma_start3A_142 = arith.constant 0 : i32
      %dma_start3A_143 = arith.constant 0 : i32
      %dma_start3A_144 = tpu.memref_slice %arg11[%dma_start3A_142, %dma_start3A_143] : memref<10240x128xf32, #tpu.memory_space<vmem_shared>> -> memref<10240x128xf32, #tpu.memory_space<vmem_shared>>
      tpu.enqueue_indirect_dma source(%arg10 : memref<128x128xf32, #tpu.memory_space<vmem>>) target(%dma_start3A_144 : memref<10240x128xf32, #tpu.memory_space<vmem_shared>>) offsets(%dma_start3A_141 : memref<128xi32, #tpu.memory_space<vmem>>) semaphore(%arg14 : memref<!tpu.dma_semaphore, #tpu.memory_space<semaphore_mem>>) {add = true}
      %dma_wait3A_145 = arith.constant 0 : i32
      %dma_wait3A_146 = tpu.memref_slice %arg8[%add3A_132, %dma_wait3A_145] : memref<40x128xi32, #tpu.memory_space<vmem>> -> memref<1x128xi32, #tpu.memory_space<vmem>>
      %dma_wait3A_147 = tpu.memref_squeeze %dma_wait3A_146 : memref<1x128xi32, #tpu.memory_space<vmem>> -> memref<128xi32, #tpu.memory_space<vmem>>
      %dma_wait3A_148 = arith.constant 0 : i32
      %dma_wait3A_149 = arith.constant 0 : i32
      %dma_wait3A_150 = tpu.memref_slice %arg11[%dma_wait3A_148, %dma_wait3A_149] : memref<10240x128xf32, #tpu.memory_space<vmem_shared>> -> memref<10240x128xf32, #tpu.memory_space<vmem_shared>>
      tpu.wait_indirect_dma semaphore(%arg14 : memref<!tpu.dma_semaphore, #tpu.memory_space<semaphore_mem>>) src(%arg10 : memref<128x128xf32, #tpu.memory_space<vmem>>) dst(%dma_wait3A_150 : memref<10240x128xf32, #tpu.memory_space<vmem_shared>>)
      %add3A_151 = arith.constant 2 : i32
      %add3A_152 = arith.addi %add3A_132, %add3A_151 : i32
      %lt3A_153 = arith.constant 40 : i32
      %lt3A_154 = arith.cmpi slt, %add3A_152, %lt3A_153 : i32
      %convert_element_type3A_155 = arith.extui %lt3A_154 : i1 to i32
      %cond3A_156 = arith.constant 0 : i32
      %cond3A_157 = arith.cmpi ne, %convert_element_type3A_155, %cond3A_156 : i32
      scf.if %cond3A_157 {
        %add3A_159 = arith.constant 2 : i32
        %add3A_160 = arith.addi %add3A_132, %add3A_159 : i32
        %dma_start3A_161 = arith.constant 0 : i32
        %dma_start3A_162 = tpu.memref_slice %arg7[%add3A_160, %dma_start3A_161] : memref<40x128xi32, #tpu.memory_space<vmem>> -> memref<1x128xi32, #tpu.memory_space<vmem>>
        %dma_start3A_163 = tpu.memref_squeeze %dma_start3A_162 : memref<1x128xi32, #tpu.memory_space<vmem>> -> memref<128xi32, #tpu.memory_space<vmem>>
        %dma_start3A_164 = arith.constant 0 : i32
        %dma_start3A_165 = arith.constant 0 : i32
        %dma_start3A_166 = tpu.memref_slice %arg2[%dma_start3A_164, %dma_start3A_165] : memref<10000x128xf32, #tpu.memory_space<hbm>> -> memref<10000x128xf32, #tpu.memory_space<hbm>>
        tpu.enqueue_indirect_dma source(%dma_start3A_166 : memref<10000x128xf32, #tpu.memory_space<hbm>>) target(%arg10 : memref<128x128xf32, #tpu.memory_space<vmem>>) offsets(%dma_start3A_163 : memref<128xi32, #tpu.memory_space<vmem>>) semaphore(%arg13 : memref<!tpu.dma_semaphore, #tpu.memory_space<semaphore_mem>>)
      } else {
      }
      %scan3A_158 = arith.constant 0 : i32
      scf.yield %scan3A_158 : i32
    }
    %scan3A_60 = arith.constant 20 : i32
    %barrier3A_61 = arith.constant 0 : index
    tpu.barrier barrier_id(%barrier3A_61)
    %mul3A_62 = arith.constant 640 : i32
    %mul3A_63 = arith.muli %arg1, %mul3A_62 : i32
    %add3A_64 = arith.constant 0 : i32
    %add3A_65 = arith.addi %mul3A_63, %add3A_64 : i32
    "tpu.region"() ({
      %run_scoped3A = tpu.sem_alloc : memref<!tpu.dma_semaphore, #tpu.memory_space<semaphore_mem>>
      %dma_start3A_102 = arith.constant 0 : i32
      %dma_start3A_103 = tpu.memref_slice %arg11[%add3A_65, %dma_start3A_102] : memref<10240x128xf32, #tpu.memory_space<vmem_shared>> -> memref<128x128xf32, #tpu.memory_space<vmem_shared>>
      %dma_start3A_104 = arith.constant 0 : i32
      %dma_start3A_105 = tpu.memref_slice %arg11[%add3A_65, %dma_start3A_104] : memref<10240x128xf32, #tpu.memory_space<vmem_shared>> -> memref<128x128xf32, #tpu.memory_space<vmem_shared>>
      tpu.enqueue_dma source(%dma_start3A_105 : memref<128x128xf32, #tpu.memory_space<vmem_shared>>) target(%arg9 : memref<128x128xf32, #tpu.memory_space<vmem>>) target_semaphore(%run_scoped3A : memref<!tpu.dma_semaphore, #tpu.memory_space<semaphore_mem>>)
      %dma_wait3A = arith.constant 0 : i32
      %dma_wait3A_106 = tpu.memref_slice %arg11[%add3A_65, %dma_wait3A] : memref<10240x128xf32, #tpu.memory_space<vmem_shared>> -> memref<128x128xf32, #tpu.memory_space<vmem_shared>>
      %dma_wait3A_107 = arith.constant 0 : i32
      %dma_wait3A_108 = tpu.memref_slice %arg11[%add3A_65, %dma_wait3A_107] : memref<10240x128xf32, #tpu.memory_space<vmem_shared>> -> memref<128x128xf32, #tpu.memory_space<vmem_shared>>
      tpu.wait_dma2 semaphore(%run_scoped3A : memref<!tpu.dma_semaphore, #tpu.memory_space<semaphore_mem>>) src(%dma_wait3A_108 : memref<128x128xf32, #tpu.memory_space<vmem_shared>>) dst(%arg9 : memref<128x128xf32, #tpu.memory_space<vmem>>)
      tpu.yield
    }) : () -> ()
    %mul3A_66 = arith.constant 640 : i32
    %mul3A_67 = arith.muli %arg1, %mul3A_66 : i32
    %add3A_68 = arith.constant 0 : i32
    %add3A_69 = arith.addi %mul3A_67, %add3A_68 : i32
    "tpu.region"() ({
      %run_scoped3A = tpu.sem_alloc : memref<!tpu.dma_semaphore, #tpu.memory_space<semaphore_mem>>
      %dma_start3A_102 = arith.constant 0 : i32
      %dma_start3A_103 = tpu.memref_slice %arg6[%arg0, %add3A_69, %dma_start3A_102] : memref<2x10240x128xf32, #tpu.memory_space<hbm>> -> memref<1x128x128xf32, #tpu.memory_space<hbm>>
      %dma_start3A_104 = tpu.memref_squeeze %dma_start3A_103 : memref<1x128x128xf32, #tpu.memory_space<hbm>> -> memref<128x128xf32, #tpu.memory_space<hbm>>
      %dma_start3A_105 = arith.constant 0 : i32
      %dma_start3A_106 = tpu.memref_slice %arg6[%arg0, %add3A_69, %dma_start3A_105] : memref<2x10240x128xf32, #tpu.memory_space<hbm>> -> memref<1x128x128xf32, #tpu.memory_space<hbm>>
      %dma_start3A_107 = tpu.memref_squeeze %dma_start3A_106 : memref<1x128x128xf32, #tpu.memory_space<hbm>> -> memref<128x128xf32, #tpu.memory_space<hbm>>
      tpu.enqueue_dma source(%arg9 : memref<128x128xf32, #tpu.memory_space<vmem>>) target(%dma_start3A_107 : memref<128x128xf32, #tpu.memory_space<hbm>>) target_semaphore(%run_scoped3A : memref<!tpu.dma_semaphore, #tpu.memory_space<semaphore_mem>>)
      %dma_wait3A = arith.constant 0 : i32
      %dma_wait3A_108 = tpu.memref_slice %arg6[%arg0, %add3A_69, %dma_wait3A] : memref<2x10240x128xf32, #tpu.memory_space<hbm>> -> memref<1x128x128xf32, #tpu.memory_space<hbm>>
      %dma_wait3A_109 = tpu.memref_squeeze %dma_wait3A_108 : memref<1x128x128xf32, #tpu.memory_space<hbm>> -> memref<128x128xf32, #tpu.memory_space<hbm>>
      %dma_wait3A_110 = arith.constant 0 : i32
      %dma_wait3A_111 = tpu.memref_slice %arg6[%arg0, %add3A_69, %dma_wait3A_110] : memref<2x10240x128xf32, #tpu.memory_space<hbm>> -> memref<1x128x128xf32, #tpu.memory_space<hbm>>
      %dma_wait3A_112 = tpu.memref_squeeze %dma_wait3A_111 : memref<1x128x128xf32, #tpu.memory_space<hbm>> -> memref<128x128xf32, #tpu.memory_space<hbm>>
      tpu.wait_dma2 semaphore(%run_scoped3A : memref<!tpu.dma_semaphore, #tpu.memory_space<semaphore_mem>>) src(%arg9 : memref<128x128xf32, #tpu.memory_space<vmem>>) dst(%dma_wait3A_112 : memref<128x128xf32, #tpu.memory_space<hbm>>)
      tpu.yield
    }) : () -> ()
    %mul3A_70 = arith.constant 640 : i32
    %mul3A_71 = arith.muli %arg1, %mul3A_70 : i32
    %add3A_72 = arith.constant 128 : i32
    %add3A_73 = arith.addi %mul3A_71, %add3A_72 : i32
    "tpu.region"() ({
      %run_scoped3A = tpu.sem_alloc : memref<!tpu.dma_semaphore, #tpu.memory_space<semaphore_mem>>
      %dma_start3A_102 = arith.constant 0 : i32
      %dma_start3A_103 = tpu.memref_slice %arg11[%add3A_73, %dma_start3A_102] : memref<10240x128xf32, #tpu.memory_space<vmem_shared>> -> memref<128x128xf32, #tpu.memory_space<vmem_shared>>
      %dma_start3A_104 = arith.constant 0 : i32
      %dma_start3A_105 = tpu.memref_slice %arg11[%add3A_73, %dma_start3A_104] : memref<10240x128xf32, #tpu.memory_space<vmem_shared>> -> memref<128x128xf32, #tpu.memory_space<vmem_shared>>
      tpu.enqueue_dma source(%dma_start3A_105 : memref<128x128xf32, #tpu.memory_space<vmem_shared>>) target(%arg9 : memref<128x128xf32, #tpu.memory_space<vmem>>) target_semaphore(%run_scoped3A : memref<!tpu.dma_semaphore, #tpu.memory_space<semaphore_mem>>)
      %dma_wait3A = arith.constant 0 : i32
      %dma_wait3A_106 = tpu.memref_slice %arg11[%add3A_73, %dma_wait3A] : memref<10240x128xf32, #tpu.memory_space<vmem_shared>> -> memref<128x128xf32, #tpu.memory_space<vmem_shared>>
      %dma_wait3A_107 = arith.constant 0 : i32
      %dma_wait3A_108 = tpu.memref_slice %arg11[%add3A_73, %dma_wait3A_107] : memref<10240x128xf32, #tpu.memory_space<vmem_shared>> -> memref<128x128xf32, #tpu.memory_space<vmem_shared>>
      tpu.wait_dma2 semaphore(%run_scoped3A : memref<!tpu.dma_semaphore, #tpu.memory_space<semaphore_mem>>) src(%dma_wait3A_108 : memref<128x128xf32, #tpu.memory_space<vmem_shared>>) dst(%arg9 : memref<128x128xf32, #tpu.memory_space<vmem>>)
      tpu.yield
    }) : () -> ()
    %mul3A_74 = arith.constant 640 : i32
    %mul3A_75 = arith.muli %arg1, %mul3A_74 : i32
    %add3A_76 = arith.constant 128 : i32
    %add3A_77 = arith.addi %mul3A_75, %add3A_76 : i32
    "tpu.region"() ({
      %run_scoped3A = tpu.sem_alloc : memref<!tpu.dma_semaphore, #tpu.memory_space<semaphore_mem>>
      %dma_start3A_102 = arith.constant 0 : i32
      %dma_start3A_103 = tpu.memref_slice %arg6[%arg0, %add3A_77, %dma_start3A_102] : memref<2x10240x128xf32, #tpu.memory_space<hbm>> -> memref<1x128x128xf32, #tpu.memory_space<hbm>>
      %dma_start3A_104 = tpu.memref_squeeze %dma_start3A_103 : memref<1x128x128xf32, #tpu.memory_space<hbm>> -> memref<128x128xf32, #tpu.memory_space<hbm>>
      %dma_start3A_105 = arith.constant 0 : i32
      %dma_start3A_106 = tpu.memref_slice %arg6[%arg0, %add3A_77, %dma_start3A_105] : memref<2x10240x128xf32, #tpu.memory_space<hbm>> -> memref<1x128x128xf32, #tpu.memory_space<hbm>>
      %dma_start3A_107 = tpu.memref_squeeze %dma_start3A_106 : memref<1x128x128xf32, #tpu.memory_space<hbm>> -> memref<128x128xf32, #tpu.memory_space<hbm>>
      tpu.enqueue_dma source(%arg9 : memref<128x128xf32, #tpu.memory_space<vmem>>) target(%dma_start3A_107 : memref<128x128xf32, #tpu.memory_space<hbm>>) target_semaphore(%run_scoped3A : memref<!tpu.dma_semaphore, #tpu.memory_space<semaphore_mem>>)
      %dma_wait3A = arith.constant 0 : i32
      %dma_wait3A_108 = tpu.memref_slice %arg6[%arg0, %add3A_77, %dma_wait3A] : memref<2x10240x128xf32, #tpu.memory_space<hbm>> -> memref<1x128x128xf32, #tpu.memory_space<hbm>>
      %dma_wait3A_109 = tpu.memref_squeeze %dma_wait3A_108 : memref<1x128x128xf32, #tpu.memory_space<hbm>> -> memref<128x128xf32, #tpu.memory_space<hbm>>
      %dma_wait3A_110 = arith.constant 0 : i32
      %dma_wait3A_111 = tpu.memref_slice %arg6[%arg0, %add3A_77, %dma_wait3A_110] : memref<2x10240x128xf32, #tpu.memory_space<hbm>> -> memref<1x128x128xf32, #tpu.memory_space<hbm>>
      %dma_wait3A_112 = tpu.memref_squeeze %dma_wait3A_111 : memref<1x128x128xf32, #tpu.memory_space<hbm>> -> memref<128x128xf32, #tpu.memory_space<hbm>>
      tpu.wait_dma2 semaphore(%run_scoped3A : memref<!tpu.dma_semaphore, #tpu.memory_space<semaphore_mem>>) src(%arg9 : memref<128x128xf32, #tpu.memory_space<vmem>>) dst(%dma_wait3A_112 : memref<128x128xf32, #tpu.memory_space<hbm>>)
      tpu.yield
    }) : () -> ()
    %mul3A_78 = arith.constant 640 : i32
    %mul3A_79 = arith.muli %arg1, %mul3A_78 : i32
    %add3A_80 = arith.constant 256 : i32
    %add3A_81 = arith.addi %mul3A_79, %add3A_80 : i32
    "tpu.region"() ({
      %run_scoped3A = tpu.sem_alloc : memref<!tpu.dma_semaphore, #tpu.memory_space<semaphore_mem>>
      %dma_start3A_102 = arith.constant 0 : i32
      %dma_start3A_103 = tpu.memref_slice %arg11[%add3A_81, %dma_start3A_102] : memref<10240x128xf32, #tpu.memory_space<vmem_shared>> -> memref<128x128xf32, #tpu.memory_space<vmem_shared>>
      %dma_start3A_104 = arith.constant 0 : i32
      %dma_start3A_105 = tpu.memref_slice %arg11[%add3A_81, %dma_start3A_104] : memref<10240x128xf32, #tpu.memory_space<vmem_shared>> -> memref<128x128xf32, #tpu.memory_space<vmem_shared>>
      tpu.enqueue_dma source(%dma_start3A_105 : memref<128x128xf32, #tpu.memory_space<vmem_shared>>) target(%arg9 : memref<128x128xf32, #tpu.memory_space<vmem>>) target_semaphore(%run_scoped3A : memref<!tpu.dma_semaphore, #tpu.memory_space<semaphore_mem>>)
      %dma_wait3A = arith.constant 0 : i32
      %dma_wait3A_106 = tpu.memref_slice %arg11[%add3A_81, %dma_wait3A] : memref<10240x128xf32, #tpu.memory_space<vmem_shared>> -> memref<128x128xf32, #tpu.memory_space<vmem_shared>>
      %dma_wait3A_107 = arith.constant 0 : i32
      %dma_wait3A_108 = tpu.memref_slice %arg11[%add3A_81, %dma_wait3A_107] : memref<10240x128xf32, #tpu.memory_space<vmem_shared>> -> memref<128x128xf32, #tpu.memory_space<vmem_shared>>
      tpu.wait_dma2 semaphore(%run_scoped3A : memref<!tpu.dma_semaphore, #tpu.memory_space<semaphore_mem>>) src(%dma_wait3A_108 : memref<128x128xf32, #tpu.memory_space<vmem_shared>>) dst(%arg9 : memref<128x128xf32, #tpu.memory_space<vmem>>)
      tpu.yield
    }) : () -> ()
    %mul3A_82 = arith.constant 640 : i32
    %mul3A_83 = arith.muli %arg1, %mul3A_82 : i32
    %add3A_84 = arith.constant 256 : i32
    %add3A_85 = arith.addi %mul3A_83, %add3A_84 : i32
    "tpu.region"() ({
      %run_scoped3A = tpu.sem_alloc : memref<!tpu.dma_semaphore, #tpu.memory_space<semaphore_mem>>
      %dma_start3A_102 = arith.constant 0 : i32
      %dma_start3A_103 = tpu.memref_slice %arg6[%arg0, %add3A_85, %dma_start3A_102] : memref<2x10240x128xf32, #tpu.memory_space<hbm>> -> memref<1x128x128xf32, #tpu.memory_space<hbm>>
      %dma_start3A_104 = tpu.memref_squeeze %dma_start3A_103 : memref<1x128x128xf32, #tpu.memory_space<hbm>> -> memref<128x128xf32, #tpu.memory_space<hbm>>
      %dma_start3A_105 = arith.constant 0 : i32
      %dma_start3A_106 = tpu.memref_slice %arg6[%arg0, %add3A_85, %dma_start3A_105] : memref<2x10240x128xf32, #tpu.memory_space<hbm>> -> memref<1x128x128xf32, #tpu.memory_space<hbm>>
      %dma_start3A_107 = tpu.memref_squeeze %dma_start3A_106 : memref<1x128x128xf32, #tpu.memory_space<hbm>> -> memref<128x128xf32, #tpu.memory_space<hbm>>
      tpu.enqueue_dma source(%arg9 : memref<128x128xf32, #tpu.memory_space<vmem>>) target(%dma_start3A_107 : memref<128x128xf32, #tpu.memory_space<hbm>>) target_semaphore(%run_scoped3A : memref<!tpu.dma_semaphore, #tpu.memory_space<semaphore_mem>>)
      %dma_wait3A = arith.constant 0 : i32
      %dma_wait3A_108 = tpu.memref_slice %arg6[%arg0, %add3A_85, %dma_wait3A] : memref<2x10240x128xf32, #tpu.memory_space<hbm>> -> memref<1x128x128xf32, #tpu.memory_space<hbm>>
      %dma_wait3A_109 = tpu.memref_squeeze %dma_wait3A_108 : memref<1x128x128xf32, #tpu.memory_space<hbm>> -> memref<128x128xf32, #tpu.memory_space<hbm>>
      %dma_wait3A_110 = arith.constant 0 : i32
      %dma_wait3A_111 = tpu.memref_slice %arg6[%arg0, %add3A_85, %dma_wait3A_110] : memref<2x10240x128xf32, #tpu.memory_space<hbm>> -> memref<1x128x128xf32, #tpu.memory_space<hbm>>
      %dma_wait3A_112 = tpu.memref_squeeze %dma_wait3A_111 : memref<1x128x128xf32, #tpu.memory_space<hbm>> -> memref<128x128xf32, #tpu.memory_space<hbm>>
      tpu.wait_dma2 semaphore(%run_scoped3A : memref<!tpu.dma_semaphore, #tpu.memory_space<semaphore_mem>>) src(%arg9 : memref<128x128xf32, #tpu.memory_space<vmem>>) dst(%dma_wait3A_112 : memref<128x128xf32, #tpu.memory_space<hbm>>)
      tpu.yield
    }) : () -> ()
    %mul3A_86 = arith.constant 640 : i32
    %mul3A_87 = arith.muli %arg1, %mul3A_86 : i32
    %add3A_88 = arith.constant 384 : i32
    %add3A_89 = arith.addi %mul3A_87, %add3A_88 : i32
    "tpu.region"() ({
      %run_scoped3A = tpu.sem_alloc : memref<!tpu.dma_semaphore, #tpu.memory_space<semaphore_mem>>
      %dma_start3A_102 = arith.constant 0 : i32
      %dma_start3A_103 = tpu.memref_slice %arg11[%add3A_89, %dma_start3A_102] : memref<10240x128xf32, #tpu.memory_space<vmem_shared>> -> memref<128x128xf32, #tpu.memory_space<vmem_shared>>
      %dma_start3A_104 = arith.constant 0 : i32
      %dma_start3A_105 = tpu.memref_slice %arg11[%add3A_89, %dma_start3A_104] : memref<10240x128xf32, #tpu.memory_space<vmem_shared>> -> memref<128x128xf32, #tpu.memory_space<vmem_shared>>
      tpu.enqueue_dma source(%dma_start3A_105 : memref<128x128xf32, #tpu.memory_space<vmem_shared>>) target(%arg9 : memref<128x128xf32, #tpu.memory_space<vmem>>) target_semaphore(%run_scoped3A : memref<!tpu.dma_semaphore, #tpu.memory_space<semaphore_mem>>)
      %dma_wait3A = arith.constant 0 : i32
      %dma_wait3A_106 = tpu.memref_slice %arg11[%add3A_89, %dma_wait3A] : memref<10240x128xf32, #tpu.memory_space<vmem_shared>> -> memref<128x128xf32, #tpu.memory_space<vmem_shared>>
      %dma_wait3A_107 = arith.constant 0 : i32
      %dma_wait3A_108 = tpu.memref_slice %arg11[%add3A_89, %dma_wait3A_107] : memref<10240x128xf32, #tpu.memory_space<vmem_shared>> -> memref<128x128xf32, #tpu.memory_space<vmem_shared>>
      tpu.wait_dma2 semaphore(%run_scoped3A : memref<!tpu.dma_semaphore, #tpu.memory_space<semaphore_mem>>) src(%dma_wait3A_108 : memref<128x128xf32, #tpu.memory_space<vmem_shared>>) dst(%arg9 : memref<128x128xf32, #tpu.memory_space<vmem>>)
      tpu.yield
    }) : () -> ()
    %mul3A_90 = arith.constant 640 : i32
    %mul3A_91 = arith.muli %arg1, %mul3A_90 : i32
    %add3A_92 = arith.constant 384 : i32
    %add3A_93 = arith.addi %mul3A_91, %add3A_92 : i32
    "tpu.region"() ({
      %run_scoped3A = tpu.sem_alloc : memref<!tpu.dma_semaphore, #tpu.memory_space<semaphore_mem>>
      %dma_start3A_102 = arith.constant 0 : i32
      %dma_start3A_103 = tpu.memref_slice %arg6[%arg0, %add3A_93, %dma_start3A_102] : memref<2x10240x128xf32, #tpu.memory_space<hbm>> -> memref<1x128x128xf32, #tpu.memory_space<hbm>>
      %dma_start3A_104 = tpu.memref_squeeze %dma_start3A_103 : memref<1x128x128xf32, #tpu.memory_space<hbm>> -> memref<128x128xf32, #tpu.memory_space<hbm>>
      %dma_start3A_105 = arith.constant 0 : i32
      %dma_start3A_106 = tpu.memref_slice %arg6[%arg0, %add3A_93, %dma_start3A_105] : memref<2x10240x128xf32, #tpu.memory_space<hbm>> -> memref<1x128x128xf32, #tpu.memory_space<hbm>>
      %dma_start3A_107 = tpu.memref_squeeze %dma_start3A_106 : memref<1x128x128xf32, #tpu.memory_space<hbm>> -> memref<128x128xf32, #tpu.memory_space<hbm>>
      tpu.enqueue_dma source(%arg9 : memref<128x128xf32, #tpu.memory_space<vmem>>) target(%dma_start3A_107 : memref<128x128xf32, #tpu.memory_space<hbm>>) target_semaphore(%run_scoped3A : memref<!tpu.dma_semaphore, #tpu.memory_space<semaphore_mem>>)
      %dma_wait3A = arith.constant 0 : i32
      %dma_wait3A_108 = tpu.memref_slice %arg6[%arg0, %add3A_93, %dma_wait3A] : memref<2x10240x128xf32, #tpu.memory_space<hbm>> -> memref<1x128x128xf32, #tpu.memory_space<hbm>>
      %dma_wait3A_109 = tpu.memref_squeeze %dma_wait3A_108 : memref<1x128x128xf32, #tpu.memory_space<hbm>> -> memref<128x128xf32, #tpu.memory_space<hbm>>
      %dma_wait3A_110 = arith.constant 0 : i32
      %dma_wait3A_111 = tpu.memref_slice %arg6[%arg0, %add3A_93, %dma_wait3A_110] : memref<2x10240x128xf32, #tpu.memory_space<hbm>> -> memref<1x128x128xf32, #tpu.memory_space<hbm>>
      %dma_wait3A_112 = tpu.memref_squeeze %dma_wait3A_111 : memref<1x128x128xf32, #tpu.memory_space<hbm>> -> memref<128x128xf32, #tpu.memory_space<hbm>>
      tpu.wait_dma2 semaphore(%run_scoped3A : memref<!tpu.dma_semaphore, #tpu.memory_space<semaphore_mem>>) src(%arg9 : memref<128x128xf32, #tpu.memory_space<vmem>>) dst(%dma_wait3A_112 : memref<128x128xf32, #tpu.memory_space<hbm>>)
      tpu.yield
    }) : () -> ()
    %mul3A_94 = arith.constant 640 : i32
    %mul3A_95 = arith.muli %arg1, %mul3A_94 : i32
    %add3A_96 = arith.constant 512 : i32
    %add3A_97 = arith.addi %mul3A_95, %add3A_96 : i32
    "tpu.region"() ({
      %run_scoped3A = tpu.sem_alloc : memref<!tpu.dma_semaphore, #tpu.memory_space<semaphore_mem>>
      %dma_start3A_102 = arith.constant 0 : i32
      %dma_start3A_103 = tpu.memref_slice %arg11[%add3A_97, %dma_start3A_102] : memref<10240x128xf32, #tpu.memory_space<vmem_shared>> -> memref<128x128xf32, #tpu.memory_space<vmem_shared>>
      %dma_start3A_104 = arith.constant 0 : i32
      %dma_start3A_105 = tpu.memref_slice %arg11[%add3A_97, %dma_start3A_104] : memref<10240x128xf32, #tpu.memory_space<vmem_shared>> -> memref<128x128xf32, #tpu.memory_space<vmem_shared>>
      tpu.enqueue_dma source(%dma_start3A_105 : memref<128x128xf32, #tpu.memory_space<vmem_shared>>) target(%arg9 : memref<128x128xf32, #tpu.memory_space<vmem>>) target_semaphore(%run_scoped3A : memref<!tpu.dma_semaphore, #tpu.memory_space<semaphore_mem>>)
      %dma_wait3A = arith.constant 0 : i32
      %dma_wait3A_106 = tpu.memref_slice %arg11[%add3A_97, %dma_wait3A] : memref<10240x128xf32, #tpu.memory_space<vmem_shared>> -> memref<128x128xf32, #tpu.memory_space<vmem_shared>>
      %dma_wait3A_107 = arith.constant 0 : i32
      %dma_wait3A_108 = tpu.memref_slice %arg11[%add3A_97, %dma_wait3A_107] : memref<10240x128xf32, #tpu.memory_space<vmem_shared>> -> memref<128x128xf32, #tpu.memory_space<vmem_shared>>
      tpu.wait_dma2 semaphore(%run_scoped3A : memref<!tpu.dma_semaphore, #tpu.memory_space<semaphore_mem>>) src(%dma_wait3A_108 : memref<128x128xf32, #tpu.memory_space<vmem_shared>>) dst(%arg9 : memref<128x128xf32, #tpu.memory_space<vmem>>)
      tpu.yield
    }) : () -> ()
    %mul3A_98 = arith.constant 640 : i32
    %mul3A_99 = arith.muli %arg1, %mul3A_98 : i32
    %add3A_100 = arith.constant 512 : i32
    %add3A_101 = arith.addi %mul3A_99, %add3A_100 : i32
    "tpu.region"() ({
      %run_scoped3A = tpu.sem_alloc : memref<!tpu.dma_semaphore, #tpu.memory_space<semaphore_mem>>
      %dma_start3A_102 = arith.constant 0 : i32
      %dma_start3A_103 = tpu.memref_slice %arg6[%arg0, %add3A_101, %dma_start3A_102] : memref<2x10240x128xf32, #tpu.memory_space<hbm>> -> memref<1x128x128xf32, #tpu.memory_space<hbm>>
      %dma_start3A_104 = tpu.memref_squeeze %dma_start3A_103 : memref<1x128x128xf32, #tpu.memory_space<hbm>> -> memref<128x128xf32, #tpu.memory_space<hbm>>
      %dma_start3A_105 = arith.constant 0 : i32
      %dma_start3A_106 = tpu.memref_slice %arg6[%arg0, %add3A_101, %dma_start3A_105] : memref<2x10240x128xf32, #tpu.memory_space<hbm>> -> memref<1x128x128xf32, #tpu.memory_space<hbm>>
      %dma_start3A_107 = tpu.memref_squeeze %dma_start3A_106 : memref<1x128x128xf32, #tpu.memory_space<hbm>> -> memref<128x128xf32, #tpu.memory_space<hbm>>
      tpu.enqueue_dma source(%arg9 : memref<128x128xf32, #tpu.memory_space<vmem>>) target(%dma_start3A_107 : memref<128x128xf32, #tpu.memory_space<hbm>>) target_semaphore(%run_scoped3A : memref<!tpu.dma_semaphore, #tpu.memory_space<semaphore_mem>>)
      %dma_wait3A = arith.constant 0 : i32
      %dma_wait3A_108 = tpu.memref_slice %arg6[%arg0, %add3A_101, %dma_wait3A] : memref<2x10240x128xf32, #tpu.memory_space<hbm>> -> memref<1x128x128xf32, #tpu.memory_space<hbm>>
      %dma_wait3A_109 = tpu.memref_squeeze %dma_wait3A_108 : memref<1x128x128xf32, #tpu.memory_space<hbm>> -> memref<128x128xf32, #tpu.memory_space<hbm>>
      %dma_wait3A_110 = arith.constant 0 : i32
      %dma_wait3A_111 = tpu.memref_slice %arg6[%arg0, %add3A_101, %dma_wait3A_110] : memref<2x10240x128xf32, #tpu.memory_space<hbm>> -> memref<1x128x128xf32, #tpu.memory_space<hbm>>
      %dma_wait3A_112 = tpu.memref_squeeze %dma_wait3A_111 : memref<1x128x128xf32, #tpu.memory_space<hbm>> -> memref<128x128xf32, #tpu.memory_space<hbm>>
      tpu.wait_dma2 semaphore(%run_scoped3A : memref<!tpu.dma_semaphore, #tpu.memory_space<semaphore_mem>>) src(%arg9 : memref<128x128xf32, #tpu.memory_space<vmem>>) dst(%dma_wait3A_112 : memref<128x128xf32, #tpu.memory_space<hbm>>)
      tpu.yield
    }) : () -> ()
    return
  }
}

#map = affine_map<(d0, d1) -> (0, 0)>
#map1 = affine_map<(d0, d1) -> (0, 0, 0)>
module attributes {stable_mosaic.version = 14 : i64} {
  func.func @k(%arg0: i32, %arg1: i32, %arg2: memref<10000x128xf32, #tpu.memory_space<hbm>>, %arg3: memref<32x80x128xi32, #tpu.memory_space<hbm>>, %arg4: memref<32x80x128xi32, #tpu.memory_space<hbm>>, %arg5: memref<128x128xf32, #tpu.memory_space<hbm>>, %arg6: memref<2x10240x128xf32, #tpu.memory_space<hbm>>, %arg7: memref<40x128xi32, #tpu.memory_space<vmem>>, %arg8: memref<40x128xi32, #tpu.memory_space<vmem>>, %arg9: memref<128x128xf32, #tpu.memory_space<vmem>>, %arg10: memref<128x128xf32, #tpu.memory_space<vmem>>, %arg11: memref<10240x128xf32, #tpu.memory_space<vmem_shared>>, %arg12: memref<!tpu.dma_semaphore, #tpu.memory_space<semaphore_mem>>, %arg13: memref<!tpu.dma_semaphore, #tpu.memory_space<semaphore_mem>>, %arg14: memref<!tpu.dma_semaphore, #tpu.memory_space<semaphore_mem>>) attributes {dimension_semantics = [#tpu.dimension_semantics<core_parallel>, #tpu.dimension_semantics<subcore_parallel>], iteration_bounds = array<i64: 2, 16>, scalar_prefetch = 0 : i64, scratch_operands = 8 : i64, tpu.core_type = #tpu.core_type<sc_vector_subcore>, window_params = [{transform_indices = #map}, {transform_indices = #map1}, {transform_indices = #map1}, {transform_indices = #map}, {transform_indices = #map1}]} {
    %mul3A = arith.constant 2 : i32
    %mul3A_0 = arith.muli %arg1, %mul3A : i32
    %add3A = arith.addi %mul3A_0, %arg0 : i32
    "tpu.region"() ({
      %run_scoped3A = tpu.sem_alloc : memref<!tpu.dma_semaphore, #tpu.memory_space<semaphore_mem>>
      tpu.enqueue_dma source(%arg5 : memref<128x128xf32, #tpu.memory_space<hbm>>) target(%arg9 : memref<128x128xf32, #tpu.memory_space<vmem>>) target_semaphore(%run_scoped3A : memref<!tpu.dma_semaphore, #tpu.memory_space<semaphore_mem>>)
      tpu.wait_dma2 semaphore(%run_scoped3A : memref<!tpu.dma_semaphore, #tpu.memory_space<semaphore_mem>>) src(%arg5 : memref<128x128xf32, #tpu.memory_space<hbm>>) dst(%arg9 : memref<128x128xf32, #tpu.memory_space<vmem>>)
      tpu.yield
    }) : () -> ()
    %mul3A_1 = arith.constant 640 : i32
    %mul3A_2 = arith.muli %arg1, %mul3A_1 : i32
    %add3A_3 = arith.constant 0 : i32
    %add3A_4 = arith.addi %mul3A_2, %add3A_3 : i32
    "tpu.region"() ({
      %run_scoped3A = tpu.sem_alloc : memref<!tpu.dma_semaphore, #tpu.memory_space<semaphore_mem>>
      %dma_start3A_102 = arith.constant 0 : i32
      %dma_start3A_103 = tpu.memref_slice %arg11[%add3A_4, %dma_start3A_102] : memref<10240x128xf32, #tpu.memory_space<vmem_shared>> -> memref<128x128xf32, #tpu.memory_space<vmem_shared>>
      %dma_start3A_104 = arith.constant 0 : i32
      %dma_start3A_105 = tpu.memref_slice %arg11[%add3A_4, %dma_start3A_104] : memref<10240x128xf32, #tpu.memory_space<vmem_shared>> -> memref<128x128xf32, #tpu.memory_space<vmem_shared>>
      tpu.enqueue_dma source(%arg9 : memref<128x128xf32, #tpu.memory_space<vmem>>) target(%dma_start3A_105 : memref<128x128xf32, #tpu.memory_space<vmem_shared>>) target_semaphore(%run_scoped3A : memref<!tpu.dma_semaphore, #tpu.memory_space<semaphore_mem>>)
      %dma_wait3A = arith.constant 0 : i32
      %dma_wait3A_106 = tpu.memref_slice %arg11[%add3A_4, %dma_wait3A] : memref<10240x128xf32, #tpu.memory_space<vmem_shared>> -> memref<128x128xf32, #tpu.memory_space<vmem_shared>>
      %dma_wait3A_107 = arith.constant 0 : i32
      %dma_wait3A_108 = tpu.memref_slice %arg11[%add3A_4, %dma_wait3A_107] : memref<10240x128xf32, #tpu.memory_space<vmem_shared>> -> memref<128x128xf32, #tpu.memory_space<vmem_shared>>
      tpu.wait_dma2 semaphore(%run_scoped3A : memref<!tpu.dma_semaphore, #tpu.memory_space<semaphore_mem>>) src(%arg9 : memref<128x128xf32, #tpu.memory_space<vmem>>) dst(%dma_wait3A_108 : memref<128x128xf32, #tpu.memory_space<vmem_shared>>)
      tpu.yield
    }) : () -> ()
    %mul3A_5 = arith.constant 640 : i32
    %mul3A_6 = arith.muli %arg1, %mul3A_5 : i32
    %add3A_7 = arith.constant 128 : i32
    %add3A_8 = arith.addi %mul3A_6, %add3A_7 : i32
    "tpu.region"() ({
      %run_scoped3A = tpu.sem_alloc : memref<!tpu.dma_semaphore, #tpu.memory_space<semaphore_mem>>
      %dma_start3A_102 = arith.constant 0 : i32
      %dma_start3A_103 = tpu.memref_slice %arg11[%add3A_8, %dma_start3A_102] : memref<10240x128xf32, #tpu.memory_space<vmem_shared>> -> memref<128x128xf32, #tpu.memory_space<vmem_shared>>
      %dma_start3A_104 = arith.constant 0 : i32
      %dma_start3A_105 = tpu.memref_slice %arg11[%add3A_8, %dma_start3A_104] : memref<10240x128xf32, #tpu.memory_space<vmem_shared>> -> memref<128x128xf32, #tpu.memory_space<vmem_shared>>
      tpu.enqueue_dma source(%arg9 : memref<128x128xf32, #tpu.memory_space<vmem>>) target(%dma_start3A_105 : memref<128x128xf32, #tpu.memory_space<vmem_shared>>) target_semaphore(%run_scoped3A : memref<!tpu.dma_semaphore, #tpu.memory_space<semaphore_mem>>)
      %dma_wait3A = arith.constant 0 : i32
      %dma_wait3A_106 = tpu.memref_slice %arg11[%add3A_8, %dma_wait3A] : memref<10240x128xf32, #tpu.memory_space<vmem_shared>> -> memref<128x128xf32, #tpu.memory_space<vmem_shared>>
      %dma_wait3A_107 = arith.constant 0 : i32
      %dma_wait3A_108 = tpu.memref_slice %arg11[%add3A_8, %dma_wait3A_107] : memref<10240x128xf32, #tpu.memory_space<vmem_shared>> -> memref<128x128xf32, #tpu.memory_space<vmem_shared>>
      tpu.wait_dma2 semaphore(%run_scoped3A : memref<!tpu.dma_semaphore, #tpu.memory_space<semaphore_mem>>) src(%arg9 : memref<128x128xf32, #tpu.memory_space<vmem>>) dst(%dma_wait3A_108 : memref<128x128xf32, #tpu.memory_space<vmem_shared>>)
      tpu.yield
    }) : () -> ()
    %mul3A_9 = arith.constant 640 : i32
    %mul3A_10 = arith.muli %arg1, %mul3A_9 : i32
    %add3A_11 = arith.constant 256 : i32
    %add3A_12 = arith.addi %mul3A_10, %add3A_11 : i32
    "tpu.region"() ({
      %run_scoped3A = tpu.sem_alloc : memref<!tpu.dma_semaphore, #tpu.memory_space<semaphore_mem>>
      %dma_start3A_102 = arith.constant 0 : i32
      %dma_start3A_103 = tpu.memref_slice %arg11[%add3A_12, %dma_start3A_102] : memref<10240x128xf32, #tpu.memory_space<vmem_shared>> -> memref<128x128xf32, #tpu.memory_space<vmem_shared>>
      %dma_start3A_104 = arith.constant 0 : i32
      %dma_start3A_105 = tpu.memref_slice %arg11[%add3A_12, %dma_start3A_104] : memref<10240x128xf32, #tpu.memory_space<vmem_shared>> -> memref<128x128xf32, #tpu.memory_space<vmem_shared>>
      tpu.enqueue_dma source(%arg9 : memref<128x128xf32, #tpu.memory_space<vmem>>) target(%dma_start3A_105 : memref<128x128xf32, #tpu.memory_space<vmem_shared>>) target_semaphore(%run_scoped3A : memref<!tpu.dma_semaphore, #tpu.memory_space<semaphore_mem>>)
      %dma_wait3A = arith.constant 0 : i32
      %dma_wait3A_106 = tpu.memref_slice %arg11[%add3A_12, %dma_wait3A] : memref<10240x128xf32, #tpu.memory_space<vmem_shared>> -> memref<128x128xf32, #tpu.memory_space<vmem_shared>>
      %dma_wait3A_107 = arith.constant 0 : i32
      %dma_wait3A_108 = tpu.memref_slice %arg11[%add3A_12, %dma_wait3A_107] : memref<10240x128xf32, #tpu.memory_space<vmem_shared>> -> memref<128x128xf32, #tpu.memory_space<vmem_shared>>
      tpu.wait_dma2 semaphore(%run_scoped3A : memref<!tpu.dma_semaphore, #tpu.memory_space<semaphore_mem>>) src(%arg9 : memref<128x128xf32, #tpu.memory_space<vmem>>) dst(%dma_wait3A_108 : memref<128x128xf32, #tpu.memory_space<vmem_shared>>)
      tpu.yield
    }) : () -> ()
    %mul3A_13 = arith.constant 640 : i32
    %mul3A_14 = arith.muli %arg1, %mul3A_13 : i32
    %add3A_15 = arith.constant 384 : i32
    %add3A_16 = arith.addi %mul3A_14, %add3A_15 : i32
    "tpu.region"() ({
      %run_scoped3A = tpu.sem_alloc : memref<!tpu.dma_semaphore, #tpu.memory_space<semaphore_mem>>
      %dma_start3A_102 = arith.constant 0 : i32
      %dma_start3A_103 = tpu.memref_slice %arg11[%add3A_16, %dma_start3A_102] : memref<10240x128xf32, #tpu.memory_space<vmem_shared>> -> memref<128x128xf32, #tpu.memory_space<vmem_shared>>
      %dma_start3A_104 = arith.constant 0 : i32
      %dma_start3A_105 = tpu.memref_slice %arg11[%add3A_16, %dma_start3A_104] : memref<10240x128xf32, #tpu.memory_space<vmem_shared>> -> memref<128x128xf32, #tpu.memory_space<vmem_shared>>
      tpu.enqueue_dma source(%arg9 : memref<128x128xf32, #tpu.memory_space<vmem>>) target(%dma_start3A_105 : memref<128x128xf32, #tpu.memory_space<vmem_shared>>) target_semaphore(%run_scoped3A : memref<!tpu.dma_semaphore, #tpu.memory_space<semaphore_mem>>)
      %dma_wait3A = arith.constant 0 : i32
      %dma_wait3A_106 = tpu.memref_slice %arg11[%add3A_16, %dma_wait3A] : memref<10240x128xf32, #tpu.memory_space<vmem_shared>> -> memref<128x128xf32, #tpu.memory_space<vmem_shared>>
      %dma_wait3A_107 = arith.constant 0 : i32
      %dma_wait3A_108 = tpu.memref_slice %arg11[%add3A_16, %dma_wait3A_107] : memref<10240x128xf32, #tpu.memory_space<vmem_shared>> -> memref<128x128xf32, #tpu.memory_space<vmem_shared>>
      tpu.wait_dma2 semaphore(%run_scoped3A : memref<!tpu.dma_semaphore, #tpu.memory_space<semaphore_mem>>) src(%arg9 : memref<128x128xf32, #tpu.memory_space<vmem>>) dst(%dma_wait3A_108 : memref<128x128xf32, #tpu.memory_space<vmem_shared>>)
      tpu.yield
    }) : () -> ()
    %mul3A_17 = arith.constant 640 : i32
    %mul3A_18 = arith.muli %arg1, %mul3A_17 : i32
    %add3A_19 = arith.constant 512 : i32
    %add3A_20 = arith.addi %mul3A_18, %add3A_19 : i32
    "tpu.region"() ({
      %run_scoped3A = tpu.sem_alloc : memref<!tpu.dma_semaphore, #tpu.memory_space<semaphore_mem>>
      %dma_start3A_102 = arith.constant 0 : i32
      %dma_start3A_103 = tpu.memref_slice %arg11[%add3A_20, %dma_start3A_102] : memref<10240x128xf32, #tpu.memory_space<vmem_shared>> -> memref<128x128xf32, #tpu.memory_space<vmem_shared>>
      %dma_start3A_104 = arith.constant 0 : i32
      %dma_start3A_105 = tpu.memref_slice %arg11[%add3A_20, %dma_start3A_104] : memref<10240x128xf32, #tpu.memory_space<vmem_shared>> -> memref<128x128xf32, #tpu.memory_space<vmem_shared>>
      tpu.enqueue_dma source(%arg9 : memref<128x128xf32, #tpu.memory_space<vmem>>) target(%dma_start3A_105 : memref<128x128xf32, #tpu.memory_space<vmem_shared>>) target_semaphore(%run_scoped3A : memref<!tpu.dma_semaphore, #tpu.memory_space<semaphore_mem>>)
      %dma_wait3A = arith.constant 0 : i32
      %dma_wait3A_106 = tpu.memref_slice %arg11[%add3A_20, %dma_wait3A] : memref<10240x128xf32, #tpu.memory_space<vmem_shared>> -> memref<128x128xf32, #tpu.memory_space<vmem_shared>>
      %dma_wait3A_107 = arith.constant 0 : i32
      %dma_wait3A_108 = tpu.memref_slice %arg11[%add3A_20, %dma_wait3A_107] : memref<10240x128xf32, #tpu.memory_space<vmem_shared>> -> memref<128x128xf32, #tpu.memory_space<vmem_shared>>
      tpu.wait_dma2 semaphore(%run_scoped3A : memref<!tpu.dma_semaphore, #tpu.memory_space<semaphore_mem>>) src(%arg9 : memref<128x128xf32, #tpu.memory_space<vmem>>) dst(%dma_wait3A_108 : memref<128x128xf32, #tpu.memory_space<vmem_shared>>)
      tpu.yield
    }) : () -> ()
    %barrier3A = arith.constant 0 : index
    tpu.barrier barrier_id(%barrier3A)
    "tpu.region"() ({
      %run_scoped3A = tpu.sem_alloc : memref<!tpu.dma_semaphore, #tpu.memory_space<semaphore_mem>>
      %dma_start3A_102 = arith.constant 0 : i32
      %dma_start3A_103 = arith.constant 0 : i32
      %dma_start3A_104 = tpu.memref_slice %arg3[%add3A, %dma_start3A_102, %dma_start3A_103] : memref<32x80x128xi32, #tpu.memory_space<hbm>> -> memref<1x40x128xi32, #tpu.memory_space<hbm>>
      %dma_start3A_105 = tpu.memref_squeeze %dma_start3A_104 : memref<1x40x128xi32, #tpu.memory_space<hbm>> -> memref<40x128xi32, #tpu.memory_space<hbm>>
      %dma_start3A_106 = arith.constant 0 : i32
      %dma_start3A_107 = arith.constant 0 : i32
      %dma_start3A_108 = tpu.memref_slice %arg3[%add3A, %dma_start3A_106, %dma_start3A_107] : memref<32x80x128xi32, #tpu.memory_space<hbm>> -> memref<1x40x128xi32, #tpu.memory_space<hbm>>
      %dma_start3A_109 = tpu.memref_squeeze %dma_start3A_108 : memref<1x40x128xi32, #tpu.memory_space<hbm>> -> memref<40x128xi32, #tpu.memory_space<hbm>>
      tpu.enqueue_dma source(%dma_start3A_109 : memref<40x128xi32, #tpu.memory_space<hbm>>) target(%arg7 : memref<40x128xi32, #tpu.memory_space<vmem>>) target_semaphore(%run_scoped3A : memref<!tpu.dma_semaphore, #tpu.memory_space<semaphore_mem>>)
      %dma_wait3A = arith.constant 0 : i32
      %dma_wait3A_110 = arith.constant 0 : i32
      %dma_wait3A_111 = tpu.memref_slice %arg3[%add3A, %dma_wait3A, %dma_wait3A_110] : memref<32x80x128xi32, #tpu.memory_space<hbm>> -> memref<1x40x128xi32, #tpu.memory_space<hbm>>
      %dma_wait3A_112 = tpu.memref_squeeze %dma_wait3A_111 : memref<1x40x128xi32, #tpu.memory_space<hbm>> -> memref<40x128xi32, #tpu.memory_space<hbm>>
      %dma_wait3A_113 = arith.constant 0 : i32
      %dma_wait3A_114 = arith.constant 0 : i32
      %dma_wait3A_115 = tpu.memref_slice %arg3[%add3A, %dma_wait3A_113, %dma_wait3A_114] : memref<32x80x128xi32, #tpu.memory_space<hbm>> -> memref<1x40x128xi32, #tpu.memory_space<hbm>>
      %dma_wait3A_116 = tpu.memref_squeeze %dma_wait3A_115 : memref<1x40x128xi32, #tpu.memory_space<hbm>> -> memref<40x128xi32, #tpu.memory_space<hbm>>
      tpu.wait_dma2 semaphore(%run_scoped3A : memref<!tpu.dma_semaphore, #tpu.memory_space<semaphore_mem>>) src(%dma_wait3A_116 : memref<40x128xi32, #tpu.memory_space<hbm>>) dst(%arg7 : memref<40x128xi32, #tpu.memory_space<vmem>>)
      tpu.yield
    }) : () -> ()
    "tpu.region"() ({
      %run_scoped3A = tpu.sem_alloc : memref<!tpu.dma_semaphore, #tpu.memory_space<semaphore_mem>>
      %dma_start3A_102 = arith.constant 0 : i32
      %dma_start3A_103 = arith.constant 0 : i32
      %dma_start3A_104 = tpu.memref_slice %arg4[%add3A, %dma_start3A_102, %dma_start3A_103] : memref<32x80x128xi32, #tpu.memory_space<hbm>> -> memref<1x40x128xi32, #tpu.memory_space<hbm>>
      %dma_start3A_105 = tpu.memref_squeeze %dma_start3A_104 : memref<1x40x128xi32, #tpu.memory_space<hbm>> -> memref<40x128xi32, #tpu.memory_space<hbm>>
      %dma_start3A_106 = arith.constant 0 : i32
      %dma_start3A_107 = arith.constant 0 : i32
      %dma_start3A_108 = tpu.memref_slice %arg4[%add3A, %dma_start3A_106, %dma_start3A_107] : memref<32x80x128xi32, #tpu.memory_space<hbm>> -> memref<1x40x128xi32, #tpu.memory_space<hbm>>
      %dma_start3A_109 = tpu.memref_squeeze %dma_start3A_108 : memref<1x40x128xi32, #tpu.memory_space<hbm>> -> memref<40x128xi32, #tpu.memory_space<hbm>>
      tpu.enqueue_dma source(%dma_start3A_109 : memref<40x128xi32, #tpu.memory_space<hbm>>) target(%arg8 : memref<40x128xi32, #tpu.memory_space<vmem>>) target_semaphore(%run_scoped3A : memref<!tpu.dma_semaphore, #tpu.memory_space<semaphore_mem>>)
      %dma_wait3A = arith.constant 0 : i32
      %dma_wait3A_110 = arith.constant 0 : i32
      %dma_wait3A_111 = tpu.memref_slice %arg4[%add3A, %dma_wait3A, %dma_wait3A_110] : memref<32x80x128xi32, #tpu.memory_space<hbm>> -> memref<1x40x128xi32, #tpu.memory_space<hbm>>
      %dma_wait3A_112 = tpu.memref_squeeze %dma_wait3A_111 : memref<1x40x128xi32, #tpu.memory_space<hbm>> -> memref<40x128xi32, #tpu.memory_space<hbm>>
      %dma_wait3A_113 = arith.constant 0 : i32
      %dma_wait3A_114 = arith.constant 0 : i32
      %dma_wait3A_115 = tpu.memref_slice %arg4[%add3A, %dma_wait3A_113, %dma_wait3A_114] : memref<32x80x128xi32, #tpu.memory_space<hbm>> -> memref<1x40x128xi32, #tpu.memory_space<hbm>>
      %dma_wait3A_116 = tpu.memref_squeeze %dma_wait3A_115 : memref<1x40x128xi32, #tpu.memory_space<hbm>> -> memref<40x128xi32, #tpu.memory_space<hbm>>
      tpu.wait_dma2 semaphore(%run_scoped3A : memref<!tpu.dma_semaphore, #tpu.memory_space<semaphore_mem>>) src(%dma_wait3A_116 : memref<40x128xi32, #tpu.memory_space<hbm>>) dst(%arg8 : memref<40x128xi32, #tpu.memory_space<vmem>>)
      tpu.yield
    }) : () -> ()
    %dma_start3A = arith.constant 0 : i32
    %dma_start3A_21 = arith.constant 0 : i32
    %dma_start3A_22 = tpu.memref_slice %arg7[%dma_start3A, %dma_start3A_21] : memref<40x128xi32, #tpu.memory_space<vmem>> -> memref<1x128xi32, #tpu.memory_space<vmem>>
    %dma_start3A_23 = tpu.memref_squeeze %dma_start3A_22 : memref<1x128xi32, #tpu.memory_space<vmem>> -> memref<128xi32, #tpu.memory_space<vmem>>
    %dma_start3A_24 = arith.constant 0 : i32
    %dma_start3A_25 = arith.constant 0 : i32
    %dma_start3A_26 = tpu.memref_slice %arg2[%dma_start3A_24, %dma_start3A_25] : memref<10000x128xf32, #tpu.memory_space<hbm>> -> memref<10000x128xf32, #tpu.memory_space<hbm>>
    tpu.enqueue_indirect_dma source(%dma_start3A_26 : memref<10000x128xf32, #tpu.memory_space<hbm>>) target(%arg9 : memref<128x128xf32, #tpu.memory_space<vmem>>) offsets(%dma_start3A_23 : memref<128xi32, #tpu.memory_space<vmem>>) semaphore(%arg12 : memref<!tpu.dma_semaphore, #tpu.memory_space<semaphore_mem>>)
    %dma_start3A_27 = arith.constant 1 : i32
    %dma_start3A_28 = arith.constant 0 : i32
    %dma_start3A_29 = tpu.memref_slice %arg7[%dma_start3A_27, %dma_start3A_28] : memref<40x128xi32, #tpu.memory_space<vmem>> -> memref<1x128xi32, #tpu.memory_space<vmem>>
    %dma_start3A_30 = tpu.memref_squeeze %dma_start3A_29 : memref<1x128xi32, #tpu.memory_space<vmem>> -> memref<128xi32, #tpu.memory_space<vmem>>
    %dma_start3A_31 = arith.constant 0 : i32
    %dma_start3A_32 = arith.constant 0 : i32
    %dma_start3A_33 = tpu.memref_slice %arg2[%dma_start3A_31, %dma_start3A_32] : memref<10000x128xf32, #tpu.memory_space<hbm>> -> memref<10000x128xf32, #tpu.memory_space<hbm>>
    tpu.enqueue_indirect_dma source(%dma_start3A_33 : memref<10000x128xf32, #tpu.memory_space<hbm>>) target(%arg10 : memref<128x128xf32, #tpu.memory_space<vmem>>) offsets(%dma_start3A_30 : memref<128xi32, #tpu.memory_space<vmem>>) semaphore(%arg13 : memref<!tpu.dma_semaphore, #tpu.memory_space<semaphore_mem>>)
    %scan3A = arith.constant 0 : i32
    %scan3A_34 = arith.constant 0 : i32
    %scan3A_35 = arith.constant 20 : i32
    %scan3A_36 = arith.addi %scan3A_34, %scan3A_35 : i32
    %scan3A_37 = arith.constant 1 : i32
    %scan3A_38 = scf.for %scan3A_102 = %scan3A_34 to %scan3A_36 step %scan3A_37 iter_args(%scan3A_103 = %scan3A) -> (i32)  : i32 {
      %mul3A_104 = arith.constant 2 : i32
      %mul3A_105 = arith.muli %mul3A_104, %scan3A_102 : i32
      %add3A_106 = arith.constant 0 : i32
      %add3A_107 = arith.addi %mul3A_105, %add3A_106 : i32
      %dma_wait3A = arith.constant 0 : i32
      %dma_wait3A_108 = tpu.memref_slice %arg7[%add3A_107, %dma_wait3A] : memref<40x128xi32, #tpu.memory_space<vmem>> -> memref<1x128xi32, #tpu.memory_space<vmem>>
      %dma_wait3A_109 = tpu.memref_squeeze %dma_wait3A_108 : memref<1x128xi32, #tpu.memory_space<vmem>> -> memref<128xi32, #tpu.memory_space<vmem>>
      %dma_wait3A_110 = arith.constant 0 : i32
      %dma_wait3A_111 = arith.constant 0 : i32
      %dma_wait3A_112 = tpu.memref_slice %arg2[%dma_wait3A_110, %dma_wait3A_111] : memref<10000x128xf32, #tpu.memory_space<hbm>> -> memref<10000x128xf32, #tpu.memory_space<hbm>>
      tpu.wait_indirect_dma semaphore(%arg12 : memref<!tpu.dma_semaphore, #tpu.memory_space<semaphore_mem>>) src(%dma_wait3A_112 : memref<10000x128xf32, #tpu.memory_space<hbm>>) dst(%arg9 : memref<128x128xf32, #tpu.memory_space<vmem>>)
      %dma_start3A_113 = arith.constant 0 : i32
      %dma_start3A_114 = tpu.memref_slice %arg8[%add3A_107, %dma_start3A_113] : memref<40x128xi32, #tpu.memory_space<vmem>> -> memref<1x128xi32, #tpu.memory_space<vmem>>
      %dma_start3A_115 = tpu.memref_squeeze %dma_start3A_114 : memref<1x128xi32, #tpu.memory_space<vmem>> -> memref<128xi32, #tpu.memory_space<vmem>>
      %dma_start3A_116 = arith.constant 0 : i32
      %dma_start3A_117 = arith.constant 0 : i32
      %dma_start3A_118 = tpu.memref_slice %arg11[%dma_start3A_116, %dma_start3A_117] : memref<10240x128xf32, #tpu.memory_space<vmem_shared>> -> memref<10240x128xf32, #tpu.memory_space<vmem_shared>>
      tpu.enqueue_indirect_dma source(%arg9 : memref<128x128xf32, #tpu.memory_space<vmem>>) target(%dma_start3A_118 : memref<10240x128xf32, #tpu.memory_space<vmem_shared>>) offsets(%dma_start3A_115 : memref<128xi32, #tpu.memory_space<vmem>>) semaphore(%arg14 : memref<!tpu.dma_semaphore, #tpu.memory_space<semaphore_mem>>) {add = true}
      %dma_wait3A_119 = arith.constant 0 : i32
      %dma_wait3A_120 = tpu.memref_slice %arg8[%add3A_107, %dma_wait3A_119] : memref<40x128xi32, #tpu.memory_space<vmem>> -> memref<1x128xi32, #tpu.memory_space<vmem>>
      %dma_wait3A_121 = tpu.memref_squeeze %dma_wait3A_120 : memref<1x128xi32, #tpu.memory_space<vmem>> -> memref<128xi32, #tpu.memory_space<vmem>>
      %dma_wait3A_122 = arith.constant 0 : i32
      %dma_wait3A_123 = arith.constant 0 : i32
      %dma_wait3A_124 = tpu.memref_slice %arg11[%dma_wait3A_122, %dma_wait3A_123] : memref<10240x128xf32, #tpu.memory_space<vmem_shared>> -> memref<10240x128xf32, #tpu.memory_space<vmem_shared>>
      tpu.wait_indirect_dma semaphore(%arg14 : memref<!tpu.dma_semaphore, #tpu.memory_space<semaphore_mem>>) src(%arg9 : memref<128x128xf32, #tpu.memory_space<vmem>>) dst(%dma_wait3A_124 : memref<10240x128xf32, #tpu.memory_space<vmem_shared>>)
      %add3A_125 = arith.constant 2 : i32
      %add3A_126 = arith.addi %add3A_107, %add3A_125 : i32
      %lt3A = arith.constant 40 : i32
      %lt3A_127 = arith.cmpi slt, %add3A_126, %lt3A : i32
      %convert_element_type3A = arith.extui %lt3A_127 : i1 to i32
      %cond3A = arith.constant 0 : i32
      %cond3A_128 = arith.cmpi ne, %convert_element_type3A, %cond3A : i32
      scf.if %cond3A_128 {
        %add3A_159 = arith.constant 2 : i32
        %add3A_160 = arith.addi %add3A_107, %add3A_159 : i32
        %dma_start3A_161 = arith.constant 0 : i32
        %dma_start3A_162 = tpu.memref_slice %arg7[%add3A_160, %dma_start3A_161] : memref<40x128xi32, #tpu.memory_space<vmem>> -> memref<1x128xi32, #tpu.memory_space<vmem>>
        %dma_start3A_163 = tpu.memref_squeeze %dma_start3A_162 : memref<1x128xi32, #tpu.memory_space<vmem>> -> memref<128xi32, #tpu.memory_space<vmem>>
        %dma_start3A_164 = arith.constant 0 : i32
        %dma_start3A_165 = arith.constant 0 : i32
        %dma_start3A_166 = tpu.memref_slice %arg2[%dma_start3A_164, %dma_start3A_165] : memref<10000x128xf32, #tpu.memory_space<hbm>> -> memref<10000x128xf32, #tpu.memory_space<hbm>>
        tpu.enqueue_indirect_dma source(%dma_start3A_166 : memref<10000x128xf32, #tpu.memory_space<hbm>>) target(%arg9 : memref<128x128xf32, #tpu.memory_space<vmem>>) offsets(%dma_start3A_163 : memref<128xi32, #tpu.memory_space<vmem>>) semaphore(%arg12 : memref<!tpu.dma_semaphore, #tpu.memory_space<semaphore_mem>>)
      } else {
      }
      %mul3A_129 = arith.constant 2 : i32
      %mul3A_130 = arith.muli %mul3A_129, %scan3A_102 : i32
      %add3A_131 = arith.constant 1 : i32
      %add3A_132 = arith.addi %mul3A_130, %add3A_131 : i32
      %dma_wait3A_133 = arith.constant 0 : i32
      %dma_wait3A_134 = tpu.memref_slice %arg7[%add3A_132, %dma_wait3A_133] : memref<40x128xi32, #tpu.memory_space<vmem>> -> memref<1x128xi32, #tpu.memory_space<vmem>>
      %dma_wait3A_135 = tpu.memref_squeeze %dma_wait3A_134 : memref<1x128xi32, #tpu.memory_space<vmem>> -> memref<128xi32, #tpu.memory_space<vmem>>
      %dma_wait3A_136 = arith.constant 0 : i32
      %dma_wait3A_137 = arith.constant 0 : i32
      %dma_wait3A_138 = tpu.memref_slice %arg2[%dma_wait3A_136, %dma_wait3A_137] : memref<10000x128xf32, #tpu.memory_space<hbm>> -> memref<10000x128xf32, #tpu.memory_space<hbm>>
      tpu.wait_indirect_dma semaphore(%arg13 : memref<!tpu.dma_semaphore, #tpu.memory_space<semaphore_mem>>) src(%dma_wait3A_138 : memref<10000x128xf32, #tpu.memory_space<hbm>>) dst(%arg10 : memref<128x128xf32, #tpu.memory_space<vmem>>)
      %dma_start3A_139 = arith.constant 0 : i32
      %dma_start3A_140 = tpu.memref_slice %arg8[%add3A_132, %dma_start3A_139] : memref<40x128xi32, #tpu.memory_space<vmem>> -> memref<1x128xi32, #tpu.memory_space<vmem>>
      %dma_start3A_141 = tpu.memref_squeeze %dma_start3A_140 : memref<1x128xi32, #tpu.memory_space<vmem>> -> memref<128xi32, #tpu.memory_space<vmem>>
      %dma_start3A_142 = arith.constant 0 : i32
      %dma_start3A_143 = arith.constant 0 : i32
      %dma_start3A_144 = tpu.memref_slice %arg11[%dma_start3A_142, %dma_start3A_143] : memref<10240x128xf32, #tpu.memory_space<vmem_shared>> -> memref<10240x128xf32, #tpu.memory_space<vmem_shared>>
      tpu.enqueue_indirect_dma source(%arg10 : memref<128x128xf32, #tpu.memory_space<vmem>>) target(%dma_start3A_144 : memref<10240x128xf32, #tpu.memory_space<vmem_shared>>) offsets(%dma_start3A_141 : memref<128xi32, #tpu.memory_space<vmem>>) semaphore(%arg14 : memref<!tpu.dma_semaphore, #tpu.memory_space<semaphore_mem>>) {add = true}
      %dma_wait3A_145 = arith.constant 0 : i32
      %dma_wait3A_146 = tpu.memref_slice %arg8[%add3A_132, %dma_wait3A_145] : memref<40x128xi32, #tpu.memory_space<vmem>> -> memref<1x128xi32, #tpu.memory_space<vmem>>
      %dma_wait3A_147 = tpu.memref_squeeze %dma_wait3A_146 : memref<1x128xi32, #tpu.memory_space<vmem>> -> memref<128xi32, #tpu.memory_space<vmem>>
      %dma_wait3A_148 = arith.constant 0 : i32
      %dma_wait3A_149 = arith.constant 0 : i32
      %dma_wait3A_150 = tpu.memref_slice %arg11[%dma_wait3A_148, %dma_wait3A_149] : memref<10240x128xf32, #tpu.memory_space<vmem_shared>> -> memref<10240x128xf32, #tpu.memory_space<vmem_shared>>
      tpu.wait_indirect_dma semaphore(%arg14 : memref<!tpu.dma_semaphore, #tpu.memory_space<semaphore_mem>>) src(%arg10 : memref<128x128xf32, #tpu.memory_space<vmem>>) dst(%dma_wait3A_150 : memref<10240x128xf32, #tpu.memory_space<vmem_shared>>)
      %add3A_151 = arith.constant 2 : i32
      %add3A_152 = arith.addi %add3A_132, %add3A_151 : i32
      %lt3A_153 = arith.constant 40 : i32
      %lt3A_154 = arith.cmpi slt, %add3A_152, %lt3A_153 : i32
      %convert_element_type3A_155 = arith.extui %lt3A_154 : i1 to i32
      %cond3A_156 = arith.constant 0 : i32
      %cond3A_157 = arith.cmpi ne, %convert_element_type3A_155, %cond3A_156 : i32
      scf.if %cond3A_157 {
        %add3A_159 = arith.constant 2 : i32
        %add3A_160 = arith.addi %add3A_132, %add3A_159 : i32
        %dma_start3A_161 = arith.constant 0 : i32
        %dma_start3A_162 = tpu.memref_slice %arg7[%add3A_160, %dma_start3A_161] : memref<40x128xi32, #tpu.memory_space<vmem>> -> memref<1x128xi32, #tpu.memory_space<vmem>>
        %dma_start3A_163 = tpu.memref_squeeze %dma_start3A_162 : memref<1x128xi32, #tpu.memory_space<vmem>> -> memref<128xi32, #tpu.memory_space<vmem>>
        %dma_start3A_164 = arith.constant 0 : i32
        %dma_start3A_165 = arith.constant 0 : i32
        %dma_start3A_166 = tpu.memref_slice %arg2[%dma_start3A_164, %dma_start3A_165] : memref<10000x128xf32, #tpu.memory_space<hbm>> -> memref<10000x128xf32, #tpu.memory_space<hbm>>
        tpu.enqueue_indirect_dma source(%dma_start3A_166 : memref<10000x128xf32, #tpu.memory_space<hbm>>) target(%arg10 : memref<128x128xf32, #tpu.memory_space<vmem>>) offsets(%dma_start3A_163 : memref<128xi32, #tpu.memory_space<vmem>>) semaphore(%arg13 : memref<!tpu.dma_semaphore, #tpu.memory_space<semaphore_mem>>)
      } else {
      }
      %scan3A_158 = arith.constant 0 : i32
      scf.yield %scan3A_158 : i32
    }
    %scan3A_39 = arith.constant 20 : i32
    "tpu.region"() ({
      %run_scoped3A = tpu.sem_alloc : memref<!tpu.dma_semaphore, #tpu.memory_space<semaphore_mem>>
      %dma_start3A_102 = arith.constant 40 : i32
      %dma_start3A_103 = arith.constant 0 : i32
      %dma_start3A_104 = tpu.memref_slice %arg3[%add3A, %dma_start3A_102, %dma_start3A_103] : memref<32x80x128xi32, #tpu.memory_space<hbm>> -> memref<1x40x128xi32, #tpu.memory_space<hbm>>
      %dma_start3A_105 = tpu.memref_squeeze %dma_start3A_104 : memref<1x40x128xi32, #tpu.memory_space<hbm>> -> memref<40x128xi32, #tpu.memory_space<hbm>>
      %dma_start3A_106 = arith.constant 40 : i32
      %dma_start3A_107 = arith.constant 0 : i32
      %dma_start3A_108 = tpu.memref_slice %arg3[%add3A, %dma_start3A_106, %dma_start3A_107] : memref<32x80x128xi32, #tpu.memory_space<hbm>> -> memref<1x40x128xi32, #tpu.memory_space<hbm>>
      %dma_start3A_109 = tpu.memref_squeeze %dma_start3A_108 : memref<1x40x128xi32, #tpu.memory_space<hbm>> -> memref<40x128xi32, #tpu.memory_space<hbm>>
      tpu.enqueue_dma source(%dma_start3A_109 : memref<40x128xi32, #tpu.memory_space<hbm>>) target(%arg7 : memref<40x128xi32, #tpu.memory_space<vmem>>) target_semaphore(%run_scoped3A : memref<!tpu.dma_semaphore, #tpu.memory_space<semaphore_mem>>)
      %dma_wait3A = arith.constant 40 : i32
      %dma_wait3A_110 = arith.constant 0 : i32
      %dma_wait3A_111 = tpu.memref_slice %arg3[%add3A, %dma_wait3A, %dma_wait3A_110] : memref<32x80x128xi32, #tpu.memory_space<hbm>> -> memref<1x40x128xi32, #tpu.memory_space<hbm>>
      %dma_wait3A_112 = tpu.memref_squeeze %dma_wait3A_111 : memref<1x40x128xi32, #tpu.memory_space<hbm>> -> memref<40x128xi32, #tpu.memory_space<hbm>>
      %dma_wait3A_113 = arith.constant 40 : i32
      %dma_wait3A_114 = arith.constant 0 : i32
      %dma_wait3A_115 = tpu.memref_slice %arg3[%add3A, %dma_wait3A_113, %dma_wait3A_114] : memref<32x80x128xi32, #tpu.memory_space<hbm>> -> memref<1x40x128xi32, #tpu.memory_space<hbm>>
      %dma_wait3A_116 = tpu.memref_squeeze %dma_wait3A_115 : memref<1x40x128xi32, #tpu.memory_space<hbm>> -> memref<40x128xi32, #tpu.memory_space<hbm>>
      tpu.wait_dma2 semaphore(%run_scoped3A : memref<!tpu.dma_semaphore, #tpu.memory_space<semaphore_mem>>) src(%dma_wait3A_116 : memref<40x128xi32, #tpu.memory_space<hbm>>) dst(%arg7 : memref<40x128xi32, #tpu.memory_space<vmem>>)
      tpu.yield
    }) : () -> ()
    "tpu.region"() ({
      %run_scoped3A = tpu.sem_alloc : memref<!tpu.dma_semaphore, #tpu.memory_space<semaphore_mem>>
      %dma_start3A_102 = arith.constant 40 : i32
      %dma_start3A_103 = arith.constant 0 : i32
      %dma_start3A_104 = tpu.memref_slice %arg4[%add3A, %dma_start3A_102, %dma_start3A_103] : memref<32x80x128xi32, #tpu.memory_space<hbm>> -> memref<1x40x128xi32, #tpu.memory_space<hbm>>
      %dma_start3A_105 = tpu.memref_squeeze %dma_start3A_104 : memref<1x40x128xi32, #tpu.memory_space<hbm>> -> memref<40x128xi32, #tpu.memory_space<hbm>>
      %dma_start3A_106 = arith.constant 40 : i32
      %dma_start3A_107 = arith.constant 0 : i32
      %dma_start3A_108 = tpu.memref_slice %arg4[%add3A, %dma_start3A_106, %dma_start3A_107] : memref<32x80x128xi32, #tpu.memory_space<hbm>> -> memref<1x40x128xi32, #tpu.memory_space<hbm>>
      %dma_start3A_109 = tpu.memref_squeeze %dma_start3A_108 : memref<1x40x128xi32, #tpu.memory_space<hbm>> -> memref<40x128xi32, #tpu.memory_space<hbm>>
      tpu.enqueue_dma source(%dma_start3A_109 : memref<40x128xi32, #tpu.memory_space<hbm>>) target(%arg8 : memref<40x128xi32, #tpu.memory_space<vmem>>) target_semaphore(%run_scoped3A : memref<!tpu.dma_semaphore, #tpu.memory_space<semaphore_mem>>)
      %dma_wait3A = arith.constant 40 : i32
      %dma_wait3A_110 = arith.constant 0 : i32
      %dma_wait3A_111 = tpu.memref_slice %arg4[%add3A, %dma_wait3A, %dma_wait3A_110] : memref<32x80x128xi32, #tpu.memory_space<hbm>> -> memref<1x40x128xi32, #tpu.memory_space<hbm>>
      %dma_wait3A_112 = tpu.memref_squeeze %dma_wait3A_111 : memref<1x40x128xi32, #tpu.memory_space<hbm>> -> memref<40x128xi32, #tpu.memory_space<hbm>>
      %dma_wait3A_113 = arith.constant 40 : i32
      %dma_wait3A_114 = arith.constant 0 : i32
      %dma_wait3A_115 = tpu.memref_slice %arg4[%add3A, %dma_wait3A_113, %dma_wait3A_114] : memref<32x80x128xi32, #tpu.memory_space<hbm>> -> memref<1x40x128xi32, #tpu.memory_space<hbm>>
      %dma_wait3A_116 = tpu.memref_squeeze %dma_wait3A_115 : memref<1x40x128xi32, #tpu.memory_space<hbm>> -> memref<40x128xi32, #tpu.memory_space<hbm>>
      tpu.wait_dma2 semaphore(%run_scoped3A : memref<!tpu.dma_semaphore, #tpu.memory_space<semaphore_mem>>) src(%dma_wait3A_116 : memref<40x128xi32, #tpu.memory_space<hbm>>) dst(%arg8 : memref<40x128xi32, #tpu.memory_space<vmem>>)
      tpu.yield
    }) : () -> ()
    %dma_start3A_40 = arith.constant 0 : i32
    %dma_start3A_41 = arith.constant 0 : i32
    %dma_start3A_42 = tpu.memref_slice %arg7[%dma_start3A_40, %dma_start3A_41] : memref<40x128xi32, #tpu.memory_space<vmem>> -> memref<1x128xi32, #tpu.memory_space<vmem>>
    %dma_start3A_43 = tpu.memref_squeeze %dma_start3A_42 : memref<1x128xi32, #tpu.memory_space<vmem>> -> memref<128xi32, #tpu.memory_space<vmem>>
    %dma_start3A_44 = arith.constant 0 : i32
    %dma_start3A_45 = arith.constant 0 : i32
    %dma_start3A_46 = tpu.memref_slice %arg2[%dma_start3A_44, %dma_start3A_45] : memref<10000x128xf32, #tpu.memory_space<hbm>> -> memref<10000x128xf32, #tpu.memory_space<hbm>>
    tpu.enqueue_indirect_dma source(%dma_start3A_46 : memref<10000x128xf32, #tpu.memory_space<hbm>>) target(%arg9 : memref<128x128xf32, #tpu.memory_space<vmem>>) offsets(%dma_start3A_43 : memref<128xi32, #tpu.memory_space<vmem>>) semaphore(%arg12 : memref<!tpu.dma_semaphore, #tpu.memory_space<semaphore_mem>>)
    %dma_start3A_47 = arith.constant 1 : i32
    %dma_start3A_48 = arith.constant 0 : i32
    %dma_start3A_49 = tpu.memref_slice %arg7[%dma_start3A_47, %dma_start3A_48] : memref<40x128xi32, #tpu.memory_space<vmem>> -> memref<1x128xi32, #tpu.memory_space<vmem>>
    %dma_start3A_50 = tpu.memref_squeeze %dma_start3A_49 : memref<1x128xi32, #tpu.memory_space<vmem>> -> memref<128xi32, #tpu.memory_space<vmem>>
    %dma_start3A_51 = arith.constant 0 : i32
    %dma_start3A_52 = arith.constant 0 : i32
    %dma_start3A_53 = tpu.memref_slice %arg2[%dma_start3A_51, %dma_start3A_52] : memref<10000x128xf32, #tpu.memory_space<hbm>> -> memref<10000x128xf32, #tpu.memory_space<hbm>>
    tpu.enqueue_indirect_dma source(%dma_start3A_53 : memref<10000x128xf32, #tpu.memory_space<hbm>>) target(%arg10 : memref<128x128xf32, #tpu.memory_space<vmem>>) offsets(%dma_start3A_50 : memref<128xi32, #tpu.memory_space<vmem>>) semaphore(%arg13 : memref<!tpu.dma_semaphore, #tpu.memory_space<semaphore_mem>>)
    %scan3A_54 = arith.constant 0 : i32
    %scan3A_55 = arith.constant 0 : i32
    %scan3A_56 = arith.constant 20 : i32
    %scan3A_57 = arith.addi %scan3A_55, %scan3A_56 : i32
    %scan3A_58 = arith.constant 1 : i32
    %scan3A_59 = scf.for %scan3A_102 = %scan3A_55 to %scan3A_57 step %scan3A_58 iter_args(%scan3A_103 = %scan3A_54) -> (i32)  : i32 {
      %mul3A_104 = arith.constant 2 : i32
      %mul3A_105 = arith.muli %mul3A_104, %scan3A_102 : i32
      %add3A_106 = arith.constant 0 : i32
      %add3A_107 = arith.addi %mul3A_105, %add3A_106 : i32
      %dma_wait3A = arith.constant 0 : i32
      %dma_wait3A_108 = tpu.memref_slice %arg7[%add3A_107, %dma_wait3A] : memref<40x128xi32, #tpu.memory_space<vmem>> -> memref<1x128xi32, #tpu.memory_space<vmem>>
      %dma_wait3A_109 = tpu.memref_squeeze %dma_wait3A_108 : memref<1x128xi32, #tpu.memory_space<vmem>> -> memref<128xi32, #tpu.memory_space<vmem>>
      %dma_wait3A_110 = arith.constant 0 : i32
      %dma_wait3A_111 = arith.constant 0 : i32
      %dma_wait3A_112 = tpu.memref_slice %arg2[%dma_wait3A_110, %dma_wait3A_111] : memref<10000x128xf32, #tpu.memory_space<hbm>> -> memref<10000x128xf32, #tpu.memory_space<hbm>>
      tpu.wait_indirect_dma semaphore(%arg12 : memref<!tpu.dma_semaphore, #tpu.memory_space<semaphore_mem>>) src(%dma_wait3A_112 : memref<10000x128xf32, #tpu.memory_space<hbm>>) dst(%arg9 : memref<128x128xf32, #tpu.memory_space<vmem>>)
      %dma_start3A_113 = arith.constant 0 : i32
      %dma_start3A_114 = tpu.memref_slice %arg8[%add3A_107, %dma_start3A_113] : memref<40x128xi32, #tpu.memory_space<vmem>> -> memref<1x128xi32, #tpu.memory_space<vmem>>
      %dma_start3A_115 = tpu.memref_squeeze %dma_start3A_114 : memref<1x128xi32, #tpu.memory_space<vmem>> -> memref<128xi32, #tpu.memory_space<vmem>>
      %dma_start3A_116 = arith.constant 0 : i32
      %dma_start3A_117 = arith.constant 0 : i32
      %dma_start3A_118 = tpu.memref_slice %arg11[%dma_start3A_116, %dma_start3A_117] : memref<10240x128xf32, #tpu.memory_space<vmem_shared>> -> memref<10240x128xf32, #tpu.memory_space<vmem_shared>>
      tpu.enqueue_indirect_dma source(%arg9 : memref<128x128xf32, #tpu.memory_space<vmem>>) target(%dma_start3A_118 : memref<10240x128xf32, #tpu.memory_space<vmem_shared>>) offsets(%dma_start3A_115 : memref<128xi32, #tpu.memory_space<vmem>>) semaphore(%arg14 : memref<!tpu.dma_semaphore, #tpu.memory_space<semaphore_mem>>) {add = true}
      %dma_wait3A_119 = arith.constant 0 : i32
      %dma_wait3A_120 = tpu.memref_slice %arg8[%add3A_107, %dma_wait3A_119] : memref<40x128xi32, #tpu.memory_space<vmem>> -> memref<1x128xi32, #tpu.memory_space<vmem>>
      %dma_wait3A_121 = tpu.memref_squeeze %dma_wait3A_120 : memref<1x128xi32, #tpu.memory_space<vmem>> -> memref<128xi32, #tpu.memory_space<vmem>>
      %dma_wait3A_122 = arith.constant 0 : i32
      %dma_wait3A_123 = arith.constant 0 : i32
      %dma_wait3A_124 = tpu.memref_slice %arg11[%dma_wait3A_122, %dma_wait3A_123] : memref<10240x128xf32, #tpu.memory_space<vmem_shared>> -> memref<10240x128xf32, #tpu.memory_space<vmem_shared>>
      tpu.wait_indirect_dma semaphore(%arg14 : memref<!tpu.dma_semaphore, #tpu.memory_space<semaphore_mem>>) src(%arg9 : memref<128x128xf32, #tpu.memory_space<vmem>>) dst(%dma_wait3A_124 : memref<10240x128xf32, #tpu.memory_space<vmem_shared>>)
      %add3A_125 = arith.constant 2 : i32
      %add3A_126 = arith.addi %add3A_107, %add3A_125 : i32
      %lt3A = arith.constant 40 : i32
      %lt3A_127 = arith.cmpi slt, %add3A_126, %lt3A : i32
      %convert_element_type3A = arith.extui %lt3A_127 : i1 to i32
      %cond3A = arith.constant 0 : i32
      %cond3A_128 = arith.cmpi ne, %convert_element_type3A, %cond3A : i32
      scf.if %cond3A_128 {
        %add3A_159 = arith.constant 2 : i32
        %add3A_160 = arith.addi %add3A_107, %add3A_159 : i32
        %dma_start3A_161 = arith.constant 0 : i32
        %dma_start3A_162 = tpu.memref_slice %arg7[%add3A_160, %dma_start3A_161] : memref<40x128xi32, #tpu.memory_space<vmem>> -> memref<1x128xi32, #tpu.memory_space<vmem>>
        %dma_start3A_163 = tpu.memref_squeeze %dma_start3A_162 : memref<1x128xi32, #tpu.memory_space<vmem>> -> memref<128xi32, #tpu.memory_space<vmem>>
        %dma_start3A_164 = arith.constant 0 : i32
        %dma_start3A_165 = arith.constant 0 : i32
        %dma_start3A_166 = tpu.memref_slice %arg2[%dma_start3A_164, %dma_start3A_165] : memref<10000x128xf32, #tpu.memory_space<hbm>> -> memref<10000x128xf32, #tpu.memory_space<hbm>>
        tpu.enqueue_indirect_dma source(%dma_start3A_166 : memref<10000x128xf32, #tpu.memory_space<hbm>>) target(%arg9 : memref<128x128xf32, #tpu.memory_space<vmem>>) offsets(%dma_start3A_163 : memref<128xi32, #tpu.memory_space<vmem>>) semaphore(%arg12 : memref<!tpu.dma_semaphore, #tpu.memory_space<semaphore_mem>>)
      } else {
      }
      %mul3A_129 = arith.constant 2 : i32
      %mul3A_130 = arith.muli %mul3A_129, %scan3A_102 : i32
      %add3A_131 = arith.constant 1 : i32
      %add3A_132 = arith.addi %mul3A_130, %add3A_131 : i32
      %dma_wait3A_133 = arith.constant 0 : i32
      %dma_wait3A_134 = tpu.memref_slice %arg7[%add3A_132, %dma_wait3A_133] : memref<40x128xi32, #tpu.memory_space<vmem>> -> memref<1x128xi32, #tpu.memory_space<vmem>>
      %dma_wait3A_135 = tpu.memref_squeeze %dma_wait3A_134 : memref<1x128xi32, #tpu.memory_space<vmem>> -> memref<128xi32, #tpu.memory_space<vmem>>
      %dma_wait3A_136 = arith.constant 0 : i32
      %dma_wait3A_137 = arith.constant 0 : i32
      %dma_wait3A_138 = tpu.memref_slice %arg2[%dma_wait3A_136, %dma_wait3A_137] : memref<10000x128xf32, #tpu.memory_space<hbm>> -> memref<10000x128xf32, #tpu.memory_space<hbm>>
      tpu.wait_indirect_dma semaphore(%arg13 : memref<!tpu.dma_semaphore, #tpu.memory_space<semaphore_mem>>) src(%dma_wait3A_138 : memref<10000x128xf32, #tpu.memory_space<hbm>>) dst(%arg10 : memref<128x128xf32, #tpu.memory_space<vmem>>)
      %dma_start3A_139 = arith.constant 0 : i32
      %dma_start3A_140 = tpu.memref_slice %arg8[%add3A_132, %dma_start3A_139] : memref<40x128xi32, #tpu.memory_space<vmem>> -> memref<1x128xi32, #tpu.memory_space<vmem>>
      %dma_start3A_141 = tpu.memref_squeeze %dma_start3A_140 : memref<1x128xi32, #tpu.memory_space<vmem>> -> memref<128xi32, #tpu.memory_space<vmem>>
      %dma_start3A_142 = arith.constant 0 : i32
      %dma_start3A_143 = arith.constant 0 : i32
      %dma_start3A_144 = tpu.memref_slice %arg11[%dma_start3A_142, %dma_start3A_143] : memref<10240x128xf32, #tpu.memory_space<vmem_shared>> -> memref<10240x128xf32, #tpu.memory_space<vmem_shared>>
      tpu.enqueue_indirect_dma source(%arg10 : memref<128x128xf32, #tpu.memory_space<vmem>>) target(%dma_start3A_144 : memref<10240x128xf32, #tpu.memory_space<vmem_shared>>) offsets(%dma_start3A_141 : memref<128xi32, #tpu.memory_space<vmem>>) semaphore(%arg14 : memref<!tpu.dma_semaphore, #tpu.memory_space<semaphore_mem>>) {add = true}
      %dma_wait3A_145 = arith.constant 0 : i32
      %dma_wait3A_146 = tpu.memref_slice %arg8[%add3A_132, %dma_wait3A_145] : memref<40x128xi32, #tpu.memory_space<vmem>> -> memref<1x128xi32, #tpu.memory_space<vmem>>
      %dma_wait3A_147 = tpu.memref_squeeze %dma_wait3A_146 : memref<1x128xi32, #tpu.memory_space<vmem>> -> memref<128xi32, #tpu.memory_space<vmem>>
      %dma_wait3A_148 = arith.constant 0 : i32
      %dma_wait3A_149 = arith.constant 0 : i32
      %dma_wait3A_150 = tpu.memref_slice %arg11[%dma_wait3A_148, %dma_wait3A_149] : memref<10240x128xf32, #tpu.memory_space<vmem_shared>> -> memref<10240x128xf32, #tpu.memory_space<vmem_shared>>
      tpu.wait_indirect_dma semaphore(%arg14 : memref<!tpu.dma_semaphore, #tpu.memory_space<semaphore_mem>>) src(%arg10 : memref<128x128xf32, #tpu.memory_space<vmem>>) dst(%dma_wait3A_150 : memref<10240x128xf32, #tpu.memory_space<vmem_shared>>)
      %add3A_151 = arith.constant 2 : i32
      %add3A_152 = arith.addi %add3A_132, %add3A_151 : i32
      %lt3A_153 = arith.constant 40 : i32
      %lt3A_154 = arith.cmpi slt, %add3A_152, %lt3A_153 : i32
      %convert_element_type3A_155 = arith.extui %lt3A_154 : i1 to i32
      %cond3A_156 = arith.constant 0 : i32
      %cond3A_157 = arith.cmpi ne, %convert_element_type3A_155, %cond3A_156 : i32
      scf.if %cond3A_157 {
        %add3A_159 = arith.constant 2 : i32
        %add3A_160 = arith.addi %add3A_132, %add3A_159 : i32
        %dma_start3A_161 = arith.constant 0 : i32
        %dma_start3A_162 = tpu.memref_slice %arg7[%add3A_160, %dma_start3A_161] : memref<40x128xi32, #tpu.memory_space<vmem>> -> memref<1x128xi32, #tpu.memory_space<vmem>>
        %dma_start3A_163 = tpu.memref_squeeze %dma_start3A_162 : memref<1x128xi32, #tpu.memory_space<vmem>> -> memref<128xi32, #tpu.memory_space<vmem>>
        %dma_start3A_164 = arith.constant 0 : i32
        %dma_start3A_165 = arith.constant 0 : i32
        %dma_start3A_166 = tpu.memref_slice %arg2[%dma_start3A_164, %dma_start3A_165] : memref<10000x128xf32, #tpu.memory_space<hbm>> -> memref<10000x128xf32, #tpu.memory_space<hbm>>
        tpu.enqueue_indirect_dma source(%dma_start3A_166 : memref<10000x128xf32, #tpu.memory_space<hbm>>) target(%arg10 : memref<128x128xf32, #tpu.memory_space<vmem>>) offsets(%dma_start3A_163 : memref<128xi32, #tpu.memory_space<vmem>>) semaphore(%arg13 : memref<!tpu.dma_semaphore, #tpu.memory_space<semaphore_mem>>)
      } else {
      }
      %scan3A_158 = arith.constant 0 : i32
      scf.yield %scan3A_158 : i32
    }
    %scan3A_60 = arith.constant 20 : i32
    %barrier3A_61 = arith.constant 0 : index
    tpu.barrier barrier_id(%barrier3A_61)
    %mul3A_62 = arith.constant 640 : i32
    %mul3A_63 = arith.muli %arg1, %mul3A_62 : i32
    %add3A_64 = arith.constant 0 : i32
    %add3A_65 = arith.addi %mul3A_63, %add3A_64 : i32
    "tpu.region"() ({
      %run_scoped3A = tpu.sem_alloc : memref<!tpu.dma_semaphore, #tpu.memory_space<semaphore_mem>>
      %dma_start3A_102 = arith.constant 0 : i32
      %dma_start3A_103 = tpu.memref_slice %arg11[%add3A_65, %dma_start3A_102] : memref<10240x128xf32, #tpu.memory_space<vmem_shared>> -> memref<128x128xf32, #tpu.memory_space<vmem_shared>>
      %dma_start3A_104 = arith.constant 0 : i32
      %dma_start3A_105 = tpu.memref_slice %arg11[%add3A_65, %dma_start3A_104] : memref<10240x128xf32, #tpu.memory_space<vmem_shared>> -> memref<128x128xf32, #tpu.memory_space<vmem_shared>>
      tpu.enqueue_dma source(%dma_start3A_105 : memref<128x128xf32, #tpu.memory_space<vmem_shared>>) target(%arg9 : memref<128x128xf32, #tpu.memory_space<vmem>>) target_semaphore(%run_scoped3A : memref<!tpu.dma_semaphore, #tpu.memory_space<semaphore_mem>>)
      %dma_wait3A = arith.constant 0 : i32
      %dma_wait3A_106 = tpu.memref_slice %arg11[%add3A_65, %dma_wait3A] : memref<10240x128xf32, #tpu.memory_space<vmem_shared>> -> memref<128x128xf32, #tpu.memory_space<vmem_shared>>
      %dma_wait3A_107 = arith.constant 0 : i32
      %dma_wait3A_108 = tpu.memref_slice %arg11[%add3A_65, %dma_wait3A_107] : memref<10240x128xf32, #tpu.memory_space<vmem_shared>> -> memref<128x128xf32, #tpu.memory_space<vmem_shared>>
      tpu.wait_dma2 semaphore(%run_scoped3A : memref<!tpu.dma_semaphore, #tpu.memory_space<semaphore_mem>>) src(%dma_wait3A_108 : memref<128x128xf32, #tpu.memory_space<vmem_shared>>) dst(%arg9 : memref<128x128xf32, #tpu.memory_space<vmem>>)
      tpu.yield
    }) : () -> ()
    %mul3A_66 = arith.constant 640 : i32
    %mul3A_67 = arith.muli %arg1, %mul3A_66 : i32
    %add3A_68 = arith.constant 0 : i32
    %add3A_69 = arith.addi %mul3A_67, %add3A_68 : i32
    "tpu.region"() ({
      %run_scoped3A = tpu.sem_alloc : memref<!tpu.dma_semaphore, #tpu.memory_space<semaphore_mem>>
      %dma_start3A_102 = arith.constant 0 : i32
      %dma_start3A_103 = tpu.memref_slice %arg6[%arg0, %add3A_69, %dma_start3A_102] : memref<2x10240x128xf32, #tpu.memory_space<hbm>> -> memref<1x128x128xf32, #tpu.memory_space<hbm>>
      %dma_start3A_104 = tpu.memref_squeeze %dma_start3A_103 : memref<1x128x128xf32, #tpu.memory_space<hbm>> -> memref<128x128xf32, #tpu.memory_space<hbm>>
      %dma_start3A_105 = arith.constant 0 : i32
      %dma_start3A_106 = tpu.memref_slice %arg6[%arg0, %add3A_69, %dma_start3A_105] : memref<2x10240x128xf32, #tpu.memory_space<hbm>> -> memref<1x128x128xf32, #tpu.memory_space<hbm>>
      %dma_start3A_107 = tpu.memref_squeeze %dma_start3A_106 : memref<1x128x128xf32, #tpu.memory_space<hbm>> -> memref<128x128xf32, #tpu.memory_space<hbm>>
      tpu.enqueue_dma source(%arg9 : memref<128x128xf32, #tpu.memory_space<vmem>>) target(%dma_start3A_107 : memref<128x128xf32, #tpu.memory_space<hbm>>) target_semaphore(%run_scoped3A : memref<!tpu.dma_semaphore, #tpu.memory_space<semaphore_mem>>)
      %dma_wait3A = arith.constant 0 : i32
      %dma_wait3A_108 = tpu.memref_slice %arg6[%arg0, %add3A_69, %dma_wait3A] : memref<2x10240x128xf32, #tpu.memory_space<hbm>> -> memref<1x128x128xf32, #tpu.memory_space<hbm>>
      %dma_wait3A_109 = tpu.memref_squeeze %dma_wait3A_108 : memref<1x128x128xf32, #tpu.memory_space<hbm>> -> memref<128x128xf32, #tpu.memory_space<hbm>>
      %dma_wait3A_110 = arith.constant 0 : i32
      %dma_wait3A_111 = tpu.memref_slice %arg6[%arg0, %add3A_69, %dma_wait3A_110] : memref<2x10240x128xf32, #tpu.memory_space<hbm>> -> memref<1x128x128xf32, #tpu.memory_space<hbm>>
      %dma_wait3A_112 = tpu.memref_squeeze %dma_wait3A_111 : memref<1x128x128xf32, #tpu.memory_space<hbm>> -> memref<128x128xf32, #tpu.memory_space<hbm>>
      tpu.wait_dma2 semaphore(%run_scoped3A : memref<!tpu.dma_semaphore, #tpu.memory_space<semaphore_mem>>) src(%arg9 : memref<128x128xf32, #tpu.memory_space<vmem>>) dst(%dma_wait3A_112 : memref<128x128xf32, #tpu.memory_space<hbm>>)
      tpu.yield
    }) : () -> ()
    %mul3A_70 = arith.constant 640 : i32
    %mul3A_71 = arith.muli %arg1, %mul3A_70 : i32
    %add3A_72 = arith.constant 128 : i32
    %add3A_73 = arith.addi %mul3A_71, %add3A_72 : i32
    "tpu.region"() ({
      %run_scoped3A = tpu.sem_alloc : memref<!tpu.dma_semaphore, #tpu.memory_space<semaphore_mem>>
      %dma_start3A_102 = arith.constant 0 : i32
      %dma_start3A_103 = tpu.memref_slice %arg11[%add3A_73, %dma_start3A_102] : memref<10240x128xf32, #tpu.memory_space<vmem_shared>> -> memref<128x128xf32, #tpu.memory_space<vmem_shared>>
      %dma_start3A_104 = arith.constant 0 : i32
      %dma_start3A_105 = tpu.memref_slice %arg11[%add3A_73, %dma_start3A_104] : memref<10240x128xf32, #tpu.memory_space<vmem_shared>> -> memref<128x128xf32, #tpu.memory_space<vmem_shared>>
      tpu.enqueue_dma source(%dma_start3A_105 : memref<128x128xf32, #tpu.memory_space<vmem_shared>>) target(%arg9 : memref<128x128xf32, #tpu.memory_space<vmem>>) target_semaphore(%run_scoped3A : memref<!tpu.dma_semaphore, #tpu.memory_space<semaphore_mem>>)
      %dma_wait3A = arith.constant 0 : i32
      %dma_wait3A_106 = tpu.memref_slice %arg11[%add3A_73, %dma_wait3A] : memref<10240x128xf32, #tpu.memory_space<vmem_shared>> -> memref<128x128xf32, #tpu.memory_space<vmem_shared>>
      %dma_wait3A_107 = arith.constant 0 : i32
      %dma_wait3A_108 = tpu.memref_slice %arg11[%add3A_73, %dma_wait3A_107] : memref<10240x128xf32, #tpu.memory_space<vmem_shared>> -> memref<128x128xf32, #tpu.memory_space<vmem_shared>>
      tpu.wait_dma2 semaphore(%run_scoped3A : memref<!tpu.dma_semaphore, #tpu.memory_space<semaphore_mem>>) src(%dma_wait3A_108 : memref<128x128xf32, #tpu.memory_space<vmem_shared>>) dst(%arg9 : memref<128x128xf32, #tpu.memory_space<vmem>>)
      tpu.yield
    }) : () -> ()
    %mul3A_74 = arith.constant 640 : i32
    %mul3A_75 = arith.muli %arg1, %mul3A_74 : i32
    %add3A_76 = arith.constant 128 : i32
    %add3A_77 = arith.addi %mul3A_75, %add3A_76 : i32
    "tpu.region"() ({
      %run_scoped3A = tpu.sem_alloc : memref<!tpu.dma_semaphore, #tpu.memory_space<semaphore_mem>>
      %dma_start3A_102 = arith.constant 0 : i32
      %dma_start3A_103 = tpu.memref_slice %arg6[%arg0, %add3A_77, %dma_start3A_102] : memref<2x10240x128xf32, #tpu.memory_space<hbm>> -> memref<1x128x128xf32, #tpu.memory_space<hbm>>
      %dma_start3A_104 = tpu.memref_squeeze %dma_start3A_103 : memref<1x128x128xf32, #tpu.memory_space<hbm>> -> memref<128x128xf32, #tpu.memory_space<hbm>>
      %dma_start3A_105 = arith.constant 0 : i32
      %dma_start3A_106 = tpu.memref_slice %arg6[%arg0, %add3A_77, %dma_start3A_105] : memref<2x10240x128xf32, #tpu.memory_space<hbm>> -> memref<1x128x128xf32, #tpu.memory_space<hbm>>
      %dma_start3A_107 = tpu.memref_squeeze %dma_start3A_106 : memref<1x128x128xf32, #tpu.memory_space<hbm>> -> memref<128x128xf32, #tpu.memory_space<hbm>>
      tpu.enqueue_dma source(%arg9 : memref<128x128xf32, #tpu.memory_space<vmem>>) target(%dma_start3A_107 : memref<128x128xf32, #tpu.memory_space<hbm>>) target_semaphore(%run_scoped3A : memref<!tpu.dma_semaphore, #tpu.memory_space<semaphore_mem>>)
      %dma_wait3A = arith.constant 0 : i32
      %dma_wait3A_108 = tpu.memref_slice %arg6[%arg0, %add3A_77, %dma_wait3A] : memref<2x10240x128xf32, #tpu.memory_space<hbm>> -> memref<1x128x128xf32, #tpu.memory_space<hbm>>
      %dma_wait3A_109 = tpu.memref_squeeze %dma_wait3A_108 : memref<1x128x128xf32, #tpu.memory_space<hbm>> -> memref<128x128xf32, #tpu.memory_space<hbm>>
      %dma_wait3A_110 = arith.constant 0 : i32
      %dma_wait3A_111 = tpu.memref_slice %arg6[%arg0, %add3A_77, %dma_wait3A_110] : memref<2x10240x128xf32, #tpu.memory_space<hbm>> -> memref<1x128x128xf32, #tpu.memory_space<hbm>>
      %dma_wait3A_112 = tpu.memref_squeeze %dma_wait3A_111 : memref<1x128x128xf32, #tpu.memory_space<hbm>> -> memref<128x128xf32, #tpu.memory_space<hbm>>
      tpu.wait_dma2 semaphore(%run_scoped3A : memref<!tpu.dma_semaphore, #tpu.memory_space<semaphore_mem>>) src(%arg9 : memref<128x128xf32, #tpu.memory_space<vmem>>) dst(%dma_wait3A_112 : memref<128x128xf32, #tpu.memory_space<hbm>>)
      tpu.yield
    }) : () -> ()
    %mul3A_78 = arith.constant 640 : i32
    %mul3A_79 = arith.muli %arg1, %mul3A_78 : i32
    %add3A_80 = arith.constant 256 : i32
    %add3A_81 = arith.addi %mul3A_79, %add3A_80 : i32
    "tpu.region"() ({
      %run_scoped3A = tpu.sem_alloc : memref<!tpu.dma_semaphore, #tpu.memory_space<semaphore_mem>>
      %dma_start3A_102 = arith.constant 0 : i32
      %dma_start3A_103 = tpu.memref_slice %arg11[%add3A_81, %dma_start3A_102] : memref<10240x128xf32, #tpu.memory_space<vmem_shared>> -> memref<128x128xf32, #tpu.memory_space<vmem_shared>>
      %dma_start3A_104 = arith.constant 0 : i32
      %dma_start3A_105 = tpu.memref_slice %arg11[%add3A_81, %dma_start3A_104] : memref<10240x128xf32, #tpu.memory_space<vmem_shared>> -> memref<128x128xf32, #tpu.memory_space<vmem_shared>>
      tpu.enqueue_dma source(%dma_start3A_105 : memref<128x128xf32, #tpu.memory_space<vmem_shared>>) target(%arg9 : memref<128x128xf32, #tpu.memory_space<vmem>>) target_semaphore(%run_scoped3A : memref<!tpu.dma_semaphore, #tpu.memory_space<semaphore_mem>>)
      %dma_wait3A = arith.constant 0 : i32
      %dma_wait3A_106 = tpu.memref_slice %arg11[%add3A_81, %dma_wait3A] : memref<10240x128xf32, #tpu.memory_space<vmem_shared>> -> memref<128x128xf32, #tpu.memory_space<vmem_shared>>
      %dma_wait3A_107 = arith.constant 0 : i32
      %dma_wait3A_108 = tpu.memref_slice %arg11[%add3A_81, %dma_wait3A_107] : memref<10240x128xf32, #tpu.memory_space<vmem_shared>> -> memref<128x128xf32, #tpu.memory_space<vmem_shared>>
      tpu.wait_dma2 semaphore(%run_scoped3A : memref<!tpu.dma_semaphore, #tpu.memory_space<semaphore_mem>>) src(%dma_wait3A_108 : memref<128x128xf32, #tpu.memory_space<vmem_shared>>) dst(%arg9 : memref<128x128xf32, #tpu.memory_space<vmem>>)
      tpu.yield
    }) : () -> ()
    %mul3A_82 = arith.constant 640 : i32
    %mul3A_83 = arith.muli %arg1, %mul3A_82 : i32
    %add3A_84 = arith.constant 256 : i32
    %add3A_85 = arith.addi %mul3A_83, %add3A_84 : i32
    "tpu.region"() ({
      %run_scoped3A = tpu.sem_alloc : memref<!tpu.dma_semaphore, #tpu.memory_space<semaphore_mem>>
      %dma_start3A_102 = arith.constant 0 : i32
      %dma_start3A_103 = tpu.memref_slice %arg6[%arg0, %add3A_85, %dma_start3A_102] : memref<2x10240x128xf32, #tpu.memory_space<hbm>> -> memref<1x128x128xf32, #tpu.memory_space<hbm>>
      %dma_start3A_104 = tpu.memref_squeeze %dma_start3A_103 : memref<1x128x128xf32, #tpu.memory_space<hbm>> -> memref<128x128xf32, #tpu.memory_space<hbm>>
      %dma_start3A_105 = arith.constant 0 : i32
      %dma_start3A_106 = tpu.memref_slice %arg6[%arg0, %add3A_85, %dma_start3A_105] : memref<2x10240x128xf32, #tpu.memory_space<hbm>> -> memref<1x128x128xf32, #tpu.memory_space<hbm>>
      %dma_start3A_107 = tpu.memref_squeeze %dma_start3A_106 : memref<1x128x128xf32, #tpu.memory_space<hbm>> -> memref<128x128xf32, #tpu.memory_space<hbm>>
      tpu.enqueue_dma source(%arg9 : memref<128x128xf32, #tpu.memory_space<vmem>>) target(%dma_start3A_107 : memref<128x128xf32, #tpu.memory_space<hbm>>) target_semaphore(%run_scoped3A : memref<!tpu.dma_semaphore, #tpu.memory_space<semaphore_mem>>)
      %dma_wait3A = arith.constant 0 : i32
      %dma_wait3A_108 = tpu.memref_slice %arg6[%arg0, %add3A_85, %dma_wait3A] : memref<2x10240x128xf32, #tpu.memory_space<hbm>> -> memref<1x128x128xf32, #tpu.memory_space<hbm>>
      %dma_wait3A_109 = tpu.memref_squeeze %dma_wait3A_108 : memref<1x128x128xf32, #tpu.memory_space<hbm>> -> memref<128x128xf32, #tpu.memory_space<hbm>>
      %dma_wait3A_110 = arith.constant 0 : i32
      %dma_wait3A_111 = tpu.memref_slice %arg6[%arg0, %add3A_85, %dma_wait3A_110] : memref<2x10240x128xf32, #tpu.memory_space<hbm>> -> memref<1x128x128xf32, #tpu.memory_space<hbm>>
      %dma_wait3A_112 = tpu.memref_squeeze %dma_wait3A_111 : memref<1x128x128xf32, #tpu.memory_space<hbm>> -> memref<128x128xf32, #tpu.memory_space<hbm>>
      tpu.wait_dma2 semaphore(%run_scoped3A : memref<!tpu.dma_semaphore, #tpu.memory_space<semaphore_mem>>) src(%arg9 : memref<128x128xf32, #tpu.memory_space<vmem>>) dst(%dma_wait3A_112 : memref<128x128xf32, #tpu.memory_space<hbm>>)
      tpu.yield
    }) : () -> ()
    %mul3A_86 = arith.constant 640 : i32
    %mul3A_87 = arith.muli %arg1, %mul3A_86 : i32
    %add3A_88 = arith.constant 384 : i32
    %add3A_89 = arith.addi %mul3A_87, %add3A_88 : i32
    "tpu.region"() ({
      %run_scoped3A = tpu.sem_alloc : memref<!tpu.dma_semaphore, #tpu.memory_space<semaphore_mem>>
      %dma_start3A_102 = arith.constant 0 : i32
      %dma_start3A_103 = tpu.memref_slice %arg11[%add3A_89, %dma_start3A_102] : memref<10240x128xf32, #tpu.memory_space<vmem_shared>> -> memref<128x128xf32, #tpu.memory_space<vmem_shared>>
      %dma_start3A_104 = arith.constant 0 : i32
      %dma_start3A_105 = tpu.memref_slice %arg11[%add3A_89, %dma_start3A_104] : memref<10240x128xf32, #tpu.memory_space<vmem_shared>> -> memref<128x128xf32, #tpu.memory_space<vmem_shared>>
      tpu.enqueue_dma source(%dma_start3A_105 : memref<128x128xf32, #tpu.memory_space<vmem_shared>>) target(%arg9 : memref<128x128xf32, #tpu.memory_space<vmem>>) target_semaphore(%run_scoped3A : memref<!tpu.dma_semaphore, #tpu.memory_space<semaphore_mem>>)
      %dma_wait3A = arith.constant 0 : i32
      %dma_wait3A_106 = tpu.memref_slice %arg11[%add3A_89, %dma_wait3A] : memref<10240x128xf32, #tpu.memory_space<vmem_shared>> -> memref<128x128xf32, #tpu.memory_space<vmem_shared>>
      %dma_wait3A_107 = arith.constant 0 : i32
      %dma_wait3A_108 = tpu.memref_slice %arg11[%add3A_89, %dma_wait3A_107] : memref<10240x128xf32, #tpu.memory_space<vmem_shared>> -> memref<128x128xf32, #tpu.memory_space<vmem_shared>>
      tpu.wait_dma2 semaphore(%run_scoped3A : memref<!tpu.dma_semaphore, #tpu.memory_space<semaphore_mem>>) src(%dma_wait3A_108 : memref<128x128xf32, #tpu.memory_space<vmem_shared>>) dst(%arg9 : memref<128x128xf32, #tpu.memory_space<vmem>>)
      tpu.yield
    }) : () -> ()
    %mul3A_90 = arith.constant 640 : i32
    %mul3A_91 = arith.muli %arg1, %mul3A_90 : i32
    %add3A_92 = arith.constant 384 : i32
    %add3A_93 = arith.addi %mul3A_91, %add3A_92 : i32
    "tpu.region"() ({
      %run_scoped3A = tpu.sem_alloc : memref<!tpu.dma_semaphore, #tpu.memory_space<semaphore_mem>>
      %dma_start3A_102 = arith.constant 0 : i32
      %dma_start3A_103 = tpu.memref_slice %arg6[%arg0, %add3A_93, %dma_start3A_102] : memref<2x10240x128xf32, #tpu.memory_space<hbm>> -> memref<1x128x128xf32, #tpu.memory_space<hbm>>
      %dma_start3A_104 = tpu.memref_squeeze %dma_start3A_103 : memref<1x128x128xf32, #tpu.memory_space<hbm>> -> memref<128x128xf32, #tpu.memory_space<hbm>>
      %dma_start3A_105 = arith.constant 0 : i32
      %dma_start3A_106 = tpu.memref_slice %arg6[%arg0, %add3A_93, %dma_start3A_105] : memref<2x10240x128xf32, #tpu.memory_space<hbm>> -> memref<1x128x128xf32, #tpu.memory_space<hbm>>
      %dma_start3A_107 = tpu.memref_squeeze %dma_start3A_106 : memref<1x128x128xf32, #tpu.memory_space<hbm>> -> memref<128x128xf32, #tpu.memory_space<hbm>>
      tpu.enqueue_dma source(%arg9 : memref<128x128xf32, #tpu.memory_space<vmem>>) target(%dma_start3A_107 : memref<128x128xf32, #tpu.memory_space<hbm>>) target_semaphore(%run_scoped3A : memref<!tpu.dma_semaphore, #tpu.memory_space<semaphore_mem>>)
      %dma_wait3A = arith.constant 0 : i32
      %dma_wait3A_108 = tpu.memref_slice %arg6[%arg0, %add3A_93, %dma_wait3A] : memref<2x10240x128xf32, #tpu.memory_space<hbm>> -> memref<1x128x128xf32, #tpu.memory_space<hbm>>
      %dma_wait3A_109 = tpu.memref_squeeze %dma_wait3A_108 : memref<1x128x128xf32, #tpu.memory_space<hbm>> -> memref<128x128xf32, #tpu.memory_space<hbm>>
      %dma_wait3A_110 = arith.constant 0 : i32
      %dma_wait3A_111 = tpu.memref_slice %arg6[%arg0, %add3A_93, %dma_wait3A_110] : memref<2x10240x128xf32, #tpu.memory_space<hbm>> -> memref<1x128x128xf32, #tpu.memory_space<hbm>>
      %dma_wait3A_112 = tpu.memref_squeeze %dma_wait3A_111 : memref<1x128x128xf32, #tpu.memory_space<hbm>> -> memref<128x128xf32, #tpu.memory_space<hbm>>
      tpu.wait_dma2 semaphore(%run_scoped3A : memref<!tpu.dma_semaphore, #tpu.memory_space<semaphore_mem>>) src(%arg9 : memref<128x128xf32, #tpu.memory_space<vmem>>) dst(%dma_wait3A_112 : memref<128x128xf32, #tpu.memory_space<hbm>>)
      tpu.yield
    }) : () -> ()
    %mul3A_94 = arith.constant 640 : i32
    %mul3A_95 = arith.muli %arg1, %mul3A_94 : i32
    %add3A_96 = arith.constant 512 : i32
    %add3A_97 = arith.addi %mul3A_95, %add3A_96 : i32
    "tpu.region"() ({
      %run_scoped3A = tpu.sem_alloc : memref<!tpu.dma_semaphore, #tpu.memory_space<semaphore_mem>>
      %dma_start3A_102 = arith.constant 0 : i32
      %dma_start3A_103 = tpu.memref_slice %arg11[%add3A_97, %dma_start3A_102] : memref<10240x128xf32, #tpu.memory_space<vmem_shared>> -> memref<128x128xf32, #tpu.memory_space<vmem_shared>>
      %dma_start3A_104 = arith.constant 0 : i32
      %dma_start3A_105 = tpu.memref_slice %arg11[%add3A_97, %dma_start3A_104] : memref<10240x128xf32, #tpu.memory_space<vmem_shared>> -> memref<128x128xf32, #tpu.memory_space<vmem_shared>>
      tpu.enqueue_dma source(%dma_start3A_105 : memref<128x128xf32, #tpu.memory_space<vmem_shared>>) target(%arg9 : memref<128x128xf32, #tpu.memory_space<vmem>>) target_semaphore(%run_scoped3A : memref<!tpu.dma_semaphore, #tpu.memory_space<semaphore_mem>>)
      %dma_wait3A = arith.constant 0 : i32
      %dma_wait3A_106 = tpu.memref_slice %arg11[%add3A_97, %dma_wait3A] : memref<10240x128xf32, #tpu.memory_space<vmem_shared>> -> memref<128x128xf32, #tpu.memory_space<vmem_shared>>
      %dma_wait3A_107 = arith.constant 0 : i32
      %dma_wait3A_108 = tpu.memref_slice %arg11[%add3A_97, %dma_wait3A_107] : memref<10240x128xf32, #tpu.memory_space<vmem_shared>> -> memref<128x128xf32, #tpu.memory_space<vmem_shared>>
      tpu.wait_dma2 semaphore(%run_scoped3A : memref<!tpu.dma_semaphore, #tpu.memory_space<semaphore_mem>>) src(%dma_wait3A_108 : memref<128x128xf32, #tpu.memory_space<vmem_shared>>) dst(%arg9 : memref<128x128xf32, #tpu.memory_space<vmem>>)
      tpu.yield
    }) : () -> ()
    %mul3A_98 = arith.constant 640 : i32
    %mul3A_99 = arith.muli %arg1, %mul3A_98 : i32
    %add3A_100 = arith.constant 512 : i32
    %add3A_101 = arith.addi %mul3A_99, %add3A_100 : i32
    "tpu.region"() ({
      %run_scoped3A = tpu.sem_alloc : memref<!tpu.dma_semaphore, #tpu.memory_space<semaphore_mem>>
      %dma_start3A_102 = arith.constant 0 : i32
      %dma_start3A_103 = tpu.memref_slice %arg6[%arg0, %add3A_101, %dma_start3A_102] : memref<2x10240x128xf32, #tpu.memory_space<hbm>> -> memref<1x128x128xf32, #tpu.memory_space<hbm>>
      %dma_start3A_104 = tpu.memref_squeeze %dma_start3A_103 : memref<1x128x128xf32, #tpu.memory_space<hbm>> -> memref<128x128xf32, #tpu.memory_space<hbm>>
      %dma_start3A_105 = arith.constant 0 : i32
      %dma_start3A_106 = tpu.memref_slice %arg6[%arg0, %add3A_101, %dma_start3A_105] : memref<2x10240x128xf32, #tpu.memory_space<hbm>> -> memref<1x128x128xf32, #tpu.memory_space<hbm>>
      %dma_start3A_107 = tpu.memref_squeeze %dma_start3A_106 : memref<1x128x128xf32, #tpu.memory_space<hbm>> -> memref<128x128xf32, #tpu.memory_space<hbm>>
      tpu.enqueue_dma source(%arg9 : memref<128x128xf32, #tpu.memory_space<vmem>>) target(%dma_start3A_107 : memref<128x128xf32, #tpu.memory_space<hbm>>) target_semaphore(%run_scoped3A : memref<!tpu.dma_semaphore, #tpu.memory_space<semaphore_mem>>)
      %dma_wait3A = arith.constant 0 : i32
      %dma_wait3A_108 = tpu.memref_slice %arg6[%arg0, %add3A_101, %dma_wait3A] : memref<2x10240x128xf32, #tpu.memory_space<hbm>> -> memref<1x128x128xf32, #tpu.memory_space<hbm>>
      %dma_wait3A_109 = tpu.memref_squeeze %dma_wait3A_108 : memref<1x128x128xf32, #tpu.memory_space<hbm>> -> memref<128x128xf32, #tpu.memory_space<hbm>>
      %dma_wait3A_110 = arith.constant 0 : i32
      %dma_wait3A_111 = tpu.memref_slice %arg6[%arg0, %add3A_101, %dma_wait3A_110] : memref<2x10240x128xf32, #tpu.memory_space<hbm>> -> memref<1x128x128xf32, #tpu.memory_space<hbm>>
      %dma_wait3A_112 = tpu.memref_squeeze %dma_wait3A_111 : memref<1x128x128xf32, #tpu.memory_space<hbm>> -> memref<128x128xf32, #tpu.memory_space<hbm>>
      tpu.wait_dma2 semaphore(%run_scoped3A : memref<!tpu.dma_semaphore, #tpu.memory_space<semaphore_mem>>) src(%arg9 : memref<128x128xf32, #tpu.memory_space<vmem>>) dst(%dma_wait3A_112 : memref<128x128xf32, #tpu.memory_space<hbm>>)
      tpu.yield
    }) : () -> ()
    return
  }
}

module attributes {stable_mosaic.version = 14 : i64} {
  func.func @_postA_body(%arg0: i32, %arg1: memref<2x2000x128xf32, #tpu.memory_space<vmem>>, %arg2: memref<2x2000x128xf32, #tpu.memory_space<vmem>>, %arg3: memref<2000x128xf32, #tpu.memory_space<vmem>>, %arg4: memref<128x128xf32, #tpu.memory_space<vmem>>, %arg5: memref<128x128xf32, #tpu.memory_space<vmem>>, %arg6: memref<2000x128xf32, #tpu.memory_space<vmem>>, %arg7: memref<2x1x128xf32, #tpu.memory_space<vmem>>) attributes {dimension_semantics = [#tpu.dimension_semantics<arbitrary>], iteration_bounds = array<i64: 5>, scalar_prefetch = 0 : i64, scratch_operands = 0 : i64, tpu.core_type = #tpu.core_type<tc>, window_params = [{transform_indices = @transform_0, window_bounds = array<i64: 2, 2000, 128>}, {transform_indices = @transform_1, window_bounds = array<i64: 2, 2000, 128>}, {transform_indices = @transform_2, window_bounds = array<i64: 2000, 128>}, {pipeline_mode = #tpu.pipeline_mode<synchronous>, transform_indices = @transform_3, window_bounds = array<i64: 128, 128>}, {pipeline_mode = #tpu.pipeline_mode<synchronous>, transform_indices = @transform_4, window_bounds = array<i64: 128, 128>}, {transform_indices = @transform_5, window_bounds = array<i64: 2000, 128>}, {pipeline_mode = #tpu.pipeline_mode<synchronous>, transform_indices = @transform_6, window_bounds = array<i64: 2, 1, 128>}]} {
    %get3A = arith.constant 0 : index
    %get3A_0 = arith.constant 0 : index
    %get3A_1 = arith.constant 0 : index
    %get3A_2 = vector.load %arg2[%get3A, %get3A_0, %get3A_1] : memref<2x2000x128xf32, #tpu.memory_space<vmem>>, vector<1x2000x128xf32>
    %get3A_3 = vector.shape_cast %get3A_2 : vector<1x2000x128xf32> to vector<2000x128xf32>
    %get3A_4 = arith.constant 1 : index
    %get3A_5 = arith.constant 0 : index
    %get3A_6 = arith.constant 0 : index
    %get3A_7 = vector.load %arg2[%get3A_4, %get3A_5, %get3A_6] : memref<2x2000x128xf32, #tpu.memory_space<vmem>>, vector<1x2000x128xf32>
    %get3A_8 = vector.shape_cast %get3A_7 : vector<1x2000x128xf32> to vector<2000x128xf32>
    %add3A = arith.addf %get3A_3, %get3A_8 : vector<2000x128xf32>
    %get3A_9 = arith.constant 0 : index
    %get3A_10 = arith.constant 0 : index
    %get3A_11 = arith.constant 0 : index
    %get3A_12 = vector.load %arg1[%get3A_9, %get3A_10, %get3A_11] : memref<2x2000x128xf32, #tpu.memory_space<vmem>>, vector<1x2000x128xf32>
    %get3A_13 = vector.shape_cast %get3A_12 : vector<1x2000x128xf32> to vector<2000x128xf32>
    %get3A_14 = arith.constant 1 : index
    %get3A_15 = arith.constant 0 : index
    %get3A_16 = arith.constant 0 : index
    %get3A_17 = vector.load %arg1[%get3A_14, %get3A_15, %get3A_16] : memref<2x2000x128xf32, #tpu.memory_space<vmem>>, vector<1x2000x128xf32>
    %get3A_18 = vector.shape_cast %get3A_17 : vector<1x2000x128xf32> to vector<2000x128xf32>
    %add3A_19 = arith.addf %get3A_13, %get3A_18 : vector<2000x128xf32>
    %slice3A = vector.extract_strided_slice %add3A_19 {offsets = [0, 0], sizes = [2000, 1], strides = [1, 1]} : vector<2000x128xf32> to vector<2000x1xf32>
    %max3A = arith.constant 1.000000e+00 : f32
    %max3A_20 = vector.broadcast %max3A : f32 to vector<2000x1xf32>
    %max3A_21 = arith.maximumf %slice3A, %max3A_20 : vector<2000x1xf32>
    %rsqrt3A = math.rsqrt %max3A_21 : vector<2000x1xf32>
    %mul3A = vector.broadcast %rsqrt3A : vector<2000x1xf32> to vector<2000x128xf32>
    %mul3A_22 = arith.mulf %add3A, %mul3A : vector<2000x128xf32>
    %get3A_23 = arith.constant 0 : index
    %get3A_24 = arith.constant 0 : index
    %get3A_25 = vector.load %arg4[%get3A_23, %get3A_24] : memref<128x128xf32, #tpu.memory_space<vmem>>, vector<128x128xf32>
    %dot_general3A = arith.constant dense<0.000000e+00> : vector<2000x128xf32>
    %dot_general3A_26 = tpu.matmul %mul3A_22, %get3A_25, %dot_general3A {dimension_numbers = #tpu.dot_dimension_numbers<[1], [0], [0], [1], [0, 0, 1, 1], [], []>, transpose_lhs_hint = false} : vector<2000x128xf32>, vector<128x128xf32>, vector<2000x128xf32> -> vector<2000x128xf32>
    %get3A_27 = arith.constant 0 : index
    %get3A_28 = arith.constant 0 : index
    %get3A_29 = vector.load %arg3[%get3A_27, %get3A_28] : memref<2000x128xf32, #tpu.memory_space<vmem>>, vector<2000x128xf32>
    %get3A_30 = arith.constant 0 : index
    %get3A_31 = arith.constant 0 : index
    %get3A_32 = vector.load %arg5[%get3A_30, %get3A_31] : memref<128x128xf32, #tpu.memory_space<vmem>>, vector<128x128xf32>
    %dot_general3A_33 = arith.constant dense<0.000000e+00> : vector<2000x128xf32>
    %dot_general3A_34 = tpu.matmul %get3A_29, %get3A_32, %dot_general3A_33 {dimension_numbers = #tpu.dot_dimension_numbers<[1], [0], [0], [1], [0, 0, 1, 1], [], []>, transpose_lhs_hint = false} : vector<2000x128xf32>, vector<128x128xf32>, vector<2000x128xf32> -> vector<2000x128xf32>
    %add3A_35 = arith.addf %dot_general3A_26, %dot_general3A_34 : vector<2000x128xf32>
    %swap3A = arith.constant 0 : index
    %swap3A_36 = arith.constant 0 : index
    %swap3A_37 = vector.load %arg6[%swap3A, %swap3A_36] : memref<2000x128xf32, #tpu.memory_space<vmem>>, vector<2000x128xf32>
    tpu.vector_store %arg6[%swap3A, %swap3A_36], %add3A_35 {strides = array<i32>} : memref<2000x128xf32, #tpu.memory_space<vmem>>, vector<2000x128xf32>,
    %reduce_sum3A = arith.constant dense<0.000000e+00> : vector<128xf32>
    %reduce_sum3A_38 = vector.multi_reduction <add>, %add3A_35, %reduce_sum3A [0] : vector<2000x128xf32> to vector<128xf32>
    %broadcast_in_dim3A = vector.shape_cast %reduce_sum3A_38 : vector<128xf32> to vector<1x128xf32>
    %mul3A_39 = arith.mulf %add3A_35, %add3A_35 : vector<2000x128xf32>
    %reduce_sum3A_40 = arith.constant dense<0.000000e+00> : vector<128xf32>
    %reduce_sum3A_41 = vector.multi_reduction <add>, %mul3A_39, %reduce_sum3A_40 [0] : vector<2000x128xf32> to vector<128xf32>
    %broadcast_in_dim3A_42 = vector.shape_cast %reduce_sum3A_41 : vector<128xf32> to vector<1x128xf32>
    %eq3A = arith.constant 0 : i32
    %eq3A_43 = arith.cmpi eq, %arg0, %eq3A : i32
    %convert_element_type3A = arith.extui %eq3A_43 : i1 to i32
    %cond3A = arith.constant 0 : i32
    %cond3A_44 = arith.cmpi ne, %convert_element_type3A, %cond3A : i32
    scf.if %cond3A_44 {
      %swap3A_49 = arith.constant 0 : index
      %swap3A_50 = arith.constant 0 : index
      %swap3A_51 = arith.constant 0 : index
      %swap3A_52 = vector.load %arg7[%swap3A_49, %swap3A_50, %swap3A_51] : memref<2x1x128xf32, #tpu.memory_space<vmem>>, vector<1x1x128xf32>
      %swap3A_53 = vector.shape_cast %swap3A_52 : vector<1x1x128xf32> to vector<1x128xf32>
      %swap3A_54 = vector.shape_cast %broadcast_in_dim3A : vector<1x128xf32> to vector<1x1x128xf32>
      tpu.vector_store %arg7[%swap3A_49, %swap3A_50, %swap3A_51], %swap3A_54 {strides = array<i32>} : memref<2x1x128xf32, #tpu.memory_space<vmem>>, vector<1x1x128xf32>,
      %swap3A_55 = arith.constant 1 : index
      %swap3A_56 = arith.constant 0 : index
      %swap3A_57 = arith.constant 0 : index
      %swap3A_58 = vector.load %arg7[%swap3A_55, %swap3A_56, %swap3A_57] : memref<2x1x128xf32, #tpu.memory_space<vmem>>, vector<1x1x128xf32>
      %swap3A_59 = vector.shape_cast %swap3A_58 : vector<1x1x128xf32> to vector<1x128xf32>
      %swap3A_60 = vector.shape_cast %broadcast_in_dim3A_42 : vector<1x128xf32> to vector<1x1x128xf32>
      tpu.vector_store %arg7[%swap3A_55, %swap3A_56, %swap3A_57], %swap3A_60 {strides = array<i32>} : memref<2x1x128xf32, #tpu.memory_space<vmem>>, vector<1x1x128xf32>,
    } else {
    }
    %gt3A = arith.constant 0 : i32
    %gt3A_45 = arith.cmpi sgt, %arg0, %gt3A : i32
    %convert_element_type3A_46 = arith.extui %gt3A_45 : i1 to i32
    %cond3A_47 = arith.constant 0 : i32
    %cond3A_48 = arith.cmpi ne, %convert_element_type3A_46, %cond3A_47 : i32
    scf.if %cond3A_48 {
      %get3A_49 = arith.constant 0 : index
      %get3A_50 = arith.constant 0 : index
      %get3A_51 = arith.constant 0 : index
      %get3A_52 = vector.load %arg7[%get3A_49, %get3A_50, %get3A_51] : memref<2x1x128xf32, #tpu.memory_space<vmem>>, vector<1x1x128xf32>
      %get3A_53 = vector.shape_cast %get3A_52 : vector<1x1x128xf32> to vector<1x128xf32>
      %add3A_54 = arith.addf %get3A_53, %broadcast_in_dim3A : vector<1x128xf32>
      %swap3A_55 = arith.constant 0 : index
      %swap3A_56 = arith.constant 0 : index
      %swap3A_57 = arith.constant 0 : index
      %swap3A_58 = vector.load %arg7[%swap3A_55, %swap3A_56, %swap3A_57] : memref<2x1x128xf32, #tpu.memory_space<vmem>>, vector<1x1x128xf32>
      %swap3A_59 = vector.shape_cast %swap3A_58 : vector<1x1x128xf32> to vector<1x128xf32>
      %swap3A_60 = vector.shape_cast %add3A_54 : vector<1x128xf32> to vector<1x1x128xf32>
      tpu.vector_store %arg7[%swap3A_55, %swap3A_56, %swap3A_57], %swap3A_60 {strides = array<i32>} : memref<2x1x128xf32, #tpu.memory_space<vmem>>, vector<1x1x128xf32>,
      %get3A_61 = arith.constant 1 : index
      %get3A_62 = arith.constant 0 : index
      %get3A_63 = arith.constant 0 : index
      %get3A_64 = vector.load %arg7[%get3A_61, %get3A_62, %get3A_63] : memref<2x1x128xf32, #tpu.memory_space<vmem>>, vector<1x1x128xf32>
      %get3A_65 = vector.shape_cast %get3A_64 : vector<1x1x128xf32> to vector<1x128xf32>
      %add3A_66 = arith.addf %get3A_65, %broadcast_in_dim3A_42 : vector<1x128xf32>
      %swap3A_67 = arith.constant 1 : index
      %swap3A_68 = arith.constant 0 : index
      %swap3A_69 = arith.constant 0 : index
      %swap3A_70 = vector.load %arg7[%swap3A_67, %swap3A_68, %swap3A_69] : memref<2x1x128xf32, #tpu.memory_space<vmem>>, vector<1x1x128xf32>
      %swap3A_71 = vector.shape_cast %swap3A_70 : vector<1x1x128xf32> to vector<1x128xf32>
      %swap3A_72 = vector.shape_cast %add3A_66 : vector<1x128xf32> to vector<1x1x128xf32>
      tpu.vector_store %arg7[%swap3A_67, %swap3A_68, %swap3A_69], %swap3A_72 {strides = array<i32>} : memref<2x1x128xf32, #tpu.memory_space<vmem>>, vector<1x1x128xf32>,
    } else {
    }
    return
  }
  func.func @transform_0(%arg0: i32) -> (i32, i32, i32) {
    %c0_i32 = arith.constant 0 : i32
    %c0_i32_0 = arith.constant 0 : i32
    %c0_i32_1 = arith.constant 0 : i32
    return %c0_i32, %arg0, %c0_i32_0 : i32, i32, i32
  }
  func.func @transform_1(%arg0: i32) -> (i32, i32, i32) {
    %c0_i32 = arith.constant 0 : i32
    %c0_i32_0 = arith.constant 0 : i32
    %c0_i32_1 = arith.constant 0 : i32
    return %c0_i32, %arg0, %c0_i32_0 : i32, i32, i32
  }
  func.func @transform_2(%arg0: i32) -> (i32, i32) {
    %c0_i32 = arith.constant 0 : i32
    %c0_i32_0 = arith.constant 0 : i32
    return %arg0, %c0_i32 : i32, i32
  }
  func.func @transform_3(%arg0: i32) -> (i32, i32) {
    %c0_i32 = arith.constant 0 : i32
    %c0_i32_0 = arith.constant 0 : i32
    %c0_i32_1 = arith.constant 0 : i32
    return %c0_i32, %c0_i32_0 : i32, i32
  }
  func.func @transform_4(%arg0: i32) -> (i32, i32) {
    %c0_i32 = arith.constant 0 : i32
    %c0_i32_0 = arith.constant 0 : i32
    %c0_i32_1 = arith.constant 0 : i32
    return %c0_i32, %c0_i32_0 : i32, i32
  }
  func.func @transform_5(%arg0: i32) -> (i32, i32) {
    %c0_i32 = arith.constant 0 : i32
    %c0_i32_0 = arith.constant 0 : i32
    return %arg0, %c0_i32 : i32, i32
  }
  func.func @transform_6(%arg0: i32) -> (i32, i32, i32) {
    %c0_i32 = arith.constant 0 : i32
    %c0_i32_0 = arith.constant 0 : i32
    %c0_i32_1 = arith.constant 0 : i32
    %c0_i32_2 = arith.constant 0 : i32
    return %c0_i32, %c0_i32_0, %c0_i32_1 : i32, i32, i32
  }
}

module attributes {stable_mosaic.version = 14 : i64} {
  func.func @_pre0_body(%arg0: i32, %arg1: memref<2x2000x128xf32, #tpu.memory_space<vmem>>, %arg2: memref<2000x128xf32, #tpu.memory_space<vmem>>, %arg3: memref<2000x128xf32, #tpu.memory_space<vmem>>) attributes {dimension_semantics = [#tpu.dimension_semantics<arbitrary>], iteration_bounds = array<i64: 5>, scalar_prefetch = 0 : i64, scratch_operands = 0 : i64, tpu.core_type = #tpu.core_type<tc>, window_params = [{transform_indices = @transform_0, window_bounds = array<i64: 2, 2000, 128>}, {transform_indices = @transform_1, window_bounds = array<i64: 2000, 128>}, {transform_indices = @transform_2, window_bounds = array<i64: 2000, 128>}]} {
    %get3A = arith.constant 0 : index
    %get3A_0 = arith.constant 0 : index
    %get3A_1 = vector.load %arg2[%get3A, %get3A_0] : memref<2000x128xf32, #tpu.memory_space<vmem>>, vector<2000x128xf32>
    %get3A_2 = arith.constant 0 : index
    %get3A_3 = arith.constant 0 : index
    %get3A_4 = arith.constant 0 : index
    %get3A_5 = vector.load %arg1[%get3A_2, %get3A_3, %get3A_4] : memref<2x2000x128xf32, #tpu.memory_space<vmem>>, vector<1x2000x128xf32>
    %get3A_6 = vector.shape_cast %get3A_5 : vector<1x2000x128xf32> to vector<2000x128xf32>
    %get3A_7 = arith.constant 1 : index
    %get3A_8 = arith.constant 0 : index
    %get3A_9 = arith.constant 0 : index
    %get3A_10 = vector.load %arg1[%get3A_7, %get3A_8, %get3A_9] : memref<2x2000x128xf32, #tpu.memory_space<vmem>>, vector<1x2000x128xf32>
    %get3A_11 = vector.shape_cast %get3A_10 : vector<1x2000x128xf32> to vector<2000x128xf32>
    %add3A = arith.addf %get3A_6, %get3A_11 : vector<2000x128xf32>
    %slice3A = vector.extract_strided_slice %add3A {offsets = [0, 1], sizes = [2000, 1], strides = [1, 1]} : vector<2000x128xf32> to vector<2000x1xf32>
    %max3A = arith.constant 1.000000e+00 : f32
    %max3A_12 = vector.broadcast %max3A : f32 to vector<2000x1xf32>
    %max3A_13 = arith.maximumf %slice3A, %max3A_12 : vector<2000x1xf32>
    %rsqrt3A = math.rsqrt %max3A_13 : vector<2000x1xf32>
    %mul3A = vector.broadcast %rsqrt3A : vector<2000x1xf32> to vector<2000x128xf32>
    %mul3A_14 = arith.mulf %get3A_1, %mul3A : vector<2000x128xf32>
    %swap3A = arith.constant 0 : index
    %swap3A_15 = arith.constant 0 : index
    %swap3A_16 = vector.load %arg3[%swap3A, %swap3A_15] : memref<2000x128xf32, #tpu.memory_space<vmem>>, vector<2000x128xf32>
    tpu.vector_store %arg3[%swap3A, %swap3A_15], %mul3A_14 {strides = array<i32>} : memref<2000x128xf32, #tpu.memory_space<vmem>>, vector<2000x128xf32>,
    return
  }
  func.func @transform_0(%arg0: i32) -> (i32, i32, i32) {
    %c0_i32 = arith.constant 0 : i32
    %c0_i32_0 = arith.constant 0 : i32
    %c0_i32_1 = arith.constant 0 : i32
    return %c0_i32, %arg0, %c0_i32_0 : i32, i32, i32
  }
  func.func @transform_1(%arg0: i32) -> (i32, i32) {
    %c0_i32 = arith.constant 0 : i32
    %c0_i32_0 = arith.constant 0 : i32
    return %arg0, %c0_i32 : i32, i32
  }
  func.func @transform_2(%arg0: i32) -> (i32, i32) {
    %c0_i32 = arith.constant 0 : i32
    %c0_i32_0 = arith.constant 0 : i32
    return %arg0, %c0_i32 : i32, i32
  }
}

module attributes {stable_mosaic.version = 14 : i64} {
  func.func @_postB0_body(%arg0: i32, %arg1: memref<2x1x128xf32, #tpu.memory_space<vmem>>, %arg2: memref<2x2000x128xf32, #tpu.memory_space<vmem>>, %arg3: memref<2000x128xf32, #tpu.memory_space<vmem>>, %arg4: memref<1x128xf32, #tpu.memory_space<vmem>>, %arg5: memref<1x128xf32, #tpu.memory_space<vmem>>, %arg6: memref<2000x128xf32, #tpu.memory_space<vmem>>, %arg7: memref<2000x128xf32, #tpu.memory_space<vmem>>) attributes {dimension_semantics = [#tpu.dimension_semantics<arbitrary>], iteration_bounds = array<i64: 5>, scalar_prefetch = 0 : i64, scratch_operands = 0 : i64, tpu.core_type = #tpu.core_type<tc>, window_params = [{pipeline_mode = #tpu.pipeline_mode<synchronous>, transform_indices = @transform_0, window_bounds = array<i64: 2, 1, 128>}, {transform_indices = @transform_1, window_bounds = array<i64: 2, 2000, 128>}, {transform_indices = @transform_2, window_bounds = array<i64: 2000, 128>}, {pipeline_mode = #tpu.pipeline_mode<synchronous>, transform_indices = @transform_3, window_bounds = array<i64: 1, 128>}, {pipeline_mode = #tpu.pipeline_mode<synchronous>, transform_indices = @transform_4, window_bounds = array<i64: 1, 128>}, {transform_indices = @transform_5, window_bounds = array<i64: 2000, 128>}, {transform_indices = @transform_6, window_bounds = array<i64: 2000, 128>}]} {
    %get3A = arith.constant 0 : index
    %get3A_0 = arith.constant 0 : index
    %get3A_1 = arith.constant 0 : index
    %get3A_2 = vector.load %arg1[%get3A, %get3A_0, %get3A_1] : memref<2x1x128xf32, #tpu.memory_space<vmem>>, vector<1x1x128xf32>
    %get3A_3 = vector.shape_cast %get3A_2 : vector<1x1x128xf32> to vector<1x128xf32>
    %div3A = arith.constant 1.000000e+04 : f32
    %div3A_4 = vector.broadcast %div3A : f32 to vector<1x128xf32>
    %div3A_5 = arith.divf %get3A_3, %div3A_4 : vector<1x128xf32>
    %get3A_6 = arith.constant 1 : index
    %get3A_7 = arith.constant 0 : index
    %get3A_8 = arith.constant 0 : index
    %get3A_9 = vector.load %arg1[%get3A_6, %get3A_7, %get3A_8] : memref<2x1x128xf32, #tpu.memory_space<vmem>>, vector<1x1x128xf32>
    %get3A_10 = vector.shape_cast %get3A_9 : vector<1x1x128xf32> to vector<1x128xf32>
    %div3A_11 = arith.constant 1.000000e+04 : f32
    %div3A_12 = vector.broadcast %div3A_11 : f32 to vector<1x128xf32>
    %div3A_13 = arith.divf %get3A_10, %div3A_12 : vector<1x128xf32>
    %mul3A = arith.mulf %div3A_5, %div3A_5 : vector<1x128xf32>
    %sub3A = arith.subf %div3A_13, %mul3A : vector<1x128xf32>
    %get3A_14 = arith.constant 0 : index
    %get3A_15 = arith.constant 0 : index
    %get3A_16 = vector.load %arg3[%get3A_14, %get3A_15] : memref<2000x128xf32, #tpu.memory_space<vmem>>, vector<2000x128xf32>
    %sub3A_17 = vector.broadcast %div3A_5 : vector<1x128xf32> to vector<2000x128xf32>
    %sub3A_18 = arith.subf %get3A_16, %sub3A_17 : vector<2000x128xf32>
    %add3A = arith.constant 9.99999974E-6 : f32
    %add3A_19 = vector.broadcast %add3A : f32 to vector<1x128xf32>
    %add3A_20 = arith.addf %sub3A, %add3A_19 : vector<1x128xf32>
    %rsqrt3A = math.rsqrt %add3A_20 : vector<1x128xf32>
    %mul3A_21 = vector.broadcast %rsqrt3A : vector<1x128xf32> to vector<2000x128xf32>
    %mul3A_22 = arith.mulf %sub3A_18, %mul3A_21 : vector<2000x128xf32>
    %get3A_23 = arith.constant 0 : index
    %get3A_24 = arith.constant 0 : index
    %get3A_25 = vector.load %arg4[%get3A_23, %get3A_24] : memref<1x128xf32, #tpu.memory_space<vmem>>, vector<1x128xf32>
    %mul3A_26 = vector.broadcast %get3A_25 : vector<1x128xf32> to vector<2000x128xf32>
    %mul3A_27 = arith.mulf %mul3A_22, %mul3A_26 : vector<2000x128xf32>
    %get3A_28 = arith.constant 0 : index
    %get3A_29 = arith.constant 0 : index
    %get3A_30 = vector.load %arg5[%get3A_28, %get3A_29] : memref<1x128xf32, #tpu.memory_space<vmem>>, vector<1x128xf32>
    %add3A_31 = vector.broadcast %get3A_30 : vector<1x128xf32> to vector<2000x128xf32>
    %add3A_32 = arith.addf %mul3A_27, %add3A_31 : vector<2000x128xf32>
    %max3A = arith.constant 0.000000e+00 : f32
    %max3A_33 = vector.broadcast %max3A : f32 to vector<2000x128xf32>
    %max3A_34 = arith.maximumf %add3A_32, %max3A_33 : vector<2000x128xf32>
    %swap3A = arith.constant 0 : index
    %swap3A_35 = arith.constant 0 : index
    %swap3A_36 = vector.load %arg6[%swap3A, %swap3A_35] : memref<2000x128xf32, #tpu.memory_space<vmem>>, vector<2000x128xf32>
    tpu.vector_store %arg6[%swap3A, %swap3A_35], %max3A_34 {strides = array<i32>} : memref<2000x128xf32, #tpu.memory_space<vmem>>, vector<2000x128xf32>,
    %get3A_37 = arith.constant 0 : index
    %get3A_38 = arith.constant 0 : index
    %get3A_39 = arith.constant 0 : index
    %get3A_40 = vector.load %arg2[%get3A_37, %get3A_38, %get3A_39] : memref<2x2000x128xf32, #tpu.memory_space<vmem>>, vector<1x2000x128xf32>
    %get3A_41 = vector.shape_cast %get3A_40 : vector<1x2000x128xf32> to vector<2000x128xf32>
    %get3A_42 = arith.constant 1 : index
    %get3A_43 = arith.constant 0 : index
    %get3A_44 = arith.constant 0 : index
    %get3A_45 = vector.load %arg2[%get3A_42, %get3A_43, %get3A_44] : memref<2x2000x128xf32, #tpu.memory_space<vmem>>, vector<1x2000x128xf32>
    %get3A_46 = vector.shape_cast %get3A_45 : vector<1x2000x128xf32> to vector<2000x128xf32>
    %add3A_47 = arith.addf %get3A_41, %get3A_46 : vector<2000x128xf32>
    %slice3A = vector.extract_strided_slice %add3A_47 {offsets = [0, 1], sizes = [2000, 1], strides = [1, 1]} : vector<2000x128xf32> to vector<2000x1xf32>
    %max3A_48 = arith.constant 1.000000e+00 : f32
    %max3A_49 = vector.broadcast %max3A_48 : f32 to vector<2000x1xf32>
    %max3A_50 = arith.maximumf %slice3A, %max3A_49 : vector<2000x1xf32>
    %rsqrt3A_51 = math.rsqrt %max3A_50 : vector<2000x1xf32>
    %mul3A_52 = vector.broadcast %rsqrt3A_51 : vector<2000x1xf32> to vector<2000x128xf32>
    %mul3A_53 = arith.mulf %max3A_34, %mul3A_52 : vector<2000x128xf32>
    %swap3A_54 = arith.constant 0 : index
    %swap3A_55 = arith.constant 0 : index
    %swap3A_56 = vector.load %arg7[%swap3A_54, %swap3A_55] : memref<2000x128xf32, #tpu.memory_space<vmem>>, vector<2000x128xf32>
    tpu.vector_store %arg7[%swap3A_54, %swap3A_55], %mul3A_53 {strides = array<i32>} : memref<2000x128xf32, #tpu.memory_space<vmem>>, vector<2000x128xf32>,
    return
  }
  func.func @transform_0(%arg0: i32) -> (i32, i32, i32) {
    %c0_i32 = arith.constant 0 : i32
    %c0_i32_0 = arith.constant 0 : i32
    %c0_i32_1 = arith.constant 0 : i32
    %c0_i32_2 = arith.constant 0 : i32
    return %c0_i32, %c0_i32_0, %c0_i32_1 : i32, i32, i32
  }
  func.func @transform_1(%arg0: i32) -> (i32, i32, i32) {
    %c0_i32 = arith.constant 0 : i32
    %c0_i32_0 = arith.constant 0 : i32
    %c0_i32_1 = arith.constant 0 : i32
    return %c0_i32, %arg0, %c0_i32_0 : i32, i32, i32
  }
  func.func @transform_2(%arg0: i32) -> (i32, i32) {
    %c0_i32 = arith.constant 0 : i32
    %c0_i32_0 = arith.constant 0 : i32
    return %arg0, %c0_i32 : i32, i32
  }
  func.func @transform_3(%arg0: i32) -> (i32, i32) {
    %c0_i32 = arith.constant 0 : i32
    %c0_i32_0 = arith.constant 0 : i32
    %c0_i32_1 = arith.constant 0 : i32
    return %c0_i32, %c0_i32_0 : i32, i32
  }
  func.func @transform_4(%arg0: i32) -> (i32, i32) {
    %c0_i32 = arith.constant 0 : i32
    %c0_i32_0 = arith.constant 0 : i32
    %c0_i32_1 = arith.constant 0 : i32
    return %c0_i32, %c0_i32_0 : i32, i32
  }
  func.func @transform_5(%arg0: i32) -> (i32, i32) {
    %c0_i32 = arith.constant 0 : i32
    %c0_i32_0 = arith.constant 0 : i32
    return %arg0, %c0_i32 : i32, i32
  }
  func.func @transform_6(%arg0: i32) -> (i32, i32) {
    %c0_i32 = arith.constant 0 : i32
    %c0_i32_0 = arith.constant 0 : i32
    return %arg0, %c0_i32 : i32, i32
  }
}

module attributes {stable_mosaic.version = 14 : i64} {
  func.func @_final_body(%arg0: i32, %arg1: memref<2x2000x128xf32, #tpu.memory_space<vmem>>, %arg2: memref<2x2000x128xf32, #tpu.memory_space<vmem>>, %arg3: memref<2000x128xf32, #tpu.memory_space<vmem>>, %arg4: memref<128x40xf32, #tpu.memory_space<vmem>>, %arg5: memref<128x40xf32, #tpu.memory_space<vmem>>, %arg6: memref<1x40xf32, #tpu.memory_space<vmem>>, %arg7: memref<2000x40xf32, #tpu.memory_space<vmem>>) attributes {dimension_semantics = [#tpu.dimension_semantics<arbitrary>], iteration_bounds = array<i64: 5>, scalar_prefetch = 0 : i64, scratch_operands = 0 : i64, tpu.core_type = #tpu.core_type<tc>, window_params = [{transform_indices = @transform_0, window_bounds = array<i64: 2, 2000, 128>}, {transform_indices = @transform_1, window_bounds = array<i64: 2, 2000, 128>}, {transform_indices = @transform_2, window_bounds = array<i64: 2000, 128>}, {pipeline_mode = #tpu.pipeline_mode<synchronous>, transform_indices = @transform_3, window_bounds = array<i64: 128, 40>}, {pipeline_mode = #tpu.pipeline_mode<synchronous>, transform_indices = @transform_4, window_bounds = array<i64: 128, 40>}, {pipeline_mode = #tpu.pipeline_mode<synchronous>, transform_indices = @transform_5, window_bounds = array<i64: 1, 40>}, {transform_indices = @transform_6, window_bounds = array<i64: 2000, 40>}]} {
    %get3A = arith.constant 0 : index
    %get3A_0 = arith.constant 0 : index
    %get3A_1 = arith.constant 0 : index
    %get3A_2 = vector.load %arg2[%get3A, %get3A_0, %get3A_1] : memref<2x2000x128xf32, #tpu.memory_space<vmem>>, vector<1x2000x128xf32>
    %get3A_3 = vector.shape_cast %get3A_2 : vector<1x2000x128xf32> to vector<2000x128xf32>
    %get3A_4 = arith.constant 1 : index
    %get3A_5 = arith.constant 0 : index
    %get3A_6 = arith.constant 0 : index
    %get3A_7 = vector.load %arg2[%get3A_4, %get3A_5, %get3A_6] : memref<2x2000x128xf32, #tpu.memory_space<vmem>>, vector<1x2000x128xf32>
    %get3A_8 = vector.shape_cast %get3A_7 : vector<1x2000x128xf32> to vector<2000x128xf32>
    %add3A = arith.addf %get3A_3, %get3A_8 : vector<2000x128xf32>
    %get3A_9 = arith.constant 0 : index
    %get3A_10 = arith.constant 0 : index
    %get3A_11 = arith.constant 0 : index
    %get3A_12 = vector.load %arg1[%get3A_9, %get3A_10, %get3A_11] : memref<2x2000x128xf32, #tpu.memory_space<vmem>>, vector<1x2000x128xf32>
    %get3A_13 = vector.shape_cast %get3A_12 : vector<1x2000x128xf32> to vector<2000x128xf32>
    %get3A_14 = arith.constant 1 : index
    %get3A_15 = arith.constant 0 : index
    %get3A_16 = arith.constant 0 : index
    %get3A_17 = vector.load %arg1[%get3A_14, %get3A_15, %get3A_16] : memref<2x2000x128xf32, #tpu.memory_space<vmem>>, vector<1x2000x128xf32>
    %get3A_18 = vector.shape_cast %get3A_17 : vector<1x2000x128xf32> to vector<2000x128xf32>
    %add3A_19 = arith.addf %get3A_13, %get3A_18 : vector<2000x128xf32>
    %slice3A = vector.extract_strided_slice %add3A_19 {offsets = [0, 0], sizes = [2000, 1], strides = [1, 1]} : vector<2000x128xf32> to vector<2000x1xf32>
    %max3A = arith.constant 1.000000e+00 : f32
    %max3A_20 = vector.broadcast %max3A : f32 to vector<2000x1xf32>
    %max3A_21 = arith.maximumf %slice3A, %max3A_20 : vector<2000x1xf32>
    %rsqrt3A = math.rsqrt %max3A_21 : vector<2000x1xf32>
    %mul3A = vector.broadcast %rsqrt3A : vector<2000x1xf32> to vector<2000x128xf32>
    %mul3A_22 = arith.mulf %add3A, %mul3A : vector<2000x128xf32>
    %get3A_23 = arith.constant 0 : index
    %get3A_24 = arith.constant 0 : index
    %get3A_25 = vector.load %arg4[%get3A_23, %get3A_24] : memref<128x40xf32, #tpu.memory_space<vmem>>, vector<128x40xf32>
    %dot_general3A = arith.constant dense<0.000000e+00> : vector<2000x40xf32>
    %dot_general3A_26 = tpu.matmul %mul3A_22, %get3A_25, %dot_general3A {dimension_numbers = #tpu.dot_dimension_numbers<[1], [0], [0], [1], [0, 0, 1, 1], [], []>, transpose_lhs_hint = false} : vector<2000x128xf32>, vector<128x40xf32>, vector<2000x40xf32> -> vector<2000x40xf32>
    %get3A_27 = arith.constant 0 : index
    %get3A_28 = arith.constant 0 : index
    %get3A_29 = vector.load %arg6[%get3A_27, %get3A_28] : memref<1x40xf32, #tpu.memory_space<vmem>>, vector<1x40xf32>
    %add3A_30 = vector.broadcast %get3A_29 : vector<1x40xf32> to vector<2000x40xf32>
    %add3A_31 = arith.addf %dot_general3A_26, %add3A_30 : vector<2000x40xf32>
    %get3A_32 = arith.constant 0 : index
    %get3A_33 = arith.constant 0 : index
    %get3A_34 = vector.load %arg3[%get3A_32, %get3A_33] : memref<2000x128xf32, #tpu.memory_space<vmem>>, vector<2000x128xf32>
    %get3A_35 = arith.constant 0 : index
    %get3A_36 = arith.constant 0 : index
    %get3A_37 = vector.load %arg5[%get3A_35, %get3A_36] : memref<128x40xf32, #tpu.memory_space<vmem>>, vector<128x40xf32>
    %dot_general3A_38 = arith.constant dense<0.000000e+00> : vector<2000x40xf32>
    %dot_general3A_39 = tpu.matmul %get3A_34, %get3A_37, %dot_general3A_38 {dimension_numbers = #tpu.dot_dimension_numbers<[1], [0], [0], [1], [0, 0, 1, 1], [], []>, transpose_lhs_hint = false} : vector<2000x128xf32>, vector<128x40xf32>, vector<2000x40xf32> -> vector<2000x40xf32>
    %add3A_40 = arith.addf %add3A_31, %dot_general3A_39 : vector<2000x40xf32>
    %swap3A = arith.constant 0 : index
    %swap3A_41 = arith.constant 0 : index
    %swap3A_42 = vector.load %arg7[%swap3A, %swap3A_41] : memref<2000x40xf32, #tpu.memory_space<vmem>>, vector<2000x40xf32>
    tpu.vector_store %arg7[%swap3A, %swap3A_41], %add3A_40 {strides = array<i32>} : memref<2000x40xf32, #tpu.memory_space<vmem>>, vector<2000x40xf32>,
    return
  }
  func.func @transform_0(%arg0: i32) -> (i32, i32, i32) {
    %c0_i32 = arith.constant 0 : i32
    %c0_i32_0 = arith.constant 0 : i32
    %c0_i32_1 = arith.constant 0 : i32
    return %c0_i32, %arg0, %c0_i32_0 : i32, i32, i32
  }
  func.func @transform_1(%arg0: i32) -> (i32, i32, i32) {
    %c0_i32 = arith.constant 0 : i32
    %c0_i32_0 = arith.constant 0 : i32
    %c0_i32_1 = arith.constant 0 : i32
    return %c0_i32, %arg0, %c0_i32_0 : i32, i32, i32
  }
  func.func @transform_2(%arg0: i32) -> (i32, i32) {
    %c0_i32 = arith.constant 0 : i32
    %c0_i32_0 = arith.constant 0 : i32
    return %arg0, %c0_i32 : i32, i32
  }
  func.func @transform_3(%arg0: i32) -> (i32, i32) {
    %c0_i32 = arith.constant 0 : i32
    %c0_i32_0 = arith.constant 0 : i32
    %c0_i32_1 = arith.constant 0 : i32
    return %c0_i32, %c0_i32_0 : i32, i32
  }
  func.func @transform_4(%arg0: i32) -> (i32, i32) {
    %c0_i32 = arith.constant 0 : i32
    %c0_i32_0 = arith.constant 0 : i32
    %c0_i32_1 = arith.constant 0 : i32
    return %c0_i32, %c0_i32_0 : i32, i32
  }
  func.func @transform_5(%arg0: i32) -> (i32, i32) {
    %c0_i32 = arith.constant 0 : i32
    %c0_i32_0 = arith.constant 0 : i32
    %c0_i32_1 = arith.constant 0 : i32
    return %c0_i32, %c0_i32_0 : i32, i32
  }
  func.func @transform_6(%arg0: i32) -> (i32, i32) {
    %c0_i32 = arith.constant 0 : i32
    %c0_i32_0 = arith.constant 0 : i32
    return %arg0, %c0_i32 : i32, i32
  }
}

</mosaic_0001>

<sc_bundles>
// kernel: kernel.12.cloned.1.call-start
scs
__scs_entry_jumppad:
0x0: {  	(pc) =	sbr.rel $0x88, $3  }
0x1: {  	(tag) =	ssettag $0x0;
	lr =	simm.s32 $0x1  }
0x2: {  	[smem:$0x3F94] =	sst lr;
	_ =	strace $0xD0000000  }
0x3: {  	_ = 	snop  }
0x4: {  	_ = 	snop  }
0x5: {  	_ = 	snop  }
0x6: {  	_ = 	snop  }
0x7: {  	_ = 	snop  }
__scs_overlays_trampoline_lowered:
0x8: {  	[smem:$0x3FA3] =	sst s0  }
0x9: {  	[smem:$0x3FA4] =	sst s1  }
0xa: {  	[smem:$0x3FA5] =	sst s2  }
0xb: {  	[smem:$0x3FA6] =	sst s3  }
0xc: {  	[smem:$0x3FA7] =	sst s4  }
0xd: {  	[smem:$0x3FA8] =	sst s5  }
0xe: {  	[smem:$0x3FA9] =	sst s6  }
0xf: {  	[smem:$0x3FAA] =	sst s7  }
0x10: {  	[smem:$0x3FAB] =	sst s8  }
0x11: {  	[smem:$0x3FAC] =	sst s9;
	s0 =	simm.s32 @!p0 $0x0  }
0x12: {  	s1 =	sld [smem:$0x3F92];
	s0 =	simm.s32 @p0 $0x1  }
0x13: {  	[smem:$0x3FAD] =	sst s0;
	s0 =	simm.s32 @!p1 $0x0  }
0x14: {  	s2 =	sld [smem:$0x3F91];
	s0 =	simm.s32 @p1 $0x1  }
0x15: {  	[smem:$0x3FAE] =	sst s0;
	s0 =	simm.s32 @!p2 $0x0  }
0x16: {  	s3 =	sld [smem:$0x3FDB];
	s0 =	simm.s32 @p2 $0x1  }
0x17: {  	s4 =	simm.s32 $0x1BF5;
	[smem:$0x3FB0] =	sst s0  }
0x18: {  	s0 =	sld [smem:$0x3F93];
	_ =	swait.ge [sflag:s4], $0x0  }
0x19: {  	s7 =	sld [smem:$0x3F94]  }
0x1a: {  	s8 =	sadd.s32 $0xFFFFE003, lr  }
0x1b: {  	s9 =	sadd.s32 $0xFFFFFEF7, lr;
	s5 =	simm.s32 $0xFFFFFFFF;
	p2 =	slt.u32 s8, $0xFFFFF086  }
0x1c: {  	p1 =	slt.u32 s9, $0xF7A;
	s5 =	simm.s32 @!p2 $0x0  }
0x1d: {  	s5 =	simm.s32 @p1 $0x1;
	p0 =	seq.s32 s7, s2  }
0x1e: {  	s7 =	smul.u32 @!p0 $0xF7A, s2;
	p2 =	seq.s32 @!p0 s5, $0x0  }
0x1f: {  	s9 =	smul.u32 $0xF7A, s1;
	s8 =	simm.s32 @!p0 $0x1BF5;
	p2 =	por !p2, p0  }
0x20: {  	[sflag:s8] =	ssyncset.s32 @!p0 $0xFFFFF086;
	s6 =	sadd.s32 @!p0 s3, s7;
	s7 =	simm.s32 @!p0 $0x108  }
0x21: {  	s3 =	sadd.s32 s3, s9;
	s6 =	sadd.s32 @!p0 $0x88, s6;
	s7 =	simm.s32 @p2 $0x1082  }
0x22: {  	[simem:s7], [sflag:s8] =	dma.local @!p0 [hbm:s6], $0xF7A  }
0x23: {  	s9 =	sor.u32 $0xD0000000, s2;
	s6 =	simm.s32 $0x108;
	_ =	swait.ge @!p0 [sflag:s8], $0x0  }
0x24: {  	s3 =	sadd.s32 $0x88, s3;
	s6 =	simm.s32 @!p1 $0x1082;
	[sflag:s4] =	ssyncset.s32 $0xFFFFF086  }
0x25: {  	[simem:s6], [sflag:s4] =	dma.local [hbm:s3], $0xF7A  }
0x26: {  	[smem:$0x3F94] =	sst s1;
	(tag) =	ssettag s2;
	_ =	strace s9  }
0x27: {  	s1 =	sld [smem:$0x3FA4]  }
0x28: {  	s2 =	sld [smem:$0x3FA5]  }
0x29: {  	s4 =	sld [smem:$0x3FA7]  }
0x2a: {  	p0 =	seq.s32 s5, $0x0;
	s5 =	sld [smem:$0x3FA8]  }
0x2b: {  	s6 =	sld [smem:$0x3FA9]  }
0x2c: {  	s7 =	sld [smem:$0x3FAA]  }
0x2d: {  	s3 =	simm.s32 $0x108;
	s8 =	sld [smem:$0x3FAB]  }
0x2e: {  	s3 =	simm.s32 @!p0 $0x1082;
	s9 =	sld [smem:$0x3FAC]  }
0x2f: {  	lr =	sadd.s32 s0, s3;
	s0 =	sld [smem:$0x3FA3]  }
0x30: {  	s3 =	sld [smem:$0x3FA6]  }
0x31: {  	[smem:$0x3FAF] =	sst s10  }
0x32: {  	s10 =	sld [smem:$0x3FAD];
	_ =	sdelay $0x3  }
0x33: {  	p0 =	seq.s32 s10, $0x1;
	s10 =	sld [smem:$0x3FAF];
	_ =	sdelay $0x3  }
0x34: {  	[smem:$0x3FAF] =	sst s10  }
0x35: {  	s10 =	sld [smem:$0x3FAE];
	_ =	sdelay $0x3  }
0x36: {  	p1 =	seq.s32 s10, $0x1;
	s10 =	sld [smem:$0x3FAF];
	_ =	sdelay $0x3  }
0x37: {  	[smem:$0x3FAF] =	sst s10  }
0x38: {  	s10 =	sld [smem:$0x3FB0]  }
0x39: {  	_ = 	snop;
	(pc) =	sbr.ind lr, $3  }
0x3a: {  	_ = 	snop  }
0x3b: {  	_ = 	snop  }
0x3c: {  	p2 =	seq.s32 s10, $0x1;
	s10 =	sld [smem:$0x3FAF]  }
0x3d: {  	_ =	shalt  }
0x3e: {  	_ =	shalt  }
0x3f: {  	_ =	shalt  }
0x40: {  	_ =	shalt  }
0x41: {  	_ =	shalt  }
0x42: {  	_ =	shalt  }
0x43: {  	_ =	shalt  }
0x44: {  	_ =	shalt  }
0x45: {  	_ =	shalt  }
0x46: {  	_ =	shalt  }
0x47: {  	_ =	shalt  }
0x48: {  	_ =	shalt  }
0x49: {  	_ =	shalt  }
0x4a: {  	_ =	shalt  }
0x4b: {  	_ =	shalt  }
0x4c: {  	_ =	shalt  }
0x4d: {  	_ =	shalt  }
0x4e: {  	_ =	shalt  }
0x4f: {  	_ =	shalt  }
0x50: {  	_ =	shalt  }
0x51: {  	_ =	shalt  }
0x52: {  	_ =	shalt  }
0x53: {  	_ =	shalt  }
0x54: {  	_ =	shalt  }
0x55: {  	_ =	shalt  }
0x56: {  	_ =	shalt  }
0x57: {  	_ =	shalt  }
0x58: {  	_ =	shalt  }
0x59: {  	_ =	shalt  }
0x5a: {  	_ =	shalt  }
0x5b: {  	_ =	shalt  }
0x5c: {  	_ =	shalt  }
0x5d: {  	_ =	shalt  }
0x5e: {  	_ =	shalt  }
0x5f: {  	_ =	shalt  }
0x60: {  	_ =	shalt  }
0x61: {  	_ =	shalt  }
0x62: {  	_ =	shalt  }
0x63: {  	_ =	shalt  }
0x64: {  	_ =	shalt  }
0x65: {  	_ =	shalt  }
0x66: {  	_ =	shalt  }
0x67: {  	_ =	shalt  }
0x68: {  	_ =	shalt  }
0x69: {  	_ =	shalt  }
0x6a: {  	_ =	shalt  }
0x6b: {  	_ =	shalt  }
0x6c: {  	_ =	shalt  }
0x6d: {  	_ =	shalt  }
0x6e: {  	_ =	shalt  }
0x6f: {  	_ =	shalt  }
0x70: {  	_ =	shalt  }
0x71: {  	_ =	shalt  }
0x72: {  	_ =	shalt  }
0x73: {  	_ =	shalt  }
0x74: {  	_ =	shalt  }
0x75: {  	_ =	shalt  }
0x76: {  	_ =	shalt  }
0x77: {  	_ =	shalt  }
0x78: {  	_ =	shalt  }
0x79: {  	_ =	shalt  }
0x7a: {  	_ =	shalt  }
0x7b: {  	_ =	shalt  }
0x7c: {  	_ =	shalt  }
0x7d: {  	_ =	shalt  }
0x7e: {  	_ =	shalt  }
0x7f: {  	_ =	shalt  }
0x80: {  	_ =	shalt  }
0x81: {  	_ =	shalt  }
0x82: {  	_ =	shalt  }
0x83: {  	_ =	shalt  }
0x84: {  	_ =	shalt  }
0x85: {  	_ =	shalt  }
0x86: {  	_ =	shalt  }
0x87: {  	_ =	shalt  }
.Lfunc_end0:
.L_simem_size_0:
called_computation_lowered:
.L_overlay_start_0:
0x88: {  	s2 =	sld [smem:$0x3FD9]  }
0x89: {  	s3 =	sld [smem:$0x3FFE];
	_ =	sdelay $0x1  }
0x8a: {  	s1 =	srdreg.scid  }
0x8b: {  	s0 =	sand.u32 $0x1, s1  }
0x8c: {  	s16 =	sshll.u32 s0, $0xA;
	s2 =	sadd.s32 s3, s2  }
0x8d: {  	s2 =	sadd.s32 s2, s16  }
0x8e: {  	[smem:$0x3FBB] =	sst s2  }
0x8f: {  	_ = 	snop  }
0x90: {  	(tm) =	ssettm $0x1  }
0x91: {  	s17 =	sld [smem:$0x3FFB];
	_ =	sdelay $0x3  }
0x92: {  	_ =	strace s17  }
0x93: {  	s2 =	sld [smem:$0x3FFC];
	_ =	sdelay $0x3  }
0x94: {  	_ =	strace s2  }
0x95: {  	s2 =	sld [smem:$0x3FFD];
	_ =	sdelay $0x3  }
0x96: {  	_ =	strace s2  }
0x97: {  	_ =	strace $0x8FFFFFFF  }
0x98: {  	s18 =	sld [smem:$0x3FDB];
	_ =	sdelay $0x1  }
0x99: {  	s19 =	simm.s32 $_scs_section_size  }
0x9a: {  	s4 =	simm.s32 $_size__tile_overlayer_lowered;
	s5 =	simm.s32 $_tile_overlayer_lowered  }
0x9b: {  	s22 =	simm.s32 $0x1BFF;
	s21 =	sshll.u32 s5, $0x1;
	s2 =	sadd.s32 s19, s18  }
0x9c: {  	s6 =	simm.s32 $0x0;
	s20 =	sshll.u32 s4, $0x1;
	s4 =	sadd.s32 s21, s2  }
0x9d: {  	[timem:s6], [sflag:s22] =	dma.local [hbm:s4], s20  }
0x9e: {  	_ =	swait.ge [sflag:s22], s20  }
0x9f: {  	s3 =	ssub.s32 $0x0, s20;
	[sflag:s22] =	ssyncset.done $0x0  }
0xa0: {  	[sflag:s22] =	ssyncadd.s32 s3;
	_ =	sdelay $0x1  }
0xa1: {  	s23 =	simm.s32 $0x1B8B  }
0xa2: {  	_ =	swait.ge [sflag:s23], $0x1  }
0xa3: {  	[sflag:s23] =	ssyncset.done $0x0  }
0xa4: {  	s25 =	simm.s32 $0x1B8E;
	s24 =	sld [smem:$0x3FFE];
	[sflag:s23] =	ssyncadd.s32 $0xFFFFFFFF  }
0xa5: {  	s26 =	simm.s32 $execute0_lowered;
	[smem:$0x3FD2] =	sst s25  }
0xa6: {  	s4 =	sshll.u32 s26, $0x1;
	_ =	strace $0x80000046;
	[dreg:$0x1] =	wrdreg $0xFFFFFFFF  }
0xa7: {  	s28 =	simm.s32 $_size_execute0_lowered;
	s2 =	sadd.s32 s2, s4;
	[dreg:$0x0] =	wrdreg $0x0  }
0xa8: {  	s4 =	sshll.u32 s28, $0x1;
	[dreg:$0x2] =	wrdreg s2  }
0xa9: {  	[dreg:$0x3] =	wrdreg s4  }
0xaa: {  	[dreg:$0x4] =	wrdreg $0xC0  }
0xab: {  	_ =	task [dreg:s6], $0x5FFFF  }
0xac: {  	[dreg:$0x1] =	wrdreg $0xFFFFFFFF  }
0xad: {  	[dreg:$0x0] =	wrdreg $0x60  }
0xae: {  	[dreg:$0x2] =	wrdreg s24  }
0xaf: {  	[dreg:$0x3] =	wrdreg $0xA8000  }
0xb0: {  	[dreg:$0x4] =	wrdreg $0x9  }
0xb1: {  	_ =	task.clear_ibuf [dreg:s6], $0x5FFFF;
	_ =	strace $0x90000046  }
0xb2: {  	s29 =	simm.s32 $0x9;
	_ =	strace $0x80000048  }
0xb3: {  	_ =	swait.ge [sflag:s29], $0x1  }
0xb4: {  	[sflag:s29] =	ssyncadd.s32 $0xFFFFFFFF  }
0xb5: {  	_ =	strace $0x90000048  }
0xb6: {  	_ =	sfence  }
0xb7: {  	s30 =	sld [smem:$0x0];
	_ =	sdelay $0x2  }
0xb8: {  	s31 =	sshll.u32 s1, $0xD;
	s1 =	sshrl.u32 s1, $0x2  }
0xb9: {  	s3 =	sand.u32 $0x4000, s31;
	s1 =	sadd.s32 s1, s30  }
0xba: {  	s0 =	sor.u32 s3, s0;
	s1 =	sshll.u32 s1, $0x11  }
0xbb: {  	s0 =	sor.u32 s1, s0  }
0xbc: {  	s0 =	sadd.s32 $0x8F2B, s0  }
0xbd: {  	[sflag:s0] =	ssyncadd.remote.s32 $0x1  }
0xbe: {  	_ =	sfence.sel $0xFFFF  }
0xbf: {  	[dreg:$0x0] =	wrdreg $0xFFFFFFFF;
	(pc) =	sbr.abs _section_cstart, $3  }
0xc0: {  	[dreg:$0x1] =	wrdreg $0xFFFFFFFF  }
0xc1: {  	_ =	task.clear_ibuf [dreg:s6], $0x2FFFF;
	_ =	strace $0x9FFFFFFF  }
0xc2: {  	(tm) =	ssettm $0x7FFFFFFF  }
0xc3: {  	_ =	shalt  }
tec
execute0_lowered:
.L_overlay_start_1:
0x0: {  	(tag) =	ssettag $0x1  }
0x1: {  	s0 =	rddreg [dreg:$0x0]  }
0x2: {  	s1 =	rddreg [dreg:$0x1]  }
0x3: {  	s2 =	simm.s32 $0x0;
	s6 =	srdreg.scid;
	s25 =	stileid.u32  }
0x4: {  	s28 =	simm.s32 $0x1;
	s29 =	simm.s32 $0x2;
	s30 =	simm.s32 $0x0  }
0x5: {  	[smem:$0x7FF] =	sst s2;
	s14 =	sadd.s32 $0x4400, s0;
	s15 =	sadd.s32 $0xE400, s0  }
0x6: {  	s3 =	sadd.s32 $0x18400, s0;
	s24 =	sadd.s32 $0x18C00, s0;
	s11 =	sand.u32 $0x1, s6  }
0x7: {  	s6 =	sadd.s32 $0x19400, s0;
	s8 =	smul.u32 $0x50000, s25;
	s0 =	sadd.s32 $0x19C00, s0  }
0x8: {  	s16 =	smul.u32 $0x14000, s25;
	_ =	strace $0x80000047;
	[dreg:$0x3] =	wrdreg s3  }
0x9: {  	s26 =	sshll.u32 s25, $0x1;
	s25 =	simm.s32 $0x1400;
	[dreg:$0x4] =	wrdreg s24  }
0xa: {  	s7 =	ssub.s32 $0x2, s11;
	s31 =	sor.u32 s11, s26;
	s23 =	smul.u32 $0x140000, s11  }
0xb: {  	s24 =	simm.s32 $0x6800;
	s26 =	simm.s32 $0x80;
	s9 =	sshrl.u32 s7, $0x1  }
0xc: {  	s8 =	sshrl.u32 s8, $0x2;
	s17 =	sadd.s32 $0x4000, s16;
	s18 =	sadd.s32 $0x8000, s16  }
0xd: {  	s19 =	sadd.s32 $0xC000, s16;
	s12 =	smul.u32 $0x2800, s31;
	s20 =	sadd.s32 $0x10000, s16  }
0xe: {  	s21 =	ssub.s32 s7, s9;
	s7 =	sadd.s32 s8, s1;
	s8 =	sadd.s32 s17, s1  }
0xf: {  	s9 =	sadd.s32 s18, s1;
	s10 =	sadd.s32 s19, s1;
	s11 =	sadd.s32 s20, s1  }
0x10: {  	s16 =	sadd.s32 s16, s23;
	s17 =	sadd.s32 s23, s17;
	s18 =	sadd.s32 s23, s18  }
0x11: {  	s19 =	sadd.s32 s23, s19;
	s20 =	sadd.s32 s23, s20;
	s23 =	simm.s32 $0x3  }
0x12: {  	s22 =	sshrl.u32 s12, $0x3;
	s16 =	sshrl.u32 s16, $0x3;
	s17 =	sshrl.u32 s17, $0x3  }
0x13: {  	s18 =	sshrl.u32 s18, $0x3;
	s19 =	sshrl.u32 s19, $0x3;
	s20 =	sshrl.u32 s20, $0x3  }
0x14: {  	s21 =	smax.u32 s21, $0x1;
	s12 =	sadd.s32 s14, s22;
	s13 =	sadd.s32 s15, s22  }
0x15: {  	s22 =	sadd.s32 $0x280, s22;
	s16 =	sadd.s32 s0, s16;
	s17 =	sadd.s32 s0, s17  }
0x16: {  	s18 =	sadd.s32 s0, s18;
	s19 =	sadd.s32 s0, s19;
	s20 =	sadd.s32 s0, s20  }
0x17: {  	s14 =	sadd.s32 s14, s22;
	s15 =	sadd.s32 s15, s22;
	s22 =	simm.s32 $0x2800  }
.LBB2_1:
0x18: {  	[tilespmem:s22], [sflag:$0x3] =	stream.linear.gather [hbm4b:s6+s2], $0x4000, $0x38;
	[tilespmem:$0x1E800] =	vst v63  }
0x19: {  	_ =	swait.ge [sflag:s23], $0x4000  }
0x1a: {  	[sflag:s23] =	ssyncset.done $0x0  }
0x1b: {  	[sflag:s23] =	ssyncadd.s32 $0xFFFFC000  }
0x1c: {  	[spmem:s7] =	stream.linear.scatter [tilespmem:s22], [sflag:$0x3], $0x4000, $0x38;
	[tilespmem:$0x1E800] =	vst v63  }
0x1d: {  	_ =	swait.ge [sflag:s23], $0x4000  }
0x1e: {  	[sflag:s23] =	ssyncset.done $0x0  }
0x1f: {  	[sflag:s23] =	ssyncadd.s32 $0xFFFFC000  }
0x20: {  	[spmem:s8] =	stream.linear.scatter [tilespmem:s22], [sflag:$0x3], $0x4000, $0x38;
	[tilespmem:$0x1E800] =	vst v63  }
0x21: {  	_ =	swait.ge [sflag:s23], $0x4000  }
0x22: {  	[sflag:s23] =	ssyncset.done $0x0  }
0x23: {  	[sflag:s23] =	ssyncadd.s32 $0xFFFFC000  }
0x24: {  	[spmem:s9] =	stream.linear.scatter [tilespmem:s22], [sflag:$0x3], $0x4000, $0x38;
	[tilespmem:$0x1E800] =	vst v63  }
0x25: {  	_ =	swait.ge [sflag:s23], $0x4000  }
0x26: {  	[sflag:s23] =	ssyncset.done $0x0  }
0x27: {  	[sflag:s23] =	ssyncadd.s32 $0xFFFFC000  }
0x28: {  	[spmem:s10] =	stream.linear.scatter [tilespmem:s22], [sflag:$0x3], $0x4000, $0x38;
	[tilespmem:$0x1E800] =	vst v63  }
0x29: {  	_ =	swait.ge [sflag:s23], $0x4000  }
0x2a: {  	[sflag:s23] =	ssyncset.done $0x0  }
0x2b: {  	[sflag:s23] =	ssyncadd.s32 $0xFFFFC000  }
0x2c: {  	[spmem:s11] =	stream.linear.scatter [tilespmem:s22], [sflag:$0x3], $0x4000, $0x38;
	[tilespmem:$0x1E800] =	vst v63  }
0x2d: {  	_ =	swait.ge [sflag:s23], $0x4000  }
0x2e: {  	[sflag:s23] =	ssyncset.done $0x0  }
0x2f: {  	s0 =	rddreg [dreg:$0x3];
	[sflag:s23] =	ssyncadd.s32 $0xFFFFC000  }
0x30: {  	[tilespmem:s22], [sflag:$0x3] =	stream.linear.gather [hbm4b:s0+s2], $0x4000, $0x38;
	[tilespmem:$0x1E800] =	vst v63  }
0x31: {  	_ =	swait.ge [sflag:s23], $0x4000  }
0x32: {  	[sflag:s23] =	ssyncset.done $0x0  }
0x33: {  	s3 =	rddreg [dreg:$0x4];
	[sflag:s23] =	ssyncadd.s32 $0xFFFFC000  }
0x34: {  	[tilespmem:s24], [sflag:$0x3] =	stream.linear.gather [hbm4b:s3+s2], $0x4000, $0x38;
	[tilespmem:$0x1E800] =	vst v63  }
0x35: {  	_ =	swait.ge [sflag:s23], $0x4000  }
0x36: {  	[sflag:s23] =	ssyncset.done $0x0  }
0x37: {  	[sflag:s23] =	ssyncadd.s32 $0xFFFFC000  }
0x38: {  	[bflag:$0x0] =	sbarrier.arrive $0xFFFF  }
0x39: {  	[tilespmem:s2], [sflag:$0x3] =	stream.linear.gather [hbm4b:s12+s2], $0x1400, $0x38;
	[tilespmem:$0x1E800] =	vst v63  }
0x3a: {  	_ =	swait.ge [sflag:s23], $0x1400  }
0x3b: {  	[sflag:s23] =	ssyncset.done $0x0  }
0x3c: {  	[sflag:s23] =	ssyncadd.s32 $0xFFFFEC00  }
0x3d: {  	[tilespmem:s25], [sflag:$0x3] =	stream.linear.gather [hbm4b:s13+s2], $0x1400, $0x38;
	[tilespmem:$0x1E800] =	vst v63  }
0x3e: {  	_ =	swait.ge [sflag:s23], $0x1400  }
0x3f: {  	[sflag:s23] =	ssyncset.done $0x0  }
0x40: {  	s4 =	simm.s32 $0x1400;
	[sflag:s23] =	ssyncadd.s32 $0xFFFFEC00  }
0x41: {  	[spmem:s1] =	stream.indirect.scatter.add.f32 [tilespmem:s22], [sflag:$0x1], $0x80, s4, s26, $0xb8;
	[tilespmem:$0x1E800] =	vst v63  }
0x42: {  	s5 =	simm.s32 $0x0  }
0x43: {  	[spmem:s1] =	stream.indirect.scatter.add.f32 [tilespmem:s24], [sflag:$0x2], $0x80, s5, s26, $0xb8;
	[tilespmem:$0x1E800] =	vst v63  }
0x44: {  	_ =	swait.ge [sflag:s28], $0x4000  }
0x45: {  	[sflag:s28] =	ssyncset.done $0x0  }
0x46: {  	[sflag:s28] =	ssyncadd.s32 $0xFFFFC000  }
0x47: {  	_ =	swait.ge [sflag:s29], $0x4000  }
0x48: {  	s31 =	simm.s32 $0x80;
	s0 =	simm.s32 $0x400;
	[sflag:s29] =	ssyncset.done $0x0  }
.LBB2_2:
0x49: {  	s3 =	sadd.s32 $0x1400, s31  }
0x4a: {  	[sflag:s29] =	ssyncadd.s32 $0xFFFFC000;
	s4 =	smov.u32 s0;
	s5 =	sadd.s32 $0x200, s0  }
0x4b: {  	[spmem:s1] =	stream.indirect.scatter.add.f32 [tilespmem:s22], [sflag:$0x1], $0x80, s3, s26, $0xb8;
	[tilespmem:$0x1E800] =	vst v63  }
0x4c: {  	p0 =	sne.s32 s0, $0x4E00  }
0x4d: {  	[spmem:s1] =	stream.indirect.scatter.add.f32 [tilespmem:s24], [sflag:$0x2], $0x80, s31, s26, $0xb8;
	[tilespmem:$0x1E800] =	vst v63  }
.Ltmp0:
0x4e: {  	_ =	swait.ge [sflag:s28], $0x4000;
	(pc) =	sbr.rel @p0 .LBB2_2-.Ltmp0, $4  }
0x4f: {  	[sflag:s28] =	ssyncset.done $0x0  }
0x50: {  	[sflag:s28] =	ssyncadd.s32 $0xFFFFC000  }
0x51: {  	_ =	swait.ge [sflag:s29], $0x4000  }
0x52: {  	s0 =	smov.u32 s5;
	s31 =	sshra.s32 s4, $0x2;
	[sflag:s29] =	ssyncset.done $0x0  }
0x53: {  	s0 =	sadd.s32 $0x1400, s31;
	[sflag:s29] =	ssyncadd.s32 $0xFFFFC000  }
0x54: {  	[spmem:s1] =	stream.indirect.scatter.add.f32 [tilespmem:s22], [sflag:$0x1], $0x80, s0, s26, $0xb8;
	[tilespmem:$0x1E800] =	vst v63  }
0x55: {  	_ = 	snop  }
0x56: {  	[spmem:s1] =	stream.indirect.scatter.add.f32 [tilespmem:s24], [sflag:$0x2], $0x80, s31, s26, $0xb8;
	[tilespmem:$0x1E800] =	vst v63  }
0x57: {  	_ =	swait.ge [sflag:s28], $0x4000  }
0x58: {  	[sflag:s28] =	ssyncset.done $0x0  }
0x59: {  	[sflag:s28] =	ssyncadd.s32 $0xFFFFC000  }
0x5a: {  	_ =	swait.ge [sflag:s29], $0x4000  }
0x5b: {  	[sflag:s29] =	ssyncset.done $0x0  }
0x5c: {  	s3 =	simm.s32 $0x0;
	[sflag:s29] =	ssyncadd.s32 $0xFFFFC000  }
0x5d: {  	[tilespmem:s3], [sflag:$0x3] =	stream.linear.gather [hbm4b:s14+s3], $0x1400, $0x38;
	[tilespmem:$0x1E800] =	vst v63  }
0x5e: {  	_ =	swait.ge [sflag:s23], $0x1400  }
0x5f: {  	[sflag:s23] =	ssyncset.done $0x0  }
0x60: {  	[sflag:s23] =	ssyncadd.s32 $0xFFFFEC00  }
0x61: {  	[tilespmem:s25], [sflag:$0x3] =	stream.linear.gather [hbm4b:s15+s3], $0x1400, $0x38;
	[tilespmem:$0x1E800] =	vst v63  }
0x62: {  	_ =	swait.ge [sflag:s23], $0x1400  }
0x63: {  	[sflag:s23] =	ssyncset.done $0x0  }
0x64: {  	s4 =	simm.s32 $0x1400;
	[sflag:s23] =	ssyncadd.s32 $0xFFFFEC00  }
0x65: {  	[spmem:s1] =	stream.indirect.scatter.add.f32 [tilespmem:s22], [sflag:$0x1], $0x80, s4, s26, $0xb8;
	[tilespmem:$0x1E800] =	vst v63  }
0x66: {  	s5 =	simm.s32 $0x0  }
0x67: {  	[spmem:s1] =	stream.indirect.scatter.add.f32 [tilespmem:s24], [sflag:$0x2], $0x80, s5, s26, $0xb8;
	[tilespmem:$0x1E800] =	vst v63  }
0x68: {  	_ =	swait.ge [sflag:s28], $0x4000  }
0x69: {  	[sflag:s28] =	ssyncset.done $0x0  }
0x6a: {  	[sflag:s28] =	ssyncadd.s32 $0xFFFFC000  }
0x6b: {  	_ =	swait.ge [sflag:s29], $0x4000  }
0x6c: {  	s0 =	simm.s32 $0x400;
	s31 =	simm.s32 $0x80;
	[sflag:s29] =	ssyncset.done $0x0  }
.LBB2_4:
0x6d: {  	s3 =	sadd.s32 $0x1400, s31  }
0x6e: {  	[sflag:s29] =	ssyncadd.s32 $0xFFFFC000;
	s4 =	smov.u32 s0;
	s5 =	sadd.s32 $0x200, s0  }
0x6f: {  	[spmem:s1] =	stream.indirect.scatter.add.f32 [tilespmem:s22], [sflag:$0x1], $0x80, s3, s26, $0xb8;
	[tilespmem:$0x1E800] =	vst v63  }
0x70: {  	p0 =	sne.s32 s0, $0x4E00  }
0x71: {  	[spmem:s1] =	stream.indirect.scatter.add.f32 [tilespmem:s24], [sflag:$0x2], $0x80, s31, s26, $0xb8;
	[tilespmem:$0x1E800] =	vst v63  }
.Ltmp1:
0x72: {  	_ =	swait.ge [sflag:s28], $0x4000;
	(pc) =	sbr.rel @p0 .LBB2_4-.Ltmp1, $4  }
0x73: {  	[sflag:s28] =	ssyncset.done $0x0  }
0x74: {  	[sflag:s28] =	ssyncadd.s32 $0xFFFFC000  }
0x75: {  	_ =	swait.ge [sflag:s29], $0x4000  }
0x76: {  	s0 =	smov.u32 s5;
	s31 =	sshra.s32 s4, $0x2;
	[sflag:s29] =	ssyncset.done $0x0  }
0x77: {  	s0 =	sadd.s32 $0x1400, s31;
	[sflag:s29] =	ssyncadd.s32 $0xFFFFC000  }
0x78: {  	[spmem:s1] =	stream.indirect.scatter.add.f32 [tilespmem:s22], [sflag:$0x1], $0x80, s0, s26, $0xb8;
	[tilespmem:$0x1E800] =	vst v63  }
0x79: {  	_ = 	snop  }
0x7a: {  	[spmem:s1] =	stream.indirect.scatter.add.f32 [tilespmem:s24], [sflag:$0x2], $0x80, s31, s26, $0xb8;
	[tilespmem:$0x1E800] =	vst v63  }
0x7b: {  	_ =	swait.ge [sflag:s28], $0x4000  }
0x7c: {  	[sflag:s28] =	ssyncset.done $0x0  }
0x7d: {  	[sflag:s28] =	ssyncadd.s32 $0xFFFFC000  }
0x7e: {  	_ =	swait.ge [sflag:s29], $0x4000  }
0x7f: {  	[sflag:s29] =	ssyncset.done $0x0  }
0x80: {  	[sflag:s29] =	ssyncadd.s32 $0xFFFFC000  }
0x81: {  	[bflag:$0x0] =	sbarrier.arrive $0xFFFF  }
0x82: {  	[tilespmem:s22], [sflag:$0x3] =	stream.linear.gather [spmem:s7], $0x4000, $0x38;
	[tilespmem:$0x1E800] =	vst v63  }
0x83: {  	_ =	swait.ge [sflag:s23], $0x4000  }
0x84: {  	[sflag:s23] =	ssyncset.done $0x0  }
0x85: {  	[sflag:s23] =	ssyncadd.s32 $0xFFFFC000  }
0x86: {  	[hbm4b:s16+s2] =	stream.linear.scatter [tilespmem:s22], [sflag:$0x3], $0x4000, $0x38;
	[tilespmem:$0x1E800] =	vst v63  }
0x87: {  	_ =	swait.ge [sflag:s23], $0x4000  }
0x88: {  	[sflag:s23] =	ssyncset.done $0x0  }
0x89: {  	[sflag:s23] =	ssyncadd.s32 $0xFFFFC000  }
0x8a: {  	[tilespmem:s22], [sflag:$0x3] =	stream.linear.gather [spmem:s8], $0x4000, $0x38;
	[tilespmem:$0x1E800] =	vst v63  }
0x8b: {  	_ =	swait.ge [sflag:s23], $0x4000  }
0x8c: {  	[sflag:s23] =	ssyncset.done $0x0  }
0x8d: {  	[sflag:s23] =	ssyncadd.s32 $0xFFFFC000  }
0x8e: {  	[hbm4b:s17+s2] =	stream.linear.scatter [tilespmem:s22], [sflag:$0x3], $0x4000, $0x38;
	[tilespmem:$0x1E800] =	vst v63  }
0x8f: {  	_ =	swait.ge [sflag:s23], $0x4000  }
0x90: {  	[sflag:s23] =	ssyncset.done $0x0  }
0x91: {  	[sflag:s23] =	ssyncadd.s32 $0xFFFFC000  }
0x92: {  	[tilespmem:s22], [sflag:$0x3] =	stream.linear.gather [spmem:s9], $0x4000, $0x38;
	[tilespmem:$0x1E800] =	vst v63  }
0x93: {  	_ =	swait.ge [sflag:s23], $0x4000  }
0x94: {  	[sflag:s23] =	ssyncset.done $0x0  }
0x95: {  	[sflag:s23] =	ssyncadd.s32 $0xFFFFC000  }
0x96: {  	[hbm4b:s18+s2] =	stream.linear.scatter [tilespmem:s22], [sflag:$0x3], $0x4000, $0x38;
	[tilespmem:$0x1E800] =	vst v63  }
0x97: {  	_ =	swait.ge [sflag:s23], $0x4000  }
0x98: {  	[sflag:s23] =	ssyncset.done $0x0  }
0x99: {  	[sflag:s23] =	ssyncadd.s32 $0xFFFFC000  }
0x9a: {  	[tilespmem:s22], [sflag:$0x3] =	stream.linear.gather [spmem:s10], $0x4000, $0x38;
	[tilespmem:$0x1E800] =	vst v63  }
0x9b: {  	_ =	swait.ge [sflag:s23], $0x4000  }
0x9c: {  	[sflag:s23] =	ssyncset.done $0x0  }
0x9d: {  	[sflag:s23] =	ssyncadd.s32 $0xFFFFC000  }
0x9e: {  	[hbm4b:s19+s2] =	stream.linear.scatter [tilespmem:s22], [sflag:$0x3], $0x4000, $0x38;
	[tilespmem:$0x1E800] =	vst v63  }
0x9f: {  	_ =	swait.ge [sflag:s23], $0x4000  }
0xa0: {  	[sflag:s23] =	ssyncset.done $0x0  }
0xa1: {  	[sflag:s23] =	ssyncadd.s32 $0xFFFFC000  }
0xa2: {  	[tilespmem:s22], [sflag:$0x3] =	stream.linear.gather [spmem:s11], $0x4000, $0x38;
	[tilespmem:$0x1E800] =	vst v63  }
0xa3: {  	s30 =	sadd.s32 $0x1, s30;
	_ =	swait.ge [sflag:s23], $0x4000  }
0xa4: {  	p0 =	sne.s32 s30, s21;
	[sflag:s23] =	ssyncset.done $0x0  }
.Ltmp2:
0xa5: {  	[sflag:s23] =	ssyncadd.s32 $0xFFFFC000;
	(pc) =	sbr.rel @p0 .LBB2_1-.Ltmp2, $4  }
0xa6: {  	[hbm4b:s20+s2] =	stream.linear.scatter [tilespmem:s22], [sflag:$0x3], $0x4000, $0x38;
	[tilespmem:$0x1E800] =	vst v63  }
0xa7: {  	_ =	swait.ge [sflag:s23], $0x4000  }
0xa8: {  	[sflag:s23] =	ssyncset.done $0x0  }
0xa9: {  	[sflag:s23] =	ssyncadd.s32 $0xFFFFC000  }
0xaa: {  	_ =	sfence.sel $0x180000  }
0xab: {  	[bflag:$0x0] =	sbarrier.arrive $0xFFFF  }
0xac: {  	_ =	strace $0x90000047  }
0xad: {  	s0 =	stileid.u32;
	[bflag:$0x2] =	sbarrier.arrive $0xFFFF  }
0xae: {  	p0 =	sne.s32 s0, $0x0;
	s0 =	rddreg [dreg:$0x2]  }
0xaf: {  	s0 =	sadd.s32 @!p0 $0x100000, s0  }
0xb0: {  	[sflag:s0] =	ssyncadd.tile.s32 @!p0 $0x1;
	_ =	shalt  }
.Lfunc_end2:
_tile_overlayer_lowered:
.L_overlay_start_2:
0xb1: {  	(tag) =	ssettag $0x2  }
0xb2: {  	s0 =	rddreg [dreg:$0x0];
	s2 =	stileid.u32  }
0xb3: {  	s1 =	rddreg [dreg:$0x1];
	p0 =	sne.s32 s2, $0x0  }
0xb4: {  	s3 =	rddreg [dreg:$0x2];
	[bflag:$0x3] =	sbarrier.arrive $0xFFFF;
	s2 =	simm.s32 @!p0 $0x1C03  }
0xb5: {  	[timem:s3], [sflag:s2] =	dma.local @!p0 [hbm:s0], s1  }
0xb6: {  	s0 =	simm.s32 @!p0 $0x3  }
0xb7: {  	_ =	swait.ge @!p0 [sflag:s0], s1  }
0xb8: {  	s1 =	ssub.s32 @!p0 $0x0, s1;
	[sflag:s0] =	ssyncset.done @!p0 $0x0  }
0xb9: {  	[sflag:s0] =	ssyncadd.s32 @!p0 s1  }
0xba: {  	[bflag:$0x3] =	sbarrier.arrive $0xFFFF  }
0xbb: {  	_ =	shalt  }

// kernel: kernel.15.cloned.1.call-start
scs
__scs_entry_jumppad:
0x0: {  	(pc) =	sbr.rel $0x88, $3  }
0x1: {  	(tag) =	ssettag $0x0;
	lr =	simm.s32 $0x1  }
0x2: {  	[smem:$0x3F94] =	sst lr;
	_ =	strace $0xD0000000  }
0x3: {  	_ = 	snop  }
0x4: {  	_ = 	snop  }
0x5: {  	_ = 	snop  }
0x6: {  	_ = 	snop  }
0x7: {  	_ = 	snop  }
__scs_overlays_trampoline_lowered:
0x8: {  	[smem:$0x3FA3] =	sst s0  }
0x9: {  	[smem:$0x3FA4] =	sst s1  }
0xa: {  	[smem:$0x3FA5] =	sst s2  }
0xb: {  	[smem:$0x3FA6] =	sst s3  }
0xc: {  	[smem:$0x3FA7] =	sst s4  }
0xd: {  	[smem:$0x3FA8] =	sst s5  }
0xe: {  	[smem:$0x3FA9] =	sst s6  }
0xf: {  	[smem:$0x3FAA] =	sst s7  }
0x10: {  	[smem:$0x3FAB] =	sst s8  }
0x11: {  	[smem:$0x3FAC] =	sst s9;
	s0 =	simm.s32 @!p0 $0x0  }
0x12: {  	s1 =	sld [smem:$0x3F92];
	s0 =	simm.s32 @p0 $0x1  }
0x13: {  	[smem:$0x3FAD] =	sst s0;
	s0 =	simm.s32 @!p1 $0x0  }
0x14: {  	s2 =	sld [smem:$0x3F91];
	s0 =	simm.s32 @p1 $0x1  }
0x15: {  	[smem:$0x3FAE] =	sst s0;
	s0 =	simm.s32 @!p2 $0x0  }
0x16: {  	s3 =	sld [smem:$0x3FDB];
	s0 =	simm.s32 @p2 $0x1  }
0x17: {  	s4 =	simm.s32 $0x1BF5;
	[smem:$0x3FB0] =	sst s0  }
0x18: {  	s0 =	sld [smem:$0x3F93];
	_ =	swait.ge [sflag:s4], $0x0  }
0x19: {  	s7 =	sld [smem:$0x3F94]  }
0x1a: {  	s8 =	sadd.s32 $0xFFFFE003, lr  }
0x1b: {  	s9 =	sadd.s32 $0xFFFFFEF7, lr;
	s5 =	simm.s32 $0xFFFFFFFF;
	p2 =	slt.u32 s8, $0xFFFFF086  }
0x1c: {  	p1 =	slt.u32 s9, $0xF7A;
	s5 =	simm.s32 @!p2 $0x0  }
0x1d: {  	s5 =	simm.s32 @p1 $0x1;
	p0 =	seq.s32 s7, s2  }
0x1e: {  	s7 =	smul.u32 @!p0 $0xF7A, s2;
	p2 =	seq.s32 @!p0 s5, $0x0  }
0x1f: {  	s9 =	smul.u32 $0xF7A, s1;
	s8 =	simm.s32 @!p0 $0x1BF5;
	p2 =	por !p2, p0  }
0x20: {  	[sflag:s8] =	ssyncset.s32 @!p0 $0xFFFFF086;
	s6 =	sadd.s32 @!p0 s3, s7;
	s7 =	simm.s32 @!p0 $0x108  }
0x21: {  	s3 =	sadd.s32 s3, s9;
	s6 =	sadd.s32 @!p0 $0x88, s6;
	s7 =	simm.s32 @p2 $0x1082  }
0x22: {  	[simem:s7], [sflag:s8] =	dma.local @!p0 [hbm:s6], $0xF7A  }
0x23: {  	s9 =	sor.u32 $0xD0000000, s2;
	s6 =	simm.s32 $0x108;
	_ =	swait.ge @!p0 [sflag:s8], $0x0  }
0x24: {  	s3 =	sadd.s32 $0x88, s3;
	s6 =	simm.s32 @!p1 $0x1082;
	[sflag:s4] =	ssyncset.s32 $0xFFFFF086  }
0x25: {  	[simem:s6], [sflag:s4] =	dma.local [hbm:s3], $0xF7A  }
0x26: {  	[smem:$0x3F94] =	sst s1;
	(tag) =	ssettag s2;
	_ =	strace s9  }
0x27: {  	s1 =	sld [smem:$0x3FA4]  }
0x28: {  	s2 =	sld [smem:$0x3FA5]  }
0x29: {  	s4 =	sld [smem:$0x3FA7]  }
0x2a: {  	p0 =	seq.s32 s5, $0x0;
	s5 =	sld [smem:$0x3FA8]  }
0x2b: {  	s6 =	sld [smem:$0x3FA9]  }
0x2c: {  	s7 =	sld [smem:$0x3FAA]  }
0x2d: {  	s3 =	simm.s32 $0x108;
	s8 =	sld [smem:$0x3FAB]  }
0x2e: {  	s3 =	simm.s32 @!p0 $0x1082;
	s9 =	sld [smem:$0x3FAC]  }
0x2f: {  	lr =	sadd.s32 s0, s3;
	s0 =	sld [smem:$0x3FA3]  }
0x30: {  	s3 =	sld [smem:$0x3FA6]  }
0x31: {  	[smem:$0x3FAF] =	sst s10  }
0x32: {  	s10 =	sld [smem:$0x3FAD];
	_ =	sdelay $0x3  }
0x33: {  	p0 =	seq.s32 s10, $0x1;
	s10 =	sld [smem:$0x3FAF];
	_ =	sdelay $0x3  }
0x34: {  	[smem:$0x3FAF] =	sst s10  }
0x35: {  	s10 =	sld [smem:$0x3FAE];
	_ =	sdelay $0x3  }
0x36: {  	p1 =	seq.s32 s10, $0x1;
	s10 =	sld [smem:$0x3FAF];
	_ =	sdelay $0x3  }
0x37: {  	[smem:$0x3FAF] =	sst s10  }
0x38: {  	s10 =	sld [smem:$0x3FB0]  }
0x39: {  	_ = 	snop;
	(pc) =	sbr.ind lr, $3  }
0x3a: {  	_ = 	snop  }
0x3b: {  	_ = 	snop  }
0x3c: {  	p2 =	seq.s32 s10, $0x1;
	s10 =	sld [smem:$0x3FAF]  }
0x3d: {  	_ =	shalt  }
0x3e: {  	_ =	shalt  }
0x3f: {  	_ =	shalt  }
0x40: {  	_ =	shalt  }
0x41: {  	_ =	shalt  }
0x42: {  	_ =	shalt  }
0x43: {  	_ =	shalt  }
0x44: {  	_ =	shalt  }
0x45: {  	_ =	shalt  }
0x46: {  	_ =	shalt  }
0x47: {  	_ =	shalt  }
0x48: {  	_ =	shalt  }
0x49: {  	_ =	shalt  }
0x4a: {  	_ =	shalt  }
0x4b: {  	_ =	shalt  }
0x4c: {  	_ =	shalt  }
0x4d: {  	_ =	shalt  }
0x4e: {  	_ =	shalt  }
0x4f: {  	_ =	shalt  }
0x50: {  	_ =	shalt  }
0x51: {  	_ =	shalt  }
0x52: {  	_ =	shalt  }
0x53: {  	_ =	shalt  }
0x54: {  	_ =	shalt  }
0x55: {  	_ =	shalt  }
0x56: {  	_ =	shalt  }
0x57: {  	_ =	shalt  }
0x58: {  	_ =	shalt  }
0x59: {  	_ =	shalt  }
0x5a: {  	_ =	shalt  }
0x5b: {  	_ =	shalt  }
0x5c: {  	_ =	shalt  }
0x5d: {  	_ =	shalt  }
0x5e: {  	_ =	shalt  }
0x5f: {  	_ =	shalt  }
0x60: {  	_ =	shalt  }
0x61: {  	_ =	shalt  }
0x62: {  	_ =	shalt  }
0x63: {  	_ =	shalt  }
0x64: {  	_ =	shalt  }
0x65: {  	_ =	shalt  }
0x66: {  	_ =	shalt  }
0x67: {  	_ =	shalt  }
0x68: {  	_ =	shalt  }
0x69: {  	_ =	shalt  }
0x6a: {  	_ =	shalt  }
0x6b: {  	_ =	shalt  }
0x6c: {  	_ =	shalt  }
0x6d: {  	_ =	shalt  }
0x6e: {  	_ =	shalt  }
0x6f: {  	_ =	shalt  }
0x70: {  	_ =	shalt  }
0x71: {  	_ =	shalt  }
0x72: {  	_ =	shalt  }
0x73: {  	_ =	shalt  }
0x74: {  	_ =	shalt  }
0x75: {  	_ =	shalt  }
0x76: {  	_ =	shalt  }
0x77: {  	_ =	shalt  }
0x78: {  	_ =	shalt  }
0x79: {  	_ =	shalt  }
0x7a: {  	_ =	shalt  }
0x7b: {  	_ =	shalt  }
0x7c: {  	_ =	shalt  }
0x7d: {  	_ =	shalt  }
0x7e: {  	_ =	shalt  }
0x7f: {  	_ =	shalt  }
0x80: {  	_ =	shalt  }
0x81: {  	_ =	shalt  }
0x82: {  	_ =	shalt  }
0x83: {  	_ =	shalt  }
0x84: {  	_ =	shalt  }
0x85: {  	_ =	shalt  }
0x86: {  	_ =	shalt  }
0x87: {  	_ =	shalt  }
.Lfunc_end0:
.L_simem_size_0:
called_computation.1_lowered:
.L_overlay_start_0:
0x88: {  	s2 =	sld [smem:$0x3FD9]  }
0x89: {  	s3 =	sld [smem:$0x3FFE];
	_ =	sdelay $0x1  }
0x8a: {  	s1 =	srdreg.scid  }
0x8b: {  	s0 =	sand.u32 $0x1, s1  }
0x8c: {  	s17 =	sshll.u32 s0, $0xA;
	s2 =	sadd.s32 s3, s2  }
0x8d: {  	s2 =	sadd.s32 s2, s17  }
0x8e: {  	[smem:$0x3FBB] =	sst s2  }
0x8f: {  	_ = 	snop  }
0x90: {  	s2 =	sld [smem:$0x3FD0];
	(tm) =	ssettm $0x1  }
0x91: {  	s18 =	sld [smem:$0x3FFB];
	_ =	sdelay $0x3  }
0x92: {  	_ =	strace s18  }
0x93: {  	s3 =	sld [smem:$0x3FFC];
	_ =	sdelay $0x3  }
0x94: {  	_ =	strace s3  }
0x95: {  	s3 =	sld [smem:$0x3FFD];
	_ =	sdelay $0x3  }
0x96: {  	_ =	strace s3  }
0x97: {  	_ =	strace $0x8FFFFFFF  }
0x98: {  	s19 =	sld [smem:$0x3FDB];
	_ =	sdelay $0x1  }
0x99: {  	s4 =	simm.s32 $_scs_section_size  }
0x9a: {  	s5 =	simm.s32 $_size__tile_overlayer_lowered;
	s6 =	simm.s32 $_tile_overlayer_lowered  }
0x9b: {  	s22 =	simm.s32 $0x1BFF;
	s21 =	sshll.u32 s6, $0x1;
	s3 =	sadd.s32 s4, s19  }
0x9c: {  	s7 =	simm.s32 $0x0;
	s20 =	sshll.u32 s5, $0x1;
	s5 =	sadd.s32 s21, s3  }
0x9d: {  	[timem:s7], [sflag:s22] =	dma.local [hbm:s5], s20  }
0x9e: {  	_ =	swait.ge [sflag:s22], s20  }
0x9f: {  	s4 =	ssub.s32 $0x0, s20;
	[sflag:s22] =	ssyncset.done $0x0  }
0xa0: {  	[sflag:s22] =	ssyncadd.s32 s4;
	_ =	sdelay $0x1  }
0xa1: {  	s23 =	simm.s32 $0x1B8B  }
0xa2: {  	_ =	swait.ge [sflag:s23], $0x1  }
0xa3: {  	[sflag:s23] =	ssyncset.done $0x0  }
0xa4: {  	s25 =	simm.s32 $0x1B8E;
	s24 =	sld [smem:$0x3FFE];
	[sflag:s23] =	ssyncadd.s32 $0xFFFFFFFF  }
0xa5: {  	s26 =	simm.s32 $execute0_lowered;
	[smem:$0x3FD2] =	sst s25  }
0xa6: {  	s5 =	sshll.u32 s26, $0x1;
	_ =	strace $0x80000049;
	[dreg:$0x1] =	wrdreg $0xFFFFFFFF  }
0xa7: {  	s28 =	simm.s32 $_size_execute0_lowered;
	s3 =	sadd.s32 s3, s5;
	[dreg:$0x0] =	wrdreg $0x0  }
0xa8: {  	s5 =	sshll.u32 s28, $0x1;
	[dreg:$0x2] =	wrdreg s3  }
0xa9: {  	[dreg:$0x3] =	wrdreg s5  }
0xaa: {  	[dreg:$0x4] =	wrdreg $0xC0  }
0xab: {  	_ =	task [dreg:s7], $0x5FFFF  }
0xac: {  	[dreg:$0x1] =	wrdreg $0xFFFFFFFF  }
0xad: {  	[dreg:$0x0] =	wrdreg $0x60  }
0xae: {  	[dreg:$0x2] =	wrdreg s24  }
0xaf: {  	[dreg:$0x3] =	wrdreg s2  }
0xb0: {  	[dreg:$0x4] =	wrdreg $0xA8000  }
0xb1: {  	[dreg:$0x5] =	wrdreg $0x9  }
0xb2: {  	_ =	task.clear_ibuf [dreg:s7], $0x6FFFF;
	_ =	strace $0x90000049  }
0xb3: {  	s29 =	simm.s32 $0x9;
	_ =	strace $0x8000004B  }
0xb4: {  	_ =	swait.ge [sflag:s29], $0x1  }
0xb5: {  	[sflag:s29] =	ssyncadd.s32 $0xFFFFFFFF  }
0xb6: {  	_ =	strace $0x9000004B  }
0xb7: {  	_ =	sfence  }
0xb8: {  	s30 =	sld [smem:$0x0];
	_ =	sdelay $0x2  }
0xb9: {  	s31 =	sshll.u32 s1, $0xD;
	s1 =	sshrl.u32 s1, $0x2  }
0xba: {  	s3 =	sand.u32 $0x4000, s31;
	s1 =	sadd.s32 s1, s30  }
0xbb: {  	s0 =	sor.u32 s3, s0;
	s1 =	sshll.u32 s1, $0x11  }
0xbc: {  	s0 =	sor.u32 s1, s0  }
0xbd: {  	s0 =	sadd.s32 $0x8F2B, s0  }
0xbe: {  	[sflag:s0] =	ssyncadd.remote.s32 $0x1  }
0xbf: {  	_ =	sfence.sel $0xFFFF  }
0xc0: {  	[dreg:$0x0] =	wrdreg $0xFFFFFFFF;
	(pc) =	sbr.abs _section_cstart, $3  }
0xc1: {  	[dreg:$0x1] =	wrdreg $0xFFFFFFFF  }
0xc2: {  	_ =	task.clear_ibuf [dreg:s7], $0x2FFFF;
	_ =	strace $0x9FFFFFFF  }
0xc3: {  	(tm) =	ssettm $0x7FFFFFFF  }
tec
execute0_lowered:
.L_overlay_start_1:
0x0: {  	(tag) =	ssettag $0x1  }
0x1: {  	s0 =	rddreg [dreg:$0x0]  }
0x2: {  	s3 =	rddreg [dreg:$0x1]  }
0x3: {  	s1 =	rddreg [dreg:$0x2];
	s2 =	simm.s32 $0x0  }
0x4: {  	s5 =	srdreg.scid;
	s9 =	stileid.u32;
	s28 =	simm.s32 $0x3  }
0x5: {  	s29 =	simm.s32 $0x2;
	s30 =	simm.s32 $0x2700;
	s31 =	simm.s32 $0x2780  }
0x6: {  	[smem:$0x7FF] =	sst s2;
	s4 =	sadd.s32 $0x69C00, s0;
	s14 =	sadd.s32 $0xE400, s0  }
0x7: {  	s5 =	sand.u32 $0x1, s5;
	s6 =	sadd.s32 $0x19400, s0;
	s7 =	smul.u32 $0x50000, s9  }
0x8: {  	s0 =	sadd.s32 $0x90E00, s0;
	s13 =	smul.u32 $0x14000, s9;
	s21 =	sshll.u32 s9, $0x1  }
0x9: {  	_ =	strace $0x8000004A;
	[dreg:$0x4] =	wrdreg s6;
	s20 =	ssub.s32 $0x2, s5  }
0xa: {  	s22 =	sor.u32 s5, s21;
	s5 =	smul.u32 $0x140000, s5;
	s8 =	sshrl.u32 s20, $0x1  }
0xb: {  	s7 =	sshrl.u32 s7, $0x2;
	s15 =	sadd.s32 $0x4000, s13;
	s17 =	sadd.s32 $0x8000, s13  }
0xc: {  	s18 =	sadd.s32 $0xC000, s13;
	s10 =	smul.u32 $0x2800, s22;
	s19 =	sadd.s32 $0x10000, s13  }
0xd: {  	s22 =	simm.s32 $0x4;
	s20 =	ssub.s32 s20, s8;
	s6 =	sadd.s32 s7, s1  }
0xe: {  	s7 =	sadd.s32 s15, s1;
	s8 =	sadd.s32 s17, s1;
	s9 =	sadd.s32 s18, s1  }
0xf: {  	s21 =	sadd.s32 s13, s5;
	s15 =	sadd.s32 s5, s15;
	s25 =	sadd.s32 s5, s17  }
0x10: {  	s26 =	sadd.s32 s5, s18;
	s5 =	sadd.s32 s5, s19;
	s16 =	sshrl.u32 s10, $0x3  }
0x11: {  	s10 =	sadd.s32 s19, s1;
	s23 =	sshrl.u32 s21, $0x3;
	s24 =	sshrl.u32 s15, $0x3  }
0x12: {  	s18 =	sshrl.u32 s26, $0x3;
	s5 =	sshrl.u32 s5, $0x3;
	s20 =	smax.u32 s20, $0x1  }
0x13: {  	s21 =	simm.s32 $0x2800;
	s26 =	simm.s32 $0x1;
	s11 =	sadd.s32 s3, s16  }
0x14: {  	s12 =	sadd.s32 s14, s16;
	s16 =	sadd.s32 $0x280, s16;
	s15 =	sadd.s32 s0, s23  }
0x15: {  	s18 =	sadd.s32 s0, s18;
	s19 =	sadd.s32 s0, s5;
	s23 =	simm.s32 $0x1400  }
0x16: {  	[dreg:$0x5] =	wrdreg s11;
	s13 =	sadd.s32 s3, s16;
	s14 =	sadd.s32 s14, s16  }
0x17: {  	s16 =	sadd.s32 s0, s24;
	s3 =	sshrl.u32 s25, $0x3;
	s24 =	simm.s32 $0x80  }
0x18: {  	s25 =	simm.s32 $0x6800;
	s17 =	sadd.s32 s0, s3;
	s0 =	simm.s32 $0x0  }
.LBB2_1:
0x19: {  	s3 =	rddreg [dreg:$0x4]  }
0x1a: {  	[tilespmem:s21], [sflag:$0x4] =	stream.linear.gather [hbm4b:s3+s2], $0x4000, $0x38;
	[tilespmem:$0x1E800] =	vst v63  }
0x1b: {  	_ =	swait.ge [sflag:s22], $0x4000  }
0x1c: {  	[sflag:s22] =	ssyncset.done $0x0  }
0x1d: {  	[sflag:s22] =	ssyncadd.s32 $0xFFFFC000  }
0x1e: {  	[spmem:s6] =	stream.linear.scatter [tilespmem:s21], [sflag:$0x4], $0x4000, $0x38;
	[tilespmem:$0x1E800] =	vst v63  }
0x1f: {  	_ =	swait.ge [sflag:s22], $0x4000  }
0x20: {  	[sflag:s22] =	ssyncset.done $0x0  }
0x21: {  	[sflag:s22] =	ssyncadd.s32 $0xFFFFC000  }
0x22: {  	[spmem:s7] =	stream.linear.scatter [tilespmem:s21], [sflag:$0x4], $0x4000, $0x38;
	[tilespmem:$0x1E800] =	vst v63  }
0x23: {  	_ =	swait.ge [sflag:s22], $0x4000  }
0x24: {  	[sflag:s22] =	ssyncset.done $0x0  }
0x25: {  	[sflag:s22] =	ssyncadd.s32 $0xFFFFC000  }
0x26: {  	[spmem:s8] =	stream.linear.scatter [tilespmem:s21], [sflag:$0x4], $0x4000, $0x38;
	[tilespmem:$0x1E800] =	vst v63  }
0x27: {  	_ =	swait.ge [sflag:s22], $0x4000  }
0x28: {  	[sflag:s22] =	ssyncset.done $0x0  }
0x29: {  	[sflag:s22] =	ssyncadd.s32 $0xFFFFC000  }
0x2a: {  	[spmem:s9] =	stream.linear.scatter [tilespmem:s21], [sflag:$0x4], $0x4000, $0x38;
	[tilespmem:$0x1E800] =	vst v63  }
0x2b: {  	_ =	swait.ge [sflag:s22], $0x4000  }
0x2c: {  	[sflag:s22] =	ssyncset.done $0x0  }
0x2d: {  	[sflag:s22] =	ssyncadd.s32 $0xFFFFC000  }
0x2e: {  	[spmem:s10] =	stream.linear.scatter [tilespmem:s21], [sflag:$0x4], $0x4000, $0x38;
	[tilespmem:$0x1E800] =	vst v63  }
0x2f: {  	_ =	swait.ge [sflag:s22], $0x4000  }
0x30: {  	[sflag:s22] =	ssyncset.done $0x0  }
0x31: {  	[sflag:s22] =	ssyncadd.s32 $0xFFFFC000  }
0x32: {  	[bflag:$0x0] =	sbarrier.arrive $0xFFFF  }
0x33: {  	s5 =	rddreg [dreg:$0x5]  }
0x34: {  	[tilespmem:s2], [sflag:$0x4] =	stream.linear.gather [hbm4b:s5+s2], $0x1400, $0x38;
	[tilespmem:$0x1E800] =	vst v63  }
0x35: {  	_ =	swait.ge [sflag:s22], $0x1400  }
0x36: {  	[sflag:s22] =	ssyncset.done $0x0  }
0x37: {  	[sflag:s22] =	ssyncadd.s32 $0xFFFFEC00  }
0x38: {  	[tilespmem:s23], [sflag:$0x4] =	stream.linear.gather [hbm4b:s12+s2], $0x1400, $0x38;
	[tilespmem:$0x1E800] =	vst v63  }
0x39: {  	_ =	swait.ge [sflag:s22], $0x1400  }
0x3a: {  	[sflag:s22] =	ssyncset.done $0x0  }
0x3b: {  	[sflag:s22] =	ssyncadd.s32 $0xFFFFEC00  }
0x3c: {  	[tilespmem:s21], [sflag:$0x1] =	stream.indirect.gather [hbm4b:s4+s24], $0x80, s2, s24, $0xb8;
	[tilespmem:$0x1E800] =	vst v63  }
0x3d: {  	_ = 	snop  }
0x3e: {  	[tilespmem:s25], [sflag:$0x2] =	stream.indirect.gather [hbm4b:s4+s24], $0x80, s24, s24, $0xb8;
	[tilespmem:$0x1E800] =	vst v63  }
0x3f: {  	_ =	swait.ge [sflag:s26], $0x4000  }
0x40: {  	[sflag:s26] =	ssyncset.done $0x0  }
0x41: {  	s11 =	simm.s32 $0x1400;
	[sflag:s26] =	ssyncadd.s32 $0xFFFFC000  }
0x42: {  	[spmem:s1] =	stream.indirect.scatter.add.f32 [tilespmem:s21], [sflag:$0x3], $0x80, s11, s24, $0xb8;
	[tilespmem:$0x1E800] =	vst v63  }
0x43: {  	_ =	swait.ge [sflag:s28], $0x4000  }
0x44: {  	[sflag:s28] =	ssyncset.done $0x0  }
0x45: {  	s5 =	simm.s32 $0x100;
	[sflag:s28] =	ssyncadd.s32 $0xFFFFC000  }
0x46: {  	[tilespmem:s21], [sflag:$0x1] =	stream.indirect.gather [hbm4b:s4+s24], $0x80, s5, s24, $0xb8;
	[tilespmem:$0x1E800] =	vst v63  }
0x47: {  	_ =	swait.ge [sflag:s29], $0x4000  }
0x48: {  	[sflag:s29] =	ssyncset.done $0x0  }
0x49: {  	s11 =	simm.s32 $0x1480;
	[sflag:s29] =	ssyncadd.s32 $0xFFFFC000  }
0x4a: {  	[spmem:s1] =	stream.indirect.scatter.add.f32 [tilespmem:s25], [sflag:$0x3], $0x80, s11, s24, $0xb8;
	[tilespmem:$0x1E800] =	vst v63  }
0x4b: {  	_ =	swait.ge [sflag:s28], $0x4000  }
0x4c: {  	[sflag:s28] =	ssyncset.done $0x0  }
0x4d: {  	s3 =	simm.s32 $0x400;
	s5 =	simm.s32 $0x180;
	[sflag:s28] =	ssyncadd.s32 $0xFFFFC000  }
.LBB2_2:
0x4e: {  	[tilespmem:s25], [sflag:$0x2] =	stream.indirect.gather [hbm4b:s4+s24], $0x80, s5, s24, $0xb8;
	[tilespmem:$0x1E800] =	vst v63  }
0x4f: {  	s5 =	smov.u32 s3  }
0x50: {  	p0 =	sne.s32 s3, $0x4800;
	s3 =	sadd.s32 $0x400, s3;
	_ =	swait.ge [sflag:s26], $0x4000  }
0x51: {  	s5 =	sshra.s32 s5, $0x2;
	[sflag:s26] =	ssyncset.done $0x0  }
0x52: {  	s11 =	sadd.s32 $0x1400, s5;
	[sflag:s26] =	ssyncadd.s32 $0xFFFFC000  }
0x53: {  	[spmem:s1] =	stream.indirect.scatter.add.f32 [tilespmem:s21], [sflag:$0x3], $0x80, s11, s24, $0xb8;
	[tilespmem:$0x1E800] =	vst v63  }
0x54: {  	_ =	swait.ge [sflag:s28], $0x4000  }
0x55: {  	[sflag:s28] =	ssyncset.done $0x0  }
0x56: {  	s11 =	sadd.s32 $0x100, s5;
	[sflag:s28] =	ssyncadd.s32 $0xFFFFC000  }
0x57: {  	[tilespmem:s21], [sflag:$0x1] =	stream.indirect.gather [hbm4b:s4+s24], $0x80, s11, s24, $0xb8;
	[tilespmem:$0x1E800] =	vst v63  }
0x58: {  	_ =	swait.ge [sflag:s29], $0x4000  }
0x59: {  	[sflag:s29] =	ssyncset.done $0x0  }
.Ltmp0:
0x5a: {  	s11 =	sadd.s32 $0x1480, s5;
	[sflag:s29] =	ssyncadd.s32 $0xFFFFC000;
	(pc) =	sbr.rel @p0 .LBB2_2-.Ltmp0, $4  }
0x5b: {  	[spmem:s1] =	stream.indirect.scatter.add.f32 [tilespmem:s25], [sflag:$0x3], $0x80, s11, s24, $0xb8;
	[tilespmem:$0x1E800] =	vst v63  }
0x5c: {  	_ =	swait.ge [sflag:s28], $0x4000  }
0x5d: {  	[sflag:s28] =	ssyncset.done $0x0  }
0x5e: {  	s5 =	sadd.s32 $0x180, s5;
	[sflag:s28] =	ssyncadd.s32 $0xFFFFC000  }
0x5f: {  	[tilespmem:s25], [sflag:$0x2] =	stream.indirect.gather [hbm4b:s4+s24], $0x80, s5, s24, $0xb8;
	[tilespmem:$0x1E800] =	vst v63  }
0x60: {  	_ =	swait.ge [sflag:s26], $0x4000  }
0x61: {  	[sflag:s26] =	ssyncset.done $0x0  }
0x62: {  	[sflag:s26] =	ssyncadd.s32 $0xFFFFC000  }
0x63: {  	[spmem:s1] =	stream.indirect.scatter.add.f32 [tilespmem:s21], [sflag:$0x3], $0x80, s30, s24, $0xb8;
	[tilespmem:$0x1E800] =	vst v63  }
0x64: {  	_ =	swait.ge [sflag:s28], $0x4000  }
0x65: {  	[sflag:s28] =	ssyncset.done $0x0  }
0x66: {  	[sflag:s28] =	ssyncadd.s32 $0xFFFFC000  }
0x67: {  	_ =	swait.ge [sflag:s29], $0x4000  }
0x68: {  	[sflag:s29] =	ssyncset.done $0x0  }
0x69: {  	[sflag:s29] =	ssyncadd.s32 $0xFFFFC000  }
0x6a: {  	[spmem:s1] =	stream.indirect.scatter.add.f32 [tilespmem:s25], [sflag:$0x3], $0x80, s31, s24, $0xb8;
	[tilespmem:$0x1E800] =	vst v63  }
0x6b: {  	_ =	swait.ge [sflag:s28], $0x4000  }
0x6c: {  	[sflag:s28] =	ssyncset.done $0x0  }
0x6d: {  	s3 =	simm.s32 $0x0;
	[sflag:s28] =	ssyncadd.s32 $0xFFFFC000  }
0x6e: {  	[tilespmem:s3], [sflag:$0x4] =	stream.linear.gather [hbm4b:s13+s3], $0x1400, $0x38;
	[tilespmem:$0x1E800] =	vst v63  }
0x6f: {  	_ =	swait.ge [sflag:s22], $0x1400  }
0x70: {  	[sflag:s22] =	ssyncset.done $0x0  }
0x71: {  	[sflag:s22] =	ssyncadd.s32 $0xFFFFEC00  }
0x72: {  	[tilespmem:s23], [sflag:$0x4] =	stream.linear.gather [hbm4b:s14+s3], $0x1400, $0x38;
	[tilespmem:$0x1E800] =	vst v63  }
0x73: {  	_ =	swait.ge [sflag:s22], $0x1400  }
0x74: {  	[sflag:s22] =	ssyncset.done $0x0  }
0x75: {  	[sflag:s22] =	ssyncadd.s32 $0xFFFFEC00  }
0x76: {  	[tilespmem:s21], [sflag:$0x1] =	stream.indirect.gather [hbm4b:s4+s24], $0x80, s3, s24, $0xb8;
	[tilespmem:$0x1E800] =	vst v63  }
0x77: {  	_ = 	snop  }
0x78: {  	[tilespmem:s25], [sflag:$0x2] =	stream.indirect.gather [hbm4b:s4+s24], $0x80, s24, s24, $0xb8;
	[tilespmem:$0x1E800] =	vst v63  }
0x79: {  	_ =	swait.ge [sflag:s26], $0x4000  }
0x7a: {  	[sflag:s26] =	ssyncset.done $0x0  }
0x7b: {  	s11 =	simm.s32 $0x1400;
	[sflag:s26] =	ssyncadd.s32 $0xFFFFC000  }
0x7c: {  	[spmem:s1] =	stream.indirect.scatter.add.f32 [tilespmem:s21], [sflag:$0x3], $0x80, s11, s24, $0xb8;
	[tilespmem:$0x1E800] =	vst v63  }
0x7d: {  	_ =	swait.ge [sflag:s28], $0x4000  }
0x7e: {  	[sflag:s28] =	ssyncset.done $0x0  }
0x7f: {  	s5 =	simm.s32 $0x100;
	[sflag:s28] =	ssyncadd.s32 $0xFFFFC000  }
0x80: {  	[tilespmem:s21], [sflag:$0x1] =	stream.indirect.gather [hbm4b:s4+s24], $0x80, s5, s24, $0xb8;
	[tilespmem:$0x1E800] =	vst v63  }
0x81: {  	_ =	swait.ge [sflag:s29], $0x4000  }
0x82: {  	[sflag:s29] =	ssyncset.done $0x0  }
0x83: {  	s11 =	simm.s32 $0x1480;
	[sflag:s29] =	ssyncadd.s32 $0xFFFFC000  }
0x84: {  	[spmem:s1] =	stream.indirect.scatter.add.f32 [tilespmem:s25], [sflag:$0x3], $0x80, s11, s24, $0xb8;
	[tilespmem:$0x1E800] =	vst v63  }
0x85: {  	_ =	swait.ge [sflag:s28], $0x4000  }
0x86: {  	[sflag:s28] =	ssyncset.done $0x0  }
0x87: {  	s3 =	simm.s32 $0x400;
	s5 =	simm.s32 $0x180;
	[sflag:s28] =	ssyncadd.s32 $0xFFFFC000  }
.LBB2_4:
0x88: {  	[tilespmem:s25], [sflag:$0x2] =	stream.indirect.gather [hbm4b:s4+s24], $0x80, s5, s24, $0xb8;
	[tilespmem:$0x1E800] =	vst v63  }
0x89: {  	s5 =	smov.u32 s3  }
0x8a: {  	p0 =	sne.s32 s3, $0x4800;
	s3 =	sadd.s32 $0x400, s3;
	_ =	swait.ge [sflag:s26], $0x4000  }
0x8b: {  	s5 =	sshra.s32 s5, $0x2;
	[sflag:s26] =	ssyncset.done $0x0  }
0x8c: {  	s11 =	sadd.s32 $0x1400, s5;
	[sflag:s26] =	ssyncadd.s32 $0xFFFFC000  }
0x8d: {  	[spmem:s1] =	stream.indirect.scatter.add.f32 [tilespmem:s21], [sflag:$0x3], $0x80, s11, s24, $0xb8;
	[tilespmem:$0x1E800] =	vst v63  }
0x8e: {  	_ =	swait.ge [sflag:s28], $0x4000  }
0x8f: {  	[sflag:s28] =	ssyncset.done $0x0  }
0x90: {  	s11 =	sadd.s32 $0x100, s5;
	[sflag:s28] =	ssyncadd.s32 $0xFFFFC000  }
0x91: {  	[tilespmem:s21], [sflag:$0x1] =	stream.indirect.gather [hbm4b:s4+s24], $0x80, s11, s24, $0xb8;
	[tilespmem:$0x1E800] =	vst v63  }
0x92: {  	_ =	swait.ge [sflag:s29], $0x4000  }
0x93: {  	[sflag:s29] =	ssyncset.done $0x0  }
.Ltmp1:
0x94: {  	s11 =	sadd.s32 $0x1480, s5;
	[sflag:s29] =	ssyncadd.s32 $0xFFFFC000;
	(pc) =	sbr.rel @p0 .LBB2_4-.Ltmp1, $4  }
0x95: {  	[spmem:s1] =	stream.indirect.scatter.add.f32 [tilespmem:s25], [sflag:$0x3], $0x80, s11, s24, $0xb8;
	[tilespmem:$0x1E800] =	vst v63  }
0x96: {  	_ =	swait.ge [sflag:s28], $0x4000  }
0x97: {  	[sflag:s28] =	ssyncset.done $0x0  }
0x98: {  	s5 =	sadd.s32 $0x180, s5;
	[sflag:s28] =	ssyncadd.s32 $0xFFFFC000  }
0x99: {  	[tilespmem:s25], [sflag:$0x2] =	stream.indirect.gather [hbm4b:s4+s24], $0x80, s5, s24, $0xb8;
	[tilespmem:$0x1E800] =	vst v63  }
0x9a: {  	_ =	swait.ge [sflag:s26], $0x4000  }
0x9b: {  	[sflag:s26] =	ssyncset.done $0x0  }
0x9c: {  	[sflag:s26] =	ssyncadd.s32 $0xFFFFC000  }
0x9d: {  	[spmem:s1] =	stream.indirect.scatter.add.f32 [tilespmem:s21], [sflag:$0x3], $0x80, s30, s24, $0xb8;
	[tilespmem:$0x1E800] =	vst v63  }
0x9e: {  	_ =	swait.ge [sflag:s28], $0x4000  }
0x9f: {  	[sflag:s28] =	ssyncset.done $0x0  }
0xa0: {  	[sflag:s28] =	ssyncadd.s32 $0xFFFFC000  }
0xa1: {  	_ =	swait.ge [sflag:s29], $0x4000  }
0xa2: {  	[sflag:s29] =	ssyncset.done $0x0  }
0xa3: {  	[sflag:s29] =	ssyncadd.s32 $0xFFFFC000  }
0xa4: {  	[spmem:s1] =	stream.indirect.scatter.add.f32 [tilespmem:s25], [sflag:$0x3], $0x80, s31, s24, $0xb8;
	[tilespmem:$0x1E800] =	vst v63  }
0xa5: {  	_ =	swait.ge [sflag:s28], $0x4000  }
0xa6: {  	[sflag:s28] =	ssyncset.done $0x0  }
0xa7: {  	[sflag:s28] =	ssyncadd.s32 $0xFFFFC000  }
0xa8: {  	[bflag:$0x0] =	sbarrier.arrive $0xFFFF  }
0xa9: {  	[tilespmem:s21], [sflag:$0x4] =	stream.linear.gather [spmem:s6], $0x4000, $0x38;
	[tilespmem:$0x1E800] =	vst v63  }
0xaa: {  	_ =	swait.ge [sflag:s22], $0x4000  }
0xab: {  	[sflag:s22] =	ssyncset.done $0x0  }
0xac: {  	[sflag:s22] =	ssyncadd.s32 $0xFFFFC000  }
0xad: {  	[hbm4b:s15+s2] =	stream.linear.scatter [tilespmem:s21], [sflag:$0x4], $0x4000, $0x38;
	[tilespmem:$0x1E800] =	vst v63  }
0xae: {  	_ =	swait.ge [sflag:s22], $0x4000  }
0xaf: {  	[sflag:s22] =	ssyncset.done $0x0  }
0xb0: {  	[sflag:s22] =	ssyncadd.s32 $0xFFFFC000  }
0xb1: {  	[tilespmem:s21], [sflag:$0x4] =	stream.linear.gather [spmem:s7], $0x4000, $0x38;
	[tilespmem:$0x1E800] =	vst v63  }
0xb2: {  	_ =	swait.ge [sflag:s22], $0x4000  }
0xb3: {  	[sflag:s22] =	ssyncset.done $0x0  }
0xb4: {  	[sflag:s22] =	ssyncadd.s32 $0xFFFFC000  }
0xb5: {  	[hbm4b:s16+s2] =	stream.linear.scatter [tilespmem:s21], [sflag:$0x4], $0x4000, $0x38;
	[tilespmem:$0x1E800] =	vst v63  }
0xb6: {  	_ =	swait.ge [sflag:s22], $0x4000  }
0xb7: {  	[sflag:s22] =	ssyncset.done $0x0  }
0xb8: {  	[sflag:s22] =	ssyncadd.s32 $0xFFFFC000  }
0xb9: {  	[tilespmem:s21], [sflag:$0x4] =	stream.linear.gather [spmem:s8], $0x4000, $0x38;
	[tilespmem:$0x1E800] =	vst v63  }
0xba: {  	_ =	swait.ge [sflag:s22], $0x4000  }
0xbb: {  	[sflag:s22] =	ssyncset.done $0x0  }
0xbc: {  	[sflag:s22] =	ssyncadd.s32 $0xFFFFC000  }
0xbd: {  	[hbm4b:s17+s2] =	stream.linear.scatter [tilespmem:s21], [sflag:$0x4], $0x4000, $0x38;
	[tilespmem:$0x1E800] =	vst v63  }
0xbe: {  	_ =	swait.ge [sflag:s22], $0x4000  }
0xbf: {  	[sflag:s22] =	ssyncset.done $0x0  }
0xc0: {  	[sflag:s22] =	ssyncadd.s32 $0xFFFFC000  }
0xc1: {  	[tilespmem:s21], [sflag:$0x4] =	stream.linear.gather [spmem:s9], $0x4000, $0x38;
	[tilespmem:$0x1E800] =	vst v63  }
0xc2: {  	_ =	swait.ge [sflag:s22], $0x4000  }
0xc3: {  	[sflag:s22] =	ssyncset.done $0x0  }
0xc4: {  	[sflag:s22] =	ssyncadd.s32 $0xFFFFC000  }
0xc5: {  	[hbm4b:s18+s2] =	stream.linear.scatter [tilespmem:s21], [sflag:$0x4], $0x4000, $0x38;
	[tilespmem:$0x1E800] =	vst v63  }
0xc6: {  	_ =	swait.ge [sflag:s22], $0x4000  }
0xc7: {  	[sflag:s22] =	ssyncset.done $0x0  }
0xc8: {  	[sflag:s22] =	ssyncadd.s32 $0xFFFFC000  }
0xc9: {  	[tilespmem:s21], [sflag:$0x4] =	stream.linear.gather [spmem:s10], $0x4000, $0x38;
	[tilespmem:$0x1E800] =	vst v63  }
0xca: {  	s0 =	sadd.s32 $0x1, s0;
	_ =	swait.ge [sflag:s22], $0x4000  }
0xcb: {  	p0 =	sne.s32 s0, s20;
	[sflag:s22] =	ssyncset.done $0x0  }
.Ltmp2:
0xcc: {  	[sflag:s22] =	ssyncadd.s32 $0xFFFFC000;
	(pc) =	sbr.rel @p0 .LBB2_1-.Ltmp2, $4  }
0xcd: {  	[hbm4b:s19+s2] =	stream.linear.scatter [tilespmem:s21], [sflag:$0x4], $0x4000, $0x38;
	[tilespmem:$0x1E800] =	vst v63  }
0xce: {  	_ =	swait.ge [sflag:s22], $0x4000  }
0xcf: {  	[sflag:s22] =	ssyncset.done $0x0  }
0xd0: {  	[sflag:s22] =	ssyncadd.s32 $0xFFFFC000  }
0xd1: {  	_ =	sfence.sel $0x180000  }
0xd2: {  	[bflag:$0x0] =	sbarrier.arrive $0xFFFF  }
0xd3: {  	_ =	strace $0x9000004A  }
0xd4: {  	s0 =	stileid.u32;
	[bflag:$0x2] =	sbarrier.arrive $0xFFFF  }
0xd5: {  	p0 =	sne.s32 s0, $0x0;
	s0 =	rddreg [dreg:$0x3]  }
0xd6: {  	s0 =	sadd.s32 @!p0 $0x100000, s0  }
0xd7: {  	[sflag:s0] =	ssyncadd.tile.s32 @!p0 $0x1;
	_ =	shalt  }
.Lfunc_end2:
_tile_overlayer_lowered:
.L_overlay_start_2:
0xd8: {  	(tag) =	ssettag $0x2  }
0xd9: {  	s0 =	rddreg [dreg:$0x0];
	s2 =	stileid.u32  }
0xda: {  	s1 =	rddreg [dreg:$0x1];
	p0 =	sne.s32 s2, $0x0  }
0xdb: {  	s3 =	rddreg [dreg:$0x2];
	[bflag:$0x3] =	sbarrier.arrive $0xFFFF;
	s2 =	simm.s32 @!p0 $0x1C04  }
0xdc: {  	[timem:s3], [sflag:s2] =	dma.local @!p0 [hbm:s0], s1  }
0xdd: {  	s0 =	simm.s32 @!p0 $0x4  }
0xde: {  	_ =	swait.ge @!p0 [sflag:s0], s1  }
0xdf: {  	s1 =	ssub.s32 @!p0 $0x0, s1;
	[sflag:s0] =	ssyncset.done @!p0 $0x0  }
0xe0: {  	[sflag:s0] =	ssyncadd.s32 @!p0 s1  }
0xe1: {  	[bflag:$0x3] =	sbarrier.arrive $0xFFFF  }
0xe2: {  	_ =	shalt  }

// kernel: kernel.18.cloned.1.call-start
scs
__scs_entry_jumppad:
0x0: {  	(pc) =	sbr.rel $0x88, $3  }
0x1: {  	(tag) =	ssettag $0x0;
	lr =	simm.s32 $0x1  }
0x2: {  	[smem:$0x3F94] =	sst lr;
	_ =	strace $0xD0000000  }
0x3: {  	_ = 	snop  }
0x4: {  	_ = 	snop  }
0x5: {  	_ = 	snop  }
0x6: {  	_ = 	snop  }
0x7: {  	_ = 	snop  }
__scs_overlays_trampoline_lowered:
0x8: {  	[smem:$0x3FA3] =	sst s0  }
0x9: {  	[smem:$0x3FA4] =	sst s1  }
0xa: {  	[smem:$0x3FA5] =	sst s2  }
0xb: {  	[smem:$0x3FA6] =	sst s3  }
0xc: {  	[smem:$0x3FA7] =	sst s4  }
0xd: {  	[smem:$0x3FA8] =	sst s5  }
0xe: {  	[smem:$0x3FA9] =	sst s6  }
0xf: {  	[smem:$0x3FAA] =	sst s7  }
0x10: {  	[smem:$0x3FAB] =	sst s8  }
0x11: {  	[smem:$0x3FAC] =	sst s9;
	s0 =	simm.s32 @!p0 $0x0  }
0x12: {  	s1 =	sld [smem:$0x3F92];
	s0 =	simm.s32 @p0 $0x1  }
0x13: {  	[smem:$0x3FAD] =	sst s0;
	s0 =	simm.s32 @!p1 $0x0  }
0x14: {  	s2 =	sld [smem:$0x3F91];
	s0 =	simm.s32 @p1 $0x1  }
0x15: {  	[smem:$0x3FAE] =	sst s0;
	s0 =	simm.s32 @!p2 $0x0  }
0x16: {  	s3 =	sld [smem:$0x3FDB];
	s0 =	simm.s32 @p2 $0x1  }
0x17: {  	s4 =	simm.s32 $0x1BF5;
	[smem:$0x3FB0] =	sst s0  }
0x18: {  	s0 =	sld [smem:$0x3F93];
	_ =	swait.ge [sflag:s4], $0x0  }
0x19: {  	s7 =	sld [smem:$0x3F94]  }
0x1a: {  	s8 =	sadd.s32 $0xFFFFE003, lr  }
0x1b: {  	s9 =	sadd.s32 $0xFFFFFEF7, lr;
	s5 =	simm.s32 $0xFFFFFFFF;
	p2 =	slt.u32 s8, $0xFFFFF086  }
0x1c: {  	p1 =	slt.u32 s9, $0xF7A;
	s5 =	simm.s32 @!p2 $0x0  }
0x1d: {  	s5 =	simm.s32 @p1 $0x1;
	p0 =	seq.s32 s7, s2  }
0x1e: {  	s7 =	smul.u32 @!p0 $0xF7A, s2;
	p2 =	seq.s32 @!p0 s5, $0x0  }
0x1f: {  	s9 =	smul.u32 $0xF7A, s1;
	s8 =	simm.s32 @!p0 $0x1BF5;
	p2 =	por !p2, p0  }
0x20: {  	[sflag:s8] =	ssyncset.s32 @!p0 $0xFFFFF086;
	s6 =	sadd.s32 @!p0 s3, s7;
	s7 =	simm.s32 @!p0 $0x108  }
0x21: {  	s3 =	sadd.s32 s3, s9;
	s6 =	sadd.s32 @!p0 $0x88, s6;
	s7 =	simm.s32 @p2 $0x1082  }
0x22: {  	[simem:s7], [sflag:s8] =	dma.local @!p0 [hbm:s6], $0xF7A  }
0x23: {  	s9 =	sor.u32 $0xD0000000, s2;
	s6 =	simm.s32 $0x108;
	_ =	swait.ge @!p0 [sflag:s8], $0x0  }
0x24: {  	s3 =	sadd.s32 $0x88, s3;
	s6 =	simm.s32 @!p1 $0x1082;
	[sflag:s4] =	ssyncset.s32 $0xFFFFF086  }
0x25: {  	[simem:s6], [sflag:s4] =	dma.local [hbm:s3], $0xF7A  }
0x26: {  	[smem:$0x3F94] =	sst s1;
	(tag) =	ssettag s2;
	_ =	strace s9  }
0x27: {  	s1 =	sld [smem:$0x3FA4]  }
0x28: {  	s2 =	sld [smem:$0x3FA5]  }
0x29: {  	s4 =	sld [smem:$0x3FA7]  }
0x2a: {  	p0 =	seq.s32 s5, $0x0;
	s5 =	sld [smem:$0x3FA8]  }
0x2b: {  	s6 =	sld [smem:$0x3FA9]  }
0x2c: {  	s7 =	sld [smem:$0x3FAA]  }
0x2d: {  	s3 =	simm.s32 $0x108;
	s8 =	sld [smem:$0x3FAB]  }
0x2e: {  	s3 =	simm.s32 @!p0 $0x1082;
	s9 =	sld [smem:$0x3FAC]  }
0x2f: {  	lr =	sadd.s32 s0, s3;
	s0 =	sld [smem:$0x3FA3]  }
0x30: {  	s3 =	sld [smem:$0x3FA6]  }
0x31: {  	[smem:$0x3FAF] =	sst s10  }
0x32: {  	s10 =	sld [smem:$0x3FAD];
	_ =	sdelay $0x3  }
0x33: {  	p0 =	seq.s32 s10, $0x1;
	s10 =	sld [smem:$0x3FAF];
	_ =	sdelay $0x3  }
0x34: {  	[smem:$0x3FAF] =	sst s10  }
0x35: {  	s10 =	sld [smem:$0x3FAE];
	_ =	sdelay $0x3  }
0x36: {  	p1 =	seq.s32 s10, $0x1;
	s10 =	sld [smem:$0x3FAF];
	_ =	sdelay $0x3  }
0x37: {  	[smem:$0x3FAF] =	sst s10  }
0x38: {  	s10 =	sld [smem:$0x3FB0]  }
0x39: {  	_ = 	snop;
	(pc) =	sbr.ind lr, $3  }
0x3a: {  	_ = 	snop  }
0x3b: {  	_ = 	snop  }
0x3c: {  	p2 =	seq.s32 s10, $0x1;
	s10 =	sld [smem:$0x3FAF]  }
0x3d: {  	_ =	shalt  }
0x3e: {  	_ =	shalt  }
0x3f: {  	_ =	shalt  }
0x40: {  	_ =	shalt  }
0x41: {  	_ =	shalt  }
0x42: {  	_ =	shalt  }
0x43: {  	_ =	shalt  }
0x44: {  	_ =	shalt  }
0x45: {  	_ =	shalt  }
0x46: {  	_ =	shalt  }
0x47: {  	_ =	shalt  }
0x48: {  	_ =	shalt  }
0x49: {  	_ =	shalt  }
0x4a: {  	_ =	shalt  }
0x4b: {  	_ =	shalt  }
0x4c: {  	_ =	shalt  }
0x4d: {  	_ =	shalt  }
0x4e: {  	_ =	shalt  }
0x4f: {  	_ =	shalt  }
0x50: {  	_ =	shalt  }
0x51: {  	_ =	shalt  }
0x52: {  	_ =	shalt  }
0x53: {  	_ =	shalt  }
0x54: {  	_ =	shalt  }
0x55: {  	_ =	shalt  }
0x56: {  	_ =	shalt  }
0x57: {  	_ =	shalt  }
0x58: {  	_ =	shalt  }
0x59: {  	_ =	shalt  }
0x5a: {  	_ =	shalt  }
0x5b: {  	_ =	shalt  }
0x5c: {  	_ =	shalt  }
0x5d: {  	_ =	shalt  }
0x5e: {  	_ =	shalt  }
0x5f: {  	_ =	shalt  }
0x60: {  	_ =	shalt  }
0x61: {  	_ =	shalt  }
0x62: {  	_ =	shalt  }
0x63: {  	_ =	shalt  }
0x64: {  	_ =	shalt  }
0x65: {  	_ =	shalt  }
0x66: {  	_ =	shalt  }
0x67: {  	_ =	shalt  }
0x68: {  	_ =	shalt  }
0x69: {  	_ =	shalt  }
0x6a: {  	_ =	shalt  }
0x6b: {  	_ =	shalt  }
0x6c: {  	_ =	shalt  }
0x6d: {  	_ =	shalt  }
0x6e: {  	_ =	shalt  }
0x6f: {  	_ =	shalt  }
0x70: {  	_ =	shalt  }
0x71: {  	_ =	shalt  }
0x72: {  	_ =	shalt  }
0x73: {  	_ =	shalt  }
0x74: {  	_ =	shalt  }
0x75: {  	_ =	shalt  }
0x76: {  	_ =	shalt  }
0x77: {  	_ =	shalt  }
0x78: {  	_ =	shalt  }
0x79: {  	_ =	shalt  }
0x7a: {  	_ =	shalt  }
0x7b: {  	_ =	shalt  }
0x7c: {  	_ =	shalt  }
0x7d: {  	_ =	shalt  }
0x7e: {  	_ =	shalt  }
0x7f: {  	_ =	shalt  }
0x80: {  	_ =	shalt  }
0x81: {  	_ =	shalt  }
0x82: {  	_ =	shalt  }
0x83: {  	_ =	shalt  }
0x84: {  	_ =	shalt  }
0x85: {  	_ =	shalt  }
0x86: {  	_ =	shalt  }
0x87: {  	_ =	shalt  }
.Lfunc_end0:
.L_simem_size_0:
called_computation.2_lowered:
.L_overlay_start_0:
0x88: {  	s2 =	sld [smem:$0x3FD9]  }
0x89: {  	s3 =	sld [smem:$0x3FFE];
	_ =	sdelay $0x1  }
0x8a: {  	s1 =	srdreg.scid  }
0x8b: {  	s0 =	sand.u32 $0x1, s1  }
0x8c: {  	s17 =	sshll.u32 s0, $0xA;
	s2 =	sadd.s32 s3, s2  }
0x8d: {  	s2 =	sadd.s32 s2, s17  }
0x8e: {  	[smem:$0x3FBB] =	sst s2  }
0x8f: {  	_ = 	snop  }
0x90: {  	s2 =	sld [smem:$0x3FD0];
	(tm) =	ssettm $0x1  }
0x91: {  	s18 =	sld [smem:$0x3FFB];
	_ =	sdelay $0x3  }
0x92: {  	_ =	strace s18  }
0x93: {  	s3 =	sld [smem:$0x3FFC];
	_ =	sdelay $0x3  }
0x94: {  	_ =	strace s3  }
0x95: {  	s3 =	sld [smem:$0x3FFD];
	_ =	sdelay $0x3  }
0x96: {  	_ =	strace s3  }
0x97: {  	_ =	strace $0x8FFFFFFF  }
0x98: {  	s19 =	sld [smem:$0x3FDB];
	_ =	sdelay $0x1  }
0x99: {  	s4 =	simm.s32 $_scs_section_size  }
0x9a: {  	s5 =	simm.s32 $_size__tile_overlayer_lowered;
	s6 =	simm.s32 $_tile_overlayer_lowered  }
0x9b: {  	s22 =	simm.s32 $0x1BFF;
	s21 =	sshll.u32 s6, $0x1;
	s3 =	sadd.s32 s4, s19  }
0x9c: {  	s7 =	simm.s32 $0x0;
	s20 =	sshll.u32 s5, $0x1;
	s5 =	sadd.s32 s21, s3  }
0x9d: {  	[timem:s7], [sflag:s22] =	dma.local [hbm:s5], s20  }
0x9e: {  	_ =	swait.ge [sflag:s22], s20  }
0x9f: {  	s4 =	ssub.s32 $0x0, s20;
	[sflag:s22] =	ssyncset.done $0x0  }
0xa0: {  	[sflag:s22] =	ssyncadd.s32 s4;
	_ =	sdelay $0x1  }
0xa1: {  	s23 =	simm.s32 $0x1B8B  }
0xa2: {  	_ =	swait.ge [sflag:s23], $0x1  }
0xa3: {  	[sflag:s23] =	ssyncset.done $0x0  }
0xa4: {  	s25 =	simm.s32 $0x1B8E;
	s24 =	sld [smem:$0x3FFE];
	[sflag:s23] =	ssyncadd.s32 $0xFFFFFFFF  }
0xa5: {  	s26 =	simm.s32 $execute0_lowered;
	[smem:$0x3FD2] =	sst s25  }
0xa6: {  	s5 =	sshll.u32 s26, $0x1;
	_ =	strace $0x8000004C;
	[dreg:$0x1] =	wrdreg $0xFFFFFFFF  }
0xa7: {  	s28 =	simm.s32 $_size_execute0_lowered;
	s3 =	sadd.s32 s3, s5;
	[dreg:$0x0] =	wrdreg $0x0  }
0xa8: {  	s5 =	sshll.u32 s28, $0x1;
	[dreg:$0x2] =	wrdreg s3  }
0xa9: {  	[dreg:$0x3] =	wrdreg s5  }
0xaa: {  	[dreg:$0x4] =	wrdreg $0xC0  }
0xab: {  	_ =	task [dreg:s7], $0x5FFFF  }
0xac: {  	[dreg:$0x1] =	wrdreg $0xFFFFFFFF  }
0xad: {  	[dreg:$0x0] =	wrdreg $0x60  }
0xae: {  	[dreg:$0x2] =	wrdreg s24  }
0xaf: {  	[dreg:$0x3] =	wrdreg s2  }
0xb0: {  	[dreg:$0x4] =	wrdreg $0xA8000  }
0xb1: {  	[dreg:$0x5] =	wrdreg $0x9  }
0xb2: {  	_ =	task.clear_ibuf [dreg:s7], $0x6FFFF;
	_ =	strace $0x9000004C  }
0xb3: {  	s29 =	simm.s32 $0x9;
	_ =	strace $0x8000004E  }
0xb4: {  	_ =	swait.ge [sflag:s29], $0x1  }
0xb5: {  	[sflag:s29] =	ssyncadd.s32 $0xFFFFFFFF  }
0xb6: {  	_ =	strace $0x9000004E  }
0xb7: {  	_ =	sfence  }
0xb8: {  	s30 =	sld [smem:$0x0];
	_ =	sdelay $0x2  }
0xb9: {  	s31 =	sshll.u32 s1, $0xD;
	s1 =	sshrl.u32 s1, $0x2  }
0xba: {  	s3 =	sand.u32 $0x4000, s31;
	s1 =	sadd.s32 s1, s30  }
0xbb: {  	s0 =	sor.u32 s3, s0;
	s1 =	sshll.u32 s1, $0x11  }
0xbc: {  	s0 =	sor.u32 s1, s0  }
0xbd: {  	s0 =	sadd.s32 $0x8F2B, s0  }
0xbe: {  	[sflag:s0] =	ssyncadd.remote.s32 $0x1  }
0xbf: {  	_ =	sfence.sel $0xFFFF  }
0xc0: {  	[dreg:$0x0] =	wrdreg $0xFFFFFFFF;
	(pc) =	sbr.abs _section_cstart, $3  }
0xc1: {  	[dreg:$0x1] =	wrdreg $0xFFFFFFFF  }
0xc2: {  	_ =	task.clear_ibuf [dreg:s7], $0x2FFFF;
	_ =	strace $0x9FFFFFFF  }
0xc3: {  	(tm) =	ssettm $0x7FFFFFFF  }
tec
execute0_lowered:
.L_overlay_start_1:
0x0: {  	(tag) =	ssettag $0x1  }
0x1: {  	s0 =	rddreg [dreg:$0x0]  }
0x2: {  	s3 =	rddreg [dreg:$0x1]  }
0x3: {  	s1 =	rddreg [dreg:$0x2];
	s2 =	simm.s32 $0x0  }
0x4: {  	s5 =	srdreg.scid;
	s9 =	stileid.u32;
	s28 =	simm.s32 $0x3  }
0x5: {  	s29 =	simm.s32 $0x2;
	s30 =	simm.s32 $0x2700;
	s31 =	simm.s32 $0x2780  }
0x6: {  	[smem:$0x7FF] =	sst s2;
	s4 =	sadd.s32 $0x69C00, s0;
	s14 =	sadd.s32 $0xE400, s0  }
0x7: {  	s5 =	sand.u32 $0x1, s5;
	s6 =	sadd.s32 $0x19400, s0;
	s7 =	smul.u32 $0x50000, s9  }
0x8: {  	s0 =	sadd.s32 $0x90E00, s0;
	s13 =	smul.u32 $0x14000, s9;
	s21 =	sshll.u32 s9, $0x1  }
0x9: {  	_ =	strace $0x8000004D;
	[dreg:$0x4] =	wrdreg s6;
	s20 =	ssub.s32 $0x2, s5  }
0xa: {  	s22 =	sor.u32 s5, s21;
	s5 =	smul.u32 $0x140000, s5;
	s8 =	sshrl.u32 s20, $0x1  }
0xb: {  	s7 =	sshrl.u32 s7, $0x2;
	s15 =	sadd.s32 $0x4000, s13;
	s17 =	sadd.s32 $0x8000, s13  }
0xc: {  	s18 =	sadd.s32 $0xC000, s13;
	s10 =	smul.u32 $0x2800, s22;
	s19 =	sadd.s32 $0x10000, s13  }
0xd: {  	s22 =	simm.s32 $0x4;
	s20 =	ssub.s32 s20, s8;
	s6 =	sadd.s32 s7, s1  }
0xe: {  	s7 =	sadd.s32 s15, s1;
	s8 =	sadd.s32 s17, s1;
	s9 =	sadd.s32 s18, s1  }
0xf: {  	s21 =	sadd.s32 s13, s5;
	s15 =	sadd.s32 s5, s15;
	s25 =	sadd.s32 s5, s17  }
0x10: {  	s26 =	sadd.s32 s5, s18;
	s5 =	sadd.s32 s5, s19;
	s16 =	sshrl.u32 s10, $0x3  }
0x11: {  	s10 =	sadd.s32 s19, s1;
	s23 =	sshrl.u32 s21, $0x3;
	s24 =	sshrl.u32 s15, $0x3  }
0x12: {  	s18 =	sshrl.u32 s26, $0x3;
	s5 =	sshrl.u32 s5, $0x3;
	s20 =	smax.u32 s20, $0x1  }
0x13: {  	s21 =	simm.s32 $0x2800;
	s26 =	simm.s32 $0x1;
	s11 =	sadd.s32 s3, s16  }
0x14: {  	s12 =	sadd.s32 s14, s16;
	s16 =	sadd.s32 $0x280, s16;
	s15 =	sadd.s32 s0, s23  }
0x15: {  	s18 =	sadd.s32 s0, s18;
	s19 =	sadd.s32 s0, s5;
	s23 =	simm.s32 $0x1400  }
0x16: {  	[dreg:$0x5] =	wrdreg s11;
	s13 =	sadd.s32 s3, s16;
	s14 =	sadd.s32 s14, s16  }
0x17: {  	s16 =	sadd.s32 s0, s24;
	s3 =	sshrl.u32 s25, $0x3;
	s24 =	simm.s32 $0x80  }
0x18: {  	s25 =	simm.s32 $0x6800;
	s17 =	sadd.s32 s0, s3;
	s0 =	simm.s32 $0x0  }
.LBB2_1:
0x19: {  	s3 =	rddreg [dreg:$0x4]  }
0x1a: {  	[tilespmem:s21], [sflag:$0x4] =	stream.linear.gather [hbm4b:s3+s2], $0x4000, $0x38;
	[tilespmem:$0x1E800] =	vst v63  }
0x1b: {  	_ =	swait.ge [sflag:s22], $0x4000  }
0x1c: {  	[sflag:s22] =	ssyncset.done $0x0  }
0x1d: {  	[sflag:s22] =	ssyncadd.s32 $0xFFFFC000  }
0x1e: {  	[spmem:s6] =	stream.linear.scatter [tilespmem:s21], [sflag:$0x4], $0x4000, $0x38;
	[tilespmem:$0x1E800] =	vst v63  }
0x1f: {  	_ =	swait.ge [sflag:s22], $0x4000  }
0x20: {  	[sflag:s22] =	ssyncset.done $0x0  }
0x21: {  	[sflag:s22] =	ssyncadd.s32 $0xFFFFC000  }
0x22: {  	[spmem:s7] =	stream.linear.scatter [tilespmem:s21], [sflag:$0x4], $0x4000, $0x38;
	[tilespmem:$0x1E800] =	vst v63  }
0x23: {  	_ =	swait.ge [sflag:s22], $0x4000  }
0x24: {  	[sflag:s22] =	ssyncset.done $0x0  }
0x25: {  	[sflag:s22] =	ssyncadd.s32 $0xFFFFC000  }
0x26: {  	[spmem:s8] =	stream.linear.scatter [tilespmem:s21], [sflag:$0x4], $0x4000, $0x38;
	[tilespmem:$0x1E800] =	vst v63  }
0x27: {  	_ =	swait.ge [sflag:s22], $0x4000  }
0x28: {  	[sflag:s22] =	ssyncset.done $0x0  }
0x29: {  	[sflag:s22] =	ssyncadd.s32 $0xFFFFC000  }
0x2a: {  	[spmem:s9] =	stream.linear.scatter [tilespmem:s21], [sflag:$0x4], $0x4000, $0x38;
	[tilespmem:$0x1E800] =	vst v63  }
0x2b: {  	_ =	swait.ge [sflag:s22], $0x4000  }
0x2c: {  	[sflag:s22] =	ssyncset.done $0x0  }
0x2d: {  	[sflag:s22] =	ssyncadd.s32 $0xFFFFC000  }
0x2e: {  	[spmem:s10] =	stream.linear.scatter [tilespmem:s21], [sflag:$0x4], $0x4000, $0x38;
	[tilespmem:$0x1E800] =	vst v63  }
0x2f: {  	_ =	swait.ge [sflag:s22], $0x4000  }
0x30: {  	[sflag:s22] =	ssyncset.done $0x0  }
0x31: {  	[sflag:s22] =	ssyncadd.s32 $0xFFFFC000  }
0x32: {  	[bflag:$0x0] =	sbarrier.arrive $0xFFFF  }
0x33: {  	s5 =	rddreg [dreg:$0x5]  }
0x34: {  	[tilespmem:s2], [sflag:$0x4] =	stream.linear.gather [hbm4b:s5+s2], $0x1400, $0x38;
	[tilespmem:$0x1E800] =	vst v63  }
0x35: {  	_ =	swait.ge [sflag:s22], $0x1400  }
0x36: {  	[sflag:s22] =	ssyncset.done $0x0  }
0x37: {  	[sflag:s22] =	ssyncadd.s32 $0xFFFFEC00  }
0x38: {  	[tilespmem:s23], [sflag:$0x4] =	stream.linear.gather [hbm4b:s12+s2], $0x1400, $0x38;
	[tilespmem:$0x1E800] =	vst v63  }
0x39: {  	_ =	swait.ge [sflag:s22], $0x1400  }
0x3a: {  	[sflag:s22] =	ssyncset.done $0x0  }
0x3b: {  	[sflag:s22] =	ssyncadd.s32 $0xFFFFEC00  }
0x3c: {  	[tilespmem:s21], [sflag:$0x1] =	stream.indirect.gather [hbm4b:s4+s24], $0x80, s2, s24, $0xb8;
	[tilespmem:$0x1E800] =	vst v63  }
0x3d: {  	_ = 	snop  }
0x3e: {  	[tilespmem:s25], [sflag:$0x2] =	stream.indirect.gather [hbm4b:s4+s24], $0x80, s24, s24, $0xb8;
	[tilespmem:$0x1E800] =	vst v63  }
0x3f: {  	_ =	swait.ge [sflag:s26], $0x4000  }
0x40: {  	[sflag:s26] =	ssyncset.done $0x0  }
0x41: {  	s11 =	simm.s32 $0x1400;
	[sflag:s26] =	ssyncadd.s32 $0xFFFFC000  }
0x42: {  	[spmem:s1] =	stream.indirect.scatter.add.f32 [tilespmem:s21], [sflag:$0x3], $0x80, s11, s24, $0xb8;
	[tilespmem:$0x1E800] =	vst v63  }
0x43: {  	_ =	swait.ge [sflag:s28], $0x4000  }
0x44: {  	[sflag:s28] =	ssyncset.done $0x0  }
0x45: {  	s5 =	simm.s32 $0x100;
	[sflag:s28] =	ssyncadd.s32 $0xFFFFC000  }
0x46: {  	[tilespmem:s21], [sflag:$0x1] =	stream.indirect.gather [hbm4b:s4+s24], $0x80, s5, s24, $0xb8;
	[tilespmem:$0x1E800] =	vst v63  }
0x47: {  	_ =	swait.ge [sflag:s29], $0x4000  }
0x48: {  	[sflag:s29] =	ssyncset.done $0x0  }
0x49: {  	s11 =	simm.s32 $0x1480;
	[sflag:s29] =	ssyncadd.s32 $0xFFFFC000  }
0x4a: {  	[spmem:s1] =	stream.indirect.scatter.add.f32 [tilespmem:s25], [sflag:$0x3], $0x80, s11, s24, $0xb8;
	[tilespmem:$0x1E800] =	vst v63  }
0x4b: {  	_ =	swait.ge [sflag:s28], $0x4000  }
0x4c: {  	[sflag:s28] =	ssyncset.done $0x0  }
0x4d: {  	s3 =	simm.s32 $0x400;
	s5 =	simm.s32 $0x180;
	[sflag:s28] =	ssyncadd.s32 $0xFFFFC000  }
.LBB2_2:
0x4e: {  	[tilespmem:s25], [sflag:$0x2] =	stream.indirect.gather [hbm4b:s4+s24], $0x80, s5, s24, $0xb8;
	[tilespmem:$0x1E800] =	vst v63  }
0x4f: {  	s5 =	smov.u32 s3  }
0x50: {  	p0 =	sne.s32 s3, $0x4800;
	s3 =	sadd.s32 $0x400, s3;
	_ =	swait.ge [sflag:s26], $0x4000  }
0x51: {  	s5 =	sshra.s32 s5, $0x2;
	[sflag:s26] =	ssyncset.done $0x0  }
0x52: {  	s11 =	sadd.s32 $0x1400, s5;
	[sflag:s26] =	ssyncadd.s32 $0xFFFFC000  }
0x53: {  	[spmem:s1] =	stream.indirect.scatter.add.f32 [tilespmem:s21], [sflag:$0x3], $0x80, s11, s24, $0xb8;
	[tilespmem:$0x1E800] =	vst v63  }
0x54: {  	_ =	swait.ge [sflag:s28], $0x4000  }
0x55: {  	[sflag:s28] =	ssyncset.done $0x0  }
0x56: {  	s11 =	sadd.s32 $0x100, s5;
	[sflag:s28] =	ssyncadd.s32 $0xFFFFC000  }
0x57: {  	[tilespmem:s21], [sflag:$0x1] =	stream.indirect.gather [hbm4b:s4+s24], $0x80, s11, s24, $0xb8;
	[tilespmem:$0x1E800] =	vst v63  }
0x58: {  	_ =	swait.ge [sflag:s29], $0x4000  }
0x59: {  	[sflag:s29] =	ssyncset.done $0x0  }
.Ltmp0:
0x5a: {  	s11 =	sadd.s32 $0x1480, s5;
	[sflag:s29] =	ssyncadd.s32 $0xFFFFC000;
	(pc) =	sbr.rel @p0 .LBB2_2-.Ltmp0, $4  }
0x5b: {  	[spmem:s1] =	stream.indirect.scatter.add.f32 [tilespmem:s25], [sflag:$0x3], $0x80, s11, s24, $0xb8;
	[tilespmem:$0x1E800] =	vst v63  }
0x5c: {  	_ =	swait.ge [sflag:s28], $0x4000  }
0x5d: {  	[sflag:s28] =	ssyncset.done $0x0  }
0x5e: {  	s5 =	sadd.s32 $0x180, s5;
	[sflag:s28] =	ssyncadd.s32 $0xFFFFC000  }
0x5f: {  	[tilespmem:s25], [sflag:$0x2] =	stream.indirect.gather [hbm4b:s4+s24], $0x80, s5, s24, $0xb8;
	[tilespmem:$0x1E800] =	vst v63  }
0x60: {  	_ =	swait.ge [sflag:s26], $0x4000  }
0x61: {  	[sflag:s26] =	ssyncset.done $0x0  }
0x62: {  	[sflag:s26] =	ssyncadd.s32 $0xFFFFC000  }
0x63: {  	[spmem:s1] =	stream.indirect.scatter.add.f32 [tilespmem:s21], [sflag:$0x3], $0x80, s30, s24, $0xb8;
	[tilespmem:$0x1E800] =	vst v63  }
0x64: {  	_ =	swait.ge [sflag:s28], $0x4000  }
0x65: {  	[sflag:s28] =	ssyncset.done $0x0  }
0x66: {  	[sflag:s28] =	ssyncadd.s32 $0xFFFFC000  }
0x67: {  	_ =	swait.ge [sflag:s29], $0x4000  }
0x68: {  	[sflag:s29] =	ssyncset.done $0x0  }
0x69: {  	[sflag:s29] =	ssyncadd.s32 $0xFFFFC000  }
0x6a: {  	[spmem:s1] =	stream.indirect.scatter.add.f32 [tilespmem:s25], [sflag:$0x3], $0x80, s31, s24, $0xb8;
	[tilespmem:$0x1E800] =	vst v63  }
0x6b: {  	_ =	swait.ge [sflag:s28], $0x4000  }
0x6c: {  	[sflag:s28] =	ssyncset.done $0x0  }
0x6d: {  	s3 =	simm.s32 $0x0;
	[sflag:s28] =	ssyncadd.s32 $0xFFFFC000  }
0x6e: {  	[tilespmem:s3], [sflag:$0x4] =	stream.linear.gather [hbm4b:s13+s3], $0x1400, $0x38;
	[tilespmem:$0x1E800] =	vst v63  }
0x6f: {  	_ =	swait.ge [sflag:s22], $0x1400  }
0x70: {  	[sflag:s22] =	ssyncset.done $0x0  }
0x71: {  	[sflag:s22] =	ssyncadd.s32 $0xFFFFEC00  }
0x72: {  	[tilespmem:s23], [sflag:$0x4] =	stream.linear.gather [hbm4b:s14+s3], $0x1400, $0x38;
	[tilespmem:$0x1E800] =	vst v63  }
0x73: {  	_ =	swait.ge [sflag:s22], $0x1400  }
0x74: {  	[sflag:s22] =	ssyncset.done $0x0  }
0x75: {  	[sflag:s22] =	ssyncadd.s32 $0xFFFFEC00  }
0x76: {  	[tilespmem:s21], [sflag:$0x1] =	stream.indirect.gather [hbm4b:s4+s24], $0x80, s3, s24, $0xb8;
	[tilespmem:$0x1E800] =	vst v63  }
0x77: {  	_ = 	snop  }
0x78: {  	[tilespmem:s25], [sflag:$0x2] =	stream.indirect.gather [hbm4b:s4+s24], $0x80, s24, s24, $0xb8;
	[tilespmem:$0x1E800] =	vst v63  }
0x79: {  	_ =	swait.ge [sflag:s26], $0x4000  }
0x7a: {  	[sflag:s26] =	ssyncset.done $0x0  }
0x7b: {  	s11 =	simm.s32 $0x1400;
	[sflag:s26] =	ssyncadd.s32 $0xFFFFC000  }
0x7c: {  	[spmem:s1] =	stream.indirect.scatter.add.f32 [tilespmem:s21], [sflag:$0x3], $0x80, s11, s24, $0xb8;
	[tilespmem:$0x1E800] =	vst v63  }
0x7d: {  	_ =	swait.ge [sflag:s28], $0x4000  }
0x7e: {  	[sflag:s28] =	ssyncset.done $0x0  }
0x7f: {  	s5 =	simm.s32 $0x100;
	[sflag:s28] =	ssyncadd.s32 $0xFFFFC000  }
0x80: {  	[tilespmem:s21], [sflag:$0x1] =	stream.indirect.gather [hbm4b:s4+s24], $0x80, s5, s24, $0xb8;
	[tilespmem:$0x1E800] =	vst v63  }
0x81: {  	_ =	swait.ge [sflag:s29], $0x4000  }
0x82: {  	[sflag:s29] =	ssyncset.done $0x0  }
0x83: {  	s11 =	simm.s32 $0x1480;
	[sflag:s29] =	ssyncadd.s32 $0xFFFFC000  }
0x84: {  	[spmem:s1] =	stream.indirect.scatter.add.f32 [tilespmem:s25], [sflag:$0x3], $0x80, s11, s24, $0xb8;
	[tilespmem:$0x1E800] =	vst v63  }
0x85: {  	_ =	swait.ge [sflag:s28], $0x4000  }
0x86: {  	[sflag:s28] =	ssyncset.done $0x0  }
0x87: {  	s3 =	simm.s32 $0x400;
	s5 =	simm.s32 $0x180;
	[sflag:s28] =	ssyncadd.s32 $0xFFFFC000  }
.LBB2_4:
0x88: {  	[tilespmem:s25], [sflag:$0x2] =	stream.indirect.gather [hbm4b:s4+s24], $0x80, s5, s24, $0xb8;
	[tilespmem:$0x1E800] =	vst v63  }
0x89: {  	s5 =	smov.u32 s3  }
0x8a: {  	p0 =	sne.s32 s3, $0x4800;
	s3 =	sadd.s32 $0x400, s3;
	_ =	swait.ge [sflag:s26], $0x4000  }
0x8b: {  	s5 =	sshra.s32 s5, $0x2;
	[sflag:s26] =	ssyncset.done $0x0  }
0x8c: {  	s11 =	sadd.s32 $0x1400, s5;
	[sflag:s26] =	ssyncadd.s32 $0xFFFFC000  }
0x8d: {  	[spmem:s1] =	stream.indirect.scatter.add.f32 [tilespmem:s21], [sflag:$0x3], $0x80, s11, s24, $0xb8;
	[tilespmem:$0x1E800] =	vst v63  }
0x8e: {  	_ =	swait.ge [sflag:s28], $0x4000  }
0x8f: {  	[sflag:s28] =	ssyncset.done $0x0  }
0x90: {  	s11 =	sadd.s32 $0x100, s5;
	[sflag:s28] =	ssyncadd.s32 $0xFFFFC000  }
0x91: {  	[tilespmem:s21], [sflag:$0x1] =	stream.indirect.gather [hbm4b:s4+s24], $0x80, s11, s24, $0xb8;
	[tilespmem:$0x1E800] =	vst v63  }
0x92: {  	_ =	swait.ge [sflag:s29], $0x4000  }
0x93: {  	[sflag:s29] =	ssyncset.done $0x0  }
.Ltmp1:
0x94: {  	s11 =	sadd.s32 $0x1480, s5;
	[sflag:s29] =	ssyncadd.s32 $0xFFFFC000;
	(pc) =	sbr.rel @p0 .LBB2_4-.Ltmp1, $4  }
0x95: {  	[spmem:s1] =	stream.indirect.scatter.add.f32 [tilespmem:s25], [sflag:$0x3], $0x80, s11, s24, $0xb8;
	[tilespmem:$0x1E800] =	vst v63  }
0x96: {  	_ =	swait.ge [sflag:s28], $0x4000  }
0x97: {  	[sflag:s28] =	ssyncset.done $0x0  }
0x98: {  	s5 =	sadd.s32 $0x180, s5;
	[sflag:s28] =	ssyncadd.s32 $0xFFFFC000  }
0x99: {  	[tilespmem:s25], [sflag:$0x2] =	stream.indirect.gather [hbm4b:s4+s24], $0x80, s5, s24, $0xb8;
	[tilespmem:$0x1E800] =	vst v63  }
0x9a: {  	_ =	swait.ge [sflag:s26], $0x4000  }
0x9b: {  	[sflag:s26] =	ssyncset.done $0x0  }
0x9c: {  	[sflag:s26] =	ssyncadd.s32 $0xFFFFC000  }
0x9d: {  	[spmem:s1] =	stream.indirect.scatter.add.f32 [tilespmem:s21], [sflag:$0x3], $0x80, s30, s24, $0xb8;
	[tilespmem:$0x1E800] =	vst v63  }
0x9e: {  	_ =	swait.ge [sflag:s28], $0x4000  }
0x9f: {  	[sflag:s28] =	ssyncset.done $0x0  }
0xa0: {  	[sflag:s28] =	ssyncadd.s32 $0xFFFFC000  }
0xa1: {  	_ =	swait.ge [sflag:s29], $0x4000  }
0xa2: {  	[sflag:s29] =	ssyncset.done $0x0  }
0xa3: {  	[sflag:s29] =	ssyncadd.s32 $0xFFFFC000  }
0xa4: {  	[spmem:s1] =	stream.indirect.scatter.add.f32 [tilespmem:s25], [sflag:$0x3], $0x80, s31, s24, $0xb8;
	[tilespmem:$0x1E800] =	vst v63  }
0xa5: {  	_ =	swait.ge [sflag:s28], $0x4000  }
0xa6: {  	[sflag:s28] =	ssyncset.done $0x0  }
0xa7: {  	[sflag:s28] =	ssyncadd.s32 $0xFFFFC000  }
0xa8: {  	[bflag:$0x0] =	sbarrier.arrive $0xFFFF  }
0xa9: {  	[tilespmem:s21], [sflag:$0x4] =	stream.linear.gather [spmem:s6], $0x4000, $0x38;
	[tilespmem:$0x1E800] =	vst v63  }
0xaa: {  	_ =	swait.ge [sflag:s22], $0x4000  }
0xab: {  	[sflag:s22] =	ssyncset.done $0x0  }
0xac: {  	[sflag:s22] =	ssyncadd.s32 $0xFFFFC000  }
0xad: {  	[hbm4b:s15+s2] =	stream.linear.scatter [tilespmem:s21], [sflag:$0x4], $0x4000, $0x38;
	[tilespmem:$0x1E800] =	vst v63  }
0xae: {  	_ =	swait.ge [sflag:s22], $0x4000  }
0xaf: {  	[sflag:s22] =	ssyncset.done $0x0  }
0xb0: {  	[sflag:s22] =	ssyncadd.s32 $0xFFFFC000  }
0xb1: {  	[tilespmem:s21], [sflag:$0x4] =	stream.linear.gather [spmem:s7], $0x4000, $0x38;
	[tilespmem:$0x1E800] =	vst v63  }
0xb2: {  	_ =	swait.ge [sflag:s22], $0x4000  }
0xb3: {  	[sflag:s22] =	ssyncset.done $0x0  }
0xb4: {  	[sflag:s22] =	ssyncadd.s32 $0xFFFFC000  }
0xb5: {  	[hbm4b:s16+s2] =	stream.linear.scatter [tilespmem:s21], [sflag:$0x4], $0x4000, $0x38;
	[tilespmem:$0x1E800] =	vst v63  }
0xb6: {  	_ =	swait.ge [sflag:s22], $0x4000  }
0xb7: {  	[sflag:s22] =	ssyncset.done $0x0  }
0xb8: {  	[sflag:s22] =	ssyncadd.s32 $0xFFFFC000  }
0xb9: {  	[tilespmem:s21], [sflag:$0x4] =	stream.linear.gather [spmem:s8], $0x4000, $0x38;
	[tilespmem:$0x1E800] =	vst v63  }
0xba: {  	_ =	swait.ge [sflag:s22], $0x4000  }
0xbb: {  	[sflag:s22] =	ssyncset.done $0x0  }
0xbc: {  	[sflag:s22] =	ssyncadd.s32 $0xFFFFC000  }
0xbd: {  	[hbm4b:s17+s2] =	stream.linear.scatter [tilespmem:s21], [sflag:$0x4], $0x4000, $0x38;
	[tilespmem:$0x1E800] =	vst v63  }
0xbe: {  	_ =	swait.ge [sflag:s22], $0x4000  }
0xbf: {  	[sflag:s22] =	ssyncset.done $0x0  }
0xc0: {  	[sflag:s22] =	ssyncadd.s32 $0xFFFFC000  }
0xc1: {  	[tilespmem:s21], [sflag:$0x4] =	stream.linear.gather [spmem:s9], $0x4000, $0x38;
	[tilespmem:$0x1E800] =	vst v63  }
0xc2: {  	_ =	swait.ge [sflag:s22], $0x4000  }
0xc3: {  	[sflag:s22] =	ssyncset.done $0x0  }
0xc4: {  	[sflag:s22] =	ssyncadd.s32 $0xFFFFC000  }
0xc5: {  	[hbm4b:s18+s2] =	stream.linear.scatter [tilespmem:s21], [sflag:$0x4], $0x4000, $0x38;
	[tilespmem:$0x1E800] =	vst v63  }
0xc6: {  	_ =	swait.ge [sflag:s22], $0x4000  }
0xc7: {  	[sflag:s22] =	ssyncset.done $0x0  }
0xc8: {  	[sflag:s22] =	ssyncadd.s32 $0xFFFFC000  }
0xc9: {  	[tilespmem:s21], [sflag:$0x4] =	stream.linear.gather [spmem:s10], $0x4000, $0x38;
	[tilespmem:$0x1E800] =	vst v63  }
0xca: {  	s0 =	sadd.s32 $0x1, s0;
	_ =	swait.ge [sflag:s22], $0x4000  }
0xcb: {  	p0 =	sne.s32 s0, s20;
	[sflag:s22] =	ssyncset.done $0x0  }
.Ltmp2:
0xcc: {  	[sflag:s22] =	ssyncadd.s32 $0xFFFFC000;
	(pc) =	sbr.rel @p0 .LBB2_1-.Ltmp2, $4  }
0xcd: {  	[hbm4b:s19+s2] =	stream.linear.scatter [tilespmem:s21], [sflag:$0x4], $0x4000, $0x38;
	[tilespmem:$0x1E800] =	vst v63  }
0xce: {  	_ =	swait.ge [sflag:s22], $0x4000  }
0xcf: {  	[sflag:s22] =	ssyncset.done $0x0  }
0xd0: {  	[sflag:s22] =	ssyncadd.s32 $0xFFFFC000  }
0xd1: {  	_ =	sfence.sel $0x180000  }
0xd2: {  	[bflag:$0x0] =	sbarrier.arrive $0xFFFF  }
0xd3: {  	_ =	strace $0x9000004D  }
0xd4: {  	s0 =	stileid.u32;
	[bflag:$0x2] =	sbarrier.arrive $0xFFFF  }
0xd5: {  	p0 =	sne.s32 s0, $0x0;
	s0 =	rddreg [dreg:$0x3]  }
0xd6: {  	s0 =	sadd.s32 @!p0 $0x100000, s0  }
0xd7: {  	[sflag:s0] =	ssyncadd.tile.s32 @!p0 $0x1;
	_ =	shalt  }
.Lfunc_end2:
_tile_overlayer_lowered:
.L_overlay_start_2:
0xd8: {  	(tag) =	ssettag $0x2  }
0xd9: {  	s0 =	rddreg [dreg:$0x0];
	s2 =	stileid.u32  }
0xda: {  	s1 =	rddreg [dreg:$0x1];
	p0 =	sne.s32 s2, $0x0  }
0xdb: {  	s3 =	rddreg [dreg:$0x2];
	[bflag:$0x3] =	sbarrier.arrive $0xFFFF;
	s2 =	simm.s32 @!p0 $0x1C04  }
0xdc: {  	[timem:s3], [sflag:s2] =	dma.local @!p0 [hbm:s0], s1  }
0xdd: {  	s0 =	simm.s32 @!p0 $0x4  }
0xde: {  	_ =	swait.ge @!p0 [sflag:s0], s1  }
0xdf: {  	s1 =	ssub.s32 @!p0 $0x0, s1;
	[sflag:s0] =	ssyncset.done @!p0 $0x0  }
0xe0: {  	[sflag:s0] =	ssyncadd.s32 @!p0 s1  }
0xe1: {  	[bflag:$0x3] =	sbarrier.arrive $0xFFFF  }
0xe2: {  	_ =	shalt  }

// kernel: kernel.21.cloned.1.call-start
scs
__scs_entry_jumppad:
0x0: {  	(pc) =	sbr.rel $0x88, $3  }
0x1: {  	(tag) =	ssettag $0x0;
	lr =	simm.s32 $0x1  }
0x2: {  	[smem:$0x3F94] =	sst lr;
	_ =	strace $0xD0000000  }
0x3: {  	_ = 	snop  }
0x4: {  	_ = 	snop  }
0x5: {  	_ = 	snop  }
0x6: {  	_ = 	snop  }
0x7: {  	_ = 	snop  }
__scs_overlays_trampoline_lowered:
0x8: {  	[smem:$0x3FA3] =	sst s0  }
0x9: {  	[smem:$0x3FA4] =	sst s1  }
0xa: {  	[smem:$0x3FA5] =	sst s2  }
0xb: {  	[smem:$0x3FA6] =	sst s3  }
0xc: {  	[smem:$0x3FA7] =	sst s4  }
0xd: {  	[smem:$0x3FA8] =	sst s5  }
0xe: {  	[smem:$0x3FA9] =	sst s6  }
0xf: {  	[smem:$0x3FAA] =	sst s7  }
0x10: {  	[smem:$0x3FAB] =	sst s8  }
0x11: {  	[smem:$0x3FAC] =	sst s9;
	s0 =	simm.s32 @!p0 $0x0  }
0x12: {  	s1 =	sld [smem:$0x3F92];
	s0 =	simm.s32 @p0 $0x1  }
0x13: {  	[smem:$0x3FAD] =	sst s0;
	s0 =	simm.s32 @!p1 $0x0  }
0x14: {  	s2 =	sld [smem:$0x3F91];
	s0 =	simm.s32 @p1 $0x1  }
0x15: {  	[smem:$0x3FAE] =	sst s0;
	s0 =	simm.s32 @!p2 $0x0  }
0x16: {  	s3 =	sld [smem:$0x3FDB];
	s0 =	simm.s32 @p2 $0x1  }
0x17: {  	s4 =	simm.s32 $0x1BF5;
	[smem:$0x3FB0] =	sst s0  }
0x18: {  	s0 =	sld [smem:$0x3F93];
	_ =	swait.ge [sflag:s4], $0x0  }
0x19: {  	s7 =	sld [smem:$0x3F94]  }
0x1a: {  	s8 =	sadd.s32 $0xFFFFE003, lr  }
0x1b: {  	s9 =	sadd.s32 $0xFFFFFEF7, lr;
	s5 =	simm.s32 $0xFFFFFFFF;
	p2 =	slt.u32 s8, $0xFFFFF086  }
0x1c: {  	p1 =	slt.u32 s9, $0xF7A;
	s5 =	simm.s32 @!p2 $0x0  }
0x1d: {  	s5 =	simm.s32 @p1 $0x1;
	p0 =	seq.s32 s7, s2  }
0x1e: {  	s7 =	smul.u32 @!p0 $0xF7A, s2;
	p2 =	seq.s32 @!p0 s5, $0x0  }
0x1f: {  	s9 =	smul.u32 $0xF7A, s1;
	s8 =	simm.s32 @!p0 $0x1BF5;
	p2 =	por !p2, p0  }
0x20: {  	[sflag:s8] =	ssyncset.s32 @!p0 $0xFFFFF086;
	s6 =	sadd.s32 @!p0 s3, s7;
	s7 =	simm.s32 @!p0 $0x108  }
0x21: {  	s3 =	sadd.s32 s3, s9;
	s6 =	sadd.s32 @!p0 $0x88, s6;
	s7 =	simm.s32 @p2 $0x1082  }
0x22: {  	[simem:s7], [sflag:s8] =	dma.local @!p0 [hbm:s6], $0xF7A  }
0x23: {  	s9 =	sor.u32 $0xD0000000, s2;
	s6 =	simm.s32 $0x108;
	_ =	swait.ge @!p0 [sflag:s8], $0x0  }
0x24: {  	s3 =	sadd.s32 $0x88, s3;
	s6 =	simm.s32 @!p1 $0x1082;
	[sflag:s4] =	ssyncset.s32 $0xFFFFF086  }
0x25: {  	[simem:s6], [sflag:s4] =	dma.local [hbm:s3], $0xF7A  }
0x26: {  	[smem:$0x3F94] =	sst s1;
	(tag) =	ssettag s2;
	_ =	strace s9  }
0x27: {  	s1 =	sld [smem:$0x3FA4]  }
0x28: {  	s2 =	sld [smem:$0x3FA5]  }
0x29: {  	s4 =	sld [smem:$0x3FA7]  }
0x2a: {  	p0 =	seq.s32 s5, $0x0;
	s5 =	sld [smem:$0x3FA8]  }
0x2b: {  	s6 =	sld [smem:$0x3FA9]  }
0x2c: {  	s7 =	sld [smem:$0x3FAA]  }
0x2d: {  	s3 =	simm.s32 $0x108;
	s8 =	sld [smem:$0x3FAB]  }
0x2e: {  	s3 =	simm.s32 @!p0 $0x1082;
	s9 =	sld [smem:$0x3FAC]  }
0x2f: {  	lr =	sadd.s32 s0, s3;
	s0 =	sld [smem:$0x3FA3]  }
0x30: {  	s3 =	sld [smem:$0x3FA6]  }
0x31: {  	[smem:$0x3FAF] =	sst s10  }
0x32: {  	s10 =	sld [smem:$0x3FAD];
	_ =	sdelay $0x3  }
0x33: {  	p0 =	seq.s32 s10, $0x1;
	s10 =	sld [smem:$0x3FAF];
	_ =	sdelay $0x3  }
0x34: {  	[smem:$0x3FAF] =	sst s10  }
0x35: {  	s10 =	sld [smem:$0x3FAE];
	_ =	sdelay $0x3  }
0x36: {  	p1 =	seq.s32 s10, $0x1;
	s10 =	sld [smem:$0x3FAF];
	_ =	sdelay $0x3  }
0x37: {  	[smem:$0x3FAF] =	sst s10  }
0x38: {  	s10 =	sld [smem:$0x3FB0]  }
0x39: {  	_ = 	snop;
	(pc) =	sbr.ind lr, $3  }
0x3a: {  	_ = 	snop  }
0x3b: {  	_ = 	snop  }
0x3c: {  	p2 =	seq.s32 s10, $0x1;
	s10 =	sld [smem:$0x3FAF]  }
0x3d: {  	_ =	shalt  }
0x3e: {  	_ =	shalt  }
0x3f: {  	_ =	shalt  }
0x40: {  	_ =	shalt  }
0x41: {  	_ =	shalt  }
0x42: {  	_ =	shalt  }
0x43: {  	_ =	shalt  }
0x44: {  	_ =	shalt  }
0x45: {  	_ =	shalt  }
0x46: {  	_ =	shalt  }
0x47: {  	_ =	shalt  }
0x48: {  	_ =	shalt  }
0x49: {  	_ =	shalt  }
0x4a: {  	_ =	shalt  }
0x4b: {  	_ =	shalt  }
0x4c: {  	_ =	shalt  }
0x4d: {  	_ =	shalt  }
0x4e: {  	_ =	shalt  }
0x4f: {  	_ =	shalt  }
0x50: {  	_ =	shalt  }
0x51: {  	_ =	shalt  }
0x52: {  	_ =	shalt  }
0x53: {  	_ =	shalt  }
0x54: {  	_ =	shalt  }
0x55: {  	_ =	shalt  }
0x56: {  	_ =	shalt  }
0x57: {  	_ =	shalt  }
0x58: {  	_ =	shalt  }
0x59: {  	_ =	shalt  }
0x5a: {  	_ =	shalt  }
0x5b: {  	_ =	shalt  }
0x5c: {  	_ =	shalt  }
0x5d: {  	_ =	shalt  }
0x5e: {  	_ =	shalt  }
0x5f: {  	_ =	shalt  }
0x60: {  	_ =	shalt  }
0x61: {  	_ =	shalt  }
0x62: {  	_ =	shalt  }
0x63: {  	_ =	shalt  }
0x64: {  	_ =	shalt  }
0x65: {  	_ =	shalt  }
0x66: {  	_ =	shalt  }
0x67: {  	_ =	shalt  }
0x68: {  	_ =	shalt  }
0x69: {  	_ =	shalt  }
0x6a: {  	_ =	shalt  }
0x6b: {  	_ =	shalt  }
0x6c: {  	_ =	shalt  }
0x6d: {  	_ =	shalt  }
0x6e: {  	_ =	shalt  }
0x6f: {  	_ =	shalt  }
0x70: {  	_ =	shalt  }
0x71: {  	_ =	shalt  }
0x72: {  	_ =	shalt  }
0x73: {  	_ =	shalt  }
0x74: {  	_ =	shalt  }
0x75: {  	_ =	shalt  }
0x76: {  	_ =	shalt  }
0x77: {  	_ =	shalt  }
0x78: {  	_ =	shalt  }
0x79: {  	_ =	shalt  }
0x7a: {  	_ =	shalt  }
0x7b: {  	_ =	shalt  }
0x7c: {  	_ =	shalt  }
0x7d: {  	_ =	shalt  }
0x7e: {  	_ =	shalt  }
0x7f: {  	_ =	shalt  }
0x80: {  	_ =	shalt  }
0x81: {  	_ =	shalt  }
0x82: {  	_ =	shalt  }
0x83: {  	_ =	shalt  }
0x84: {  	_ =	shalt  }
0x85: {  	_ =	shalt  }
0x86: {  	_ =	shalt  }
0x87: {  	_ =	shalt  }
.Lfunc_end0:
.L_simem_size_0:
called_computation.3_lowered:
.L_overlay_start_0:
0x88: {  	s2 =	sld [smem:$0x3FD9]  }
0x89: {  	s3 =	sld [smem:$0x3FFE];
	_ =	sdelay $0x1  }
0x8a: {  	s1 =	srdreg.scid  }
0x8b: {  	s0 =	sand.u32 $0x1, s1  }
0x8c: {  	s17 =	sshll.u32 s0, $0xA;
	s2 =	sadd.s32 s3, s2  }
0x8d: {  	s2 =	sadd.s32 s2, s17  }
0x8e: {  	[smem:$0x3FBB] =	sst s2  }
0x8f: {  	_ = 	snop  }
0x90: {  	s2 =	sld [smem:$0x3FD0];
	(tm) =	ssettm $0x1  }
0x91: {  	s18 =	sld [smem:$0x3FFB];
	_ =	sdelay $0x3  }
0x92: {  	_ =	strace s18  }
0x93: {  	s3 =	sld [smem:$0x3FFC];
	_ =	sdelay $0x3  }
0x94: {  	_ =	strace s3  }
0x95: {  	s3 =	sld [smem:$0x3FFD];
	_ =	sdelay $0x3  }
0x96: {  	_ =	strace s3  }
0x97: {  	_ =	strace $0x8FFFFFFF  }
0x98: {  	s19 =	sld [smem:$0x3FDB];
	_ =	sdelay $0x1  }
0x99: {  	s4 =	simm.s32 $_scs_section_size  }
0x9a: {  	s5 =	simm.s32 $_size__tile_overlayer_lowered;
	s6 =	simm.s32 $_tile_overlayer_lowered  }
0x9b: {  	s22 =	simm.s32 $0x1BFF;
	s21 =	sshll.u32 s6, $0x1;
	s3 =	sadd.s32 s4, s19  }
0x9c: {  	s7 =	simm.s32 $0x0;
	s20 =	sshll.u32 s5, $0x1;
	s5 =	sadd.s32 s21, s3  }
0x9d: {  	[timem:s7], [sflag:s22] =	dma.local [hbm:s5], s20  }
0x9e: {  	_ =	swait.ge [sflag:s22], s20  }
0x9f: {  	s4 =	ssub.s32 $0x0, s20;
	[sflag:s22] =	ssyncset.done $0x0  }
0xa0: {  	[sflag:s22] =	ssyncadd.s32 s4;
	_ =	sdelay $0x1  }
0xa1: {  	s23 =	simm.s32 $0x1B8B  }
0xa2: {  	_ =	swait.ge [sflag:s23], $0x1  }
0xa3: {  	[sflag:s23] =	ssyncset.done $0x0  }
0xa4: {  	s25 =	simm.s32 $0x1B8E;
	s24 =	sld [smem:$0x3FFE];
	[sflag:s23] =	ssyncadd.s32 $0xFFFFFFFF  }
0xa5: {  	s26 =	simm.s32 $execute0_lowered;
	[smem:$0x3FD2] =	sst s25  }
0xa6: {  	s5 =	sshll.u32 s26, $0x1;
	_ =	strace $0x8000004F;
	[dreg:$0x1] =	wrdreg $0xFFFFFFFF  }
0xa7: {  	s28 =	simm.s32 $_size_execute0_lowered;
	s3 =	sadd.s32 s3, s5;
	[dreg:$0x0] =	wrdreg $0x0  }
0xa8: {  	s5 =	sshll.u32 s28, $0x1;
	[dreg:$0x2] =	wrdreg s3  }
0xa9: {  	[dreg:$0x3] =	wrdreg s5  }
0xaa: {  	[dreg:$0x4] =	wrdreg $0xC0  }
0xab: {  	_ =	task [dreg:s7], $0x5FFFF  }
0xac: {  	[dreg:$0x1] =	wrdreg $0xFFFFFFFF  }
0xad: {  	[dreg:$0x0] =	wrdreg $0x60  }
0xae: {  	[dreg:$0x2] =	wrdreg s24  }
0xaf: {  	[dreg:$0x3] =	wrdreg s2  }
0xb0: {  	[dreg:$0x4] =	wrdreg $0xA8000  }
0xb1: {  	[dreg:$0x5] =	wrdreg $0x9  }
0xb2: {  	_ =	task.clear_ibuf [dreg:s7], $0x6FFFF;
	_ =	strace $0x9000004F  }
0xb3: {  	s29 =	simm.s32 $0x9;
	_ =	strace $0x80000051  }
0xb4: {  	_ =	swait.ge [sflag:s29], $0x1  }
0xb5: {  	[sflag:s29] =	ssyncadd.s32 $0xFFFFFFFF  }
0xb6: {  	_ =	strace $0x90000051  }
0xb7: {  	_ =	sfence  }
0xb8: {  	s30 =	sld [smem:$0x0];
	_ =	sdelay $0x2  }
0xb9: {  	s31 =	sshll.u32 s1, $0xD;
	s1 =	sshrl.u32 s1, $0x2  }
0xba: {  	s3 =	sand.u32 $0x4000, s31;
	s1 =	sadd.s32 s1, s30  }
0xbb: {  	s0 =	sor.u32 s3, s0;
	s1 =	sshll.u32 s1, $0x11  }
0xbc: {  	s0 =	sor.u32 s1, s0  }
0xbd: {  	s0 =	sadd.s32 $0x8F2B, s0  }
0xbe: {  	[sflag:s0] =	ssyncadd.remote.s32 $0x1  }
0xbf: {  	_ =	sfence.sel $0xFFFF  }
0xc0: {  	[dreg:$0x0] =	wrdreg $0xFFFFFFFF;
	(pc) =	sbr.abs _section_cstart, $3  }
0xc1: {  	[dreg:$0x1] =	wrdreg $0xFFFFFFFF  }
0xc2: {  	_ =	task.clear_ibuf [dreg:s7], $0x2FFFF;
	_ =	strace $0x9FFFFFFF  }
0xc3: {  	(tm) =	ssettm $0x7FFFFFFF  }
tec
execute0_lowered:
.L_overlay_start_1:
0x0: {  	(tag) =	ssettag $0x1  }
0x1: {  	s0 =	rddreg [dreg:$0x0]  }
0x2: {  	s3 =	rddreg [dreg:$0x1]  }
0x3: {  	s1 =	rddreg [dreg:$0x2];
	s2 =	simm.s32 $0x0  }
0x4: {  	s5 =	srdreg.scid;
	s9 =	stileid.u32;
	s28 =	simm.s32 $0x3  }
0x5: {  	s29 =	simm.s32 $0x2;
	s30 =	simm.s32 $0x2700;
	s31 =	simm.s32 $0x2780  }
0x6: {  	[smem:$0x7FF] =	sst s2;
	s4 =	sadd.s32 $0x69C00, s0;
	s14 =	sadd.s32 $0xE400, s0  }
0x7: {  	s5 =	sand.u32 $0x1, s5;
	s6 =	sadd.s32 $0x19400, s0;
	s7 =	smul.u32 $0x50000, s9  }
0x8: {  	s0 =	sadd.s32 $0x90E00, s0;
	s13 =	smul.u32 $0x14000, s9;
	s21 =	sshll.u32 s9, $0x1  }
0x9: {  	_ =	strace $0x80000050;
	[dreg:$0x4] =	wrdreg s6;
	s20 =	ssub.s32 $0x2, s5  }
0xa: {  	s22 =	sor.u32 s5, s21;
	s5 =	smul.u32 $0x140000, s5;
	s8 =	sshrl.u32 s20, $0x1  }
0xb: {  	s7 =	sshrl.u32 s7, $0x2;
	s15 =	sadd.s32 $0x4000, s13;
	s17 =	sadd.s32 $0x8000, s13  }
0xc: {  	s18 =	sadd.s32 $0xC000, s13;
	s10 =	smul.u32 $0x2800, s22;
	s19 =	sadd.s32 $0x10000, s13  }
0xd: {  	s22 =	simm.s32 $0x4;
	s20 =	ssub.s32 s20, s8;
	s6 =	sadd.s32 s7, s1  }
0xe: {  	s7 =	sadd.s32 s15, s1;
	s8 =	sadd.s32 s17, s1;
	s9 =	sadd.s32 s18, s1  }
0xf: {  	s21 =	sadd.s32 s13, s5;
	s15 =	sadd.s32 s5, s15;
	s25 =	sadd.s32 s5, s17  }
0x10: {  	s26 =	sadd.s32 s5, s18;
	s5 =	sadd.s32 s5, s19;
	s16 =	sshrl.u32 s10, $0x3  }
0x11: {  	s10 =	sadd.s32 s19, s1;
	s23 =	sshrl.u32 s21, $0x3;
	s24 =	sshrl.u32 s15, $0x3  }
0x12: {  	s18 =	sshrl.u32 s26, $0x3;
	s5 =	sshrl.u32 s5, $0x3;
	s20 =	smax.u32 s20, $0x1  }
0x13: {  	s21 =	simm.s32 $0x2800;
	s26 =	simm.s32 $0x1;
	s11 =	sadd.s32 s3, s16  }
0x14: {  	s12 =	sadd.s32 s14, s16;
	s16 =	sadd.s32 $0x280, s16;
	s15 =	sadd.s32 s0, s23  }
0x15: {  	s18 =	sadd.s32 s0, s18;
	s19 =	sadd.s32 s0, s5;
	s23 =	simm.s32 $0x1400  }
0x16: {  	[dreg:$0x5] =	wrdreg s11;
	s13 =	sadd.s32 s3, s16;
	s14 =	sadd.s32 s14, s16  }
0x17: {  	s16 =	sadd.s32 s0, s24;
	s3 =	sshrl.u32 s25, $0x3;
	s24 =	simm.s32 $0x80  }
0x18: {  	s25 =	simm.s32 $0x6800;
	s17 =	sadd.s32 s0, s3;
	s0 =	simm.s32 $0x0  }
.LBB2_1:
0x19: {  	s3 =	rddreg [dreg:$0x4]  }
0x1a: {  	[tilespmem:s21], [sflag:$0x4] =	stream.linear.gather [hbm4b:s3+s2], $0x4000, $0x38;
	[tilespmem:$0x1E800] =	vst v63  }
0x1b: {  	_ =	swait.ge [sflag:s22], $0x4000  }
0x1c: {  	[sflag:s22] =	ssyncset.done $0x0  }
0x1d: {  	[sflag:s22] =	ssyncadd.s32 $0xFFFFC000  }
0x1e: {  	[spmem:s6] =	stream.linear.scatter [tilespmem:s21], [sflag:$0x4], $0x4000, $0x38;
	[tilespmem:$0x1E800] =	vst v63  }
0x1f: {  	_ =	swait.ge [sflag:s22], $0x4000  }
0x20: {  	[sflag:s22] =	ssyncset.done $0x0  }
0x21: {  	[sflag:s22] =	ssyncadd.s32 $0xFFFFC000  }
0x22: {  	[spmem:s7] =	stream.linear.scatter [tilespmem:s21], [sflag:$0x4], $0x4000, $0x38;
	[tilespmem:$0x1E800] =	vst v63  }
0x23: {  	_ =	swait.ge [sflag:s22], $0x4000  }
0x24: {  	[sflag:s22] =	ssyncset.done $0x0  }
0x25: {  	[sflag:s22] =	ssyncadd.s32 $0xFFFFC000  }
0x26: {  	[spmem:s8] =	stream.linear.scatter [tilespmem:s21], [sflag:$0x4], $0x4000, $0x38;
	[tilespmem:$0x1E800] =	vst v63  }
0x27: {  	_ =	swait.ge [sflag:s22], $0x4000  }
0x28: {  	[sflag:s22] =	ssyncset.done $0x0  }
0x29: {  	[sflag:s22] =	ssyncadd.s32 $0xFFFFC000  }
0x2a: {  	[spmem:s9] =	stream.linear.scatter [tilespmem:s21], [sflag:$0x4], $0x4000, $0x38;
	[tilespmem:$0x1E800] =	vst v63  }
0x2b: {  	_ =	swait.ge [sflag:s22], $0x4000  }
0x2c: {  	[sflag:s22] =	ssyncset.done $0x0  }
0x2d: {  	[sflag:s22] =	ssyncadd.s32 $0xFFFFC000  }
0x2e: {  	[spmem:s10] =	stream.linear.scatter [tilespmem:s21], [sflag:$0x4], $0x4000, $0x38;
	[tilespmem:$0x1E800] =	vst v63  }
0x2f: {  	_ =	swait.ge [sflag:s22], $0x4000  }
0x30: {  	[sflag:s22] =	ssyncset.done $0x0  }
0x31: {  	[sflag:s22] =	ssyncadd.s32 $0xFFFFC000  }
0x32: {  	[bflag:$0x0] =	sbarrier.arrive $0xFFFF  }
0x33: {  	s5 =	rddreg [dreg:$0x5]  }
0x34: {  	[tilespmem:s2], [sflag:$0x4] =	stream.linear.gather [hbm4b:s5+s2], $0x1400, $0x38;
	[tilespmem:$0x1E800] =	vst v63  }
0x35: {  	_ =	swait.ge [sflag:s22], $0x1400  }
0x36: {  	[sflag:s22] =	ssyncset.done $0x0  }
0x37: {  	[sflag:s22] =	ssyncadd.s32 $0xFFFFEC00  }
0x38: {  	[tilespmem:s23], [sflag:$0x4] =	stream.linear.gather [hbm4b:s12+s2], $0x1400, $0x38;
	[tilespmem:$0x1E800] =	vst v63  }
0x39: {  	_ =	swait.ge [sflag:s22], $0x1400  }
0x3a: {  	[sflag:s22] =	ssyncset.done $0x0  }
0x3b: {  	[sflag:s22] =	ssyncadd.s32 $0xFFFFEC00  }
0x3c: {  	[tilespmem:s21], [sflag:$0x1] =	stream.indirect.gather [hbm4b:s4+s24], $0x80, s2, s24, $0xb8;
	[tilespmem:$0x1E800] =	vst v63  }
0x3d: {  	_ = 	snop  }
0x3e: {  	[tilespmem:s25], [sflag:$0x2] =	stream.indirect.gather [hbm4b:s4+s24], $0x80, s24, s24, $0xb8;
	[tilespmem:$0x1E800] =	vst v63  }
0x3f: {  	_ =	swait.ge [sflag:s26], $0x4000  }
0x40: {  	[sflag:s26] =	ssyncset.done $0x0  }
0x41: {  	s11 =	simm.s32 $0x1400;
	[sflag:s26] =	ssyncadd.s32 $0xFFFFC000  }
0x42: {  	[spmem:s1] =	stream.indirect.scatter.add.f32 [tilespmem:s21], [sflag:$0x3], $0x80, s11, s24, $0xb8;
	[tilespmem:$0x1E800] =	vst v63  }
0x43: {  	_ =	swait.ge [sflag:s28], $0x4000  }
0x44: {  	[sflag:s28] =	ssyncset.done $0x0  }
0x45: {  	s5 =	simm.s32 $0x100;
	[sflag:s28] =	ssyncadd.s32 $0xFFFFC000  }
0x46: {  	[tilespmem:s21], [sflag:$0x1] =	stream.indirect.gather [hbm4b:s4+s24], $0x80, s5, s24, $0xb8;
	[tilespmem:$0x1E800] =	vst v63  }
0x47: {  	_ =	swait.ge [sflag:s29], $0x4000  }
0x48: {  	[sflag:s29] =	ssyncset.done $0x0  }
0x49: {  	s11 =	simm.s32 $0x1480;
	[sflag:s29] =	ssyncadd.s32 $0xFFFFC000  }
0x4a: {  	[spmem:s1] =	stream.indirect.scatter.add.f32 [tilespmem:s25], [sflag:$0x3], $0x80, s11, s24, $0xb8;
	[tilespmem:$0x1E800] =	vst v63  }
0x4b: {  	_ =	swait.ge [sflag:s28], $0x4000  }
0x4c: {  	[sflag:s28] =	ssyncset.done $0x0  }
0x4d: {  	s3 =	simm.s32 $0x400;
	s5 =	simm.s32 $0x180;
	[sflag:s28] =	ssyncadd.s32 $0xFFFFC000  }
.LBB2_2:
0x4e: {  	[tilespmem:s25], [sflag:$0x2] =	stream.indirect.gather [hbm4b:s4+s24], $0x80, s5, s24, $0xb8;
	[tilespmem:$0x1E800] =	vst v63  }
0x4f: {  	s5 =	smov.u32 s3  }
0x50: {  	p0 =	sne.s32 s3, $0x4800;
	s3 =	sadd.s32 $0x400, s3;
	_ =	swait.ge [sflag:s26], $0x4000  }
0x51: {  	s5 =	sshra.s32 s5, $0x2;
	[sflag:s26] =	ssyncset.done $0x0  }
0x52: {  	s11 =	sadd.s32 $0x1400, s5;
	[sflag:s26] =	ssyncadd.s32 $0xFFFFC000  }
0x53: {  	[spmem:s1] =	stream.indirect.scatter.add.f32 [tilespmem:s21], [sflag:$0x3], $0x80, s11, s24, $0xb8;
	[tilespmem:$0x1E800] =	vst v63  }
0x54: {  	_ =	swait.ge [sflag:s28], $0x4000  }
0x55: {  	[sflag:s28] =	ssyncset.done $0x0  }
0x56: {  	s11 =	sadd.s32 $0x100, s5;
	[sflag:s28] =	ssyncadd.s32 $0xFFFFC000  }
0x57: {  	[tilespmem:s21], [sflag:$0x1] =	stream.indirect.gather [hbm4b:s4+s24], $0x80, s11, s24, $0xb8;
	[tilespmem:$0x1E800] =	vst v63  }
0x58: {  	_ =	swait.ge [sflag:s29], $0x4000  }
0x59: {  	[sflag:s29] =	ssyncset.done $0x0  }
.Ltmp0:
0x5a: {  	s11 =	sadd.s32 $0x1480, s5;
	[sflag:s29] =	ssyncadd.s32 $0xFFFFC000;
	(pc) =	sbr.rel @p0 .LBB2_2-.Ltmp0, $4  }
0x5b: {  	[spmem:s1] =	stream.indirect.scatter.add.f32 [tilespmem:s25], [sflag:$0x3], $0x80, s11, s24, $0xb8;
	[tilespmem:$0x1E800] =	vst v63  }
0x5c: {  	_ =	swait.ge [sflag:s28], $0x4000  }
0x5d: {  	[sflag:s28] =	ssyncset.done $0x0  }
0x5e: {  	s5 =	sadd.s32 $0x180, s5;
	[sflag:s28] =	ssyncadd.s32 $0xFFFFC000  }
0x5f: {  	[tilespmem:s25], [sflag:$0x2] =	stream.indirect.gather [hbm4b:s4+s24], $0x80, s5, s24, $0xb8;
	[tilespmem:$0x1E800] =	vst v63  }
0x60: {  	_ =	swait.ge [sflag:s26], $0x4000  }
0x61: {  	[sflag:s26] =	ssyncset.done $0x0  }
0x62: {  	[sflag:s26] =	ssyncadd.s32 $0xFFFFC000  }
0x63: {  	[spmem:s1] =	stream.indirect.scatter.add.f32 [tilespmem:s21], [sflag:$0x3], $0x80, s30, s24, $0xb8;
	[tilespmem:$0x1E800] =	vst v63  }
0x64: {  	_ =	swait.ge [sflag:s28], $0x4000  }
0x65: {  	[sflag:s28] =	ssyncset.done $0x0  }
0x66: {  	[sflag:s28] =	ssyncadd.s32 $0xFFFFC000  }
0x67: {  	_ =	swait.ge [sflag:s29], $0x4000  }
0x68: {  	[sflag:s29] =	ssyncset.done $0x0  }
0x69: {  	[sflag:s29] =	ssyncadd.s32 $0xFFFFC000  }
0x6a: {  	[spmem:s1] =	stream.indirect.scatter.add.f32 [tilespmem:s25], [sflag:$0x3], $0x80, s31, s24, $0xb8;
	[tilespmem:$0x1E800] =	vst v63  }
0x6b: {  	_ =	swait.ge [sflag:s28], $0x4000  }
0x6c: {  	[sflag:s28] =	ssyncset.done $0x0  }
0x6d: {  	s3 =	simm.s32 $0x0;
	[sflag:s28] =	ssyncadd.s32 $0xFFFFC000  }
0x6e: {  	[tilespmem:s3], [sflag:$0x4] =	stream.linear.gather [hbm4b:s13+s3], $0x1400, $0x38;
	[tilespmem:$0x1E800] =	vst v63  }
0x6f: {  	_ =	swait.ge [sflag:s22], $0x1400  }
0x70: {  	[sflag:s22] =	ssyncset.done $0x0  }
0x71: {  	[sflag:s22] =	ssyncadd.s32 $0xFFFFEC00  }
0x72: {  	[tilespmem:s23], [sflag:$0x4] =	stream.linear.gather [hbm4b:s14+s3], $0x1400, $0x38;
	[tilespmem:$0x1E800] =	vst v63  }
0x73: {  	_ =	swait.ge [sflag:s22], $0x1400  }
0x74: {  	[sflag:s22] =	ssyncset.done $0x0  }
0x75: {  	[sflag:s22] =	ssyncadd.s32 $0xFFFFEC00  }
0x76: {  	[tilespmem:s21], [sflag:$0x1] =	stream.indirect.gather [hbm4b:s4+s24], $0x80, s3, s24, $0xb8;
	[tilespmem:$0x1E800] =	vst v63  }
0x77: {  	_ = 	snop  }
0x78: {  	[tilespmem:s25], [sflag:$0x2] =	stream.indirect.gather [hbm4b:s4+s24], $0x80, s24, s24, $0xb8;
	[tilespmem:$0x1E800] =	vst v63  }
0x79: {  	_ =	swait.ge [sflag:s26], $0x4000  }
0x7a: {  	[sflag:s26] =	ssyncset.done $0x0  }
0x7b: {  	s11 =	simm.s32 $0x1400;
	[sflag:s26] =	ssyncadd.s32 $0xFFFFC000  }
0x7c: {  	[spmem:s1] =	stream.indirect.scatter.add.f32 [tilespmem:s21], [sflag:$0x3], $0x80, s11, s24, $0xb8;
	[tilespmem:$0x1E800] =	vst v63  }
0x7d: {  	_ =	swait.ge [sflag:s28], $0x4000  }
0x7e: {  	[sflag:s28] =	ssyncset.done $0x0  }
0x7f: {  	s5 =	simm.s32 $0x100;
	[sflag:s28] =	ssyncadd.s32 $0xFFFFC000  }
0x80: {  	[tilespmem:s21], [sflag:$0x1] =	stream.indirect.gather [hbm4b:s4+s24], $0x80, s5, s24, $0xb8;
	[tilespmem:$0x1E800] =	vst v63  }
0x81: {  	_ =	swait.ge [sflag:s29], $0x4000  }
0x82: {  	[sflag:s29] =	ssyncset.done $0x0  }
0x83: {  	s11 =	simm.s32 $0x1480;
	[sflag:s29] =	ssyncadd.s32 $0xFFFFC000  }
0x84: {  	[spmem:s1] =	stream.indirect.scatter.add.f32 [tilespmem:s25], [sflag:$0x3], $0x80, s11, s24, $0xb8;
	[tilespmem:$0x1E800] =	vst v63  }
0x85: {  	_ =	swait.ge [sflag:s28], $0x4000  }
0x86: {  	[sflag:s28] =	ssyncset.done $0x0  }
0x87: {  	s3 =	simm.s32 $0x400;
	s5 =	simm.s32 $0x180;
	[sflag:s28] =	ssyncadd.s32 $0xFFFFC000  }
.LBB2_4:
0x88: {  	[tilespmem:s25], [sflag:$0x2] =	stream.indirect.gather [hbm4b:s4+s24], $0x80, s5, s24, $0xb8;
	[tilespmem:$0x1E800] =	vst v63  }
0x89: {  	s5 =	smov.u32 s3  }
0x8a: {  	p0 =	sne.s32 s3, $0x4800;
	s3 =	sadd.s32 $0x400, s3;
	_ =	swait.ge [sflag:s26], $0x4000  }
0x8b: {  	s5 =	sshra.s32 s5, $0x2;
	[sflag:s26] =	ssyncset.done $0x0  }
0x8c: {  	s11 =	sadd.s32 $0x1400, s5;
	[sflag:s26] =	ssyncadd.s32 $0xFFFFC000  }
0x8d: {  	[spmem:s1] =	stream.indirect.scatter.add.f32 [tilespmem:s21], [sflag:$0x3], $0x80, s11, s24, $0xb8;
	[tilespmem:$0x1E800] =	vst v63  }
0x8e: {  	_ =	swait.ge [sflag:s28], $0x4000  }
0x8f: {  	[sflag:s28] =	ssyncset.done $0x0  }
0x90: {  	s11 =	sadd.s32 $0x100, s5;
	[sflag:s28] =	ssyncadd.s32 $0xFFFFC000  }
0x91: {  	[tilespmem:s21], [sflag:$0x1] =	stream.indirect.gather [hbm4b:s4+s24], $0x80, s11, s24, $0xb8;
	[tilespmem:$0x1E800] =	vst v63  }
0x92: {  	_ =	swait.ge [sflag:s29], $0x4000  }
0x93: {  	[sflag:s29] =	ssyncset.done $0x0  }
.Ltmp1:
0x94: {  	s11 =	sadd.s32 $0x1480, s5;
	[sflag:s29] =	ssyncadd.s32 $0xFFFFC000;
	(pc) =	sbr.rel @p0 .LBB2_4-.Ltmp1, $4  }
0x95: {  	[spmem:s1] =	stream.indirect.scatter.add.f32 [tilespmem:s25], [sflag:$0x3], $0x80, s11, s24, $0xb8;
	[tilespmem:$0x1E800] =	vst v63  }
0x96: {  	_ =	swait.ge [sflag:s28], $0x4000  }
0x97: {  	[sflag:s28] =	ssyncset.done $0x0  }
0x98: {  	s5 =	sadd.s32 $0x180, s5;
	[sflag:s28] =	ssyncadd.s32 $0xFFFFC000  }
0x99: {  	[tilespmem:s25], [sflag:$0x2] =	stream.indirect.gather [hbm4b:s4+s24], $0x80, s5, s24, $0xb8;
	[tilespmem:$0x1E800] =	vst v63  }
0x9a: {  	_ =	swait.ge [sflag:s26], $0x4000  }
0x9b: {  	[sflag:s26] =	ssyncset.done $0x0  }
0x9c: {  	[sflag:s26] =	ssyncadd.s32 $0xFFFFC000  }
0x9d: {  	[spmem:s1] =	stream.indirect.scatter.add.f32 [tilespmem:s21], [sflag:$0x3], $0x80, s30, s24, $0xb8;
	[tilespmem:$0x1E800] =	vst v63  }
0x9e: {  	_ =	swait.ge [sflag:s28], $0x4000  }
0x9f: {  	[sflag:s28] =	ssyncset.done $0x0  }
0xa0: {  	[sflag:s28] =	ssyncadd.s32 $0xFFFFC000  }
0xa1: {  	_ =	swait.ge [sflag:s29], $0x4000  }
0xa2: {  	[sflag:s29] =	ssyncset.done $0x0  }
0xa3: {  	[sflag:s29] =	ssyncadd.s32 $0xFFFFC000  }
0xa4: {  	[spmem:s1] =	stream.indirect.scatter.add.f32 [tilespmem:s25], [sflag:$0x3], $0x80, s31, s24, $0xb8;
	[tilespmem:$0x1E800] =	vst v63  }
0xa5: {  	_ =	swait.ge [sflag:s28], $0x4000  }
0xa6: {  	[sflag:s28] =	ssyncset.done $0x0  }
0xa7: {  	[sflag:s28] =	ssyncadd.s32 $0xFFFFC000  }
0xa8: {  	[bflag:$0x0] =	sbarrier.arrive $0xFFFF  }
0xa9: {  	[tilespmem:s21], [sflag:$0x4] =	stream.linear.gather [spmem:s6], $0x4000, $0x38;
	[tilespmem:$0x1E800] =	vst v63  }
0xaa: {  	_ =	swait.ge [sflag:s22], $0x4000  }
0xab: {  	[sflag:s22] =	ssyncset.done $0x0  }
0xac: {  	[sflag:s22] =	ssyncadd.s32 $0xFFFFC000  }
0xad: {  	[hbm4b:s15+s2] =	stream.linear.scatter [tilespmem:s21], [sflag:$0x4], $0x4000, $0x38;
	[tilespmem:$0x1E800] =	vst v63  }
0xae: {  	_ =	swait.ge [sflag:s22], $0x4000  }
0xaf: {  	[sflag:s22] =	ssyncset.done $0x0  }
0xb0: {  	[sflag:s22] =	ssyncadd.s32 $0xFFFFC000  }
0xb1: {  	[tilespmem:s21], [sflag:$0x4] =	stream.linear.gather [spmem:s7], $0x4000, $0x38;
	[tilespmem:$0x1E800] =	vst v63  }
0xb2: {  	_ =	swait.ge [sflag:s22], $0x4000  }
0xb3: {  	[sflag:s22] =	ssyncset.done $0x0  }
0xb4: {  	[sflag:s22] =	ssyncadd.s32 $0xFFFFC000  }
0xb5: {  	[hbm4b:s16+s2] =	stream.linear.scatter [tilespmem:s21], [sflag:$0x4], $0x4000, $0x38;
	[tilespmem:$0x1E800] =	vst v63  }
0xb6: {  	_ =	swait.ge [sflag:s22], $0x4000  }
0xb7: {  	[sflag:s22] =	ssyncset.done $0x0  }
0xb8: {  	[sflag:s22] =	ssyncadd.s32 $0xFFFFC000  }
0xb9: {  	[tilespmem:s21], [sflag:$0x4] =	stream.linear.gather [spmem:s8], $0x4000, $0x38;
	[tilespmem:$0x1E800] =	vst v63  }
0xba: {  	_ =	swait.ge [sflag:s22], $0x4000  }
0xbb: {  	[sflag:s22] =	ssyncset.done $0x0  }
0xbc: {  	[sflag:s22] =	ssyncadd.s32 $0xFFFFC000  }
0xbd: {  	[hbm4b:s17+s2] =	stream.linear.scatter [tilespmem:s21], [sflag:$0x4], $0x4000, $0x38;
	[tilespmem:$0x1E800] =	vst v63  }
0xbe: {  	_ =	swait.ge [sflag:s22], $0x4000  }
0xbf: {  	[sflag:s22] =	ssyncset.done $0x0  }
0xc0: {  	[sflag:s22] =	ssyncadd.s32 $0xFFFFC000  }
0xc1: {  	[tilespmem:s21], [sflag:$0x4] =	stream.linear.gather [spmem:s9], $0x4000, $0x38;
	[tilespmem:$0x1E800] =	vst v63  }
0xc2: {  	_ =	swait.ge [sflag:s22], $0x4000  }
0xc3: {  	[sflag:s22] =	ssyncset.done $0x0  }
0xc4: {  	[sflag:s22] =	ssyncadd.s32 $0xFFFFC000  }
0xc5: {  	[hbm4b:s18+s2] =	stream.linear.scatter [tilespmem:s21], [sflag:$0x4], $0x4000, $0x38;
	[tilespmem:$0x1E800] =	vst v63  }
0xc6: {  	_ =	swait.ge [sflag:s22], $0x4000  }
0xc7: {  	[sflag:s22] =	ssyncset.done $0x0  }
0xc8: {  	[sflag:s22] =	ssyncadd.s32 $0xFFFFC000  }
0xc9: {  	[tilespmem:s21], [sflag:$0x4] =	stream.linear.gather [spmem:s10], $0x4000, $0x38;
	[tilespmem:$0x1E800] =	vst v63  }
0xca: {  	s0 =	sadd.s32 $0x1, s0;
	_ =	swait.ge [sflag:s22], $0x4000  }
0xcb: {  	p0 =	sne.s32 s0, s20;
	[sflag:s22] =	ssyncset.done $0x0  }
.Ltmp2:
0xcc: {  	[sflag:s22] =	ssyncadd.s32 $0xFFFFC000;
	(pc) =	sbr.rel @p0 .LBB2_1-.Ltmp2, $4  }
0xcd: {  	[hbm4b:s19+s2] =	stream.linear.scatter [tilespmem:s21], [sflag:$0x4], $0x4000, $0x38;
	[tilespmem:$0x1E800] =	vst v63  }
0xce: {  	_ =	swait.ge [sflag:s22], $0x4000  }
0xcf: {  	[sflag:s22] =	ssyncset.done $0x0  }
0xd0: {  	[sflag:s22] =	ssyncadd.s32 $0xFFFFC000  }
0xd1: {  	_ =	sfence.sel $0x180000  }
0xd2: {  	[bflag:$0x0] =	sbarrier.arrive $0xFFFF  }
0xd3: {  	_ =	strace $0x90000050  }
0xd4: {  	s0 =	stileid.u32;
	[bflag:$0x2] =	sbarrier.arrive $0xFFFF  }
0xd5: {  	p0 =	sne.s32 s0, $0x0;
	s0 =	rddreg [dreg:$0x3]  }
0xd6: {  	s0 =	sadd.s32 @!p0 $0x100000, s0  }
0xd7: {  	[sflag:s0] =	ssyncadd.tile.s32 @!p0 $0x1;
	_ =	shalt  }
.Lfunc_end2:
_tile_overlayer_lowered:
.L_overlay_start_2:
0xd8: {  	(tag) =	ssettag $0x2  }
0xd9: {  	s0 =	rddreg [dreg:$0x0];
	s2 =	stileid.u32  }
0xda: {  	s1 =	rddreg [dreg:$0x1];
	p0 =	sne.s32 s2, $0x0  }
0xdb: {  	s3 =	rddreg [dreg:$0x2];
	[bflag:$0x3] =	sbarrier.arrive $0xFFFF;
	s2 =	simm.s32 @!p0 $0x1C04  }
0xdc: {  	[timem:s3], [sflag:s2] =	dma.local @!p0 [hbm:s0], s1  }
0xdd: {  	s0 =	simm.s32 @!p0 $0x4  }
0xde: {  	_ =	swait.ge @!p0 [sflag:s0], s1  }
0xdf: {  	s1 =	ssub.s32 @!p0 $0x0, s1;
	[sflag:s0] =	ssyncset.done @!p0 $0x0  }
0xe0: {  	[sflag:s0] =	ssyncadd.s32 @!p0 s1  }
0xe1: {  	[bflag:$0x3] =	sbarrier.arrive $0xFFFF  }
0xe2: {  	_ =	shalt  }

</sc_bundles>
